<compile_context>
chip_gen: v7x
topology: tpu7x:2x2x1
jax: 0.10.2.dev20260603
libtpu: 0.0.44.dev20260713+nightly
codegen_flags: <defaults>
</compile_context>

<pallas_src>
import jax
import jax.numpy as jnp
from jax import lax
from jax.experimental import pallas as pl
from jax.experimental.pallas import tpu as pltpu
from jax.experimental.pallas import tpu_sc as plsc

FIBER_DIM = 128
HEADS = 16
POINT_DIM = 8
N = 10000
E = 320000
DISTANCE_SCALING = 10.0
SCALAR_SCALE = (2 * POINT_DIM) ** (-0.5)
POINT_SCALE = (2 * POINT_DIM * (9.0 / 2.0)) ** (-0.5)

NC = 2
NS = 16
NW = NC * NS
EPW = E // NW
BE = 40
NB = EPW // BE
BB = 40
NBB = EPW // BB
NP_ = 10240
NPS = NP_ // NS

_F32 = jnp.float32


def _prep_body(xq_ref, xk_ref, pcq_ref, pck_ref, wq_ref, wk_ref, wv_ref,
               c2_ref, s_ref, alo_ref, ahi_ref, blo_ref, bhi_ref, nk_ref,
               *v_refs):
    bn = xq_ref.shape[0]
    wq = wq_ref[...]
    wk = wk_ref[...]
    wv = wv_ref[...]
    c2 = c2_ref[...]
    sel = s_ref[...]

    def mm(x, w):
        return lax.dot_general(x.reshape(bn * 4, 128), w,
                               (((1,), (0,)), ((), ())),
                               preferred_element_type=_F32).reshape(bn, 4, 128)

    q = mm(xq_ref[...], wq)
    k = mm(xk_ref[...], wk)
    v = mm(xk_ref[...], wv)
    cq = pcq_ref[...] / DISTANCE_SCALING
    ck = pck_ref[...] / DISTANCE_SCALING

    sq = q[:, 0, :]
    pq = q[:, 1:, :] + cq[:, :, None]
    sk = k[:, 0, :]
    pk = k[:, 1:, :] + ck[:, :, None]
    sv = v[:, 0, :]
    pv = v[:, 1:, :] + ck[:, :, None]

    ap = pq * c2[None, :, :]
    alo_ref[:, 0:1, :] = (sq * SCALAR_SCALE)[:, None, :]
    alo_ref[:, 1:2, :] = ap[:, 0:1, :]
    ahi_ref[...] = ap[:, 1:3, :]
    blo_ref[:, 0:1, :] = sk[:, None, :]
    blo_ref[:, 1:2, :] = pk[:, 0:1, :]
    bhi_ref[...] = pk[:, 1:3, :]

    uk = (pk * pk) * c2[None, :, :]
    nk_ref[...] = 0.5 * lax.dot_general(uk[:, 0, :] + uk[:, 1, :] + uk[:, 2, :],
                                        sel, (((1,), (0,)), ((), ())),
                                        preferred_element_type=_F32)
    vs = (sv, pv[:, 0, :], pv[:, 1, :], pv[:, 2, :])
    for i in range(4):
        v_refs[i][...] = vs[i]


def _prep(xq, xk, pcq, pck, wq, wk, wv, c2, sel):
    bn = 1000
    grid = N // bn
    full = lambda shp: pl.BlockSpec(shp, lambda i: tuple(0 for _ in shp))
    row3 = pl.BlockSpec((bn, 4, 128), lambda i: (i, 0, 0))
    return pl.pallas_call(
        _prep_body,
        grid=(grid,),
        in_specs=[row3, row3,
                  pl.BlockSpec((bn, 3), lambda i: (i, 0)),
                  pl.BlockSpec((bn, 3), lambda i: (i, 0)),
                  full((128, 128)), full((128, 128)), full((128, 128)),
                  full((1, 128)), full((128, 16))],
        out_specs=[pl.BlockSpec((bn, 2, 128), lambda i: (i, 0, 0))] * 4 +
                  [pl.BlockSpec((bn, 16), lambda i: (i, 0))] +
                  [pl.BlockSpec((bn, 128), lambda i: (i, 0))] * 4,
        out_shape=[jax.ShapeDtypeStruct((N, 2, 128), _F32)] * 4 +
                  [jax.ShapeDtypeStruct((N, 16), _F32)] +
                  [jax.ShapeDtypeStruct((N, 128), _F32)] * 4,
    )(xq, xk, pcq, pck, wq, wk, wv, c2, sel)


def _ebias_body(xe_ref, we_ref, out_ref):
    out_ref[...] = lax.dot_general(xe_ref[...], we_ref[...],
                                   (((1,), (0,)), ((), ())),
                                   preferred_element_type=_F32)


def _ebias(x_edge, we):
    be = 8000
    return pl.pallas_call(
        _ebias_body,
        grid=(E // be,),
        in_specs=[pl.BlockSpec((be, 16), lambda i: (i, 0)),
                  pl.BlockSpec((16, 16), lambda i: (0, 0))],
        out_specs=pl.BlockSpec((be, 16), lambda i: (i, 0)),
        out_shape=jax.ShapeDtypeStruct((E, 16), _F32),
    )(x_edge, we)


def _sc_body(src_h, dst_h, alo_h, ahi_h, blo_h, bhi_h, nk_h, eb_h,
             v0_h, v1_h, v2_h, v3_h, zd_h, za_h,
             den_out, acc_out, ex_out,
             ixs0, ixd0, nkr, ebr, exb,
             den_sp, acc_sp, sem0, sem1, sem2):
    c = lax.axis_index("c")
    s = lax.axis_index("s")
    wid = s * NC + c
    ebase = wid * EPW
    rbase = s * NPS

    def main(arows, brows, vr0, vr1, plog, jxs0, jxd0, jxs1, jxd1,
             fxq0, fxq1):
        pltpu.sync_copy(zd_h, den_sp.at[pl.ds(rbase, NPS)])
        plsc.subcore_barrier()

        def blk_a(i, carry):
            base = ebase + i * BE
            pltpu.sync_copy(src_h.at[pl.ds(base, BE)], ixs0)
            pltpu.sync_copy(dst_h.at[pl.ds(base, BE)], ixd0)
            cp_a = pltpu.async_copy(alo_h.at[ixd0], arows, sem0)
            cp_b = pltpu.async_copy(blo_h.at[ixs0], brows, sem1)
            cp_nk = pltpu.async_copy(nk_h.at[ixs0], nkr, sem2)
            pltpu.sync_copy(eb_h.at[pl.ds(base, BE)], ebr)
            cp_a.wait()
            cp_b.wait()

            @plsc.parallel_loop(0, BE)
            def edge_lo(j):
                ps = [arows[j, pl.ds(0, 16)] * brows[j, pl.ds(0, 16)],
                      arows[j, pl.ds(16, 16)] * brows[j, pl.ds(16, 16)],
                      arows[j, pl.ds(32, 16)] * brows[j, pl.ds(32, 16)],
                      arows[j, pl.ds(48, 16)] * brows[j, pl.ds(48, 16)]]
                for t in range(4, 16):
                    o = t * 16
                    ps[t % 4] = ps[t % 4] + arows[j, pl.ds(o, 16)] * brows[j, pl.ds(o, 16)]
                plog[j] = (ps[0] + ps[1]) + (ps[2] + ps[3])

            cp_a2 = pltpu.async_copy(ahi_h.at[ixd0], arows, sem0)
            cp_b2 = pltpu.async_copy(bhi_h.at[ixs0], brows, sem1)
            cp_nk.wait()
            cp_a2.wait()
            cp_b2.wait()

            @plsc.parallel_loop(0, BE)
            def edge_hi(j):
                ps = [plog[j] + ebr[j] - nkr[j],
                      arows[j, pl.ds(0, 16)] * brows[j, pl.ds(0, 16)],
                      arows[j, pl.ds(16, 16)] * brows[j, pl.ds(16, 16)],
                      arows[j, pl.ds(32, 16)] * brows[j, pl.ds(32, 16)]]
                for t in range(3, 16):
                    o = t * 16
                    ps[t % 4] = ps[t % 4] + arows[j, pl.ds(o, 16)] * brows[j, pl.ds(o, 16)]
                exb[j] = jnp.exp((ps[0] + ps[1]) + (ps[2] + ps[3]))

            pltpu.sync_copy(exb, ex_out.at[pl.ds(base, BE)])
            pltpu.sync_copy(exb, den_sp.at[ixd0], add=True)
            return carry

        lax.fori_loop(0, NB, blk_a, 0, unroll=False)
        plsc.subcore_barrier()
        pltpu.sync_copy(den_sp.at[pl.ds(rbase, NPS)],
                        den_out.at[c, pl.ds(rbase, NPS)])

        bufs = ((vr0, jxs0, jxd0, fxq0, sem0), (vr1, jxs1, jxd1, fxq1, sem1))
        for part, v_h in enumerate((v0_h, v1_h, v2_h, v3_h)):
            plsc.subcore_barrier()
            pltpu.sync_copy(za_h, acc_sp.at[pl.ds(rbase, NPS)])
            plsc.subcore_barrier()

            pltpu.sync_copy(src_h.at[pl.ds(ebase, BB)], jxs0)
            pltpu.sync_copy(dst_h.at[pl.ds(ebase, BB)], jxd0)
            pltpu.sync_copy(ex_out.at[pl.ds(ebase, BB)], fxq0)
            pltpu.async_copy(v_h.at[jxs0], vr0, sem0)

            def step(bufcur, bufnxt, i, prefetch):
                vr, ixs, ixd, exq, sem = bufcur
                vrn, ixsn, ixdn, exqn, semn = bufnxt
                if prefetch:
                    nxt = ebase + (i + 1) * BB
                    pltpu.sync_copy(src_h.at[pl.ds(nxt, BB)], ixsn)
                    pltpu.sync_copy(dst_h.at[pl.ds(nxt, BB)], ixdn)
                    pltpu.sync_copy(ex_out.at[pl.ds(nxt, BB)], exqn)
                    pltpu.async_copy(v_h.at[ixsn], vrn, semn)
                pltpu.make_async_copy(v_h.at[ixs], vr, sem).wait()

                @plsc.parallel_loop(0, BB)
                def edge(j):
                    al = exq[j]
                    for t in range(8):
                        o = t * 16
                        vr[j, pl.ds(o, 16)] = vr[j, pl.ds(o, 16)] * al

                pltpu.sync_copy(vr, acc_sp.at[ixd], add=True)

            def blk2(g, carry):
                for b in (0, 1):
                    step(bufs[b], bufs[1 - b], 2 * g + b, True)
                return carry

            npair = (NBB - 1) // 2
            lax.fori_loop(0, npair, blk2, 0, unroll=False)
            for r in range(NBB - 2 * npair):
                k = 2 * npair + r
                step(bufs[k % 2], bufs[(k + 1) % 2], k,
                     r < NBB - 2 * npair - 1)

            plsc.subcore_barrier()
            pltpu.sync_copy(acc_sp.at[pl.ds(rbase, NPS)],
                            acc_out.at[part, c, pl.ds(rbase, NPS)])
        plsc.subcore_barrier()

    pl.run_scoped(main,
                  pltpu.VMEM((BE, 256), _F32), pltpu.VMEM((BE, 256), _F32),
                  pltpu.VMEM((BB, 128), _F32), pltpu.VMEM((BB, 128), _F32),
                  pltpu.VMEM((BE, 16), _F32),
                  pltpu.VMEM((BB,), jnp.int32), pltpu.VMEM((BB,), jnp.int32),
                  pltpu.VMEM((BB,), jnp.int32), pltpu.VMEM((BB,), jnp.int32),
                  pltpu.VMEM((BB, 16), _F32), pltpu.VMEM((BB, 16), _F32))


def _sc_edge(src, dst, alo, ahi, blo, bhi, nk, eb, vs, zd, za):
    mesh = plsc.VectorSubcoreMesh(core_axis_name="c", subcore_axis_name="s")
    f = pl.kernel(
        _sc_body,
        out_type=[jax.ShapeDtypeStruct((NC, NP_, 16), _F32),
                  jax.ShapeDtypeStruct((4, NC, NP_, 128), _F32),
                  jax.ShapeDtypeStruct((E, 16), _F32)],
        mesh=mesh,
        compiler_params=pltpu.CompilerParams(use_tc_tiling_on_sc=False),
        scratch_types=[
            pltpu.VMEM((BE,), jnp.int32), pltpu.VMEM((BE,), jnp.int32),
            pltpu.VMEM((BE, 16), _F32), pltpu.VMEM((BE, 16), _F32),
            pltpu.VMEM((BE, 16), _F32),
            pltpu.VMEM_SHARED((NP_, 16), _F32),
            pltpu.VMEM_SHARED((NP_, 128), _F32),
            pltpu.SemaphoreType.DMA,
            pltpu.SemaphoreType.DMA,
            pltpu.SemaphoreType.DMA,
        ],
    )
    return f(src, dst, alo, ahi, blo, bhi, nk, eb, *vs, zd, za)


def _final_body(den_ref, acc_ref, pcq_ref, st_ref, wo_ref, out_ref):
    bn = pcq_ref.shape[0]
    d = den_ref[0] + den_ref[1] + 1e-16
    rinv = lax.dot_general(1.0 / d, st_ref[...],
                           (((1,), (0,)), ((), ())),
                           preferred_element_type=_F32)
    cq = pcq_ref[...] / DISTANCE_SCALING
    wo = wo_ref[...]
    parts = []
    for i in range(4):
        r = (acc_ref[i, 0] + acc_ref[i, 1]) * rinv
        if i > 0:
            r = r - cq[:, i - 1][:, None]
        o = lax.dot_general(r, wo, (((1,), (0,)), ((), ())),
                            preferred_element_type=_F32)
        parts.append(o[:, None, :])
    out_ref[...] = jnp.concatenate(parts, axis=1)


def _finalize(den2, acc4, pcq, st, wo):
    bn = 1000
    return pl.pallas_call(
        _final_body,
        grid=(N // bn,),
        in_specs=[pl.BlockSpec((2, bn, 16), lambda i: (0, i, 0)),
                  pl.BlockSpec((4, 2, bn, 128), lambda i: (0, 0, i, 0)),
                  pl.BlockSpec((bn, 3), lambda i: (i, 0)),
                  pl.BlockSpec((16, 128), lambda i: (0, 0)),
                  pl.BlockSpec((128, 128), lambda i: (0, 0))],
        out_specs=pl.BlockSpec((bn, 4, 128), lambda i: (i, 0, 0)),
        out_shape=jax.ShapeDtypeStruct((N, 4, 128), _F32),
    )(den2, acc4, pcq, st, wo)


def kernel(x_k, x_q, edge_index, point_centers_k, point_centers_q, x_edge,
           Wq, Wk, Wv, We, Wo, point_weights):
    perm = jnp.array([h * POINT_DIM + p
                      for p in range(POINT_DIM) for h in range(HEADS)],
                     dtype=jnp.int32)
    wq_p = Wq[:, perm]
    wk_p = Wk[:, perm]
    wv_p = Wv[:, perm]
    wo_p = Wo[perm, :]
    pw = jax.nn.softplus(point_weights)
    c2 = (jnp.tile(pw, POINT_DIM) * POINT_SCALE).reshape(1, 128)
    sel = jnp.tile(jnp.eye(16, dtype=_F32), (POINT_DIM, 1))

    alo, ahi, blo, bhi, nk, *vs = _prep(
        x_q, x_k, point_centers_q, point_centers_k, wq_p, wk_p, wv_p, c2, sel)
    eb = _ebias(x_edge, We)

    src = edge_index[0]
    dst = edge_index[1]
    zd = jnp.zeros((NPS, 16), _F32)
    za = jnp.zeros((NPS, 128), _F32)
    den2, acc4, _ex = _sc_edge(
        src, dst, alo.reshape(N, 256), ahi.reshape(N, 256),
        blo.reshape(N, 256), bhi.reshape(N, 256), nk, eb, vs, zd, za)

    return _finalize(den2, acc4, point_centers_q, sel.T, wo_p)

# --- scband reference (transcript-rebuilt; emitter-appended) ---
"""Pipeline reference for scband-point-set-attention-34471407517998 (READ-ONLY COPY).

The authoritative reference and input builder live on the scoring server;
editing this copy changes nothing except your own understanding.
"""

import jax, jax.numpy as jnp
import numpy as np

FIBER_DIM = 128
HEADS = 16
POINT_DIM = 8
EDGE_DIM = 16
N = 10000
E = 320000
DISTANCE_SCALING = 10.0
SCALAR_SCALE = (2 * POINT_DIM) ** (-0.5)
POINT_SCALE = (2 * POINT_DIM * (9.0 / 2.0)) ** (-0.5)


def setup_inputs(seed: int = 0) -> dict:
    key = jax.random.key(seed)
    ks = jax.random.split(key, 12)
    x_k = jax.random.normal(ks[0], (N, 4, FIBER_DIM), dtype=jnp.float32)
    x_q = jax.random.normal(ks[1], (N, 4, FIBER_DIM), dtype=jnp.float32)
    edge_index = jax.random.randint(ks[2], (2, E), 0, N)
    point_centers_k = jax.random.normal(ks[3], (N, 3), dtype=jnp.float32)
    point_centers_q = jax.random.normal(ks[4], (N, 3), dtype=jnp.float32)
    x_edge = jax.random.normal(ks[5], (E, EDGE_DIM), dtype=jnp.float32)
    Wq = jax.random.normal(ks[6], (FIBER_DIM, HEADS * POINT_DIM), dtype=jnp.float32) * (FIBER_DIM ** -0.5)
    Wk = jax.random.normal(ks[7], (FIBER_DIM, HEADS * POINT_DIM), dtype=jnp.float32) * (FIBER_DIM ** -0.5)
    Wv = jax.random.normal(ks[8], (FIBER_DIM, HEADS * POINT_DIM), dtype=jnp.float32) * (FIBER_DIM ** -0.5)
    We = jax.random.normal(ks[9], (EDGE_DIM, HEADS), dtype=jnp.float32) * (EDGE_DIM ** -0.5)
    Wo = jax.random.normal(ks[10], (HEADS * POINT_DIM, FIBER_DIM), dtype=jnp.float32) * ((HEADS * POINT_DIM) ** -0.5)
    point_weights = jnp.full((HEADS,), float(np.log(np.exp(1.0) - 1.0)), dtype=jnp.float32)
    return {
        "x_k": x_k,
        "x_q": x_q,
        "edge_index": edge_index,
        "point_centers_k": point_centers_k,
        "point_centers_q": point_centers_q,
        "x_edge": x_edge,
        "Wq": Wq,
        "Wk": Wk,
        "Wv": Wv,
        "We": We,
        "Wo": Wo,
        "point_weights": point_weights,
    }


def reference(x_k, x_q, edge_index, point_centers_k, point_centers_q, x_edge, Wq, Wk, Wv, We, Wo, point_weights):
    H, P = HEADS, POINT_DIM
    n = x_q.shape[0]
    q = x_q @ Wq
    k = x_k @ Wk
    v = x_k @ Wv
    scalar_q = q[:, 0, :].reshape(-1, H, P)
    scalar_k = k[:, 0, :].reshape(-1, H, P)
    scalar_v = v[:, 0, :].reshape(-1, H, P)
    point_q = q[:, 1:, :].reshape(-1, 3, H, P) + point_centers_q[:, :, None, None] / DISTANCE_SCALING
    point_k = k[:, 1:, :].reshape(-1, 3, H, P) + point_centers_k[:, :, None, None] / DISTANCE_SCALING
    point_v = v[:, 1:, :].reshape(-1, 3, H, P) + point_centers_k[:, :, None, None] / DISTANCE_SCALING
    edge_bias = x_edge @ We
    src = edge_index[0]
    dst = edge_index[1]
    sq = jnp.take(scalar_q, dst, axis=0)
    sk = jnp.take(scalar_k, src, axis=0)
    pq = jnp.take(point_q, dst, axis=0)
    pk = jnp.take(point_k, src, axis=0)
    scalar_logits = jnp.sum(sq * sk, axis=-1) * SCALAR_SCALE
    pw = jax.nn.softplus(point_weights)[None, :]
    point_logits = jnp.sum(jnp.square(pq - pk), axis=(1, 3)) * POINT_SCALE
    logits = scalar_logits - 0.5 * point_logits * pw + edge_bias
    seg_max = jax.lax.stop_gradient(jax.ops.segment_max(logits, dst, num_segments=n))
    ex = jnp.exp(logits - jnp.take(seg_max, dst, axis=0))
    denom = jax.ops.segment_sum(ex, dst, num_segments=n)
    alpha = ex / (jnp.take(denom, dst, axis=0) + 1e-16)
    res_scalar = jax.ops.segment_sum(alpha[:, :, None] * jnp.take(scalar_v, src, axis=0), dst, num_segments=n)
    res_points = jax.ops.segment_sum(alpha[:, None, :, None] * jnp.take(point_v, src, axis=0), dst, num_segments=n)
    res_points_local = res_points - point_centers_q[:, :, None, None] / DISTANCE_SCALING
    res = jnp.concatenate([res_scalar[:, None, :, :], res_points_local], axis=1).reshape(n, 4, H * P)
    out = res @ Wo
    return out

if __name__ == "__main__":
    import jax
    _d = setup_inputs()
    print(jax.jit(kernel)(*tuple(_d.values())))

</pallas_src>

<mosaic_0001>
#map = affine_map<(d0, d1) -> (0)>
#map1 = affine_map<(d0, d1) -> (0, 0)>
#map2 = affine_map<(d0, d1) -> (0, 0, 0)>
#map3 = affine_map<(d0, d1) -> (0, 0, 0, 0)>
module attributes {stable_mosaic.version = 14 : i64} {
  func.func @_sc_body(%arg0: i32, %arg1: i32, %arg2: memref<320000xi32, #tpu.memory_space<hbm>>, %arg3: memref<320000xi32, #tpu.memory_space<hbm>>, %arg4: memref<10000x256xf32, #tpu.memory_space<hbm>>, %arg5: memref<10000x256xf32, #tpu.memory_space<hbm>>, %arg6: memref<10000x256xf32, #tpu.memory_space<hbm>>, %arg7: memref<10000x256xf32, #tpu.memory_space<hbm>>, %arg8: memref<10000x16xf32, #tpu.memory_space<hbm>>, %arg9: memref<320000x16xf32, #tpu.memory_space<hbm>>, %arg10: memref<10000x128xf32, #tpu.memory_space<hbm>>, %arg11: memref<10000x128xf32, #tpu.memory_space<hbm>>, %arg12: memref<10000x128xf32, #tpu.memory_space<hbm>>, %arg13: memref<10000x128xf32, #tpu.memory_space<hbm>>, %arg14: memref<640x16xf32, #tpu.memory_space<hbm>>, %arg15: memref<640x128xf32, #tpu.memory_space<hbm>>, %arg16: memref<2x10240x16xf32, #tpu.memory_space<hbm>>, %arg17: memref<4x2x10240x128xf32, #tpu.memory_space<hbm>>, %arg18: memref<320000x16xf32, #tpu.memory_space<hbm>>, %arg19: memref<40xi32, #tpu.memory_space<vmem>>, %arg20: memref<40xi32, #tpu.memory_space<vmem>>, %arg21: memref<40x16xf32, #tpu.memory_space<vmem>>, %arg22: memref<40x16xf32, #tpu.memory_space<vmem>>, %arg23: memref<40x16xf32, #tpu.memory_space<vmem>>, %arg24: memref<10240x16xf32, #tpu.memory_space<vmem_shared>>, %arg25: memref<10240x128xf32, #tpu.memory_space<vmem_shared>>, %arg26: memref<!tpu.dma_semaphore, #tpu.memory_space<semaphore_mem>>, %arg27: memref<!tpu.dma_semaphore, #tpu.memory_space<semaphore_mem>>, %arg28: memref<!tpu.dma_semaphore, #tpu.memory_space<semaphore_mem>>) attributes {dimension_semantics = [#tpu.dimension_semantics<core_parallel>, #tpu.dimension_semantics<subcore_parallel>], iteration_bounds = array<i64: 2, 16>, scalar_prefetch = 0 : i64, scratch_operands = 10 : i64, tpu.core_type = #tpu.core_type<sc_vector_subcore>, window_params = [{transform_indices = #map}, {transform_indices = #map}, {transform_indices = #map1}, {transform_indices = #map1}, {transform_indices = #map1}, {transform_indices = #map1}, {transform_indices = #map1}, {transform_indices = #map1}, {transform_indices = #map1}, {transform_indices = #map1}, {transform_indices = #map1}, {transform_indices = #map1}, {transform_indices = #map1}, {transform_indices = #map1}, {transform_indices = #map2}, {transform_indices = #map3}, {transform_indices = #map1}]} {
    %mul3A = arith.constant 2 : i32
    %mul3A_0 = arith.muli %arg1, %mul3A : i32
    %add3A = arith.addi %mul3A_0, %arg0 : i32
    %mul3A_1 = arith.constant 10000 : i32
    %mul3A_2 = arith.muli %add3A, %mul3A_1 : i32
    %mul3A_3 = arith.constant 640 : i32
    %mul3A_4 = arith.muli %arg1, %mul3A_3 : i32
    "tpu.region"() ({
      %run_scoped3A = memref.alloca() : memref<40x256xf32, #tpu.memory_space<vmem>>
      %run_scoped3A_5 = memref.alloca() : memref<40x256xf32, #tpu.memory_space<vmem>>
      %run_scoped3A_6 = memref.alloca() : memref<40x128xf32, #tpu.memory_space<vmem>>
      %run_scoped3A_7 = memref.alloca() : memref<40x128xf32, #tpu.memory_space<vmem>>
      %run_scoped3A_8 = memref.alloca() : memref<40x16xf32, #tpu.memory_space<vmem>>
      %run_scoped3A_9 = memref.alloca() : memref<40xi32, #tpu.memory_space<vmem>>
      %run_scoped3A_10 = memref.alloca() : memref<40xi32, #tpu.memory_space<vmem>>
      %run_scoped3A_11 = memref.alloca() : memref<40xi32, #tpu.memory_space<vmem>>
      %run_scoped3A_12 = memref.alloca() : memref<40xi32, #tpu.memory_space<vmem>>
      %run_scoped3A_13 = memref.alloca() : memref<40x16xf32, #tpu.memory_space<vmem>>
      %run_scoped3A_14 = memref.alloca() : memref<40x16xf32, #tpu.memory_space<vmem>>
      "tpu.region"() ({
        %run_scoped3A_139 = tpu.sem_alloc : memref<!tpu.dma_semaphore, #tpu.memory_space<semaphore_mem>>
        %dma_start3A_140 = arith.constant 0 : i32
        %dma_start3A_141 = tpu.memref_slice %arg24[%mul3A_4, %dma_start3A_140] : memref<10240x16xf32, #tpu.memory_space<vmem_shared>> -> memref<640x16xf32, #tpu.memory_space<vmem_shared>>
        tpu.enqueue_dma source(%arg14 : memref<640x16xf32, #tpu.memory_space<hbm>>) target(%dma_start3A_141 : memref<640x16xf32, #tpu.memory_space<vmem_shared>>) target_semaphore(%run_scoped3A_139 : memref<!tpu.dma_semaphore, #tpu.memory_space<semaphore_mem>>)
        %dma_wait3A_142 = arith.constant 0 : i32
        %dma_wait3A_143 = tpu.memref_slice %arg24[%mul3A_4, %dma_wait3A_142] : memref<10240x16xf32, #tpu.memory_space<vmem_shared>> -> memref<640x16xf32, #tpu.memory_space<vmem_shared>>
        tpu.wait_dma2 semaphore(%run_scoped3A_139 : memref<!tpu.dma_semaphore, #tpu.memory_space<semaphore_mem>>) src(%arg14 : memref<640x16xf32, #tpu.memory_space<hbm>>) dst(%dma_wait3A_143 : memref<640x16xf32, #tpu.memory_space<vmem_shared>>)
        tpu.yield
      }) : () -> ()
      %barrier3A = arith.constant 0 : index
      tpu.barrier barrier_id(%barrier3A)
      %scan3A = arith.constant 0 : i32
      %scan3A_15 = arith.constant 0 : i32
      %scan3A_16 = arith.constant 250 : i32
      %scan3A_17 = arith.addi %scan3A_15, %scan3A_16 : i32
      %scan3A_18 = arith.constant 1 : i32
      scf.for %scan3A_139 = %scan3A_15 to %scan3A_17 step %scan3A_18  : i32 {
        %mul3A_140 = arith.constant 40 : i32
        %mul3A_141 = arith.muli %scan3A_139, %mul3A_140 : i32
        %add3A_142 = arith.addi %mul3A_2, %mul3A_141 : i32
        "tpu.region"() ({
          %run_scoped3A_179 = tpu.sem_alloc : memref<!tpu.dma_semaphore, #tpu.memory_space<semaphore_mem>>
          %dma_start3A_180 = tpu.memref_slice %arg2[%add3A_142] : memref<320000xi32, #tpu.memory_space<hbm>> -> memref<40xi32, #tpu.memory_space<hbm>>
          %dma_start3A_181 = tpu.memref_slice %arg2[%add3A_142] : memref<320000xi32, #tpu.memory_space<hbm>> -> memref<40xi32, #tpu.memory_space<hbm>>
          tpu.enqueue_dma source(%dma_start3A_181 : memref<40xi32, #tpu.memory_space<hbm>>) target(%arg19 : memref<40xi32, #tpu.memory_space<vmem>>) target_semaphore(%run_scoped3A_179 : memref<!tpu.dma_semaphore, #tpu.memory_space<semaphore_mem>>)
          %dma_wait3A_182 = tpu.memref_slice %arg2[%add3A_142] : memref<320000xi32, #tpu.memory_space<hbm>> -> memref<40xi32, #tpu.memory_space<hbm>>
          %dma_wait3A_183 = tpu.memref_slice %arg2[%add3A_142] : memref<320000xi32, #tpu.memory_space<hbm>> -> memref<40xi32, #tpu.memory_space<hbm>>
          tpu.wait_dma2 semaphore(%run_scoped3A_179 : memref<!tpu.dma_semaphore, #tpu.memory_space<semaphore_mem>>) src(%dma_wait3A_183 : memref<40xi32, #tpu.memory_space<hbm>>) dst(%arg19 : memref<40xi32, #tpu.memory_space<vmem>>)
          tpu.yield
        }) : () -> ()
        "tpu.region"() ({
          %run_scoped3A_179 = tpu.sem_alloc : memref<!tpu.dma_semaphore, #tpu.memory_space<semaphore_mem>>
          %dma_start3A_180 = tpu.memref_slice %arg3[%add3A_142] : memref<320000xi32, #tpu.memory_space<hbm>> -> memref<40xi32, #tpu.memory_space<hbm>>
          %dma_start3A_181 = tpu.memref_slice %arg3[%add3A_142] : memref<320000xi32, #tpu.memory_space<hbm>> -> memref<40xi32, #tpu.memory_space<hbm>>
          tpu.enqueue_dma source(%dma_start3A_181 : memref<40xi32, #tpu.memory_space<hbm>>) target(%arg20 : memref<40xi32, #tpu.memory_space<vmem>>) target_semaphore(%run_scoped3A_179 : memref<!tpu.dma_semaphore, #tpu.memory_space<semaphore_mem>>)
          %dma_wait3A_182 = tpu.memref_slice %arg3[%add3A_142] : memref<320000xi32, #tpu.memory_space<hbm>> -> memref<40xi32, #tpu.memory_space<hbm>>
          %dma_wait3A_183 = tpu.memref_slice %arg3[%add3A_142] : memref<320000xi32, #tpu.memory_space<hbm>> -> memref<40xi32, #tpu.memory_space<hbm>>
          tpu.wait_dma2 semaphore(%run_scoped3A_179 : memref<!tpu.dma_semaphore, #tpu.memory_space<semaphore_mem>>) src(%dma_wait3A_183 : memref<40xi32, #tpu.memory_space<hbm>>) dst(%arg20 : memref<40xi32, #tpu.memory_space<vmem>>)
          tpu.yield
        }) : () -> ()
        %dma_start3A_143 = arith.constant 0 : i32
        %dma_start3A_144 = arith.constant 0 : i32
        %dma_start3A_145 = tpu.memref_slice %arg4[%dma_start3A_143, %dma_start3A_144] : memref<10000x256xf32, #tpu.memory_space<hbm>> -> memref<10000x256xf32, #tpu.memory_space<hbm>>
        tpu.enqueue_indirect_dma source(%dma_start3A_145 : memref<10000x256xf32, #tpu.memory_space<hbm>>) target(%run_scoped3A : memref<40x256xf32, #tpu.memory_space<vmem>>) offsets(%arg20 : memref<40xi32, #tpu.memory_space<vmem>>) semaphore(%arg26 : memref<!tpu.dma_semaphore, #tpu.memory_space<semaphore_mem>>)
        %dma_start3A_146 = arith.constant 0 : i32
        %dma_start3A_147 = arith.constant 0 : i32
        %dma_start3A_148 = tpu.memref_slice %arg6[%dma_start3A_146, %dma_start3A_147] : memref<10000x256xf32, #tpu.memory_space<hbm>> -> memref<10000x256xf32, #tpu.memory_space<hbm>>
        tpu.enqueue_indirect_dma source(%dma_start3A_148 : memref<10000x256xf32, #tpu.memory_space<hbm>>) target(%run_scoped3A_5 : memref<40x256xf32, #tpu.memory_space<vmem>>) offsets(%arg19 : memref<40xi32, #tpu.memory_space<vmem>>) semaphore(%arg27 : memref<!tpu.dma_semaphore, #tpu.memory_space<semaphore_mem>>)
        %dma_start3A_149 = arith.constant 0 : i32
        %dma_start3A_150 = arith.constant 0 : i32
        %dma_start3A_151 = tpu.memref_slice %arg8[%dma_start3A_149, %dma_start3A_150] : memref<10000x16xf32, #tpu.memory_space<hbm>> -> memref<10000x16xf32, #tpu.memory_space<hbm>>
        tpu.enqueue_indirect_dma source(%dma_start3A_151 : memref<10000x16xf32, #tpu.memory_space<hbm>>) target(%arg21 : memref<40x16xf32, #tpu.memory_space<vmem>>) offsets(%arg19 : memref<40xi32, #tpu.memory_space<vmem>>) semaphore(%arg28 : memref<!tpu.dma_semaphore, #tpu.memory_space<semaphore_mem>>)
        "tpu.region"() ({
          %run_scoped3A_179 = tpu.sem_alloc : memref<!tpu.dma_semaphore, #tpu.memory_space<semaphore_mem>>
          %dma_start3A_180 = arith.constant 0 : i32
          %dma_start3A_181 = tpu.memref_slice %arg9[%add3A_142, %dma_start3A_180] : memref<320000x16xf32, #tpu.memory_space<hbm>> -> memref<40x16xf32, #tpu.memory_space<hbm>>
          %dma_start3A_182 = arith.constant 0 : i32
          %dma_start3A_183 = tpu.memref_slice %arg9[%add3A_142, %dma_start3A_182] : memref<320000x16xf32, #tpu.memory_space<hbm>> -> memref<40x16xf32, #tpu.memory_space<hbm>>
          tpu.enqueue_dma source(%dma_start3A_183 : memref<40x16xf32, #tpu.memory_space<hbm>>) target(%arg22 : memref<40x16xf32, #tpu.memory_space<vmem>>) target_semaphore(%run_scoped3A_179 : memref<!tpu.dma_semaphore, #tpu.memory_space<semaphore_mem>>)
          %dma_wait3A_184 = arith.constant 0 : i32
          %dma_wait3A_185 = tpu.memref_slice %arg9[%add3A_142, %dma_wait3A_184] : memref<320000x16xf32, #tpu.memory_space<hbm>> -> memref<40x16xf32, #tpu.memory_space<hbm>>
          %dma_wait3A_186 = arith.constant 0 : i32
          %dma_wait3A_187 = tpu.memref_slice %arg9[%add3A_142, %dma_wait3A_186] : memref<320000x16xf32, #tpu.memory_space<hbm>> -> memref<40x16xf32, #tpu.memory_space<hbm>>
          tpu.wait_dma2 semaphore(%run_scoped3A_179 : memref<!tpu.dma_semaphore, #tpu.memory_space<semaphore_mem>>) src(%dma_wait3A_187 : memref<40x16xf32, #tpu.memory_space<hbm>>) dst(%arg22 : memref<40x16xf32, #tpu.memory_space<vmem>>)
          tpu.yield
        }) : () -> ()
        %dma_wait3A_152 = arith.constant 0 : i32
        %dma_wait3A_153 = arith.constant 0 : i32
        %dma_wait3A_154 = tpu.memref_slice %arg4[%dma_wait3A_152, %dma_wait3A_153] : memref<10000x256xf32, #tpu.memory_space<hbm>> -> memref<10000x256xf32, #tpu.memory_space<hbm>>
        tpu.wait_indirect_dma semaphore(%arg26 : memref<!tpu.dma_semaphore, #tpu.memory_space<semaphore_mem>>) src(%dma_wait3A_154 : memref<10000x256xf32, #tpu.memory_space<hbm>>) dst(%run_scoped3A : memref<40x256xf32, #tpu.memory_space<vmem>>)
        %dma_wait3A_155 = arith.constant 0 : i32
        %dma_wait3A_156 = arith.constant 0 : i32
        %dma_wait3A_157 = tpu.memref_slice %arg6[%dma_wait3A_155, %dma_wait3A_156] : memref<10000x256xf32, #tpu.memory_space<hbm>> -> memref<10000x256xf32, #tpu.memory_space<hbm>>
        tpu.wait_indirect_dma semaphore(%arg27 : memref<!tpu.dma_semaphore, #tpu.memory_space<semaphore_mem>>) src(%dma_wait3A_157 : memref<10000x256xf32, #tpu.memory_space<hbm>>) dst(%run_scoped3A_5 : memref<40x256xf32, #tpu.memory_space<vmem>>)
        %parallel_loop3A_158 = arith.constant 0 : i32
        %parallel_loop3A_159 = arith.constant 40 : i32
        %parallel_loop3A_160 = arith.constant 1 : i32
        scf.for %parallel_loop3A_179 = %parallel_loop3A_158 to %parallel_loop3A_159 step %parallel_loop3A_160  : i32 {
          %parallel_loop3A_180 = arith.index_cast %parallel_loop3A_179 : i32 to index
          %parallel_loop3A_181 = arith.constant 0 : index
          %parallel_loop3A_182 = tpu.vector_load %run_scoped3A[%parallel_loop3A_180, %parallel_loop3A_181] {strides = array<i32>} : memref<40x256xf32, #tpu.memory_space<vmem>>, vector<1x16xf32>,
          %parallel_loop3A_183 = vector.shape_cast %parallel_loop3A_182 : vector<1x16xf32> to vector<16xf32>
          %parallel_loop3A_184 = arith.index_cast %parallel_loop3A_179 : i32 to index
          %parallel_loop3A_185 = arith.constant 0 : index
          %parallel_loop3A_186 = tpu.vector_load %run_scoped3A_5[%parallel_loop3A_184, %parallel_loop3A_185] {strides = array<i32>} : memref<40x256xf32, #tpu.memory_space<vmem>>, vector<1x16xf32>,
          %parallel_loop3A_187 = vector.shape_cast %parallel_loop3A_186 : vector<1x16xf32> to vector<16xf32>
          %parallel_loop3A_188 = arith.mulf %parallel_loop3A_183, %parallel_loop3A_187 : vector<16xf32>
          %parallel_loop3A_189 = arith.index_cast %parallel_loop3A_179 : i32 to index
          %parallel_loop3A_190 = arith.constant 16 : index
          %parallel_loop3A_191 = tpu.vector_load %run_scoped3A[%parallel_loop3A_189, %parallel_loop3A_190] {strides = array<i32>} : memref<40x256xf32, #tpu.memory_space<vmem>>, vector<1x16xf32>,
          %parallel_loop3A_192 = vector.shape_cast %parallel_loop3A_191 : vector<1x16xf32> to vector<16xf32>
          %parallel_loop3A_193 = arith.index_cast %parallel_loop3A_179 : i32 to index
          %parallel_loop3A_194 = arith.constant 16 : index
          %parallel_loop3A_195 = tpu.vector_load %run_scoped3A_5[%parallel_loop3A_193, %parallel_loop3A_194] {strides = array<i32>} : memref<40x256xf32, #tpu.memory_space<vmem>>, vector<1x16xf32>,
          %parallel_loop3A_196 = vector.shape_cast %parallel_loop3A_195 : vector<1x16xf32> to vector<16xf32>
          %parallel_loop3A_197 = arith.mulf %parallel_loop3A_192, %parallel_loop3A_196 : vector<16xf32>
          %parallel_loop3A_198 = arith.index_cast %parallel_loop3A_179 : i32 to index
          %parallel_loop3A_199 = arith.constant 32 : index
          %parallel_loop3A_200 = tpu.vector_load %run_scoped3A[%parallel_loop3A_198, %parallel_loop3A_199] {strides = array<i32>} : memref<40x256xf32, #tpu.memory_space<vmem>>, vector<1x16xf32>,
          %parallel_loop3A_201 = vector.shape_cast %parallel_loop3A_200 : vector<1x16xf32> to vector<16xf32>
          %parallel_loop3A_202 = arith.index_cast %parallel_loop3A_179 : i32 to index
          %parallel_loop3A_203 = arith.constant 32 : index
          %parallel_loop3A_204 = tpu.vector_load %run_scoped3A_5[%parallel_loop3A_202, %parallel_loop3A_203] {strides = array<i32>} : memref<40x256xf32, #tpu.memory_space<vmem>>, vector<1x16xf32>,
          %parallel_loop3A_205 = vector.shape_cast %parallel_loop3A_204 : vector<1x16xf32> to vector<16xf32>
          %parallel_loop3A_206 = arith.mulf %parallel_loop3A_201, %parallel_loop3A_205 : vector<16xf32>
          %parallel_loop3A_207 = arith.index_cast %parallel_loop3A_179 : i32 to index
          %parallel_loop3A_208 = arith.constant 48 : index
          %parallel_loop3A_209 = tpu.vector_load %run_scoped3A[%parallel_loop3A_207, %parallel_loop3A_208] {strides = array<i32>} : memref<40x256xf32, #tpu.memory_space<vmem>>, vector<1x16xf32>,
          %parallel_loop3A_210 = vector.shape_cast %parallel_loop3A_209 : vector<1x16xf32> to vector<16xf32>
          %parallel_loop3A_211 = arith.index_cast %parallel_loop3A_179 : i32 to index
          %parallel_loop3A_212 = arith.constant 48 : index
          %parallel_loop3A_213 = tpu.vector_load %run_scoped3A_5[%parallel_loop3A_211, %parallel_loop3A_212] {strides = array<i32>} : memref<40x256xf32, #tpu.memory_space<vmem>>, vector<1x16xf32>,
          %parallel_loop3A_214 = vector.shape_cast %parallel_loop3A_213 : vector<1x16xf32> to vector<16xf32>
          %parallel_loop3A_215 = arith.mulf %parallel_loop3A_210, %parallel_loop3A_214 : vector<16xf32>
          %parallel_loop3A_216 = arith.index_cast %parallel_loop3A_179 : i32 to index
          %parallel_loop3A_217 = arith.constant 64 : index
          %parallel_loop3A_218 = tpu.vector_load %run_scoped3A[%parallel_loop3A_216, %parallel_loop3A_217] {strides = array<i32>} : memref<40x256xf32, #tpu.memory_space<vmem>>, vector<1x16xf32>,
          %parallel_loop3A_219 = vector.shape_cast %parallel_loop3A_218 : vector<1x16xf32> to vector<16xf32>
          %parallel_loop3A_220 = arith.index_cast %parallel_loop3A_179 : i32 to index
          %parallel_loop3A_221 = arith.constant 64 : index
          %parallel_loop3A_222 = tpu.vector_load %run_scoped3A_5[%parallel_loop3A_220, %parallel_loop3A_221] {strides = array<i32>} : memref<40x256xf32, #tpu.memory_space<vmem>>, vector<1x16xf32>,
          %parallel_loop3A_223 = vector.shape_cast %parallel_loop3A_222 : vector<1x16xf32> to vector<16xf32>
          %parallel_loop3A_224 = arith.mulf %parallel_loop3A_219, %parallel_loop3A_223 : vector<16xf32>
          %parallel_loop3A_225 = arith.addf %parallel_loop3A_188, %parallel_loop3A_224 : vector<16xf32>
          %parallel_loop3A_226 = arith.index_cast %parallel_loop3A_179 : i32 to index
          %parallel_loop3A_227 = arith.constant 80 : index
          %parallel_loop3A_228 = tpu.vector_load %run_scoped3A[%parallel_loop3A_226, %parallel_loop3A_227] {strides = array<i32>} : memref<40x256xf32, #tpu.memory_space<vmem>>, vector<1x16xf32>,
          %parallel_loop3A_229 = vector.shape_cast %parallel_loop3A_228 : vector<1x16xf32> to vector<16xf32>
          %parallel_loop3A_230 = arith.index_cast %parallel_loop3A_179 : i32 to index
          %parallel_loop3A_231 = arith.constant 80 : index
          %parallel_loop3A_232 = tpu.vector_load %run_scoped3A_5[%parallel_loop3A_230, %parallel_loop3A_231] {strides = array<i32>} : memref<40x256xf32, #tpu.memory_space<vmem>>, vector<1x16xf32>,
          %parallel_loop3A_233 = vector.shape_cast %parallel_loop3A_232 : vector<1x16xf32> to vector<16xf32>
          %parallel_loop3A_234 = arith.mulf %parallel_loop3A_229, %parallel_loop3A_233 : vector<16xf32>
          %parallel_loop3A_235 = arith.addf %parallel_loop3A_197, %parallel_loop3A_234 : vector<16xf32>
          %parallel_loop3A_236 = arith.index_cast %parallel_loop3A_179 : i32 to index
          %parallel_loop3A_237 = arith.constant 96 : index
          %parallel_loop3A_238 = tpu.vector_load %run_scoped3A[%parallel_loop3A_236, %parallel_loop3A_237] {strides = array<i32>} : memref<40x256xf32, #tpu.memory_space<vmem>>, vector<1x16xf32>,
          %parallel_loop3A_239 = vector.shape_cast %parallel_loop3A_238 : vector<1x16xf32> to vector<16xf32>
          %parallel_loop3A_240 = arith.index_cast %parallel_loop3A_179 : i32 to index
          %parallel_loop3A_241 = arith.constant 96 : index
          %parallel_loop3A_242 = tpu.vector_load %run_scoped3A_5[%parallel_loop3A_240, %parallel_loop3A_241] {strides = array<i32>} : memref<40x256xf32, #tpu.memory_space<vmem>>, vector<1x16xf32>,
          %parallel_loop3A_243 = vector.shape_cast %parallel_loop3A_242 : vector<1x16xf32> to vector<16xf32>
          %parallel_loop3A_244 = arith.mulf %parallel_loop3A_239, %parallel_loop3A_243 : vector<16xf32>
          %parallel_loop3A_245 = arith.addf %parallel_loop3A_206, %parallel_loop3A_244 : vector<16xf32>
          %parallel_loop3A_246 = arith.index_cast %parallel_loop3A_179 : i32 to index
          %parallel_loop3A_247 = arith.constant 112 : index
          %parallel_loop3A_248 = tpu.vector_load %run_scoped3A[%parallel_loop3A_246, %parallel_loop3A_247] {strides = array<i32>} : memref<40x256xf32, #tpu.memory_space<vmem>>, vector<1x16xf32>,
          %parallel_loop3A_249 = vector.shape_cast %parallel_loop3A_248 : vector<1x16xf32> to vector<16xf32>
          %parallel_loop3A_250 = arith.index_cast %parallel_loop3A_179 : i32 to index
          %parallel_loop3A_251 = arith.constant 112 : index
          %parallel_loop3A_252 = tpu.vector_load %run_scoped3A_5[%parallel_loop3A_250, %parallel_loop3A_251] {strides = array<i32>} : memref<40x256xf32, #tpu.memory_space<vmem>>, vector<1x16xf32>,
          %parallel_loop3A_253 = vector.shape_cast %parallel_loop3A_252 : vector<1x16xf32> to vector<16xf32>
          %parallel_loop3A_254 = arith.mulf %parallel_loop3A_249, %parallel_loop3A_253 : vector<16xf32>
          %parallel_loop3A_255 = arith.addf %parallel_loop3A_215, %parallel_loop3A_254 : vector<16xf32>
          %parallel_loop3A_256 = arith.index_cast %parallel_loop3A_179 : i32 to index
          %parallel_loop3A_257 = arith.constant 128 : index
          %parallel_loop3A_258 = tpu.vector_load %run_scoped3A[%parallel_loop3A_256, %parallel_loop3A_257] {strides = array<i32>} : memref<40x256xf32, #tpu.memory_space<vmem>>, vector<1x16xf32>,
          %parallel_loop3A_259 = vector.shape_cast %parallel_loop3A_258 : vector<1x16xf32> to vector<16xf32>
          %parallel_loop3A_260 = arith.index_cast %parallel_loop3A_179 : i32 to index
          %parallel_loop3A_261 = arith.constant 128 : index
          %parallel_loop3A_262 = tpu.vector_load %run_scoped3A_5[%parallel_loop3A_260, %parallel_loop3A_261] {strides = array<i32>} : memref<40x256xf32, #tpu.memory_space<vmem>>, vector<1x16xf32>,
          %parallel_loop3A_263 = vector.shape_cast %parallel_loop3A_262 : vector<1x16xf32> to vector<16xf32>
          %parallel_loop3A_264 = arith.mulf %parallel_loop3A_259, %parallel_loop3A_263 : vector<16xf32>
          %parallel_loop3A_265 = arith.addf %parallel_loop3A_225, %parallel_loop3A_264 : vector<16xf32>
          %parallel_loop3A_266 = arith.index_cast %parallel_loop3A_179 : i32 to index
          %parallel_loop3A_267 = arith.constant 144 : index
          %parallel_loop3A_268 = tpu.vector_load %run_scoped3A[%parallel_loop3A_266, %parallel_loop3A_267] {strides = array<i32>} : memref<40x256xf32, #tpu.memory_space<vmem>>, vector<1x16xf32>,
          %parallel_loop3A_269 = vector.shape_cast %parallel_loop3A_268 : vector<1x16xf32> to vector<16xf32>
          %parallel_loop3A_270 = arith.index_cast %parallel_loop3A_179 : i32 to index
          %parallel_loop3A_271 = arith.constant 144 : index
          %parallel_loop3A_272 = tpu.vector_load %run_scoped3A_5[%parallel_loop3A_270, %parallel_loop3A_271] {strides = array<i32>} : memref<40x256xf32, #tpu.memory_space<vmem>>, vector<1x16xf32>,
          %parallel_loop3A_273 = vector.shape_cast %parallel_loop3A_272 : vector<1x16xf32> to vector<16xf32>
          %parallel_loop3A_274 = arith.mulf %parallel_loop3A_269, %parallel_loop3A_273 : vector<16xf32>
          %parallel_loop3A_275 = arith.addf %parallel_loop3A_235, %parallel_loop3A_274 : vector<16xf32>
          %parallel_loop3A_276 = arith.index_cast %parallel_loop3A_179 : i32 to index
          %parallel_loop3A_277 = arith.constant 160 : index
          %parallel_loop3A_278 = tpu.vector_load %run_scoped3A[%parallel_loop3A_276, %parallel_loop3A_277] {strides = array<i32>} : memref<40x256xf32, #tpu.memory_space<vmem>>, vector<1x16xf32>,
          %parallel_loop3A_279 = vector.shape_cast %parallel_loop3A_278 : vector<1x16xf32> to vector<16xf32>
          %parallel_loop3A_280 = arith.index_cast %parallel_loop3A_179 : i32 to index
          %parallel_loop3A_281 = arith.constant 160 : index
          %parallel_loop3A_282 = tpu.vector_load %run_scoped3A_5[%parallel_loop3A_280, %parallel_loop3A_281] {strides = array<i32>} : memref<40x256xf32, #tpu.memory_space<vmem>>, vector<1x16xf32>,
          %parallel_loop3A_283 = vector.shape_cast %parallel_loop3A_282 : vector<1x16xf32> to vector<16xf32>
          %parallel_loop3A_284 = arith.mulf %parallel_loop3A_279, %parallel_loop3A_283 : vector<16xf32>
          %parallel_loop3A_285 = arith.addf %parallel_loop3A_245, %parallel_loop3A_284 : vector<16xf32>
          %parallel_loop3A_286 = arith.index_cast %parallel_loop3A_179 : i32 to index
          %parallel_loop3A_287 = arith.constant 176 : index
          %parallel_loop3A_288 = tpu.vector_load %run_scoped3A[%parallel_loop3A_286, %parallel_loop3A_287] {strides = array<i32>} : memref<40x256xf32, #tpu.memory_space<vmem>>, vector<1x16xf32>,
          %parallel_loop3A_289 = vector.shape_cast %parallel_loop3A_288 : vector<1x16xf32> to vector<16xf32>
          %parallel_loop3A_290 = arith.index_cast %parallel_loop3A_179 : i32 to index
          %parallel_loop3A_291 = arith.constant 176 : index
          %parallel_loop3A_292 = tpu.vector_load %run_scoped3A_5[%parallel_loop3A_290, %parallel_loop3A_291] {strides = array<i32>} : memref<40x256xf32, #tpu.memory_space<vmem>>, vector<1x16xf32>,
          %parallel_loop3A_293 = vector.shape_cast %parallel_loop3A_292 : vector<1x16xf32> to vector<16xf32>
          %parallel_loop3A_294 = arith.mulf %parallel_loop3A_289, %parallel_loop3A_293 : vector<16xf32>
          %parallel_loop3A_295 = arith.addf %parallel_loop3A_255, %parallel_loop3A_294 : vector<16xf32>
          %parallel_loop3A_296 = arith.index_cast %parallel_loop3A_179 : i32 to index
          %parallel_loop3A_297 = arith.constant 192 : index
          %parallel_loop3A_298 = tpu.vector_load %run_scoped3A[%parallel_loop3A_296, %parallel_loop3A_297] {strides = array<i32>} : memref<40x256xf32, #tpu.memory_space<vmem>>, vector<1x16xf32>,
          %parallel_loop3A_299 = vector.shape_cast %parallel_loop3A_298 : vector<1x16xf32> to vector<16xf32>
          %parallel_loop3A_300 = arith.index_cast %parallel_loop3A_179 : i32 to index
          %parallel_loop3A_301 = arith.constant 192 : index
          %parallel_loop3A_302 = tpu.vector_load %run_scoped3A_5[%parallel_loop3A_300, %parallel_loop3A_301] {strides = array<i32>} : memref<40x256xf32, #tpu.memory_space<vmem>>, vector<1x16xf32>,
          %parallel_loop3A_303 = vector.shape_cast %parallel_loop3A_302 : vector<1x16xf32> to vector<16xf32>
          %parallel_loop3A_304 = arith.mulf %parallel_loop3A_299, %parallel_loop3A_303 : vector<16xf32>
          %parallel_loop3A_305 = arith.addf %parallel_loop3A_265, %parallel_loop3A_304 : vector<16xf32>
          %parallel_loop3A_306 = arith.index_cast %parallel_loop3A_179 : i32 to index
          %parallel_loop3A_307 = arith.constant 208 : index
          %parallel_loop3A_308 = tpu.vector_load %run_scoped3A[%parallel_loop3A_306, %parallel_loop3A_307] {strides = array<i32>} : memref<40x256xf32, #tpu.memory_space<vmem>>, vector<1x16xf32>,
          %parallel_loop3A_309 = vector.shape_cast %parallel_loop3A_308 : vector<1x16xf32> to vector<16xf32>
          %parallel_loop3A_310 = arith.index_cast %parallel_loop3A_179 : i32 to index
          %parallel_loop3A_311 = arith.constant 208 : index
          %parallel_loop3A_312 = tpu.vector_load %run_scoped3A_5[%parallel_loop3A_310, %parallel_loop3A_311] {strides = array<i32>} : memref<40x256xf32, #tpu.memory_space<vmem>>, vector<1x16xf32>,
          %parallel_loop3A_313 = vector.shape_cast %parallel_loop3A_312 : vector<1x16xf32> to vector<16xf32>
          %parallel_loop3A_314 = arith.mulf %parallel_loop3A_309, %parallel_loop3A_313 : vector<16xf32>
          %parallel_loop3A_315 = arith.addf %parallel_loop3A_275, %parallel_loop3A_314 : vector<16xf32>
          %parallel_loop3A_316 = arith.index_cast %parallel_loop3A_179 : i32 to index
          %parallel_loop3A_317 = arith.constant 224 : index
          %parallel_loop3A_318 = tpu.vector_load %run_scoped3A[%parallel_loop3A_316, %parallel_loop3A_317] {strides = array<i32>} : memref<40x256xf32, #tpu.memory_space<vmem>>, vector<1x16xf32>,
          %parallel_loop3A_319 = vector.shape_cast %parallel_loop3A_318 : vector<1x16xf32> to vector<16xf32>
          %parallel_loop3A_320 = arith.index_cast %parallel_loop3A_179 : i32 to index
          %parallel_loop3A_321 = arith.constant 224 : index
          %parallel_loop3A_322 = tpu.vector_load %run_scoped3A_5[%parallel_loop3A_320, %parallel_loop3A_321] {strides = array<i32>} : memref<40x256xf32, #tpu.memory_space<vmem>>, vector<1x16xf32>,
          %parallel_loop3A_323 = vector.shape_cast %parallel_loop3A_322 : vector<1x16xf32> to vector<16xf32>
          %parallel_loop3A_324 = arith.mulf %parallel_loop3A_319, %parallel_loop3A_323 : vector<16xf32>
          %parallel_loop3A_325 = arith.addf %parallel_loop3A_285, %parallel_loop3A_324 : vector<16xf32>
          %parallel_loop3A_326 = arith.index_cast %parallel_loop3A_179 : i32 to index
          %parallel_loop3A_327 = arith.constant 240 : index
          %parallel_loop3A_328 = tpu.vector_load %run_scoped3A[%parallel_loop3A_326, %parallel_loop3A_327] {strides = array<i32>} : memref<40x256xf32, #tpu.memory_space<vmem>>, vector<1x16xf32>,
          %parallel_loop3A_329 = vector.shape_cast %parallel_loop3A_328 : vector<1x16xf32> to vector<16xf32>
          %parallel_loop3A_330 = arith.index_cast %parallel_loop3A_179 : i32 to index
          %parallel_loop3A_331 = arith.constant 240 : index
          %parallel_loop3A_332 = tpu.vector_load %run_scoped3A_5[%parallel_loop3A_330, %parallel_loop3A_331] {strides = array<i32>} : memref<40x256xf32, #tpu.memory_space<vmem>>, vector<1x16xf32>,
          %parallel_loop3A_333 = vector.shape_cast %parallel_loop3A_332 : vector<1x16xf32> to vector<16xf32>
          %parallel_loop3A_334 = arith.mulf %parallel_loop3A_329, %parallel_loop3A_333 : vector<16xf32>
          %parallel_loop3A_335 = arith.addf %parallel_loop3A_295, %parallel_loop3A_334 : vector<16xf32>
          %parallel_loop3A_336 = arith.addf %parallel_loop3A_305, %parallel_loop3A_315 : vector<16xf32>
          %parallel_loop3A_337 = arith.addf %parallel_loop3A_325, %parallel_loop3A_335 : vector<16xf32>
          %parallel_loop3A_338 = arith.addf %parallel_loop3A_336, %parallel_loop3A_337 : vector<16xf32>
          %parallel_loop3A_339 = arith.index_cast %parallel_loop3A_179 : i32 to index
          %parallel_loop3A_340 = arith.constant 0 : index
          %parallel_loop3A_341 = tpu.vector_load %run_scoped3A_8[%parallel_loop3A_339, %parallel_loop3A_340] {strides = array<i32>} : memref<40x16xf32, #tpu.memory_space<vmem>>, vector<1x16xf32>,
          %parallel_loop3A_342 = vector.shape_cast %parallel_loop3A_341 : vector<1x16xf32> to vector<16xf32>
          %parallel_loop3A_343 = vector.shape_cast %parallel_loop3A_338 : vector<16xf32> to vector<1x16xf32>
          tpu.vector_store %run_scoped3A_8[%parallel_loop3A_339, %parallel_loop3A_340], %parallel_loop3A_343 {strides = array<i32>} : memref<40x16xf32, #tpu.memory_space<vmem>>, vector<1x16xf32>,
        } {sc.loop_unroll_factor = 1 : i64, sc.parallel_access}
        %dma_start3A_161 = arith.constant 0 : i32
        %dma_start3A_162 = arith.constant 0 : i32
        %dma_start3A_163 = tpu.memref_slice %arg5[%dma_start3A_161, %dma_start3A_162] : memref<10000x256xf32, #tpu.memory_space<hbm>> -> memref<10000x256xf32, #tpu.memory_space<hbm>>
        tpu.enqueue_indirect_dma source(%dma_start3A_163 : memref<10000x256xf32, #tpu.memory_space<hbm>>) target(%run_scoped3A : memref<40x256xf32, #tpu.memory_space<vmem>>) offsets(%arg20 : memref<40xi32, #tpu.memory_space<vmem>>) semaphore(%arg26 : memref<!tpu.dma_semaphore, #tpu.memory_space<semaphore_mem>>)
        %dma_start3A_164 = arith.constant 0 : i32
        %dma_start3A_165 = arith.constant 0 : i32
        %dma_start3A_166 = tpu.memref_slice %arg7[%dma_start3A_164, %dma_start3A_165] : memref<10000x256xf32, #tpu.memory_space<hbm>> -> memref<10000x256xf32, #tpu.memory_space<hbm>>
        tpu.enqueue_indirect_dma source(%dma_start3A_166 : memref<10000x256xf32, #tpu.memory_space<hbm>>) target(%run_scoped3A_5 : memref<40x256xf32, #tpu.memory_space<vmem>>) offsets(%arg19 : memref<40xi32, #tpu.memory_space<vmem>>) semaphore(%arg27 : memref<!tpu.dma_semaphore, #tpu.memory_space<semaphore_mem>>)
        %dma_wait3A_167 = arith.constant 0 : i32
        %dma_wait3A_168 = arith.constant 0 : i32
        %dma_wait3A_169 = tpu.memref_slice %arg8[%dma_wait3A_167, %dma_wait3A_168] : memref<10000x16xf32, #tpu.memory_space<hbm>> -> memref<10000x16xf32, #tpu.memory_space<hbm>>
        tpu.wait_indirect_dma semaphore(%arg28 : memref<!tpu.dma_semaphore, #tpu.memory_space<semaphore_mem>>) src(%dma_wait3A_169 : memref<10000x16xf32, #tpu.memory_space<hbm>>) dst(%arg21 : memref<40x16xf32, #tpu.memory_space<vmem>>)
        %dma_wait3A_170 = arith.constant 0 : i32
        %dma_wait3A_171 = arith.constant 0 : i32
        %dma_wait3A_172 = tpu.memref_slice %arg5[%dma_wait3A_170, %dma_wait3A_171] : memref<10000x256xf32, #tpu.memory_space<hbm>> -> memref<10000x256xf32, #tpu.memory_space<hbm>>
        tpu.wait_indirect_dma semaphore(%arg26 : memref<!tpu.dma_semaphore, #tpu.memory_space<semaphore_mem>>) src(%dma_wait3A_172 : memref<10000x256xf32, #tpu.memory_space<hbm>>) dst(%run_scoped3A : memref<40x256xf32, #tpu.memory_space<vmem>>)
        %dma_wait3A_173 = arith.constant 0 : i32
        %dma_wait3A_174 = arith.constant 0 : i32
        %dma_wait3A_175 = tpu.memref_slice %arg7[%dma_wait3A_173, %dma_wait3A_174] : memref<10000x256xf32, #tpu.memory_space<hbm>> -> memref<10000x256xf32, #tpu.memory_space<hbm>>
        tpu.wait_indirect_dma semaphore(%arg27 : memref<!tpu.dma_semaphore, #tpu.memory_space<semaphore_mem>>) src(%dma_wait3A_175 : memref<10000x256xf32, #tpu.memory_space<hbm>>) dst(%run_scoped3A_5 : memref<40x256xf32, #tpu.memory_space<vmem>>)
        %parallel_loop3A_176 = arith.constant 0 : i32
        %parallel_loop3A_177 = arith.constant 40 : i32
        %parallel_loop3A_178 = arith.constant 1 : i32
        scf.for %parallel_loop3A_179 = %parallel_loop3A_176 to %parallel_loop3A_177 step %parallel_loop3A_178  : i32 {
          %parallel_loop3A_180 = arith.index_cast %parallel_loop3A_179 : i32 to index
          %parallel_loop3A_181 = arith.constant 0 : index
          %parallel_loop3A_182 = tpu.vector_load %run_scoped3A_8[%parallel_loop3A_180, %parallel_loop3A_181] {strides = array<i32>} : memref<40x16xf32, #tpu.memory_space<vmem>>, vector<1x16xf32>,
          %parallel_loop3A_183 = vector.shape_cast %parallel_loop3A_182 : vector<1x16xf32> to vector<16xf32>
          %parallel_loop3A_184 = arith.index_cast %parallel_loop3A_179 : i32 to index
          %parallel_loop3A_185 = arith.constant 0 : index
          %parallel_loop3A_186 = tpu.vector_load %arg22[%parallel_loop3A_184, %parallel_loop3A_185] {strides = array<i32>} : memref<40x16xf32, #tpu.memory_space<vmem>>, vector<1x16xf32>,
          %parallel_loop3A_187 = vector.shape_cast %parallel_loop3A_186 : vector<1x16xf32> to vector<16xf32>
          %parallel_loop3A_188 = arith.addf %parallel_loop3A_183, %parallel_loop3A_187 : vector<16xf32>
          %parallel_loop3A_189 = arith.index_cast %parallel_loop3A_179 : i32 to index
          %parallel_loop3A_190 = arith.constant 0 : index
          %parallel_loop3A_191 = tpu.vector_load %arg21[%parallel_loop3A_189, %parallel_loop3A_190] {strides = array<i32>} : memref<40x16xf32, #tpu.memory_space<vmem>>, vector<1x16xf32>,
          %parallel_loop3A_192 = vector.shape_cast %parallel_loop3A_191 : vector<1x16xf32> to vector<16xf32>
          %parallel_loop3A_193 = arith.subf %parallel_loop3A_188, %parallel_loop3A_192 : vector<16xf32>
          %parallel_loop3A_194 = arith.index_cast %parallel_loop3A_179 : i32 to index
          %parallel_loop3A_195 = arith.constant 0 : index
          %parallel_loop3A_196 = tpu.vector_load %run_scoped3A[%parallel_loop3A_194, %parallel_loop3A_195] {strides = array<i32>} : memref<40x256xf32, #tpu.memory_space<vmem>>, vector<1x16xf32>,
          %parallel_loop3A_197 = vector.shape_cast %parallel_loop3A_196 : vector<1x16xf32> to vector<16xf32>
          %parallel_loop3A_198 = arith.index_cast %parallel_loop3A_179 : i32 to index
          %parallel_loop3A_199 = arith.constant 0 : index
          %parallel_loop3A_200 = tpu.vector_load %run_scoped3A_5[%parallel_loop3A_198, %parallel_loop3A_199] {strides = array<i32>} : memref<40x256xf32, #tpu.memory_space<vmem>>, vector<1x16xf32>,
          %parallel_loop3A_201 = vector.shape_cast %parallel_loop3A_200 : vector<1x16xf32> to vector<16xf32>
          %parallel_loop3A_202 = arith.mulf %parallel_loop3A_197, %parallel_loop3A_201 : vector<16xf32>
          %parallel_loop3A_203 = arith.index_cast %parallel_loop3A_179 : i32 to index
          %parallel_loop3A_204 = arith.constant 16 : index
          %parallel_loop3A_205 = tpu.vector_load %run_scoped3A[%parallel_loop3A_203, %parallel_loop3A_204] {strides = array<i32>} : memref<40x256xf32, #tpu.memory_space<vmem>>, vector<1x16xf32>,
          %parallel_loop3A_206 = vector.shape_cast %parallel_loop3A_205 : vector<1x16xf32> to vector<16xf32>
          %parallel_loop3A_207 = arith.index_cast %parallel_loop3A_179 : i32 to index
          %parallel_loop3A_208 = arith.constant 16 : index
          %parallel_loop3A_209 = tpu.vector_load %run_scoped3A_5[%parallel_loop3A_207, %parallel_loop3A_208] {strides = array<i32>} : memref<40x256xf32, #tpu.memory_space<vmem>>, vector<1x16xf32>,
          %parallel_loop3A_210 = vector.shape_cast %parallel_loop3A_209 : vector<1x16xf32> to vector<16xf32>
          %parallel_loop3A_211 = arith.mulf %parallel_loop3A_206, %parallel_loop3A_210 : vector<16xf32>
          %parallel_loop3A_212 = arith.index_cast %parallel_loop3A_179 : i32 to index
          %parallel_loop3A_213 = arith.constant 32 : index
          %parallel_loop3A_214 = tpu.vector_load %run_scoped3A[%parallel_loop3A_212, %parallel_loop3A_213] {strides = array<i32>} : memref<40x256xf32, #tpu.memory_space<vmem>>, vector<1x16xf32>,
          %parallel_loop3A_215 = vector.shape_cast %parallel_loop3A_214 : vector<1x16xf32> to vector<16xf32>
          %parallel_loop3A_216 = arith.index_cast %parallel_loop3A_179 : i32 to index
          %parallel_loop3A_217 = arith.constant 32 : index
          %parallel_loop3A_218 = tpu.vector_load %run_scoped3A_5[%parallel_loop3A_216, %parallel_loop3A_217] {strides = array<i32>} : memref<40x256xf32, #tpu.memory_space<vmem>>, vector<1x16xf32>,
          %parallel_loop3A_219 = vector.shape_cast %parallel_loop3A_218 : vector<1x16xf32> to vector<16xf32>
          %parallel_loop3A_220 = arith.mulf %parallel_loop3A_215, %parallel_loop3A_219 : vector<16xf32>
          %parallel_loop3A_221 = arith.index_cast %parallel_loop3A_179 : i32 to index
          %parallel_loop3A_222 = arith.constant 48 : index
          %parallel_loop3A_223 = tpu.vector_load %run_scoped3A[%parallel_loop3A_221, %parallel_loop3A_222] {strides = array<i32>} : memref<40x256xf32, #tpu.memory_space<vmem>>, vector<1x16xf32>,
          %parallel_loop3A_224 = vector.shape_cast %parallel_loop3A_223 : vector<1x16xf32> to vector<16xf32>
          %parallel_loop3A_225 = arith.index_cast %parallel_loop3A_179 : i32 to index
          %parallel_loop3A_226 = arith.constant 48 : index
          %parallel_loop3A_227 = tpu.vector_load %run_scoped3A_5[%parallel_loop3A_225, %parallel_loop3A_226] {strides = array<i32>} : memref<40x256xf32, #tpu.memory_space<vmem>>, vector<1x16xf32>,
          %parallel_loop3A_228 = vector.shape_cast %parallel_loop3A_227 : vector<1x16xf32> to vector<16xf32>
          %parallel_loop3A_229 = arith.mulf %parallel_loop3A_224, %parallel_loop3A_228 : vector<16xf32>
          %parallel_loop3A_230 = arith.addf %parallel_loop3A_220, %parallel_loop3A_229 : vector<16xf32>
          %parallel_loop3A_231 = arith.index_cast %parallel_loop3A_179 : i32 to index
          %parallel_loop3A_232 = arith.constant 64 : index
          %parallel_loop3A_233 = tpu.vector_load %run_scoped3A[%parallel_loop3A_231, %parallel_loop3A_232] {strides = array<i32>} : memref<40x256xf32, #tpu.memory_space<vmem>>, vector<1x16xf32>,
          %parallel_loop3A_234 = vector.shape_cast %parallel_loop3A_233 : vector<1x16xf32> to vector<16xf32>
          %parallel_loop3A_235 = arith.index_cast %parallel_loop3A_179 : i32 to index
          %parallel_loop3A_236 = arith.constant 64 : index
          %parallel_loop3A_237 = tpu.vector_load %run_scoped3A_5[%parallel_loop3A_235, %parallel_loop3A_236] {strides = array<i32>} : memref<40x256xf32, #tpu.memory_space<vmem>>, vector<1x16xf32>,
          %parallel_loop3A_238 = vector.shape_cast %parallel_loop3A_237 : vector<1x16xf32> to vector<16xf32>
          %parallel_loop3A_239 = arith.mulf %parallel_loop3A_234, %parallel_loop3A_238 : vector<16xf32>
          %parallel_loop3A_240 = arith.addf %parallel_loop3A_193, %parallel_loop3A_239 : vector<16xf32>
          %parallel_loop3A_241 = arith.index_cast %parallel_loop3A_179 : i32 to index
          %parallel_loop3A_242 = arith.constant 80 : index
          %parallel_loop3A_243 = tpu.vector_load %run_scoped3A[%parallel_loop3A_241, %parallel_loop3A_242] {strides = array<i32>} : memref<40x256xf32, #tpu.memory_space<vmem>>, vector<1x16xf32>,
          %parallel_loop3A_244 = vector.shape_cast %parallel_loop3A_243 : vector<1x16xf32> to vector<16xf32>
          %parallel_loop3A_245 = arith.index_cast %parallel_loop3A_179 : i32 to index
          %parallel_loop3A_246 = arith.constant 80 : index
          %parallel_loop3A_247 = tpu.vector_load %run_scoped3A_5[%parallel_loop3A_245, %parallel_loop3A_246] {strides = array<i32>} : memref<40x256xf32, #tpu.memory_space<vmem>>, vector<1x16xf32>,
          %parallel_loop3A_248 = vector.shape_cast %parallel_loop3A_247 : vector<1x16xf32> to vector<16xf32>
          %parallel_loop3A_249 = arith.mulf %parallel_loop3A_244, %parallel_loop3A_248 : vector<16xf32>
          %parallel_loop3A_250 = arith.addf %parallel_loop3A_202, %parallel_loop3A_249 : vector<16xf32>
          %parallel_loop3A_251 = arith.index_cast %parallel_loop3A_179 : i32 to index
          %parallel_loop3A_252 = arith.constant 96 : index
          %parallel_loop3A_253 = tpu.vector_load %run_scoped3A[%parallel_loop3A_251, %parallel_loop3A_252] {strides = array<i32>} : memref<40x256xf32, #tpu.memory_space<vmem>>, vector<1x16xf32>,
          %parallel_loop3A_254 = vector.shape_cast %parallel_loop3A_253 : vector<1x16xf32> to vector<16xf32>
          %parallel_loop3A_255 = arith.index_cast %parallel_loop3A_179 : i32 to index
          %parallel_loop3A_256 = arith.constant 96 : index
          %parallel_loop3A_257 = tpu.vector_load %run_scoped3A_5[%parallel_loop3A_255, %parallel_loop3A_256] {strides = array<i32>} : memref<40x256xf32, #tpu.memory_space<vmem>>, vector<1x16xf32>,
          %parallel_loop3A_258 = vector.shape_cast %parallel_loop3A_257 : vector<1x16xf32> to vector<16xf32>
          %parallel_loop3A_259 = arith.mulf %parallel_loop3A_254, %parallel_loop3A_258 : vector<16xf32>
          %parallel_loop3A_260 = arith.addf %parallel_loop3A_211, %parallel_loop3A_259 : vector<16xf32>
          %parallel_loop3A_261 = arith.index_cast %parallel_loop3A_179 : i32 to index
          %parallel_loop3A_262 = arith.constant 112 : index
          %parallel_loop3A_263 = tpu.vector_load %run_scoped3A[%parallel_loop3A_261, %parallel_loop3A_262] {strides = array<i32>} : memref<40x256xf32, #tpu.memory_space<vmem>>, vector<1x16xf32>,
          %parallel_loop3A_264 = vector.shape_cast %parallel_loop3A_263 : vector<1x16xf32> to vector<16xf32>
          %parallel_loop3A_265 = arith.index_cast %parallel_loop3A_179 : i32 to index
          %parallel_loop3A_266 = arith.constant 112 : index
          %parallel_loop3A_267 = tpu.vector_load %run_scoped3A_5[%parallel_loop3A_265, %parallel_loop3A_266] {strides = array<i32>} : memref<40x256xf32, #tpu.memory_space<vmem>>, vector<1x16xf32>,
          %parallel_loop3A_268 = vector.shape_cast %parallel_loop3A_267 : vector<1x16xf32> to vector<16xf32>
          %parallel_loop3A_269 = arith.mulf %parallel_loop3A_264, %parallel_loop3A_268 : vector<16xf32>
          %parallel_loop3A_270 = arith.addf %parallel_loop3A_230, %parallel_loop3A_269 : vector<16xf32>
          %parallel_loop3A_271 = arith.index_cast %parallel_loop3A_179 : i32 to index
          %parallel_loop3A_272 = arith.constant 128 : index
          %parallel_loop3A_273 = tpu.vector_load %run_scoped3A[%parallel_loop3A_271, %parallel_loop3A_272] {strides = array<i32>} : memref<40x256xf32, #tpu.memory_space<vmem>>, vector<1x16xf32>,
          %parallel_loop3A_274 = vector.shape_cast %parallel_loop3A_273 : vector<1x16xf32> to vector<16xf32>
          %parallel_loop3A_275 = arith.index_cast %parallel_loop3A_179 : i32 to index
          %parallel_loop3A_276 = arith.constant 128 : index
          %parallel_loop3A_277 = tpu.vector_load %run_scoped3A_5[%parallel_loop3A_275, %parallel_loop3A_276] {strides = array<i32>} : memref<40x256xf32, #tpu.memory_space<vmem>>, vector<1x16xf32>,
          %parallel_loop3A_278 = vector.shape_cast %parallel_loop3A_277 : vector<1x16xf32> to vector<16xf32>
          %parallel_loop3A_279 = arith.mulf %parallel_loop3A_274, %parallel_loop3A_278 : vector<16xf32>
          %parallel_loop3A_280 = arith.addf %parallel_loop3A_240, %parallel_loop3A_279 : vector<16xf32>
          %parallel_loop3A_281 = arith.index_cast %parallel_loop3A_179 : i32 to index
          %parallel_loop3A_282 = arith.constant 144 : index
          %parallel_loop3A_283 = tpu.vector_load %run_scoped3A[%parallel_loop3A_281, %parallel_loop3A_282] {strides = array<i32>} : memref<40x256xf32, #tpu.memory_space<vmem>>, vector<1x16xf32>,
          %parallel_loop3A_284 = vector.shape_cast %parallel_loop3A_283 : vector<1x16xf32> to vector<16xf32>
          %parallel_loop3A_285 = arith.index_cast %parallel_loop3A_179 : i32 to index
          %parallel_loop3A_286 = arith.constant 144 : index
          %parallel_loop3A_287 = tpu.vector_load %run_scoped3A_5[%parallel_loop3A_285, %parallel_loop3A_286] {strides = array<i32>} : memref<40x256xf32, #tpu.memory_space<vmem>>, vector<1x16xf32>,
          %parallel_loop3A_288 = vector.shape_cast %parallel_loop3A_287 : vector<1x16xf32> to vector<16xf32>
          %parallel_loop3A_289 = arith.mulf %parallel_loop3A_284, %parallel_loop3A_288 : vector<16xf32>
          %parallel_loop3A_290 = arith.addf %parallel_loop3A_250, %parallel_loop3A_289 : vector<16xf32>
          %parallel_loop3A_291 = arith.index_cast %parallel_loop3A_179 : i32 to index
          %parallel_loop3A_292 = arith.constant 160 : index
          %parallel_loop3A_293 = tpu.vector_load %run_scoped3A[%parallel_loop3A_291, %parallel_loop3A_292] {strides = array<i32>} : memref<40x256xf32, #tpu.memory_space<vmem>>, vector<1x16xf32>,
          %parallel_loop3A_294 = vector.shape_cast %parallel_loop3A_293 : vector<1x16xf32> to vector<16xf32>
          %parallel_loop3A_295 = arith.index_cast %parallel_loop3A_179 : i32 to index
          %parallel_loop3A_296 = arith.constant 160 : index
          %parallel_loop3A_297 = tpu.vector_load %run_scoped3A_5[%parallel_loop3A_295, %parallel_loop3A_296] {strides = array<i32>} : memref<40x256xf32, #tpu.memory_space<vmem>>, vector<1x16xf32>,
          %parallel_loop3A_298 = vector.shape_cast %parallel_loop3A_297 : vector<1x16xf32> to vector<16xf32>
          %parallel_loop3A_299 = arith.mulf %parallel_loop3A_294, %parallel_loop3A_298 : vector<16xf32>
          %parallel_loop3A_300 = arith.addf %parallel_loop3A_260, %parallel_loop3A_299 : vector<16xf32>
          %parallel_loop3A_301 = arith.index_cast %parallel_loop3A_179 : i32 to index
          %parallel_loop3A_302 = arith.constant 176 : index
          %parallel_loop3A_303 = tpu.vector_load %run_scoped3A[%parallel_loop3A_301, %parallel_loop3A_302] {strides = array<i32>} : memref<40x256xf32, #tpu.memory_space<vmem>>, vector<1x16xf32>,
          %parallel_loop3A_304 = vector.shape_cast %parallel_loop3A_303 : vector<1x16xf32> to vector<16xf32>
          %parallel_loop3A_305 = arith.index_cast %parallel_loop3A_179 : i32 to index
          %parallel_loop3A_306 = arith.constant 176 : index
          %parallel_loop3A_307 = tpu.vector_load %run_scoped3A_5[%parallel_loop3A_305, %parallel_loop3A_306] {strides = array<i32>} : memref<40x256xf32, #tpu.memory_space<vmem>>, vector<1x16xf32>,
          %parallel_loop3A_308 = vector.shape_cast %parallel_loop3A_307 : vector<1x16xf32> to vector<16xf32>
          %parallel_loop3A_309 = arith.mulf %parallel_loop3A_304, %parallel_loop3A_308 : vector<16xf32>
          %parallel_loop3A_310 = arith.addf %parallel_loop3A_270, %parallel_loop3A_309 : vector<16xf32>
          %parallel_loop3A_311 = arith.index_cast %parallel_loop3A_179 : i32 to index
          %parallel_loop3A_312 = arith.constant 192 : index
          %parallel_loop3A_313 = tpu.vector_load %run_scoped3A[%parallel_loop3A_311, %parallel_loop3A_312] {strides = array<i32>} : memref<40x256xf32, #tpu.memory_space<vmem>>, vector<1x16xf32>,
          %parallel_loop3A_314 = vector.shape_cast %parallel_loop3A_313 : vector<1x16xf32> to vector<16xf32>
          %parallel_loop3A_315 = arith.index_cast %parallel_loop3A_179 : i32 to index
          %parallel_loop3A_316 = arith.constant 192 : index
          %parallel_loop3A_317 = tpu.vector_load %run_scoped3A_5[%parallel_loop3A_315, %parallel_loop3A_316] {strides = array<i32>} : memref<40x256xf32, #tpu.memory_space<vmem>>, vector<1x16xf32>,
          %parallel_loop3A_318 = vector.shape_cast %parallel_loop3A_317 : vector<1x16xf32> to vector<16xf32>
          %parallel_loop3A_319 = arith.mulf %parallel_loop3A_314, %parallel_loop3A_318 : vector<16xf32>
          %parallel_loop3A_320 = arith.addf %parallel_loop3A_280, %parallel_loop3A_319 : vector<16xf32>
          %parallel_loop3A_321 = arith.index_cast %parallel_loop3A_179 : i32 to index
          %parallel_loop3A_322 = arith.constant 208 : index
          %parallel_loop3A_323 = tpu.vector_load %run_scoped3A[%parallel_loop3A_321, %parallel_loop3A_322] {strides = array<i32>} : memref<40x256xf32, #tpu.memory_space<vmem>>, vector<1x16xf32>,
          %parallel_loop3A_324 = vector.shape_cast %parallel_loop3A_323 : vector<1x16xf32> to vector<16xf32>
          %parallel_loop3A_325 = arith.index_cast %parallel_loop3A_179 : i32 to index
          %parallel_loop3A_326 = arith.constant 208 : index
          %parallel_loop3A_327 = tpu.vector_load %run_scoped3A_5[%parallel_loop3A_325, %parallel_loop3A_326] {strides = array<i32>} : memref<40x256xf32, #tpu.memory_space<vmem>>, vector<1x16xf32>,
          %parallel_loop3A_328 = vector.shape_cast %parallel_loop3A_327 : vector<1x16xf32> to vector<16xf32>
          %parallel_loop3A_329 = arith.mulf %parallel_loop3A_324, %parallel_loop3A_328 : vector<16xf32>
          %parallel_loop3A_330 = arith.addf %parallel_loop3A_290, %parallel_loop3A_329 : vector<16xf32>
          %parallel_loop3A_331 = arith.index_cast %parallel_loop3A_179 : i32 to index
          %parallel_loop3A_332 = arith.constant 224 : index
          %parallel_loop3A_333 = tpu.vector_load %run_scoped3A[%parallel_loop3A_331, %parallel_loop3A_332] {strides = array<i32>} : memref<40x256xf32, #tpu.memory_space<vmem>>, vector<1x16xf32>,
          %parallel_loop3A_334 = vector.shape_cast %parallel_loop3A_333 : vector<1x16xf32> to vector<16xf32>
          %parallel_loop3A_335 = arith.index_cast %parallel_loop3A_179 : i32 to index
          %parallel_loop3A_336 = arith.constant 224 : index
          %parallel_loop3A_337 = tpu.vector_load %run_scoped3A_5[%parallel_loop3A_335, %parallel_loop3A_336] {strides = array<i32>} : memref<40x256xf32, #tpu.memory_space<vmem>>, vector<1x16xf32>,
          %parallel_loop3A_338 = vector.shape_cast %parallel_loop3A_337 : vector<1x16xf32> to vector<16xf32>
          %parallel_loop3A_339 = arith.mulf %parallel_loop3A_334, %parallel_loop3A_338 : vector<16xf32>
          %parallel_loop3A_340 = arith.addf %parallel_loop3A_300, %parallel_loop3A_339 : vector<16xf32>
          %parallel_loop3A_341 = arith.index_cast %parallel_loop3A_179 : i32 to index
          %parallel_loop3A_342 = arith.constant 240 : index
          %parallel_loop3A_343 = tpu.vector_load %run_scoped3A[%parallel_loop3A_341, %parallel_loop3A_342] {strides = array<i32>} : memref<40x256xf32, #tpu.memory_space<vmem>>, vector<1x16xf32>,
          %parallel_loop3A_344 = vector.shape_cast %parallel_loop3A_343 : vector<1x16xf32> to vector<16xf32>
          %parallel_loop3A_345 = arith.index_cast %parallel_loop3A_179 : i32 to index
          %parallel_loop3A_346 = arith.constant 240 : index
          %parallel_loop3A_347 = tpu.vector_load %run_scoped3A_5[%parallel_loop3A_345, %parallel_loop3A_346] {strides = array<i32>} : memref<40x256xf32, #tpu.memory_space<vmem>>, vector<1x16xf32>,
          %parallel_loop3A_348 = vector.shape_cast %parallel_loop3A_347 : vector<1x16xf32> to vector<16xf32>
          %parallel_loop3A_349 = arith.mulf %parallel_loop3A_344, %parallel_loop3A_348 : vector<16xf32>
          %parallel_loop3A_350 = arith.addf %parallel_loop3A_310, %parallel_loop3A_349 : vector<16xf32>
          %parallel_loop3A_351 = arith.addf %parallel_loop3A_320, %parallel_loop3A_330 : vector<16xf32>
          %parallel_loop3A_352 = arith.addf %parallel_loop3A_340, %parallel_loop3A_350 : vector<16xf32>
          %parallel_loop3A_353 = arith.addf %parallel_loop3A_351, %parallel_loop3A_352 : vector<16xf32>
          %parallel_loop3A_354 = math.exp %parallel_loop3A_353 : vector<16xf32>
          %parallel_loop3A_355 = arith.index_cast %parallel_loop3A_179 : i32 to index
          %parallel_loop3A_356 = arith.constant 0 : index
          %parallel_loop3A_357 = tpu.vector_load %arg23[%parallel_loop3A_355, %parallel_loop3A_356] {strides = array<i32>} : memref<40x16xf32, #tpu.memory_space<vmem>>, vector<1x16xf32>,
          %parallel_loop3A_358 = vector.shape_cast %parallel_loop3A_357 : vector<1x16xf32> to vector<16xf32>
          %parallel_loop3A_359 = vector.shape_cast %parallel_loop3A_354 : vector<16xf32> to vector<1x16xf32>
          tpu.vector_store %arg23[%parallel_loop3A_355, %parallel_loop3A_356], %parallel_loop3A_359 {strides = array<i32>} : memref<40x16xf32, #tpu.memory_space<vmem>>, vector<1x16xf32>,
        } {sc.loop_unroll_factor = 1 : i64, sc.parallel_access}
        "tpu.region"() ({
          %run_scoped3A_179 = tpu.sem_alloc : memref<!tpu.dma_semaphore, #tpu.memory_space<semaphore_mem>>
          %dma_start3A_180 = arith.constant 0 : i32
          %dma_start3A_181 = tpu.memref_slice %arg18[%add3A_142, %dma_start3A_180] : memref<320000x16xf32, #tpu.memory_space<hbm>> -> memref<40x16xf32, #tpu.memory_space<hbm>>
          %dma_start3A_182 = arith.constant 0 : i32
          %dma_start3A_183 = tpu.memref_slice %arg18[%add3A_142, %dma_start3A_182] : memref<320000x16xf32, #tpu.memory_space<hbm>> -> memref<40x16xf32, #tpu.memory_space<hbm>>
          tpu.enqueue_dma source(%arg23 : memref<40x16xf32, #tpu.memory_space<vmem>>) target(%dma_start3A_183 : memref<40x16xf32, #tpu.memory_space<hbm>>) target_semaphore(%run_scoped3A_179 : memref<!tpu.dma_semaphore, #tpu.memory_space<semaphore_mem>>)
          %dma_wait3A_184 = arith.constant 0 : i32
          %dma_wait3A_185 = tpu.memref_slice %arg18[%add3A_142, %dma_wait3A_184] : memref<320000x16xf32, #tpu.memory_space<hbm>> -> memref<40x16xf32, #tpu.memory_space<hbm>>
          %dma_wait3A_186 = arith.constant 0 : i32
          %dma_wait3A_187 = tpu.memref_slice %arg18[%add3A_142, %dma_wait3A_186] : memref<320000x16xf32, #tpu.memory_space<hbm>> -> memref<40x16xf32, #tpu.memory_space<hbm>>
          tpu.wait_dma2 semaphore(%run_scoped3A_179 : memref<!tpu.dma_semaphore, #tpu.memory_space<semaphore_mem>>) src(%arg23 : memref<40x16xf32, #tpu.memory_space<vmem>>) dst(%dma_wait3A_187 : memref<40x16xf32, #tpu.memory_space<hbm>>)
          tpu.yield
        }) : () -> ()
        "tpu.region"() ({
          %run_scoped3A_179 = tpu.sem_alloc : memref<!tpu.dma_semaphore, #tpu.memory_space<semaphore_mem>>
          %dma_start3A_180 = arith.constant 0 : i32
          %dma_start3A_181 = arith.constant 0 : i32
          %dma_start3A_182 = tpu.memref_slice %arg24[%dma_start3A_180, %dma_start3A_181] : memref<10240x16xf32, #tpu.memory_space<vmem_shared>> -> memref<10240x16xf32, #tpu.memory_space<vmem_shared>>
          tpu.enqueue_indirect_dma source(%arg23 : memref<40x16xf32, #tpu.memory_space<vmem>>) target(%dma_start3A_182 : memref<10240x16xf32, #tpu.memory_space<vmem_shared>>) offsets(%arg20 : memref<40xi32, #tpu.memory_space<vmem>>) semaphore(%run_scoped3A_179 : memref<!tpu.dma_semaphore, #tpu.memory_space<semaphore_mem>>) {add = true}
          %dma_wait3A_183 = arith.constant 0 : i32
          %dma_wait3A_184 = arith.constant 0 : i32
          %dma_wait3A_185 = tpu.memref_slice %arg24[%dma_wait3A_183, %dma_wait3A_184] : memref<10240x16xf32, #tpu.memory_space<vmem_shared>> -> memref<10240x16xf32, #tpu.memory_space<vmem_shared>>
          tpu.wait_indirect_dma semaphore(%run_scoped3A_179 : memref<!tpu.dma_semaphore, #tpu.memory_space<semaphore_mem>>) src(%arg23 : memref<40x16xf32, #tpu.memory_space<vmem>>) dst(%dma_wait3A_185 : memref<10240x16xf32, #tpu.memory_space<vmem_shared>>)
          tpu.yield
        }) : () -> ()
      }
      %scan3A_19 = arith.constant 250 : i32
      %barrier3A_20 = arith.constant 0 : index
      tpu.barrier barrier_id(%barrier3A_20)
      "tpu.region"() ({
        %run_scoped3A_139 = tpu.sem_alloc : memref<!tpu.dma_semaphore, #tpu.memory_space<semaphore_mem>>
        %dma_start3A_140 = arith.constant 0 : i32
        %dma_start3A_141 = tpu.memref_slice %arg16[%arg0, %mul3A_4, %dma_start3A_140] : memref<2x10240x16xf32, #tpu.memory_space<hbm>> -> memref<1x640x16xf32, #tpu.memory_space<hbm>>
        %dma_start3A_142 = tpu.memref_squeeze %dma_start3A_141 : memref<1x640x16xf32, #tpu.memory_space<hbm>> -> memref<640x16xf32, #tpu.memory_space<hbm>>
        %dma_start3A_143 = arith.constant 0 : i32
        %dma_start3A_144 = tpu.memref_slice %arg24[%mul3A_4, %dma_start3A_143] : memref<10240x16xf32, #tpu.memory_space<vmem_shared>> -> memref<640x16xf32, #tpu.memory_space<vmem_shared>>
        tpu.enqueue_dma source(%dma_start3A_144 : memref<640x16xf32, #tpu.memory_space<vmem_shared>>) target(%dma_start3A_142 : memref<640x16xf32, #tpu.memory_space<hbm>>) target_semaphore(%run_scoped3A_139 : memref<!tpu.dma_semaphore, #tpu.memory_space<semaphore_mem>>)
        %dma_wait3A_145 = arith.constant 0 : i32
        %dma_wait3A_146 = tpu.memref_slice %arg16[%arg0, %mul3A_4, %dma_wait3A_145] : memref<2x10240x16xf32, #tpu.memory_space<hbm>> -> memref<1x640x16xf32, #tpu.memory_space<hbm>>
        %dma_wait3A_147 = tpu.memref_squeeze %dma_wait3A_146 : memref<1x640x16xf32, #tpu.memory_space<hbm>> -> memref<640x16xf32, #tpu.memory_space<hbm>>
        %dma_wait3A_148 = arith.constant 0 : i32
        %dma_wait3A_149 = tpu.memref_slice %arg24[%mul3A_4, %dma_wait3A_148] : memref<10240x16xf32, #tpu.memory_space<vmem_shared>> -> memref<640x16xf32, #tpu.memory_space<vmem_shared>>
        tpu.wait_dma2 semaphore(%run_scoped3A_139 : memref<!tpu.dma_semaphore, #tpu.memory_space<semaphore_mem>>) src(%dma_wait3A_149 : memref<640x16xf32, #tpu.memory_space<vmem_shared>>) dst(%dma_wait3A_147 : memref<640x16xf32, #tpu.memory_space<hbm>>)
        tpu.yield
      }) : () -> ()
      %barrier3A_21 = arith.constant 0 : index
      tpu.barrier barrier_id(%barrier3A_21)
      "tpu.region"() ({
        %run_scoped3A_139 = tpu.sem_alloc : memref<!tpu.dma_semaphore, #tpu.memory_space<semaphore_mem>>
        %dma_start3A_140 = arith.constant 0 : i32
        %dma_start3A_141 = tpu.memref_slice %arg25[%mul3A_4, %dma_start3A_140] : memref<10240x128xf32, #tpu.memory_space<vmem_shared>> -> memref<640x128xf32, #tpu.memory_space<vmem_shared>>
        tpu.enqueue_dma source(%arg15 : memref<640x128xf32, #tpu.memory_space<hbm>>) target(%dma_start3A_141 : memref<640x128xf32, #tpu.memory_space<vmem_shared>>) target_semaphore(%run_scoped3A_139 : memref<!tpu.dma_semaphore, #tpu.memory_space<semaphore_mem>>)
        %dma_wait3A_142 = arith.constant 0 : i32
        %dma_wait3A_143 = tpu.memref_slice %arg25[%mul3A_4, %dma_wait3A_142] : memref<10240x128xf32, #tpu.memory_space<vmem_shared>> -> memref<640x128xf32, #tpu.memory_space<vmem_shared>>
        tpu.wait_dma2 semaphore(%run_scoped3A_139 : memref<!tpu.dma_semaphore, #tpu.memory_space<semaphore_mem>>) src(%arg15 : memref<640x128xf32, #tpu.memory_space<hbm>>) dst(%dma_wait3A_143 : memref<640x128xf32, #tpu.memory_space<vmem_shared>>)
        tpu.yield
      }) : () -> ()
      %barrier3A_22 = arith.constant 0 : index
      tpu.barrier barrier_id(%barrier3A_22)
      "tpu.region"() ({
        %run_scoped3A_139 = tpu.sem_alloc : memref<!tpu.dma_semaphore, #tpu.memory_space<semaphore_mem>>
        %dma_start3A_140 = tpu.memref_slice %arg2[%mul3A_2] : memref<320000xi32, #tpu.memory_space<hbm>> -> memref<40xi32, #tpu.memory_space<hbm>>
        %dma_start3A_141 = tpu.memref_slice %arg2[%mul3A_2] : memref<320000xi32, #tpu.memory_space<hbm>> -> memref<40xi32, #tpu.memory_space<hbm>>
        tpu.enqueue_dma source(%dma_start3A_141 : memref<40xi32, #tpu.memory_space<hbm>>) target(%run_scoped3A_9 : memref<40xi32, #tpu.memory_space<vmem>>) target_semaphore(%run_scoped3A_139 : memref<!tpu.dma_semaphore, #tpu.memory_space<semaphore_mem>>)
        %dma_wait3A_142 = tpu.memref_slice %arg2[%mul3A_2] : memref<320000xi32, #tpu.memory_space<hbm>> -> memref<40xi32, #tpu.memory_space<hbm>>
        %dma_wait3A_143 = tpu.memref_slice %arg2[%mul3A_2] : memref<320000xi32, #tpu.memory_space<hbm>> -> memref<40xi32, #tpu.memory_space<hbm>>
        tpu.wait_dma2 semaphore(%run_scoped3A_139 : memref<!tpu.dma_semaphore, #tpu.memory_space<semaphore_mem>>) src(%dma_wait3A_143 : memref<40xi32, #tpu.memory_space<hbm>>) dst(%run_scoped3A_9 : memref<40xi32, #tpu.memory_space<vmem>>)
        tpu.yield
      }) : () -> ()
      "tpu.region"() ({
        %run_scoped3A_139 = tpu.sem_alloc : memref<!tpu.dma_semaphore, #tpu.memory_space<semaphore_mem>>
        %dma_start3A_140 = tpu.memref_slice %arg3[%mul3A_2] : memref<320000xi32, #tpu.memory_space<hbm>> -> memref<40xi32, #tpu.memory_space<hbm>>
        %dma_start3A_141 = tpu.memref_slice %arg3[%mul3A_2] : memref<320000xi32, #tpu.memory_space<hbm>> -> memref<40xi32, #tpu.memory_space<hbm>>
        tpu.enqueue_dma source(%dma_start3A_141 : memref<40xi32, #tpu.memory_space<hbm>>) target(%run_scoped3A_10 : memref<40xi32, #tpu.memory_space<vmem>>) target_semaphore(%run_scoped3A_139 : memref<!tpu.dma_semaphore, #tpu.memory_space<semaphore_mem>>)
        %dma_wait3A_142 = tpu.memref_slice %arg3[%mul3A_2] : memref<320000xi32, #tpu.memory_space<hbm>> -> memref<40xi32, #tpu.memory_space<hbm>>
        %dma_wait3A_143 = tpu.memref_slice %arg3[%mul3A_2] : memref<320000xi32, #tpu.memory_space<hbm>> -> memref<40xi32, #tpu.memory_space<hbm>>
        tpu.wait_dma2 semaphore(%run_scoped3A_139 : memref<!tpu.dma_semaphore, #tpu.memory_space<semaphore_mem>>) src(%dma_wait3A_143 : memref<40xi32, #tpu.memory_space<hbm>>) dst(%run_scoped3A_10 : memref<40xi32, #tpu.memory_space<vmem>>)
        tpu.yield
      }) : () -> ()
      "tpu.region"() ({
        %run_scoped3A_139 = tpu.sem_alloc : memref<!tpu.dma_semaphore, #tpu.memory_space<semaphore_mem>>
        %dma_start3A_140 = arith.constant 0 : i32
        %dma_start3A_141 = tpu.memref_slice %arg18[%mul3A_2, %dma_start3A_140] : memref<320000x16xf32, #tpu.memory_space<hbm>> -> memref<40x16xf32, #tpu.memory_space<hbm>>
        %dma_start3A_142 = arith.constant 0 : i32
        %dma_start3A_143 = tpu.memref_slice %arg18[%mul3A_2, %dma_start3A_142] : memref<320000x16xf32, #tpu.memory_space<hbm>> -> memref<40x16xf32, #tpu.memory_space<hbm>>
        tpu.enqueue_dma source(%dma_start3A_143 : memref<40x16xf32, #tpu.memory_space<hbm>>) target(%run_scoped3A_13 : memref<40x16xf32, #tpu.memory_space<vmem>>) target_semaphore(%run_scoped3A_139 : memref<!tpu.dma_semaphore, #tpu.memory_space<semaphore_mem>>)
        %dma_wait3A_144 = arith.constant 0 : i32
        %dma_wait3A_145 = tpu.memref_slice %arg18[%mul3A_2, %dma_wait3A_144] : memref<320000x16xf32, #tpu.memory_space<hbm>> -> memref<40x16xf32, #tpu.memory_space<hbm>>
        %dma_wait3A_146 = arith.constant 0 : i32
        %dma_wait3A_147 = tpu.memref_slice %arg18[%mul3A_2, %dma_wait3A_146] : memref<320000x16xf32, #tpu.memory_space<hbm>> -> memref<40x16xf32, #tpu.memory_space<hbm>>
        tpu.wait_dma2 semaphore(%run_scoped3A_139 : memref<!tpu.dma_semaphore, #tpu.memory_space<semaphore_mem>>) src(%dma_wait3A_147 : memref<40x16xf32, #tpu.memory_space<hbm>>) dst(%run_scoped3A_13 : memref<40x16xf32, #tpu.memory_space<vmem>>)
        tpu.yield
      }) : () -> ()
      %dma_start3A = arith.constant 0 : i32
      %dma_start3A_23 = arith.constant 0 : i32
      %dma_start3A_24 = tpu.memref_slice %arg10[%dma_start3A, %dma_start3A_23] : memref<10000x128xf32, #tpu.memory_space<hbm>> -> memref<10000x128xf32, #tpu.memory_space<hbm>>
      tpu.enqueue_indirect_dma source(%dma_start3A_24 : memref<10000x128xf32, #tpu.memory_space<hbm>>) target(%run_scoped3A_6 : memref<40x128xf32, #tpu.memory_space<vmem>>) offsets(%run_scoped3A_9 : memref<40xi32, #tpu.memory_space<vmem>>) semaphore(%arg26 : memref<!tpu.dma_semaphore, #tpu.memory_space<semaphore_mem>>)
      %scan3A_25 = arith.constant 0 : i32
      %scan3A_26 = arith.constant 0 : i32
      %scan3A_27 = arith.constant 124 : i32
      %scan3A_28 = arith.addi %scan3A_26, %scan3A_27 : i32
      %scan3A_29 = arith.constant 1 : i32
      scf.for %scan3A_139 = %scan3A_26 to %scan3A_28 step %scan3A_29  : i32 {
        %mul3A_140 = arith.constant 2 : i32
        %mul3A_141 = arith.muli %mul3A_140, %scan3A_139 : i32
        %add3A_142 = arith.constant 0 : i32
        %add3A_143 = arith.addi %mul3A_141, %add3A_142 : i32
        %add3A_144 = arith.constant 1 : i32
        %add3A_145 = arith.addi %add3A_143, %add3A_144 : i32
        %mul3A_146 = arith.constant 40 : i32
        %mul3A_147 = arith.muli %add3A_145, %mul3A_146 : i32
        %add3A_148 = arith.addi %mul3A_2, %mul3A_147 : i32
        "tpu.region"() ({
          %run_scoped3A_176 = tpu.sem_alloc : memref<!tpu.dma_semaphore, #tpu.memory_space<semaphore_mem>>
          %dma_start3A_177 = tpu.memref_slice %arg2[%add3A_148] : memref<320000xi32, #tpu.memory_space<hbm>> -> memref<40xi32, #tpu.memory_space<hbm>>
          %dma_start3A_178 = tpu.memref_slice %arg2[%add3A_148] : memref<320000xi32, #tpu.memory_space<hbm>> -> memref<40xi32, #tpu.memory_space<hbm>>
          tpu.enqueue_dma source(%dma_start3A_178 : memref<40xi32, #tpu.memory_space<hbm>>) target(%run_scoped3A_11 : memref<40xi32, #tpu.memory_space<vmem>>) target_semaphore(%run_scoped3A_176 : memref<!tpu.dma_semaphore, #tpu.memory_space<semaphore_mem>>)
          %dma_wait3A_179 = tpu.memref_slice %arg2[%add3A_148] : memref<320000xi32, #tpu.memory_space<hbm>> -> memref<40xi32, #tpu.memory_space<hbm>>
          %dma_wait3A_180 = tpu.memref_slice %arg2[%add3A_148] : memref<320000xi32, #tpu.memory_space<hbm>> -> memref<40xi32, #tpu.memory_space<hbm>>
          tpu.wait_dma2 semaphore(%run_scoped3A_176 : memref<!tpu.dma_semaphore, #tpu.memory_space<semaphore_mem>>) src(%dma_wait3A_180 : memref<40xi32, #tpu.memory_space<hbm>>) dst(%run_scoped3A_11 : memref<40xi32, #tpu.memory_space<vmem>>)
          tpu.yield
        }) : () -> ()
        "tpu.region"() ({
          %run_scoped3A_176 = tpu.sem_alloc : memref<!tpu.dma_semaphore, #tpu.memory_space<semaphore_mem>>
          %dma_start3A_177 = tpu.memref_slice %arg3[%add3A_148] : memref<320000xi32, #tpu.memory_space<hbm>> -> memref<40xi32, #tpu.memory_space<hbm>>
          %dma_start3A_178 = tpu.memref_slice %arg3[%add3A_148] : memref<320000xi32, #tpu.memory_space<hbm>> -> memref<40xi32, #tpu.memory_space<hbm>>
          tpu.enqueue_dma source(%dma_start3A_178 : memref<40xi32, #tpu.memory_space<hbm>>) target(%run_scoped3A_12 : memref<40xi32, #tpu.memory_space<vmem>>) target_semaphore(%run_scoped3A_176 : memref<!tpu.dma_semaphore, #tpu.memory_space<semaphore_mem>>)
          %dma_wait3A_179 = tpu.memref_slice %arg3[%add3A_148] : memref<320000xi32, #tpu.memory_space<hbm>> -> memref<40xi32, #tpu.memory_space<hbm>>
          %dma_wait3A_180 = tpu.memref_slice %arg3[%add3A_148] : memref<320000xi32, #tpu.memory_space<hbm>> -> memref<40xi32, #tpu.memory_space<hbm>>
          tpu.wait_dma2 semaphore(%run_scoped3A_176 : memref<!tpu.dma_semaphore, #tpu.memory_space<semaphore_mem>>) src(%dma_wait3A_180 : memref<40xi32, #tpu.memory_space<hbm>>) dst(%run_scoped3A_12 : memref<40xi32, #tpu.memory_space<vmem>>)
          tpu.yield
        }) : () -> ()
        "tpu.region"() ({
          %run_scoped3A_176 = tpu.sem_alloc : memref<!tpu.dma_semaphore, #tpu.memory_space<semaphore_mem>>
          %dma_start3A_177 = arith.constant 0 : i32
          %dma_start3A_178 = tpu.memref_slice %arg18[%add3A_148, %dma_start3A_177] : memref<320000x16xf32, #tpu.memory_space<hbm>> -> memref<40x16xf32, #tpu.memory_space<hbm>>
          %dma_start3A_179 = arith.constant 0 : i32
          %dma_start3A_180 = tpu.memref_slice %arg18[%add3A_148, %dma_start3A_179] : memref<320000x16xf32, #tpu.memory_space<hbm>> -> memref<40x16xf32, #tpu.memory_space<hbm>>
          tpu.enqueue_dma source(%dma_start3A_180 : memref<40x16xf32, #tpu.memory_space<hbm>>) target(%run_scoped3A_14 : memref<40x16xf32, #tpu.memory_space<vmem>>) target_semaphore(%run_scoped3A_176 : memref<!tpu.dma_semaphore, #tpu.memory_space<semaphore_mem>>)
          %dma_wait3A_181 = arith.constant 0 : i32
          %dma_wait3A_182 = tpu.memref_slice %arg18[%add3A_148, %dma_wait3A_181] : memref<320000x16xf32, #tpu.memory_space<hbm>> -> memref<40x16xf32, #tpu.memory_space<hbm>>
          %dma_wait3A_183 = arith.constant 0 : i32
          %dma_wait3A_184 = tpu.memref_slice %arg18[%add3A_148, %dma_wait3A_183] : memref<320000x16xf32, #tpu.memory_space<hbm>> -> memref<40x16xf32, #tpu.memory_space<hbm>>
          tpu.wait_dma2 semaphore(%run_scoped3A_176 : memref<!tpu.dma_semaphore, #tpu.memory_space<semaphore_mem>>) src(%dma_wait3A_184 : memref<40x16xf32, #tpu.memory_space<hbm>>) dst(%run_scoped3A_14 : memref<40x16xf32, #tpu.memory_space<vmem>>)
          tpu.yield
        }) : () -> ()
        %dma_start3A_149 = arith.constant 0 : i32
        %dma_start3A_150 = arith.constant 0 : i32
        %dma_start3A_151 = tpu.memref_slice %arg10[%dma_start3A_149, %dma_start3A_150] : memref<10000x128xf32, #tpu.memory_space<hbm>> -> memref<10000x128xf32, #tpu.memory_space<hbm>>
        tpu.enqueue_indirect_dma source(%dma_start3A_151 : memref<10000x128xf32, #tpu.memory_space<hbm>>) target(%run_scoped3A_7 : memref<40x128xf32, #tpu.memory_space<vmem>>) offsets(%run_scoped3A_11 : memref<40xi32, #tpu.memory_space<vmem>>) semaphore(%arg27 : memref<!tpu.dma_semaphore, #tpu.memory_space<semaphore_mem>>)
        %dma_wait3A_152 = arith.constant 0 : i32
        %dma_wait3A_153 = arith.constant 0 : i32
        %dma_wait3A_154 = tpu.memref_slice %arg10[%dma_wait3A_152, %dma_wait3A_153] : memref<10000x128xf32, #tpu.memory_space<hbm>> -> memref<10000x128xf32, #tpu.memory_space<hbm>>
        tpu.wait_indirect_dma semaphore(%arg26 : memref<!tpu.dma_semaphore, #tpu.memory_space<semaphore_mem>>) src(%dma_wait3A_154 : memref<10000x128xf32, #tpu.memory_space<hbm>>) dst(%run_scoped3A_6 : memref<40x128xf32, #tpu.memory_space<vmem>>)
        %parallel_loop3A_155 = arith.constant 0 : i32
        %parallel_loop3A_156 = arith.constant 40 : i32
        %parallel_loop3A_157 = arith.constant 1 : i32
        scf.for %parallel_loop3A_176 = %parallel_loop3A_155 to %parallel_loop3A_156 step %parallel_loop3A_157  : i32 {
          %parallel_loop3A_177 = arith.index_cast %parallel_loop3A_176 : i32 to index
          %parallel_loop3A_178 = arith.constant 0 : index
          %parallel_loop3A_179 = tpu.vector_load %run_scoped3A_13[%parallel_loop3A_177, %parallel_loop3A_178] {strides = array<i32>} : memref<40x16xf32, #tpu.memory_space<vmem>>, vector<1x16xf32>,
          %parallel_loop3A_180 = vector.shape_cast %parallel_loop3A_179 : vector<1x16xf32> to vector<16xf32>
          %parallel_loop3A_181 = arith.index_cast %parallel_loop3A_176 : i32 to index
          %parallel_loop3A_182 = arith.constant 0 : index
          %parallel_loop3A_183 = tpu.vector_load %run_scoped3A_6[%parallel_loop3A_181, %parallel_loop3A_182] {strides = array<i32>} : memref<40x128xf32, #tpu.memory_space<vmem>>, vector<1x16xf32>,
          %parallel_loop3A_184 = vector.shape_cast %parallel_loop3A_183 : vector<1x16xf32> to vector<16xf32>
          %parallel_loop3A_185 = arith.mulf %parallel_loop3A_184, %parallel_loop3A_180 : vector<16xf32>
          %parallel_loop3A_186 = arith.index_cast %parallel_loop3A_176 : i32 to index
          %parallel_loop3A_187 = arith.constant 0 : index
          %parallel_loop3A_188 = tpu.vector_load %run_scoped3A_6[%parallel_loop3A_186, %parallel_loop3A_187] {strides = array<i32>} : memref<40x128xf32, #tpu.memory_space<vmem>>, vector<1x16xf32>,
          %parallel_loop3A_189 = vector.shape_cast %parallel_loop3A_188 : vector<1x16xf32> to vector<16xf32>
          %parallel_loop3A_190 = vector.shape_cast %parallel_loop3A_185 : vector<16xf32> to vector<1x16xf32>
          tpu.vector_store %run_scoped3A_6[%parallel_loop3A_186, %parallel_loop3A_187], %parallel_loop3A_190 {strides = array<i32>} : memref<40x128xf32, #tpu.memory_space<vmem>>, vector<1x16xf32>,
          %parallel_loop3A_191 = arith.index_cast %parallel_loop3A_176 : i32 to index
          %parallel_loop3A_192 = arith.constant 16 : index
          %parallel_loop3A_193 = tpu.vector_load %run_scoped3A_6[%parallel_loop3A_191, %parallel_loop3A_192] {strides = array<i32>} : memref<40x128xf32, #tpu.memory_space<vmem>>, vector<1x16xf32>,
          %parallel_loop3A_194 = vector.shape_cast %parallel_loop3A_193 : vector<1x16xf32> to vector<16xf32>
          %parallel_loop3A_195 = arith.mulf %parallel_loop3A_194, %parallel_loop3A_180 : vector<16xf32>
          %parallel_loop3A_196 = arith.index_cast %parallel_loop3A_176 : i32 to index
          %parallel_loop3A_197 = arith.constant 16 : index
          %parallel_loop3A_198 = tpu.vector_load %run_scoped3A_6[%parallel_loop3A_196, %parallel_loop3A_197] {strides = array<i32>} : memref<40x128xf32, #tpu.memory_space<vmem>>, vector<1x16xf32>,
          %parallel_loop3A_199 = vector.shape_cast %parallel_loop3A_198 : vector<1x16xf32> to vector<16xf32>
          %parallel_loop3A_200 = vector.shape_cast %parallel_loop3A_195 : vector<16xf32> to vector<1x16xf32>
          tpu.vector_store %run_scoped3A_6[%parallel_loop3A_196, %parallel_loop3A_197], %parallel_loop3A_200 {strides = array<i32>} : memref<40x128xf32, #tpu.memory_space<vmem>>, vector<1x16xf32>,
          %parallel_loop3A_201 = arith.index_cast %parallel_loop3A_176 : i32 to index
          %parallel_loop3A_202 = arith.constant 32 : index
          %parallel_loop3A_203 = tpu.vector_load %run_scoped3A_6[%parallel_loop3A_201, %parallel_loop3A_202] {strides = array<i32>} : memref<40x128xf32, #tpu.memory_space<vmem>>, vector<1x16xf32>,
          %parallel_loop3A_204 = vector.shape_cast %parallel_loop3A_203 : vector<1x16xf32> to vector<16xf32>
          %parallel_loop3A_205 = arith.mulf %parallel_loop3A_204, %parallel_loop3A_180 : vector<16xf32>
          %parallel_loop3A_206 = arith.index_cast %parallel_loop3A_176 : i32 to index
          %parallel_loop3A_207 = arith.constant 32 : index
          %parallel_loop3A_208 = tpu.vector_load %run_scoped3A_6[%parallel_loop3A_206, %parallel_loop3A_207] {strides = array<i32>} : memref<40x128xf32, #tpu.memory_space<vmem>>, vector<1x16xf32>,
          %parallel_loop3A_209 = vector.shape_cast %parallel_loop3A_208 : vector<1x16xf32> to vector<16xf32>
          %parallel_loop3A_210 = vector.shape_cast %parallel_loop3A_205 : vector<16xf32> to vector<1x16xf32>
          tpu.vector_store %run_scoped3A_6[%parallel_loop3A_206, %parallel_loop3A_207], %parallel_loop3A_210 {strides = array<i32>} : memref<40x128xf32, #tpu.memory_space<vmem>>, vector<1x16xf32>,
          %parallel_loop3A_211 = arith.index_cast %parallel_loop3A_176 : i32 to index
          %parallel_loop3A_212 = arith.constant 48 : index
          %parallel_loop3A_213 = tpu.vector_load %run_scoped3A_6[%parallel_loop3A_211, %parallel_loop3A_212] {strides = array<i32>} : memref<40x128xf32, #tpu.memory_space<vmem>>, vector<1x16xf32>,
          %parallel_loop3A_214 = vector.shape_cast %parallel_loop3A_213 : vector<1x16xf32> to vector<16xf32>
          %parallel_loop3A_215 = arith.mulf %parallel_loop3A_214, %parallel_loop3A_180 : vector<16xf32>
          %parallel_loop3A_216 = arith.index_cast %parallel_loop3A_176 : i32 to index
          %parallel_loop3A_217 = arith.constant 48 : index
          %parallel_loop3A_218 = tpu.vector_load %run_scoped3A_6[%parallel_loop3A_216, %parallel_loop3A_217] {strides = array<i32>} : memref<40x128xf32, #tpu.memory_space<vmem>>, vector<1x16xf32>,
          %parallel_loop3A_219 = vector.shape_cast %parallel_loop3A_218 : vector<1x16xf32> to vector<16xf32>
          %parallel_loop3A_220 = vector.shape_cast %parallel_loop3A_215 : vector<16xf32> to vector<1x16xf32>
          tpu.vector_store %run_scoped3A_6[%parallel_loop3A_216, %parallel_loop3A_217], %parallel_loop3A_220 {strides = array<i32>} : memref<40x128xf32, #tpu.memory_space<vmem>>, vector<1x16xf32>,
          %parallel_loop3A_221 = arith.index_cast %parallel_loop3A_176 : i32 to index
          %parallel_loop3A_222 = arith.constant 64 : index
          %parallel_loop3A_223 = tpu.vector_load %run_scoped3A_6[%parallel_loop3A_221, %parallel_loop3A_222] {strides = array<i32>} : memref<40x128xf32, #tpu.memory_space<vmem>>, vector<1x16xf32>,
          %parallel_loop3A_224 = vector.shape_cast %parallel_loop3A_223 : vector<1x16xf32> to vector<16xf32>
          %parallel_loop3A_225 = arith.mulf %parallel_loop3A_224, %parallel_loop3A_180 : vector<16xf32>
          %parallel_loop3A_226 = arith.index_cast %parallel_loop3A_176 : i32 to index
          %parallel_loop3A_227 = arith.constant 64 : index
          %parallel_loop3A_228 = tpu.vector_load %run_scoped3A_6[%parallel_loop3A_226, %parallel_loop3A_227] {strides = array<i32>} : memref<40x128xf32, #tpu.memory_space<vmem>>, vector<1x16xf32>,
          %parallel_loop3A_229 = vector.shape_cast %parallel_loop3A_228 : vector<1x16xf32> to vector<16xf32>
          %parallel_loop3A_230 = vector.shape_cast %parallel_loop3A_225 : vector<16xf32> to vector<1x16xf32>
          tpu.vector_store %run_scoped3A_6[%parallel_loop3A_226, %parallel_loop3A_227], %parallel_loop3A_230 {strides = array<i32>} : memref<40x128xf32, #tpu.memory_space<vmem>>, vector<1x16xf32>,
          %parallel_loop3A_231 = arith.index_cast %parallel_loop3A_176 : i32 to index
          %parallel_loop3A_232 = arith.constant 80 : index
          %parallel_loop3A_233 = tpu.vector_load %run_scoped3A_6[%parallel_loop3A_231, %parallel_loop3A_232] {strides = array<i32>} : memref<40x128xf32, #tpu.memory_space<vmem>>, vector<1x16xf32>,
          %parallel_loop3A_234 = vector.shape_cast %parallel_loop3A_233 : vector<1x16xf32> to vector<16xf32>
          %parallel_loop3A_235 = arith.mulf %parallel_loop3A_234, %parallel_loop3A_180 : vector<16xf32>
          %parallel_loop3A_236 = arith.index_cast %parallel_loop3A_176 : i32 to index
          %parallel_loop3A_237 = arith.constant 80 : index
          %parallel_loop3A_238 = tpu.vector_load %run_scoped3A_6[%parallel_loop3A_236, %parallel_loop3A_237] {strides = array<i32>} : memref<40x128xf32, #tpu.memory_space<vmem>>, vector<1x16xf32>,
          %parallel_loop3A_239 = vector.shape_cast %parallel_loop3A_238 : vector<1x16xf32> to vector<16xf32>
          %parallel_loop3A_240 = vector.shape_cast %parallel_loop3A_235 : vector<16xf32> to vector<1x16xf32>
          tpu.vector_store %run_scoped3A_6[%parallel_loop3A_236, %parallel_loop3A_237], %parallel_loop3A_240 {strides = array<i32>} : memref<40x128xf32, #tpu.memory_space<vmem>>, vector<1x16xf32>,
          %parallel_loop3A_241 = arith.index_cast %parallel_loop3A_176 : i32 to index
          %parallel_loop3A_242 = arith.constant 96 : index
          %parallel_loop3A_243 = tpu.vector_load %run_scoped3A_6[%parallel_loop3A_241, %parallel_loop3A_242] {strides = array<i32>} : memref<40x128xf32, #tpu.memory_space<vmem>>, vector<1x16xf32>,
          %parallel_loop3A_244 = vector.shape_cast %parallel_loop3A_243 : vector<1x16xf32> to vector<16xf32>
          %parallel_loop3A_245 = arith.mulf %parallel_loop3A_244, %parallel_loop3A_180 : vector<16xf32>
          %parallel_loop3A_246 = arith.index_cast %parallel_loop3A_176 : i32 to index
          %parallel_loop3A_247 = arith.constant 96 : index
          %parallel_loop3A_248 = tpu.vector_load %run_scoped3A_6[%parallel_loop3A_246, %parallel_loop3A_247] {strides = array<i32>} : memref<40x128xf32, #tpu.memory_space<vmem>>, vector<1x16xf32>,
          %parallel_loop3A_249 = vector.shape_cast %parallel_loop3A_248 : vector<1x16xf32> to vector<16xf32>
          %parallel_loop3A_250 = vector.shape_cast %parallel_loop3A_245 : vector<16xf32> to vector<1x16xf32>
          tpu.vector_store %run_scoped3A_6[%parallel_loop3A_246, %parallel_loop3A_247], %parallel_loop3A_250 {strides = array<i32>} : memref<40x128xf32, #tpu.memory_space<vmem>>, vector<1x16xf32>,
          %parallel_loop3A_251 = arith.index_cast %parallel_loop3A_176 : i32 to index
          %parallel_loop3A_252 = arith.constant 112 : index
          %parallel_loop3A_253 = tpu.vector_load %run_scoped3A_6[%parallel_loop3A_251, %parallel_loop3A_252] {strides = array<i32>} : memref<40x128xf32, #tpu.memory_space<vmem>>, vector<1x16xf32>,
          %parallel_loop3A_254 = vector.shape_cast %parallel_loop3A_253 : vector<1x16xf32> to vector<16xf32>
          %parallel_loop3A_255 = arith.mulf %parallel_loop3A_254, %parallel_loop3A_180 : vector<16xf32>
          %parallel_loop3A_256 = arith.index_cast %parallel_loop3A_176 : i32 to index
          %parallel_loop3A_257 = arith.constant 112 : index
          %parallel_loop3A_258 = tpu.vector_load %run_scoped3A_6[%parallel_loop3A_256, %parallel_loop3A_257] {strides = array<i32>} : memref<40x128xf32, #tpu.memory_space<vmem>>, vector<1x16xf32>,
          %parallel_loop3A_259 = vector.shape_cast %parallel_loop3A_258 : vector<1x16xf32> to vector<16xf32>
          %parallel_loop3A_260 = vector.shape_cast %parallel_loop3A_255 : vector<16xf32> to vector<1x16xf32>
          tpu.vector_store %run_scoped3A_6[%parallel_loop3A_256, %parallel_loop3A_257], %parallel_loop3A_260 {strides = array<i32>} : memref<40x128xf32, #tpu.memory_space<vmem>>, vector<1x16xf32>,
        } {sc.loop_unroll_factor = 1 : i64, sc.parallel_access}
        "tpu.region"() ({
          %run_scoped3A_176 = tpu.sem_alloc : memref<!tpu.dma_semaphore, #tpu.memory_space<semaphore_mem>>
          %dma_start3A_177 = arith.constant 0 : i32
          %dma_start3A_178 = arith.constant 0 : i32
          %dma_start3A_179 = tpu.memref_slice %arg25[%dma_start3A_177, %dma_start3A_178] : memref<10240x128xf32, #tpu.memory_space<vmem_shared>> -> memref<10240x128xf32, #tpu.memory_space<vmem_shared>>
          tpu.enqueue_indirect_dma source(%run_scoped3A_6 : memref<40x128xf32, #tpu.memory_space<vmem>>) target(%dma_start3A_179 : memref<10240x128xf32, #tpu.memory_space<vmem_shared>>) offsets(%run_scoped3A_10 : memref<40xi32, #tpu.memory_space<vmem>>) semaphore(%run_scoped3A_176 : memref<!tpu.dma_semaphore, #tpu.memory_space<semaphore_mem>>) {add = true}
          %dma_wait3A_180 = arith.constant 0 : i32
          %dma_wait3A_181 = arith.constant 0 : i32
          %dma_wait3A_182 = tpu.memref_slice %arg25[%dma_wait3A_180, %dma_wait3A_181] : memref<10240x128xf32, #tpu.memory_space<vmem_shared>> -> memref<10240x128xf32, #tpu.memory_space<vmem_shared>>
          tpu.wait_indirect_dma semaphore(%run_scoped3A_176 : memref<!tpu.dma_semaphore, #tpu.memory_space<semaphore_mem>>) src(%run_scoped3A_6 : memref<40x128xf32, #tpu.memory_space<vmem>>) dst(%dma_wait3A_182 : memref<10240x128xf32, #tpu.memory_space<vmem_shared>>)
          tpu.yield
        }) : () -> ()
        %mul3A_158 = arith.constant 2 : i32
        %mul3A_159 = arith.muli %mul3A_158, %scan3A_139 : i32
        %add3A_160 = arith.constant 1 : i32
        %add3A_161 = arith.addi %mul3A_159, %add3A_160 : i32
        %add3A_162 = arith.constant 1 : i32
        %add3A_163 = arith.addi %add3A_161, %add3A_162 : i32
        %mul3A_164 = arith.constant 40 : i32
        %mul3A_165 = arith.muli %add3A_163, %mul3A_164 : i32
        %add3A_166 = arith.addi %mul3A_2, %mul3A_165 : i32
        "tpu.region"() ({
          %run_scoped3A_176 = tpu.sem_alloc : memref<!tpu.dma_semaphore, #tpu.memory_space<semaphore_mem>>
          %dma_start3A_177 = tpu.memref_slice %arg2[%add3A_166] : memref<320000xi32, #tpu.memory_space<hbm>> -> memref<40xi32, #tpu.memory_space<hbm>>
          %dma_start3A_178 = tpu.memref_slice %arg2[%add3A_166] : memref<320000xi32, #tpu.memory_space<hbm>> -> memref<40xi32, #tpu.memory_space<hbm>>
          tpu.enqueue_dma source(%dma_start3A_178 : memref<40xi32, #tpu.memory_space<hbm>>) target(%run_scoped3A_9 : memref<40xi32, #tpu.memory_space<vmem>>) target_semaphore(%run_scoped3A_176 : memref<!tpu.dma_semaphore, #tpu.memory_space<semaphore_mem>>)
          %dma_wait3A_179 = tpu.memref_slice %arg2[%add3A_166] : memref<320000xi32, #tpu.memory_space<hbm>> -> memref<40xi32, #tpu.memory_space<hbm>>
          %dma_wait3A_180 = tpu.memref_slice %arg2[%add3A_166] : memref<320000xi32, #tpu.memory_space<hbm>> -> memref<40xi32, #tpu.memory_space<hbm>>
          tpu.wait_dma2 semaphore(%run_scoped3A_176 : memref<!tpu.dma_semaphore, #tpu.memory_space<semaphore_mem>>) src(%dma_wait3A_180 : memref<40xi32, #tpu.memory_space<hbm>>) dst(%run_scoped3A_9 : memref<40xi32, #tpu.memory_space<vmem>>)
          tpu.yield
        }) : () -> ()
        "tpu.region"() ({
          %run_scoped3A_176 = tpu.sem_alloc : memref<!tpu.dma_semaphore, #tpu.memory_space<semaphore_mem>>
          %dma_start3A_177 = tpu.memref_slice %arg3[%add3A_166] : memref<320000xi32, #tpu.memory_space<hbm>> -> memref<40xi32, #tpu.memory_space<hbm>>
          %dma_start3A_178 = tpu.memref_slice %arg3[%add3A_166] : memref<320000xi32, #tpu.memory_space<hbm>> -> memref<40xi32, #tpu.memory_space<hbm>>
          tpu.enqueue_dma source(%dma_start3A_178 : memref<40xi32, #tpu.memory_space<hbm>>) target(%run_scoped3A_10 : memref<40xi32, #tpu.memory_space<vmem>>) target_semaphore(%run_scoped3A_176 : memref<!tpu.dma_semaphore, #tpu.memory_space<semaphore_mem>>)
          %dma_wait3A_179 = tpu.memref_slice %arg3[%add3A_166] : memref<320000xi32, #tpu.memory_space<hbm>> -> memref<40xi32, #tpu.memory_space<hbm>>
          %dma_wait3A_180 = tpu.memref_slice %arg3[%add3A_166] : memref<320000xi32, #tpu.memory_space<hbm>> -> memref<40xi32, #tpu.memory_space<hbm>>
          tpu.wait_dma2 semaphore(%run_scoped3A_176 : memref<!tpu.dma_semaphore, #tpu.memory_space<semaphore_mem>>) src(%dma_wait3A_180 : memref<40xi32, #tpu.memory_space<hbm>>) dst(%run_scoped3A_10 : memref<40xi32, #tpu.memory_space<vmem>>)
          tpu.yield
        }) : () -> ()
        "tpu.region"() ({
          %run_scoped3A_176 = tpu.sem_alloc : memref<!tpu.dma_semaphore, #tpu.memory_space<semaphore_mem>>
          %dma_start3A_177 = arith.constant 0 : i32
          %dma_start3A_178 = tpu.memref_slice %arg18[%add3A_166, %dma_start3A_177] : memref<320000x16xf32, #tpu.memory_space<hbm>> -> memref<40x16xf32, #tpu.memory_space<hbm>>
          %dma_start3A_179 = arith.constant 0 : i32
          %dma_start3A_180 = tpu.memref_slice %arg18[%add3A_166, %dma_start3A_179] : memref<320000x16xf32, #tpu.memory_space<hbm>> -> memref<40x16xf32, #tpu.memory_space<hbm>>
          tpu.enqueue_dma source(%dma_start3A_180 : memref<40x16xf32, #tpu.memory_space<hbm>>) target(%run_scoped3A_13 : memref<40x16xf32, #tpu.memory_space<vmem>>) target_semaphore(%run_scoped3A_176 : memref<!tpu.dma_semaphore, #tpu.memory_space<semaphore_mem>>)
          %dma_wait3A_181 = arith.constant 0 : i32
          %dma_wait3A_182 = tpu.memref_slice %arg18[%add3A_166, %dma_wait3A_181] : memref<320000x16xf32, #tpu.memory_space<hbm>> -> memref<40x16xf32, #tpu.memory_space<hbm>>
          %dma_wait3A_183 = arith.constant 0 : i32
          %dma_wait3A_184 = tpu.memref_slice %arg18[%add3A_166, %dma_wait3A_183] : memref<320000x16xf32, #tpu.memory_space<hbm>> -> memref<40x16xf32, #tpu.memory_space<hbm>>
          tpu.wait_dma2 semaphore(%run_scoped3A_176 : memref<!tpu.dma_semaphore, #tpu.memory_space<semaphore_mem>>) src(%dma_wait3A_184 : memref<40x16xf32, #tpu.memory_space<hbm>>) dst(%run_scoped3A_13 : memref<40x16xf32, #tpu.memory_space<vmem>>)
          tpu.yield
        }) : () -> ()
        %dma_start3A_167 = arith.constant 0 : i32
        %dma_start3A_168 = arith.constant 0 : i32
        %dma_start3A_169 = tpu.memref_slice %arg10[%dma_start3A_167, %dma_start3A_168] : memref<10000x128xf32, #tpu.memory_space<hbm>> -> memref<10000x128xf32, #tpu.memory_space<hbm>>
        tpu.enqueue_indirect_dma source(%dma_start3A_169 : memref<10000x128xf32, #tpu.memory_space<hbm>>) target(%run_scoped3A_6 : memref<40x128xf32, #tpu.memory_space<vmem>>) offsets(%run_scoped3A_9 : memref<40xi32, #tpu.memory_space<vmem>>) semaphore(%arg26 : memref<!tpu.dma_semaphore, #tpu.memory_space<semaphore_mem>>)
        %dma_wait3A_170 = arith.constant 0 : i32
        %dma_wait3A_171 = arith.constant 0 : i32
        %dma_wait3A_172 = tpu.memref_slice %arg10[%dma_wait3A_170, %dma_wait3A_171] : memref<10000x128xf32, #tpu.memory_space<hbm>> -> memref<10000x128xf32, #tpu.memory_space<hbm>>
        tpu.wait_indirect_dma semaphore(%arg27 : memref<!tpu.dma_semaphore, #tpu.memory_space<semaphore_mem>>) src(%dma_wait3A_172 : memref<10000x128xf32, #tpu.memory_space<hbm>>) dst(%run_scoped3A_7 : memref<40x128xf32, #tpu.memory_space<vmem>>)
        %parallel_loop3A_173 = arith.constant 0 : i32
        %parallel_loop3A_174 = arith.constant 40 : i32
        %parallel_loop3A_175 = arith.constant 1 : i32
        scf.for %parallel_loop3A_176 = %parallel_loop3A_173 to %parallel_loop3A_174 step %parallel_loop3A_175  : i32 {
          %parallel_loop3A_177 = arith.index_cast %parallel_loop3A_176 : i32 to index
          %parallel_loop3A_178 = arith.constant 0 : index
          %parallel_loop3A_179 = tpu.vector_load %run_scoped3A_14[%parallel_loop3A_177, %parallel_loop3A_178] {strides = array<i32>} : memref<40x16xf32, #tpu.memory_space<vmem>>, vector<1x16xf32>,
          %parallel_loop3A_180 = vector.shape_cast %parallel_loop3A_179 : vector<1x16xf32> to vector<16xf32>
          %parallel_loop3A_181 = arith.index_cast %parallel_loop3A_176 : i32 to index
          %parallel_loop3A_182 = arith.constant 0 : index
          %parallel_loop3A_183 = tpu.vector_load %run_scoped3A_7[%parallel_loop3A_181, %parallel_loop3A_182] {strides = array<i32>} : memref<40x128xf32, #tpu.memory_space<vmem>>, vector<1x16xf32>,
          %parallel_loop3A_184 = vector.shape_cast %parallel_loop3A_183 : vector<1x16xf32> to vector<16xf32>
          %parallel_loop3A_185 = arith.mulf %parallel_loop3A_184, %parallel_loop3A_180 : vector<16xf32>
          %parallel_loop3A_186 = arith.index_cast %parallel_loop3A_176 : i32 to index
          %parallel_loop3A_187 = arith.constant 0 : index
          %parallel_loop3A_188 = tpu.vector_load %run_scoped3A_7[%parallel_loop3A_186, %parallel_loop3A_187] {strides = array<i32>} : memref<40x128xf32, #tpu.memory_space<vmem>>, vector<1x16xf32>,
          %parallel_loop3A_189 = vector.shape_cast %parallel_loop3A_188 : vector<1x16xf32> to vector<16xf32>
          %parallel_loop3A_190 = vector.shape_cast %parallel_loop3A_185 : vector<16xf32> to vector<1x16xf32>
          tpu.vector_store %run_scoped3A_7[%parallel_loop3A_186, %parallel_loop3A_187], %parallel_loop3A_190 {strides = array<i32>} : memref<40x128xf32, #tpu.memory_space<vmem>>, vector<1x16xf32>,
          %parallel_loop3A_191 = arith.index_cast %parallel_loop3A_176 : i32 to index
          %parallel_loop3A_192 = arith.constant 16 : index
          %parallel_loop3A_193 = tpu.vector_load %run_scoped3A_7[%parallel_loop3A_191, %parallel_loop3A_192] {strides = array<i32>} : memref<40x128xf32, #tpu.memory_space<vmem>>, vector<1x16xf32>,
          %parallel_loop3A_194 = vector.shape_cast %parallel_loop3A_193 : vector<1x16xf32> to vector<16xf32>
          %parallel_loop3A_195 = arith.mulf %parallel_loop3A_194, %parallel_loop3A_180 : vector<16xf32>
          %parallel_loop3A_196 = arith.index_cast %parallel_loop3A_176 : i32 to index
          %parallel_loop3A_197 = arith.constant 16 : index
          %parallel_loop3A_198 = tpu.vector_load %run_scoped3A_7[%parallel_loop3A_196, %parallel_loop3A_197] {strides = array<i32>} : memref<40x128xf32, #tpu.memory_space<vmem>>, vector<1x16xf32>,
          %parallel_loop3A_199 = vector.shape_cast %parallel_loop3A_198 : vector<1x16xf32> to vector<16xf32>
          %parallel_loop3A_200 = vector.shape_cast %parallel_loop3A_195 : vector<16xf32> to vector<1x16xf32>
          tpu.vector_store %run_scoped3A_7[%parallel_loop3A_196, %parallel_loop3A_197], %parallel_loop3A_200 {strides = array<i32>} : memref<40x128xf32, #tpu.memory_space<vmem>>, vector<1x16xf32>,
          %parallel_loop3A_201 = arith.index_cast %parallel_loop3A_176 : i32 to index
          %parallel_loop3A_202 = arith.constant 32 : index
          %parallel_loop3A_203 = tpu.vector_load %run_scoped3A_7[%parallel_loop3A_201, %parallel_loop3A_202] {strides = array<i32>} : memref<40x128xf32, #tpu.memory_space<vmem>>, vector<1x16xf32>,
          %parallel_loop3A_204 = vector.shape_cast %parallel_loop3A_203 : vector<1x16xf32> to vector<16xf32>
          %parallel_loop3A_205 = arith.mulf %parallel_loop3A_204, %parallel_loop3A_180 : vector<16xf32>
          %parallel_loop3A_206 = arith.index_cast %parallel_loop3A_176 : i32 to index
          %parallel_loop3A_207 = arith.constant 32 : index
          %parallel_loop3A_208 = tpu.vector_load %run_scoped3A_7[%parallel_loop3A_206, %parallel_loop3A_207] {strides = array<i32>} : memref<40x128xf32, #tpu.memory_space<vmem>>, vector<1x16xf32>,
          %parallel_loop3A_209 = vector.shape_cast %parallel_loop3A_208 : vector<1x16xf32> to vector<16xf32>
          %parallel_loop3A_210 = vector.shape_cast %parallel_loop3A_205 : vector<16xf32> to vector<1x16xf32>
          tpu.vector_store %run_scoped3A_7[%parallel_loop3A_206, %parallel_loop3A_207], %parallel_loop3A_210 {strides = array<i32>} : memref<40x128xf32, #tpu.memory_space<vmem>>, vector<1x16xf32>,
          %parallel_loop3A_211 = arith.index_cast %parallel_loop3A_176 : i32 to index
          %parallel_loop3A_212 = arith.constant 48 : index
          %parallel_loop3A_213 = tpu.vector_load %run_scoped3A_7[%parallel_loop3A_211, %parallel_loop3A_212] {strides = array<i32>} : memref<40x128xf32, #tpu.memory_space<vmem>>, vector<1x16xf32>,
          %parallel_loop3A_214 = vector.shape_cast %parallel_loop3A_213 : vector<1x16xf32> to vector<16xf32>
          %parallel_loop3A_215 = arith.mulf %parallel_loop3A_214, %parallel_loop3A_180 : vector<16xf32>
          %parallel_loop3A_216 = arith.index_cast %parallel_loop3A_176 : i32 to index
          %parallel_loop3A_217 = arith.constant 48 : index
          %parallel_loop3A_218 = tpu.vector_load %run_scoped3A_7[%parallel_loop3A_216, %parallel_loop3A_217] {strides = array<i32>} : memref<40x128xf32, #tpu.memory_space<vmem>>, vector<1x16xf32>,
          %parallel_loop3A_219 = vector.shape_cast %parallel_loop3A_218 : vector<1x16xf32> to vector<16xf32>
          %parallel_loop3A_220 = vector.shape_cast %parallel_loop3A_215 : vector<16xf32> to vector<1x16xf32>
          tpu.vector_store %run_scoped3A_7[%parallel_loop3A_216, %parallel_loop3A_217], %parallel_loop3A_220 {strides = array<i32>} : memref<40x128xf32, #tpu.memory_space<vmem>>, vector<1x16xf32>,
          %parallel_loop3A_221 = arith.index_cast %parallel_loop3A_176 : i32 to index
          %parallel_loop3A_222 = arith.constant 64 : index
          %parallel_loop3A_223 = tpu.vector_load %run_scoped3A_7[%parallel_loop3A_221, %parallel_loop3A_222] {strides = array<i32>} : memref<40x128xf32, #tpu.memory_space<vmem>>, vector<1x16xf32>,
          %parallel_loop3A_224 = vector.shape_cast %parallel_loop3A_223 : vector<1x16xf32> to vector<16xf32>
          %parallel_loop3A_225 = arith.mulf %parallel_loop3A_224, %parallel_loop3A_180 : vector<16xf32>
          %parallel_loop3A_226 = arith.index_cast %parallel_loop3A_176 : i32 to index
          %parallel_loop3A_227 = arith.constant 64 : index
          %parallel_loop3A_228 = tpu.vector_load %run_scoped3A_7[%parallel_loop3A_226, %parallel_loop3A_227] {strides = array<i32>} : memref<40x128xf32, #tpu.memory_space<vmem>>, vector<1x16xf32>,
          %parallel_loop3A_229 = vector.shape_cast %parallel_loop3A_228 : vector<1x16xf32> to vector<16xf32>
          %parallel_loop3A_230 = vector.shape_cast %parallel_loop3A_225 : vector<16xf32> to vector<1x16xf32>
          tpu.vector_store %run_scoped3A_7[%parallel_loop3A_226, %parallel_loop3A_227], %parallel_loop3A_230 {strides = array<i32>} : memref<40x128xf32, #tpu.memory_space<vmem>>, vector<1x16xf32>,
          %parallel_loop3A_231 = arith.index_cast %parallel_loop3A_176 : i32 to index
          %parallel_loop3A_232 = arith.constant 80 : index
          %parallel_loop3A_233 = tpu.vector_load %run_scoped3A_7[%parallel_loop3A_231, %parallel_loop3A_232] {strides = array<i32>} : memref<40x128xf32, #tpu.memory_space<vmem>>, vector<1x16xf32>,
          %parallel_loop3A_234 = vector.shape_cast %parallel_loop3A_233 : vector<1x16xf32> to vector<16xf32>
          %parallel_loop3A_235 = arith.mulf %parallel_loop3A_234, %parallel_loop3A_180 : vector<16xf32>
          %parallel_loop3A_236 = arith.index_cast %parallel_loop3A_176 : i32 to index
          %parallel_loop3A_237 = arith.constant 80 : index
          %parallel_loop3A_238 = tpu.vector_load %run_scoped3A_7[%parallel_loop3A_236, %parallel_loop3A_237] {strides = array<i32>} : memref<40x128xf32, #tpu.memory_space<vmem>>, vector<1x16xf32>,
          %parallel_loop3A_239 = vector.shape_cast %parallel_loop3A_238 : vector<1x16xf32> to vector<16xf32>
          %parallel_loop3A_240 = vector.shape_cast %parallel_loop3A_235 : vector<16xf32> to vector<1x16xf32>
          tpu.vector_store %run_scoped3A_7[%parallel_loop3A_236, %parallel_loop3A_237], %parallel_loop3A_240 {strides = array<i32>} : memref<40x128xf32, #tpu.memory_space<vmem>>, vector<1x16xf32>,
          %parallel_loop3A_241 = arith.index_cast %parallel_loop3A_176 : i32 to index
          %parallel_loop3A_242 = arith.constant 96 : index
          %parallel_loop3A_243 = tpu.vector_load %run_scoped3A_7[%parallel_loop3A_241, %parallel_loop3A_242] {strides = array<i32>} : memref<40x128xf32, #tpu.memory_space<vmem>>, vector<1x16xf32>,
          %parallel_loop3A_244 = vector.shape_cast %parallel_loop3A_243 : vector<1x16xf32> to vector<16xf32>
          %parallel_loop3A_245 = arith.mulf %parallel_loop3A_244, %parallel_loop3A_180 : vector<16xf32>
          %parallel_loop3A_246 = arith.index_cast %parallel_loop3A_176 : i32 to index
          %parallel_loop3A_247 = arith.constant 96 : index
          %parallel_loop3A_248 = tpu.vector_load %run_scoped3A_7[%parallel_loop3A_246, %parallel_loop3A_247] {strides = array<i32>} : memref<40x128xf32, #tpu.memory_space<vmem>>, vector<1x16xf32>,
          %parallel_loop3A_249 = vector.shape_cast %parallel_loop3A_248 : vector<1x16xf32> to vector<16xf32>
          %parallel_loop3A_250 = vector.shape_cast %parallel_loop3A_245 : vector<16xf32> to vector<1x16xf32>
          tpu.vector_store %run_scoped3A_7[%parallel_loop3A_246, %parallel_loop3A_247], %parallel_loop3A_250 {strides = array<i32>} : memref<40x128xf32, #tpu.memory_space<vmem>>, vector<1x16xf32>,
          %parallel_loop3A_251 = arith.index_cast %parallel_loop3A_176 : i32 to index
          %parallel_loop3A_252 = arith.constant 112 : index
          %parallel_loop3A_253 = tpu.vector_load %run_scoped3A_7[%parallel_loop3A_251, %parallel_loop3A_252] {strides = array<i32>} : memref<40x128xf32, #tpu.memory_space<vmem>>, vector<1x16xf32>,
          %parallel_loop3A_254 = vector.shape_cast %parallel_loop3A_253 : vector<1x16xf32> to vector<16xf32>
          %parallel_loop3A_255 = arith.mulf %parallel_loop3A_254, %parallel_loop3A_180 : vector<16xf32>
          %parallel_loop3A_256 = arith.index_cast %parallel_loop3A_176 : i32 to index
          %parallel_loop3A_257 = arith.constant 112 : index
          %parallel_loop3A_258 = tpu.vector_load %run_scoped3A_7[%parallel_loop3A_256, %parallel_loop3A_257] {strides = array<i32>} : memref<40x128xf32, #tpu.memory_space<vmem>>, vector<1x16xf32>,
          %parallel_loop3A_259 = vector.shape_cast %parallel_loop3A_258 : vector<1x16xf32> to vector<16xf32>
          %parallel_loop3A_260 = vector.shape_cast %parallel_loop3A_255 : vector<16xf32> to vector<1x16xf32>
          tpu.vector_store %run_scoped3A_7[%parallel_loop3A_256, %parallel_loop3A_257], %parallel_loop3A_260 {strides = array<i32>} : memref<40x128xf32, #tpu.memory_space<vmem>>, vector<1x16xf32>,
        } {sc.loop_unroll_factor = 1 : i64, sc.parallel_access}
        "tpu.region"() ({
          %run_scoped3A_176 = tpu.sem_alloc : memref<!tpu.dma_semaphore, #tpu.memory_space<semaphore_mem>>
          %dma_start3A_177 = arith.constant 0 : i32
          %dma_start3A_178 = arith.constant 0 : i32
          %dma_start3A_179 = tpu.memref_slice %arg25[%dma_start3A_177, %dma_start3A_178] : memref<10240x128xf32, #tpu.memory_space<vmem_shared>> -> memref<10240x128xf32, #tpu.memory_space<vmem_shared>>
          tpu.enqueue_indirect_dma source(%run_scoped3A_7 : memref<40x128xf32, #tpu.memory_space<vmem>>) target(%dma_start3A_179 : memref<10240x128xf32, #tpu.memory_space<vmem_shared>>) offsets(%run_scoped3A_12 : memref<40xi32, #tpu.memory_space<vmem>>) semaphore(%run_scoped3A_176 : memref<!tpu.dma_semaphore, #tpu.memory_space<semaphore_mem>>) {add = true}
          %dma_wait3A_180 = arith.constant 0 : i32
          %dma_wait3A_181 = arith.constant 0 : i32
          %dma_wait3A_182 = tpu.memref_slice %arg25[%dma_wait3A_180, %dma_wait3A_181] : memref<10240x128xf32, #tpu.memory_space<vmem_shared>> -> memref<10240x128xf32, #tpu.memory_space<vmem_shared>>
          tpu.wait_indirect_dma semaphore(%run_scoped3A_176 : memref<!tpu.dma_semaphore, #tpu.memory_space<semaphore_mem>>) src(%run_scoped3A_7 : memref<40x128xf32, #tpu.memory_space<vmem>>) dst(%dma_wait3A_182 : memref<10240x128xf32, #tpu.memory_space<vmem_shared>>)
          tpu.yield
        }) : () -> ()
      }
      %scan3A_30 = arith.constant 124 : i32
      %add3A_31 = arith.constant 9960 : i32
      %add3A_32 = arith.addi %mul3A_2, %add3A_31 : i32
      "tpu.region"() ({
        %run_scoped3A_139 = tpu.sem_alloc : memref<!tpu.dma_semaphore, #tpu.memory_space<semaphore_mem>>
        %dma_start3A_140 = tpu.memref_slice %arg2[%add3A_32] : memref<320000xi32, #tpu.memory_space<hbm>> -> memref<40xi32, #tpu.memory_space<hbm>>
        %dma_start3A_141 = tpu.memref_slice %arg2[%add3A_32] : memref<320000xi32, #tpu.memory_space<hbm>> -> memref<40xi32, #tpu.memory_space<hbm>>
        tpu.enqueue_dma source(%dma_start3A_141 : memref<40xi32, #tpu.memory_space<hbm>>) target(%run_scoped3A_11 : memref<40xi32, #tpu.memory_space<vmem>>) target_semaphore(%run_scoped3A_139 : memref<!tpu.dma_semaphore, #tpu.memory_space<semaphore_mem>>)
        %dma_wait3A_142 = tpu.memref_slice %arg2[%add3A_32] : memref<320000xi32, #tpu.memory_space<hbm>> -> memref<40xi32, #tpu.memory_space<hbm>>
        %dma_wait3A_143 = tpu.memref_slice %arg2[%add3A_32] : memref<320000xi32, #tpu.memory_space<hbm>> -> memref<40xi32, #tpu.memory_space<hbm>>
        tpu.wait_dma2 semaphore(%run_scoped3A_139 : memref<!tpu.dma_semaphore, #tpu.memory_space<semaphore_mem>>) src(%dma_wait3A_143 : memref<40xi32, #tpu.memory_space<hbm>>) dst(%run_scoped3A_11 : memref<40xi32, #tpu.memory_space<vmem>>)
        tpu.yield
      }) : () -> ()
      "tpu.region"() ({
        %run_scoped3A_139 = tpu.sem_alloc : memref<!tpu.dma_semaphore, #tpu.memory_space<semaphore_mem>>
        %dma_start3A_140 = tpu.memref_slice %arg3[%add3A_32] : memref<320000xi32, #tpu.memory_space<hbm>> -> memref<40xi32, #tpu.memory_space<hbm>>
        %dma_start3A_141 = tpu.memref_slice %arg3[%add3A_32] : memref<320000xi32, #tpu.memory_space<hbm>> -> memref<40xi32, #tpu.memory_space<hbm>>
        tpu.enqueue_dma source(%dma_start3A_141 : memref<40xi32, #tpu.memory_space<hbm>>) target(%run_scoped3A_12 : memref<40xi32, #tpu.memory_space<vmem>>) target_semaphore(%run_scoped3A_139 : memref<!tpu.dma_semaphore, #tpu.memory_space<semaphore_mem>>)
        %dma_wait3A_142 = tpu.memref_slice %arg3[%add3A_32] : memref<320000xi32, #tpu.memory_space<hbm>> -> memref<40xi32, #tpu.memory_space<hbm>>
        %dma_wait3A_143 = tpu.memref_slice %arg3[%add3A_32] : memref<320000xi32, #tpu.memory_space<hbm>> -> memref<40xi32, #tpu.memory_space<hbm>>
        tpu.wait_dma2 semaphore(%run_scoped3A_139 : memref<!tpu.dma_semaphore, #tpu.memory_space<semaphore_mem>>) src(%dma_wait3A_143 : memref<40xi32, #tpu.memory_space<hbm>>) dst(%run_scoped3A_12 : memref<40xi32, #tpu.memory_space<vmem>>)
        tpu.yield
      }) : () -> ()
      "tpu.region"() ({
        %run_scoped3A_139 = tpu.sem_alloc : memref<!tpu.dma_semaphore, #tpu.memory_space<semaphore_mem>>
        %dma_start3A_140 = arith.constant 0 : i32
        %dma_start3A_141 = tpu.memref_slice %arg18[%add3A_32, %dma_start3A_140] : memref<320000x16xf32, #tpu.memory_space<hbm>> -> memref<40x16xf32, #tpu.memory_space<hbm>>
        %dma_start3A_142 = arith.constant 0 : i32
        %dma_start3A_143 = tpu.memref_slice %arg18[%add3A_32, %dma_start3A_142] : memref<320000x16xf32, #tpu.memory_space<hbm>> -> memref<40x16xf32, #tpu.memory_space<hbm>>
        tpu.enqueue_dma source(%dma_start3A_143 : memref<40x16xf32, #tpu.memory_space<hbm>>) target(%run_scoped3A_14 : memref<40x16xf32, #tpu.memory_space<vmem>>) target_semaphore(%run_scoped3A_139 : memref<!tpu.dma_semaphore, #tpu.memory_space<semaphore_mem>>)
        %dma_wait3A_144 = arith.constant 0 : i32
        %dma_wait3A_145 = tpu.memref_slice %arg18[%add3A_32, %dma_wait3A_144] : memref<320000x16xf32, #tpu.memory_space<hbm>> -> memref<40x16xf32, #tpu.memory_space<hbm>>
        %dma_wait3A_146 = arith.constant 0 : i32
        %dma_wait3A_147 = tpu.memref_slice %arg18[%add3A_32, %dma_wait3A_146] : memref<320000x16xf32, #tpu.memory_space<hbm>> -> memref<40x16xf32, #tpu.memory_space<hbm>>
        tpu.wait_dma2 semaphore(%run_scoped3A_139 : memref<!tpu.dma_semaphore, #tpu.memory_space<semaphore_mem>>) src(%dma_wait3A_147 : memref<40x16xf32, #tpu.memory_space<hbm>>) dst(%run_scoped3A_14 : memref<40x16xf32, #tpu.memory_space<vmem>>)
        tpu.yield
      }) : () -> ()
      %dma_start3A_33 = arith.constant 0 : i32
      %dma_start3A_34 = arith.constant 0 : i32
      %dma_start3A_35 = tpu.memref_slice %arg10[%dma_start3A_33, %dma_start3A_34] : memref<10000x128xf32, #tpu.memory_space<hbm>> -> memref<10000x128xf32, #tpu.memory_space<hbm>>
      tpu.enqueue_indirect_dma source(%dma_start3A_35 : memref<10000x128xf32, #tpu.memory_space<hbm>>) target(%run_scoped3A_7 : memref<40x128xf32, #tpu.memory_space<vmem>>) offsets(%run_scoped3A_11 : memref<40xi32, #tpu.memory_space<vmem>>) semaphore(%arg27 : memref<!tpu.dma_semaphore, #tpu.memory_space<semaphore_mem>>)
      %dma_wait3A = arith.constant 0 : i32
      %dma_wait3A_36 = arith.constant 0 : i32
      %dma_wait3A_37 = tpu.memref_slice %arg10[%dma_wait3A, %dma_wait3A_36] : memref<10000x128xf32, #tpu.memory_space<hbm>> -> memref<10000x128xf32, #tpu.memory_space<hbm>>
      tpu.wait_indirect_dma semaphore(%arg26 : memref<!tpu.dma_semaphore, #tpu.memory_space<semaphore_mem>>) src(%dma_wait3A_37 : memref<10000x128xf32, #tpu.memory_space<hbm>>) dst(%run_scoped3A_6 : memref<40x128xf32, #tpu.memory_space<vmem>>)
      %parallel_loop3A = arith.constant 0 : i32
      %parallel_loop3A_38 = arith.constant 40 : i32
      %parallel_loop3A_39 = arith.constant 1 : i32
      scf.for %parallel_loop3A_139 = %parallel_loop3A to %parallel_loop3A_38 step %parallel_loop3A_39  : i32 {
        %parallel_loop3A_140 = arith.index_cast %parallel_loop3A_139 : i32 to index
        %parallel_loop3A_141 = arith.constant 0 : index
        %parallel_loop3A_142 = tpu.vector_load %run_scoped3A_13[%parallel_loop3A_140, %parallel_loop3A_141] {strides = array<i32>} : memref<40x16xf32, #tpu.memory_space<vmem>>, vector<1x16xf32>,
        %parallel_loop3A_143 = vector.shape_cast %parallel_loop3A_142 : vector<1x16xf32> to vector<16xf32>
        %parallel_loop3A_144 = arith.index_cast %parallel_loop3A_139 : i32 to index
        %parallel_loop3A_145 = arith.constant 0 : index
        %parallel_loop3A_146 = tpu.vector_load %run_scoped3A_6[%parallel_loop3A_144, %parallel_loop3A_145] {strides = array<i32>} : memref<40x128xf32, #tpu.memory_space<vmem>>, vector<1x16xf32>,
        %parallel_loop3A_147 = vector.shape_cast %parallel_loop3A_146 : vector<1x16xf32> to vector<16xf32>
        %parallel_loop3A_148 = arith.mulf %parallel_loop3A_147, %parallel_loop3A_143 : vector<16xf32>
        %parallel_loop3A_149 = arith.index_cast %parallel_loop3A_139 : i32 to index
        %parallel_loop3A_150 = arith.constant 0 : index
        %parallel_loop3A_151 = tpu.vector_load %run_scoped3A_6[%parallel_loop3A_149, %parallel_loop3A_150] {strides = array<i32>} : memref<40x128xf32, #tpu.memory_space<vmem>>, vector<1x16xf32>,
        %parallel_loop3A_152 = vector.shape_cast %parallel_loop3A_151 : vector<1x16xf32> to vector<16xf32>
        %parallel_loop3A_153 = vector.shape_cast %parallel_loop3A_148 : vector<16xf32> to vector<1x16xf32>
        tpu.vector_store %run_scoped3A_6[%parallel_loop3A_149, %parallel_loop3A_150], %parallel_loop3A_153 {strides = array<i32>} : memref<40x128xf32, #tpu.memory_space<vmem>>, vector<1x16xf32>,
        %parallel_loop3A_154 = arith.index_cast %parallel_loop3A_139 : i32 to index
        %parallel_loop3A_155 = arith.constant 16 : index
        %parallel_loop3A_156 = tpu.vector_load %run_scoped3A_6[%parallel_loop3A_154, %parallel_loop3A_155] {strides = array<i32>} : memref<40x128xf32, #tpu.memory_space<vmem>>, vector<1x16xf32>,
        %parallel_loop3A_157 = vector.shape_cast %parallel_loop3A_156 : vector<1x16xf32> to vector<16xf32>
        %parallel_loop3A_158 = arith.mulf %parallel_loop3A_157, %parallel_loop3A_143 : vector<16xf32>
        %parallel_loop3A_159 = arith.index_cast %parallel_loop3A_139 : i32 to index
        %parallel_loop3A_160 = arith.constant 16 : index
        %parallel_loop3A_161 = tpu.vector_load %run_scoped3A_6[%parallel_loop3A_159, %parallel_loop3A_160] {strides = array<i32>} : memref<40x128xf32, #tpu.memory_space<vmem>>, vector<1x16xf32>,
        %parallel_loop3A_162 = vector.shape_cast %parallel_loop3A_161 : vector<1x16xf32> to vector<16xf32>
        %parallel_loop3A_163 = vector.shape_cast %parallel_loop3A_158 : vector<16xf32> to vector<1x16xf32>
        tpu.vector_store %run_scoped3A_6[%parallel_loop3A_159, %parallel_loop3A_160], %parallel_loop3A_163 {strides = array<i32>} : memref<40x128xf32, #tpu.memory_space<vmem>>, vector<1x16xf32>,
        %parallel_loop3A_164 = arith.index_cast %parallel_loop3A_139 : i32 to index
        %parallel_loop3A_165 = arith.constant 32 : index
        %parallel_loop3A_166 = tpu.vector_load %run_scoped3A_6[%parallel_loop3A_164, %parallel_loop3A_165] {strides = array<i32>} : memref<40x128xf32, #tpu.memory_space<vmem>>, vector<1x16xf32>,
        %parallel_loop3A_167 = vector.shape_cast %parallel_loop3A_166 : vector<1x16xf32> to vector<16xf32>
        %parallel_loop3A_168 = arith.mulf %parallel_loop3A_167, %parallel_loop3A_143 : vector<16xf32>
        %parallel_loop3A_169 = arith.index_cast %parallel_loop3A_139 : i32 to index
        %parallel_loop3A_170 = arith.constant 32 : index
        %parallel_loop3A_171 = tpu.vector_load %run_scoped3A_6[%parallel_loop3A_169, %parallel_loop3A_170] {strides = array<i32>} : memref<40x128xf32, #tpu.memory_space<vmem>>, vector<1x16xf32>,
        %parallel_loop3A_172 = vector.shape_cast %parallel_loop3A_171 : vector<1x16xf32> to vector<16xf32>
        %parallel_loop3A_173 = vector.shape_cast %parallel_loop3A_168 : vector<16xf32> to vector<1x16xf32>
        tpu.vector_store %run_scoped3A_6[%parallel_loop3A_169, %parallel_loop3A_170], %parallel_loop3A_173 {strides = array<i32>} : memref<40x128xf32, #tpu.memory_space<vmem>>, vector<1x16xf32>,
        %parallel_loop3A_174 = arith.index_cast %parallel_loop3A_139 : i32 to index
        %parallel_loop3A_175 = arith.constant 48 : index
        %parallel_loop3A_176 = tpu.vector_load %run_scoped3A_6[%parallel_loop3A_174, %parallel_loop3A_175] {strides = array<i32>} : memref<40x128xf32, #tpu.memory_space<vmem>>, vector<1x16xf32>,
        %parallel_loop3A_177 = vector.shape_cast %parallel_loop3A_176 : vector<1x16xf32> to vector<16xf32>
        %parallel_loop3A_178 = arith.mulf %parallel_loop3A_177, %parallel_loop3A_143 : vector<16xf32>
        %parallel_loop3A_179 = arith.index_cast %parallel_loop3A_139 : i32 to index
        %parallel_loop3A_180 = arith.constant 48 : index
        %parallel_loop3A_181 = tpu.vector_load %run_scoped3A_6[%parallel_loop3A_179, %parallel_loop3A_180] {strides = array<i32>} : memref<40x128xf32, #tpu.memory_space<vmem>>, vector<1x16xf32>,
        %parallel_loop3A_182 = vector.shape_cast %parallel_loop3A_181 : vector<1x16xf32> to vector<16xf32>
        %parallel_loop3A_183 = vector.shape_cast %parallel_loop3A_178 : vector<16xf32> to vector<1x16xf32>
        tpu.vector_store %run_scoped3A_6[%parallel_loop3A_179, %parallel_loop3A_180], %parallel_loop3A_183 {strides = array<i32>} : memref<40x128xf32, #tpu.memory_space<vmem>>, vector<1x16xf32>,
        %parallel_loop3A_184 = arith.index_cast %parallel_loop3A_139 : i32 to index
        %parallel_loop3A_185 = arith.constant 64 : index
        %parallel_loop3A_186 = tpu.vector_load %run_scoped3A_6[%parallel_loop3A_184, %parallel_loop3A_185] {strides = array<i32>} : memref<40x128xf32, #tpu.memory_space<vmem>>, vector<1x16xf32>,
        %parallel_loop3A_187 = vector.shape_cast %parallel_loop3A_186 : vector<1x16xf32> to vector<16xf32>
        %parallel_loop3A_188 = arith.mulf %parallel_loop3A_187, %parallel_loop3A_143 : vector<16xf32>
        %parallel_loop3A_189 = arith.index_cast %parallel_loop3A_139 : i32 to index
        %parallel_loop3A_190 = arith.constant 64 : index
        %parallel_loop3A_191 = tpu.vector_load %run_scoped3A_6[%parallel_loop3A_189, %parallel_loop3A_190] {strides = array<i32>} : memref<40x128xf32, #tpu.memory_space<vmem>>, vector<1x16xf32>,
        %parallel_loop3A_192 = vector.shape_cast %parallel_loop3A_191 : vector<1x16xf32> to vector<16xf32>
        %parallel_loop3A_193 = vector.shape_cast %parallel_loop3A_188 : vector<16xf32> to vector<1x16xf32>
        tpu.vector_store %run_scoped3A_6[%parallel_loop3A_189, %parallel_loop3A_190], %parallel_loop3A_193 {strides = array<i32>} : memref<40x128xf32, #tpu.memory_space<vmem>>, vector<1x16xf32>,
        %parallel_loop3A_194 = arith.index_cast %parallel_loop3A_139 : i32 to index
        %parallel_loop3A_195 = arith.constant 80 : index
        %parallel_loop3A_196 = tpu.vector_load %run_scoped3A_6[%parallel_loop3A_194, %parallel_loop3A_195] {strides = array<i32>} : memref<40x128xf32, #tpu.memory_space<vmem>>, vector<1x16xf32>,
        %parallel_loop3A_197 = vector.shape_cast %parallel_loop3A_196 : vector<1x16xf32> to vector<16xf32>
        %parallel_loop3A_198 = arith.mulf %parallel_loop3A_197, %parallel_loop3A_143 : vector<16xf32>
        %parallel_loop3A_199 = arith.index_cast %parallel_loop3A_139 : i32 to index
        %parallel_loop3A_200 = arith.constant 80 : index
        %parallel_loop3A_201 = tpu.vector_load %run_scoped3A_6[%parallel_loop3A_199, %parallel_loop3A_200] {strides = array<i32>} : memref<40x128xf32, #tpu.memory_space<vmem>>, vector<1x16xf32>,
        %parallel_loop3A_202 = vector.shape_cast %parallel_loop3A_201 : vector<1x16xf32> to vector<16xf32>
        %parallel_loop3A_203 = vector.shape_cast %parallel_loop3A_198 : vector<16xf32> to vector<1x16xf32>
        tpu.vector_store %run_scoped3A_6[%parallel_loop3A_199, %parallel_loop3A_200], %parallel_loop3A_203 {strides = array<i32>} : memref<40x128xf32, #tpu.memory_space<vmem>>, vector<1x16xf32>,
        %parallel_loop3A_204 = arith.index_cast %parallel_loop3A_139 : i32 to index
        %parallel_loop3A_205 = arith.constant 96 : index
        %parallel_loop3A_206 = tpu.vector_load %run_scoped3A_6[%parallel_loop3A_204, %parallel_loop3A_205] {strides = array<i32>} : memref<40x128xf32, #tpu.memory_space<vmem>>, vector<1x16xf32>,
        %parallel_loop3A_207 = vector.shape_cast %parallel_loop3A_206 : vector<1x16xf32> to vector<16xf32>
        %parallel_loop3A_208 = arith.mulf %parallel_loop3A_207, %parallel_loop3A_143 : vector<16xf32>
        %parallel_loop3A_209 = arith.index_cast %parallel_loop3A_139 : i32 to index
        %parallel_loop3A_210 = arith.constant 96 : index
        %parallel_loop3A_211 = tpu.vector_load %run_scoped3A_6[%parallel_loop3A_209, %parallel_loop3A_210] {strides = array<i32>} : memref<40x128xf32, #tpu.memory_space<vmem>>, vector<1x16xf32>,
        %parallel_loop3A_212 = vector.shape_cast %parallel_loop3A_211 : vector<1x16xf32> to vector<16xf32>
        %parallel_loop3A_213 = vector.shape_cast %parallel_loop3A_208 : vector<16xf32> to vector<1x16xf32>
        tpu.vector_store %run_scoped3A_6[%parallel_loop3A_209, %parallel_loop3A_210], %parallel_loop3A_213 {strides = array<i32>} : memref<40x128xf32, #tpu.memory_space<vmem>>, vector<1x16xf32>,
        %parallel_loop3A_214 = arith.index_cast %parallel_loop3A_139 : i32 to index
        %parallel_loop3A_215 = arith.constant 112 : index
        %parallel_loop3A_216 = tpu.vector_load %run_scoped3A_6[%parallel_loop3A_214, %parallel_loop3A_215] {strides = array<i32>} : memref<40x128xf32, #tpu.memory_space<vmem>>, vector<1x16xf32>,
        %parallel_loop3A_217 = vector.shape_cast %parallel_loop3A_216 : vector<1x16xf32> to vector<16xf32>
        %parallel_loop3A_218 = arith.mulf %parallel_loop3A_217, %parallel_loop3A_143 : vector<16xf32>
        %parallel_loop3A_219 = arith.index_cast %parallel_loop3A_139 : i32 to index
        %parallel_loop3A_220 = arith.constant 112 : index
        %parallel_loop3A_221 = tpu.vector_load %run_scoped3A_6[%parallel_loop3A_219, %parallel_loop3A_220] {strides = array<i32>} : memref<40x128xf32, #tpu.memory_space<vmem>>, vector<1x16xf32>,
        %parallel_loop3A_222 = vector.shape_cast %parallel_loop3A_221 : vector<1x16xf32> to vector<16xf32>
        %parallel_loop3A_223 = vector.shape_cast %parallel_loop3A_218 : vector<16xf32> to vector<1x16xf32>
        tpu.vector_store %run_scoped3A_6[%parallel_loop3A_219, %parallel_loop3A_220], %parallel_loop3A_223 {strides = array<i32>} : memref<40x128xf32, #tpu.memory_space<vmem>>, vector<1x16xf32>,
      } {sc.loop_unroll_factor = 1 : i64, sc.parallel_access}
      "tpu.region"() ({
        %run_scoped3A_139 = tpu.sem_alloc : memref<!tpu.dma_semaphore, #tpu.memory_space<semaphore_mem>>
        %dma_start3A_140 = arith.constant 0 : i32
        %dma_start3A_141 = arith.constant 0 : i32
        %dma_start3A_142 = tpu.memref_slice %arg25[%dma_start3A_140, %dma_start3A_141] : memref<10240x128xf32, #tpu.memory_space<vmem_shared>> -> memref<10240x128xf32, #tpu.memory_space<vmem_shared>>
        tpu.enqueue_indirect_dma source(%run_scoped3A_6 : memref<40x128xf32, #tpu.memory_space<vmem>>) target(%dma_start3A_142 : memref<10240x128xf32, #tpu.memory_space<vmem_shared>>) offsets(%run_scoped3A_10 : memref<40xi32, #tpu.memory_space<vmem>>) semaphore(%run_scoped3A_139 : memref<!tpu.dma_semaphore, #tpu.memory_space<semaphore_mem>>) {add = true}
        %dma_wait3A_143 = arith.constant 0 : i32
        %dma_wait3A_144 = arith.constant 0 : i32
        %dma_wait3A_145 = tpu.memref_slice %arg25[%dma_wait3A_143, %dma_wait3A_144] : memref<10240x128xf32, #tpu.memory_space<vmem_shared>> -> memref<10240x128xf32, #tpu.memory_space<vmem_shared>>
        tpu.wait_indirect_dma semaphore(%run_scoped3A_139 : memref<!tpu.dma_semaphore, #tpu.memory_space<semaphore_mem>>) src(%run_scoped3A_6 : memref<40x128xf32, #tpu.memory_space<vmem>>) dst(%dma_wait3A_145 : memref<10240x128xf32, #tpu.memory_space<vmem_shared>>)
        tpu.yield
      }) : () -> ()
      %dma_wait3A_40 = arith.constant 0 : i32
      %dma_wait3A_41 = arith.constant 0 : i32
      %dma_wait3A_42 = tpu.memref_slice %arg10[%dma_wait3A_40, %dma_wait3A_41] : memref<10000x128xf32, #tpu.memory_space<hbm>> -> memref<10000x128xf32, #tpu.memory_space<hbm>>
      tpu.wait_indirect_dma semaphore(%arg27 : memref<!tpu.dma_semaphore, #tpu.memory_space<semaphore_mem>>) src(%dma_wait3A_42 : memref<10000x128xf32, #tpu.memory_space<hbm>>) dst(%run_scoped3A_7 : memref<40x128xf32, #tpu.memory_space<vmem>>)
      %parallel_loop3A_43 = arith.constant 0 : i32
      %parallel_loop3A_44 = arith.constant 40 : i32
      %parallel_loop3A_45 = arith.constant 1 : i32
      scf.for %parallel_loop3A_139 = %parallel_loop3A_43 to %parallel_loop3A_44 step %parallel_loop3A_45  : i32 {
        %parallel_loop3A_140 = arith.index_cast %parallel_loop3A_139 : i32 to index
        %parallel_loop3A_141 = arith.constant 0 : index
        %parallel_loop3A_142 = tpu.vector_load %run_scoped3A_14[%parallel_loop3A_140, %parallel_loop3A_141] {strides = array<i32>} : memref<40x16xf32, #tpu.memory_space<vmem>>, vector<1x16xf32>,
        %parallel_loop3A_143 = vector.shape_cast %parallel_loop3A_142 : vector<1x16xf32> to vector<16xf32>
        %parallel_loop3A_144 = arith.index_cast %parallel_loop3A_139 : i32 to index
        %parallel_loop3A_145 = arith.constant 0 : index
        %parallel_loop3A_146 = tpu.vector_load %run_scoped3A_7[%parallel_loop3A_144, %parallel_loop3A_145] {strides = array<i32>} : memref<40x128xf32, #tpu.memory_space<vmem>>, vector<1x16xf32>,
        %parallel_loop3A_147 = vector.shape_cast %parallel_loop3A_146 : vector<1x16xf32> to vector<16xf32>
        %parallel_loop3A_148 = arith.mulf %parallel_loop3A_147, %parallel_loop3A_143 : vector<16xf32>
        %parallel_loop3A_149 = arith.index_cast %parallel_loop3A_139 : i32 to index
        %parallel_loop3A_150 = arith.constant 0 : index
        %parallel_loop3A_151 = tpu.vector_load %run_scoped3A_7[%parallel_loop3A_149, %parallel_loop3A_150] {strides = array<i32>} : memref<40x128xf32, #tpu.memory_space<vmem>>, vector<1x16xf32>,
        %parallel_loop3A_152 = vector.shape_cast %parallel_loop3A_151 : vector<1x16xf32> to vector<16xf32>
        %parallel_loop3A_153 = vector.shape_cast %parallel_loop3A_148 : vector<16xf32> to vector<1x16xf32>
        tpu.vector_store %run_scoped3A_7[%parallel_loop3A_149, %parallel_loop3A_150], %parallel_loop3A_153 {strides = array<i32>} : memref<40x128xf32, #tpu.memory_space<vmem>>, vector<1x16xf32>,
        %parallel_loop3A_154 = arith.index_cast %parallel_loop3A_139 : i32 to index
        %parallel_loop3A_155 = arith.constant 16 : index
        %parallel_loop3A_156 = tpu.vector_load %run_scoped3A_7[%parallel_loop3A_154, %parallel_loop3A_155] {strides = array<i32>} : memref<40x128xf32, #tpu.memory_space<vmem>>, vector<1x16xf32>,
        %parallel_loop3A_157 = vector.shape_cast %parallel_loop3A_156 : vector<1x16xf32> to vector<16xf32>
        %parallel_loop3A_158 = arith.mulf %parallel_loop3A_157, %parallel_loop3A_143 : vector<16xf32>
        %parallel_loop3A_159 = arith.index_cast %parallel_loop3A_139 : i32 to index
        %parallel_loop3A_160 = arith.constant 16 : index
        %parallel_loop3A_161 = tpu.vector_load %run_scoped3A_7[%parallel_loop3A_159, %parallel_loop3A_160] {strides = array<i32>} : memref<40x128xf32, #tpu.memory_space<vmem>>, vector<1x16xf32>,
        %parallel_loop3A_162 = vector.shape_cast %parallel_loop3A_161 : vector<1x16xf32> to vector<16xf32>
        %parallel_loop3A_163 = vector.shape_cast %parallel_loop3A_158 : vector<16xf32> to vector<1x16xf32>
        tpu.vector_store %run_scoped3A_7[%parallel_loop3A_159, %parallel_loop3A_160], %parallel_loop3A_163 {strides = array<i32>} : memref<40x128xf32, #tpu.memory_space<vmem>>, vector<1x16xf32>,
        %parallel_loop3A_164 = arith.index_cast %parallel_loop3A_139 : i32 to index
        %parallel_loop3A_165 = arith.constant 32 : index
        %parallel_loop3A_166 = tpu.vector_load %run_scoped3A_7[%parallel_loop3A_164, %parallel_loop3A_165] {strides = array<i32>} : memref<40x128xf32, #tpu.memory_space<vmem>>, vector<1x16xf32>,
        %parallel_loop3A_167 = vector.shape_cast %parallel_loop3A_166 : vector<1x16xf32> to vector<16xf32>
        %parallel_loop3A_168 = arith.mulf %parallel_loop3A_167, %parallel_loop3A_143 : vector<16xf32>
        %parallel_loop3A_169 = arith.index_cast %parallel_loop3A_139 : i32 to index
        %parallel_loop3A_170 = arith.constant 32 : index
        %parallel_loop3A_171 = tpu.vector_load %run_scoped3A_7[%parallel_loop3A_169, %parallel_loop3A_170] {strides = array<i32>} : memref<40x128xf32, #tpu.memory_space<vmem>>, vector<1x16xf32>,
        %parallel_loop3A_172 = vector.shape_cast %parallel_loop3A_171 : vector<1x16xf32> to vector<16xf32>
        %parallel_loop3A_173 = vector.shape_cast %parallel_loop3A_168 : vector<16xf32> to vector<1x16xf32>
        tpu.vector_store %run_scoped3A_7[%parallel_loop3A_169, %parallel_loop3A_170], %parallel_loop3A_173 {strides = array<i32>} : memref<40x128xf32, #tpu.memory_space<vmem>>, vector<1x16xf32>,
        %parallel_loop3A_174 = arith.index_cast %parallel_loop3A_139 : i32 to index
        %parallel_loop3A_175 = arith.constant 48 : index
        %parallel_loop3A_176 = tpu.vector_load %run_scoped3A_7[%parallel_loop3A_174, %parallel_loop3A_175] {strides = array<i32>} : memref<40x128xf32, #tpu.memory_space<vmem>>, vector<1x16xf32>,
        %parallel_loop3A_177 = vector.shape_cast %parallel_loop3A_176 : vector<1x16xf32> to vector<16xf32>
        %parallel_loop3A_178 = arith.mulf %parallel_loop3A_177, %parallel_loop3A_143 : vector<16xf32>
        %parallel_loop3A_179 = arith.index_cast %parallel_loop3A_139 : i32 to index
        %parallel_loop3A_180 = arith.constant 48 : index
        %parallel_loop3A_181 = tpu.vector_load %run_scoped3A_7[%parallel_loop3A_179, %parallel_loop3A_180] {strides = array<i32>} : memref<40x128xf32, #tpu.memory_space<vmem>>, vector<1x16xf32>,
        %parallel_loop3A_182 = vector.shape_cast %parallel_loop3A_181 : vector<1x16xf32> to vector<16xf32>
        %parallel_loop3A_183 = vector.shape_cast %parallel_loop3A_178 : vector<16xf32> to vector<1x16xf32>
        tpu.vector_store %run_scoped3A_7[%parallel_loop3A_179, %parallel_loop3A_180], %parallel_loop3A_183 {strides = array<i32>} : memref<40x128xf32, #tpu.memory_space<vmem>>, vector<1x16xf32>,
        %parallel_loop3A_184 = arith.index_cast %parallel_loop3A_139 : i32 to index
        %parallel_loop3A_185 = arith.constant 64 : index
        %parallel_loop3A_186 = tpu.vector_load %run_scoped3A_7[%parallel_loop3A_184, %parallel_loop3A_185] {strides = array<i32>} : memref<40x128xf32, #tpu.memory_space<vmem>>, vector<1x16xf32>,
        %parallel_loop3A_187 = vector.shape_cast %parallel_loop3A_186 : vector<1x16xf32> to vector<16xf32>
        %parallel_loop3A_188 = arith.mulf %parallel_loop3A_187, %parallel_loop3A_143 : vector<16xf32>
        %parallel_loop3A_189 = arith.index_cast %parallel_loop3A_139 : i32 to index
        %parallel_loop3A_190 = arith.constant 64 : index
        %parallel_loop3A_191 = tpu.vector_load %run_scoped3A_7[%parallel_loop3A_189, %parallel_loop3A_190] {strides = array<i32>} : memref<40x128xf32, #tpu.memory_space<vmem>>, vector<1x16xf32>,
        %parallel_loop3A_192 = vector.shape_cast %parallel_loop3A_191 : vector<1x16xf32> to vector<16xf32>
        %parallel_loop3A_193 = vector.shape_cast %parallel_loop3A_188 : vector<16xf32> to vector<1x16xf32>
        tpu.vector_store %run_scoped3A_7[%parallel_loop3A_189, %parallel_loop3A_190], %parallel_loop3A_193 {strides = array<i32>} : memref<40x128xf32, #tpu.memory_space<vmem>>, vector<1x16xf32>,
        %parallel_loop3A_194 = arith.index_cast %parallel_loop3A_139 : i32 to index
        %parallel_loop3A_195 = arith.constant 80 : index
        %parallel_loop3A_196 = tpu.vector_load %run_scoped3A_7[%parallel_loop3A_194, %parallel_loop3A_195] {strides = array<i32>} : memref<40x128xf32, #tpu.memory_space<vmem>>, vector<1x16xf32>,
        %parallel_loop3A_197 = vector.shape_cast %parallel_loop3A_196 : vector<1x16xf32> to vector<16xf32>
        %parallel_loop3A_198 = arith.mulf %parallel_loop3A_197, %parallel_loop3A_143 : vector<16xf32>
        %parallel_loop3A_199 = arith.index_cast %parallel_loop3A_139 : i32 to index
        %parallel_loop3A_200 = arith.constant 80 : index
        %parallel_loop3A_201 = tpu.vector_load %run_scoped3A_7[%parallel_loop3A_199, %parallel_loop3A_200] {strides = array<i32>} : memref<40x128xf32, #tpu.memory_space<vmem>>, vector<1x16xf32>,
        %parallel_loop3A_202 = vector.shape_cast %parallel_loop3A_201 : vector<1x16xf32> to vector<16xf32>
        %parallel_loop3A_203 = vector.shape_cast %parallel_loop3A_198 : vector<16xf32> to vector<1x16xf32>
        tpu.vector_store %run_scoped3A_7[%parallel_loop3A_199, %parallel_loop3A_200], %parallel_loop3A_203 {strides = array<i32>} : memref<40x128xf32, #tpu.memory_space<vmem>>, vector<1x16xf32>,
        %parallel_loop3A_204 = arith.index_cast %parallel_loop3A_139 : i32 to index
        %parallel_loop3A_205 = arith.constant 96 : index
        %parallel_loop3A_206 = tpu.vector_load %run_scoped3A_7[%parallel_loop3A_204, %parallel_loop3A_205] {strides = array<i32>} : memref<40x128xf32, #tpu.memory_space<vmem>>, vector<1x16xf32>,
        %parallel_loop3A_207 = vector.shape_cast %parallel_loop3A_206 : vector<1x16xf32> to vector<16xf32>
        %parallel_loop3A_208 = arith.mulf %parallel_loop3A_207, %parallel_loop3A_143 : vector<16xf32>
        %parallel_loop3A_209 = arith.index_cast %parallel_loop3A_139 : i32 to index
        %parallel_loop3A_210 = arith.constant 96 : index
        %parallel_loop3A_211 = tpu.vector_load %run_scoped3A_7[%parallel_loop3A_209, %parallel_loop3A_210] {strides = array<i32>} : memref<40x128xf32, #tpu.memory_space<vmem>>, vector<1x16xf32>,
        %parallel_loop3A_212 = vector.shape_cast %parallel_loop3A_211 : vector<1x16xf32> to vector<16xf32>
        %parallel_loop3A_213 = vector.shape_cast %parallel_loop3A_208 : vector<16xf32> to vector<1x16xf32>
        tpu.vector_store %run_scoped3A_7[%parallel_loop3A_209, %parallel_loop3A_210], %parallel_loop3A_213 {strides = array<i32>} : memref<40x128xf32, #tpu.memory_space<vmem>>, vector<1x16xf32>,
        %parallel_loop3A_214 = arith.index_cast %parallel_loop3A_139 : i32 to index
        %parallel_loop3A_215 = arith.constant 112 : index
        %parallel_loop3A_216 = tpu.vector_load %run_scoped3A_7[%parallel_loop3A_214, %parallel_loop3A_215] {strides = array<i32>} : memref<40x128xf32, #tpu.memory_space<vmem>>, vector<1x16xf32>,
        %parallel_loop3A_217 = vector.shape_cast %parallel_loop3A_216 : vector<1x16xf32> to vector<16xf32>
        %parallel_loop3A_218 = arith.mulf %parallel_loop3A_217, %parallel_loop3A_143 : vector<16xf32>
        %parallel_loop3A_219 = arith.index_cast %parallel_loop3A_139 : i32 to index
        %parallel_loop3A_220 = arith.constant 112 : index
        %parallel_loop3A_221 = tpu.vector_load %run_scoped3A_7[%parallel_loop3A_219, %parallel_loop3A_220] {strides = array<i32>} : memref<40x128xf32, #tpu.memory_space<vmem>>, vector<1x16xf32>,
        %parallel_loop3A_222 = vector.shape_cast %parallel_loop3A_221 : vector<1x16xf32> to vector<16xf32>
        %parallel_loop3A_223 = vector.shape_cast %parallel_loop3A_218 : vector<16xf32> to vector<1x16xf32>
        tpu.vector_store %run_scoped3A_7[%parallel_loop3A_219, %parallel_loop3A_220], %parallel_loop3A_223 {strides = array<i32>} : memref<40x128xf32, #tpu.memory_space<vmem>>, vector<1x16xf32>,
      } {sc.loop_unroll_factor = 1 : i64, sc.parallel_access}
      "tpu.region"() ({
        %run_scoped3A_139 = tpu.sem_alloc : memref<!tpu.dma_semaphore, #tpu.memory_space<semaphore_mem>>
        %dma_start3A_140 = arith.constant 0 : i32
        %dma_start3A_141 = arith.constant 0 : i32
        %dma_start3A_142 = tpu.memref_slice %arg25[%dma_start3A_140, %dma_start3A_141] : memref<10240x128xf32, #tpu.memory_space<vmem_shared>> -> memref<10240x128xf32, #tpu.memory_space<vmem_shared>>
        tpu.enqueue_indirect_dma source(%run_scoped3A_7 : memref<40x128xf32, #tpu.memory_space<vmem>>) target(%dma_start3A_142 : memref<10240x128xf32, #tpu.memory_space<vmem_shared>>) offsets(%run_scoped3A_12 : memref<40xi32, #tpu.memory_space<vmem>>) semaphore(%run_scoped3A_139 : memref<!tpu.dma_semaphore, #tpu.memory_space<semaphore_mem>>) {add = true}
        %dma_wait3A_143 = arith.constant 0 : i32
        %dma_wait3A_144 = arith.constant 0 : i32
        %dma_wait3A_145 = tpu.memref_slice %arg25[%dma_wait3A_143, %dma_wait3A_144] : memref<10240x128xf32, #tpu.memory_space<vmem_shared>> -> memref<10240x128xf32, #tpu.memory_space<vmem_shared>>
        tpu.wait_indirect_dma semaphore(%run_scoped3A_139 : memref<!tpu.dma_semaphore, #tpu.memory_space<semaphore_mem>>) src(%run_scoped3A_7 : memref<40x128xf32, #tpu.memory_space<vmem>>) dst(%dma_wait3A_145 : memref<10240x128xf32, #tpu.memory_space<vmem_shared>>)
        tpu.yield
      }) : () -> ()
      %barrier3A_46 = arith.constant 0 : index
      tpu.barrier barrier_id(%barrier3A_46)
      %run_scoped3A_47 = arith.constant 0 : i32
      "tpu.region"() ({
        %run_scoped3A_139 = tpu.sem_alloc : memref<!tpu.dma_semaphore, #tpu.memory_space<semaphore_mem>>
        %dma_start3A_140 = arith.constant 0 : i32
        %dma_start3A_141 = tpu.memref_slice %arg17[%run_scoped3A_47, %arg0, %mul3A_4, %dma_start3A_140] : memref<4x2x10240x128xf32, #tpu.memory_space<hbm>> -> memref<1x1x640x128xf32, #tpu.memory_space<hbm>>
        %dma_start3A_142 = tpu.memref_squeeze %dma_start3A_141 : memref<1x1x640x128xf32, #tpu.memory_space<hbm>> -> memref<640x128xf32, #tpu.memory_space<hbm>>
        %dma_start3A_143 = arith.constant 0 : i32
        %dma_start3A_144 = tpu.memref_slice %arg25[%mul3A_4, %dma_start3A_143] : memref<10240x128xf32, #tpu.memory_space<vmem_shared>> -> memref<640x128xf32, #tpu.memory_space<vmem_shared>>
        tpu.enqueue_dma source(%dma_start3A_144 : memref<640x128xf32, #tpu.memory_space<vmem_shared>>) target(%dma_start3A_142 : memref<640x128xf32, #tpu.memory_space<hbm>>) target_semaphore(%run_scoped3A_139 : memref<!tpu.dma_semaphore, #tpu.memory_space<semaphore_mem>>)
        %dma_wait3A_145 = arith.constant 0 : i32
        %dma_wait3A_146 = tpu.memref_slice %arg17[%run_scoped3A_47, %arg0, %mul3A_4, %dma_wait3A_145] : memref<4x2x10240x128xf32, #tpu.memory_space<hbm>> -> memref<1x1x640x128xf32, #tpu.memory_space<hbm>>
        %dma_wait3A_147 = tpu.memref_squeeze %dma_wait3A_146 : memref<1x1x640x128xf32, #tpu.memory_space<hbm>> -> memref<640x128xf32, #tpu.memory_space<hbm>>
        %dma_wait3A_148 = arith.constant 0 : i32
        %dma_wait3A_149 = tpu.memref_slice %arg25[%mul3A_4, %dma_wait3A_148] : memref<10240x128xf32, #tpu.memory_space<vmem_shared>> -> memref<640x128xf32, #tpu.memory_space<vmem_shared>>
        tpu.wait_dma2 semaphore(%run_scoped3A_139 : memref<!tpu.dma_semaphore, #tpu.memory_space<semaphore_mem>>) src(%dma_wait3A_149 : memref<640x128xf32, #tpu.memory_space<vmem_shared>>) dst(%dma_wait3A_147 : memref<640x128xf32, #tpu.memory_space<hbm>>)
        tpu.yield
      }) : () -> ()
      %barrier3A_48 = arith.constant 0 : index
      tpu.barrier barrier_id(%barrier3A_48)
      "tpu.region"() ({
        %run_scoped3A_139 = tpu.sem_alloc : memref<!tpu.dma_semaphore, #tpu.memory_space<semaphore_mem>>
        %dma_start3A_140 = arith.constant 0 : i32
        %dma_start3A_141 = tpu.memref_slice %arg25[%mul3A_4, %dma_start3A_140] : memref<10240x128xf32, #tpu.memory_space<vmem_shared>> -> memref<640x128xf32, #tpu.memory_space<vmem_shared>>
        tpu.enqueue_dma source(%arg15 : memref<640x128xf32, #tpu.memory_space<hbm>>) target(%dma_start3A_141 : memref<640x128xf32, #tpu.memory_space<vmem_shared>>) target_semaphore(%run_scoped3A_139 : memref<!tpu.dma_semaphore, #tpu.memory_space<semaphore_mem>>)
        %dma_wait3A_142 = arith.constant 0 : i32
        %dma_wait3A_143 = tpu.memref_slice %arg25[%mul3A_4, %dma_wait3A_142] : memref<10240x128xf32, #tpu.memory_space<vmem_shared>> -> memref<640x128xf32, #tpu.memory_space<vmem_shared>>
        tpu.wait_dma2 semaphore(%run_scoped3A_139 : memref<!tpu.dma_semaphore, #tpu.memory_space<semaphore_mem>>) src(%arg15 : memref<640x128xf32, #tpu.memory_space<hbm>>) dst(%dma_wait3A_143 : memref<640x128xf32, #tpu.memory_space<vmem_shared>>)
        tpu.yield
      }) : () -> ()
      %barrier3A_49 = arith.constant 0 : index
      tpu.barrier barrier_id(%barrier3A_49)
      "tpu.region"() ({
        %run_scoped3A_139 = tpu.sem_alloc : memref<!tpu.dma_semaphore, #tpu.memory_space<semaphore_mem>>
        %dma_start3A_140 = tpu.memref_slice %arg2[%mul3A_2] : memref<320000xi32, #tpu.memory_space<hbm>> -> memref<40xi32, #tpu.memory_space<hbm>>
        %dma_start3A_141 = tpu.memref_slice %arg2[%mul3A_2] : memref<320000xi32, #tpu.memory_space<hbm>> -> memref<40xi32, #tpu.memory_space<hbm>>
        tpu.enqueue_dma source(%dma_start3A_141 : memref<40xi32, #tpu.memory_space<hbm>>) target(%run_scoped3A_9 : memref<40xi32, #tpu.memory_space<vmem>>) target_semaphore(%run_scoped3A_139 : memref<!tpu.dma_semaphore, #tpu.memory_space<semaphore_mem>>)
        %dma_wait3A_142 = tpu.memref_slice %arg2[%mul3A_2] : memref<320000xi32, #tpu.memory_space<hbm>> -> memref<40xi32, #tpu.memory_space<hbm>>
        %dma_wait3A_143 = tpu.memref_slice %arg2[%mul3A_2] : memref<320000xi32, #tpu.memory_space<hbm>> -> memref<40xi32, #tpu.memory_space<hbm>>
        tpu.wait_dma2 semaphore(%run_scoped3A_139 : memref<!tpu.dma_semaphore, #tpu.memory_space<semaphore_mem>>) src(%dma_wait3A_143 : memref<40xi32, #tpu.memory_space<hbm>>) dst(%run_scoped3A_9 : memref<40xi32, #tpu.memory_space<vmem>>)
        tpu.yield
      }) : () -> ()
      "tpu.region"() ({
        %run_scoped3A_139 = tpu.sem_alloc : memref<!tpu.dma_semaphore, #tpu.memory_space<semaphore_mem>>
        %dma_start3A_140 = tpu.memref_slice %arg3[%mul3A_2] : memref<320000xi32, #tpu.memory_space<hbm>> -> memref<40xi32, #tpu.memory_space<hbm>>
        %dma_start3A_141 = tpu.memref_slice %arg3[%mul3A_2] : memref<320000xi32, #tpu.memory_space<hbm>> -> memref<40xi32, #tpu.memory_space<hbm>>
        tpu.enqueue_dma source(%dma_start3A_141 : memref<40xi32, #tpu.memory_space<hbm>>) target(%run_scoped3A_10 : memref<40xi32, #tpu.memory_space<vmem>>) target_semaphore(%run_scoped3A_139 : memref<!tpu.dma_semaphore, #tpu.memory_space<semaphore_mem>>)
        %dma_wait3A_142 = tpu.memref_slice %arg3[%mul3A_2] : memref<320000xi32, #tpu.memory_space<hbm>> -> memref<40xi32, #tpu.memory_space<hbm>>
        %dma_wait3A_143 = tpu.memref_slice %arg3[%mul3A_2] : memref<320000xi32, #tpu.memory_space<hbm>> -> memref<40xi32, #tpu.memory_space<hbm>>
        tpu.wait_dma2 semaphore(%run_scoped3A_139 : memref<!tpu.dma_semaphore, #tpu.memory_space<semaphore_mem>>) src(%dma_wait3A_143 : memref<40xi32, #tpu.memory_space<hbm>>) dst(%run_scoped3A_10 : memref<40xi32, #tpu.memory_space<vmem>>)
        tpu.yield
      }) : () -> ()
      "tpu.region"() ({
        %run_scoped3A_139 = tpu.sem_alloc : memref<!tpu.dma_semaphore, #tpu.memory_space<semaphore_mem>>
        %dma_start3A_140 = arith.constant 0 : i32
        %dma_start3A_141 = tpu.memref_slice %arg18[%mul3A_2, %dma_start3A_140] : memref<320000x16xf32, #tpu.memory_space<hbm>> -> memref<40x16xf32, #tpu.memory_space<hbm>>
        %dma_start3A_142 = arith.constant 0 : i32
        %dma_start3A_143 = tpu.memref_slice %arg18[%mul3A_2, %dma_start3A_142] : memref<320000x16xf32, #tpu.memory_space<hbm>> -> memref<40x16xf32, #tpu.memory_space<hbm>>
        tpu.enqueue_dma source(%dma_start3A_143 : memref<40x16xf32, #tpu.memory_space<hbm>>) target(%run_scoped3A_13 : memref<40x16xf32, #tpu.memory_space<vmem>>) target_semaphore(%run_scoped3A_139 : memref<!tpu.dma_semaphore, #tpu.memory_space<semaphore_mem>>)
        %dma_wait3A_144 = arith.constant 0 : i32
        %dma_wait3A_145 = tpu.memref_slice %arg18[%mul3A_2, %dma_wait3A_144] : memref<320000x16xf32, #tpu.memory_space<hbm>> -> memref<40x16xf32, #tpu.memory_space<hbm>>
        %dma_wait3A_146 = arith.constant 0 : i32
        %dma_wait3A_147 = tpu.memref_slice %arg18[%mul3A_2, %dma_wait3A_146] : memref<320000x16xf32, #tpu.memory_space<hbm>> -> memref<40x16xf32, #tpu.memory_space<hbm>>
        tpu.wait_dma2 semaphore(%run_scoped3A_139 : memref<!tpu.dma_semaphore, #tpu.memory_space<semaphore_mem>>) src(%dma_wait3A_147 : memref<40x16xf32, #tpu.memory_space<hbm>>) dst(%run_scoped3A_13 : memref<40x16xf32, #tpu.memory_space<vmem>>)
        tpu.yield
      }) : () -> ()
      %dma_start3A_50 = arith.constant 0 : i32
      %dma_start3A_51 = arith.constant 0 : i32
      %dma_start3A_52 = tpu.memref_slice %arg11[%dma_start3A_50, %dma_start3A_51] : memref<10000x128xf32, #tpu.memory_space<hbm>> -> memref<10000x128xf32, #tpu.memory_space<hbm>>
      tpu.enqueue_indirect_dma source(%dma_start3A_52 : memref<10000x128xf32, #tpu.memory_space<hbm>>) target(%run_scoped3A_6 : memref<40x128xf32, #tpu.memory_space<vmem>>) offsets(%run_scoped3A_9 : memref<40xi32, #tpu.memory_space<vmem>>) semaphore(%arg26 : memref<!tpu.dma_semaphore, #tpu.memory_space<semaphore_mem>>)
      %scan3A_53 = arith.constant 0 : i32
      %scan3A_54 = arith.constant 0 : i32
      %scan3A_55 = arith.constant 124 : i32
      %scan3A_56 = arith.addi %scan3A_54, %scan3A_55 : i32
      %scan3A_57 = arith.constant 1 : i32
      scf.for %scan3A_139 = %scan3A_54 to %scan3A_56 step %scan3A_57  : i32 {
        %mul3A_140 = arith.constant 2 : i32
        %mul3A_141 = arith.muli %mul3A_140, %scan3A_139 : i32
        %add3A_142 = arith.constant 0 : i32
        %add3A_143 = arith.addi %mul3A_141, %add3A_142 : i32
        %add3A_144 = arith.constant 1 : i32
        %add3A_145 = arith.addi %add3A_143, %add3A_144 : i32
        %mul3A_146 = arith.constant 40 : i32
        %mul3A_147 = arith.muli %add3A_145, %mul3A_146 : i32
        %add3A_148 = arith.addi %mul3A_2, %mul3A_147 : i32
        "tpu.region"() ({
          %run_scoped3A_176 = tpu.sem_alloc : memref<!tpu.dma_semaphore, #tpu.memory_space<semaphore_mem>>
          %dma_start3A_177 = tpu.memref_slice %arg2[%add3A_148] : memref<320000xi32, #tpu.memory_space<hbm>> -> memref<40xi32, #tpu.memory_space<hbm>>
          %dma_start3A_178 = tpu.memref_slice %arg2[%add3A_148] : memref<320000xi32, #tpu.memory_space<hbm>> -> memref<40xi32, #tpu.memory_space<hbm>>
          tpu.enqueue_dma source(%dma_start3A_178 : memref<40xi32, #tpu.memory_space<hbm>>) target(%run_scoped3A_11 : memref<40xi32, #tpu.memory_space<vmem>>) target_semaphore(%run_scoped3A_176 : memref<!tpu.dma_semaphore, #tpu.memory_space<semaphore_mem>>)
          %dma_wait3A_179 = tpu.memref_slice %arg2[%add3A_148] : memref<320000xi32, #tpu.memory_space<hbm>> -> memref<40xi32, #tpu.memory_space<hbm>>
          %dma_wait3A_180 = tpu.memref_slice %arg2[%add3A_148] : memref<320000xi32, #tpu.memory_space<hbm>> -> memref<40xi32, #tpu.memory_space<hbm>>
          tpu.wait_dma2 semaphore(%run_scoped3A_176 : memref<!tpu.dma_semaphore, #tpu.memory_space<semaphore_mem>>) src(%dma_wait3A_180 : memref<40xi32, #tpu.memory_space<hbm>>) dst(%run_scoped3A_11 : memref<40xi32, #tpu.memory_space<vmem>>)
          tpu.yield
        }) : () -> ()
        "tpu.region"() ({
          %run_scoped3A_176 = tpu.sem_alloc : memref<!tpu.dma_semaphore, #tpu.memory_space<semaphore_mem>>
          %dma_start3A_177 = tpu.memref_slice %arg3[%add3A_148] : memref<320000xi32, #tpu.memory_space<hbm>> -> memref<40xi32, #tpu.memory_space<hbm>>
          %dma_start3A_178 = tpu.memref_slice %arg3[%add3A_148] : memref<320000xi32, #tpu.memory_space<hbm>> -> memref<40xi32, #tpu.memory_space<hbm>>
          tpu.enqueue_dma source(%dma_start3A_178 : memref<40xi32, #tpu.memory_space<hbm>>) target(%run_scoped3A_12 : memref<40xi32, #tpu.memory_space<vmem>>) target_semaphore(%run_scoped3A_176 : memref<!tpu.dma_semaphore, #tpu.memory_space<semaphore_mem>>)
          %dma_wait3A_179 = tpu.memref_slice %arg3[%add3A_148] : memref<320000xi32, #tpu.memory_space<hbm>> -> memref<40xi32, #tpu.memory_space<hbm>>
          %dma_wait3A_180 = tpu.memref_slice %arg3[%add3A_148] : memref<320000xi32, #tpu.memory_space<hbm>> -> memref<40xi32, #tpu.memory_space<hbm>>
          tpu.wait_dma2 semaphore(%run_scoped3A_176 : memref<!tpu.dma_semaphore, #tpu.memory_space<semaphore_mem>>) src(%dma_wait3A_180 : memref<40xi32, #tpu.memory_space<hbm>>) dst(%run_scoped3A_12 : memref<40xi32, #tpu.memory_space<vmem>>)
          tpu.yield
        }) : () -> ()
        "tpu.region"() ({
          %run_scoped3A_176 = tpu.sem_alloc : memref<!tpu.dma_semaphore, #tpu.memory_space<semaphore_mem>>
          %dma_start3A_177 = arith.constant 0 : i32
          %dma_start3A_178 = tpu.memref_slice %arg18[%add3A_148, %dma_start3A_177] : memref<320000x16xf32, #tpu.memory_space<hbm>> -> memref<40x16xf32, #tpu.memory_space<hbm>>
          %dma_start3A_179 = arith.constant 0 : i32
          %dma_start3A_180 = tpu.memref_slice %arg18[%add3A_148, %dma_start3A_179] : memref<320000x16xf32, #tpu.memory_space<hbm>> -> memref<40x16xf32, #tpu.memory_space<hbm>>
          tpu.enqueue_dma source(%dma_start3A_180 : memref<40x16xf32, #tpu.memory_space<hbm>>) target(%run_scoped3A_14 : memref<40x16xf32, #tpu.memory_space<vmem>>) target_semaphore(%run_scoped3A_176 : memref<!tpu.dma_semaphore, #tpu.memory_space<semaphore_mem>>)
          %dma_wait3A_181 = arith.constant 0 : i32
          %dma_wait3A_182 = tpu.memref_slice %arg18[%add3A_148, %dma_wait3A_181] : memref<320000x16xf32, #tpu.memory_space<hbm>> -> memref<40x16xf32, #tpu.memory_space<hbm>>
          %dma_wait3A_183 = arith.constant 0 : i32
          %dma_wait3A_184 = tpu.memref_slice %arg18[%add3A_148, %dma_wait3A_183] : memref<320000x16xf32, #tpu.memory_space<hbm>> -> memref<40x16xf32, #tpu.memory_space<hbm>>
          tpu.wait_dma2 semaphore(%run_scoped3A_176 : memref<!tpu.dma_semaphore, #tpu.memory_space<semaphore_mem>>) src(%dma_wait3A_184 : memref<40x16xf32, #tpu.memory_space<hbm>>) dst(%run_scoped3A_14 : memref<40x16xf32, #tpu.memory_space<vmem>>)
          tpu.yield
        }) : () -> ()
        %dma_start3A_149 = arith.constant 0 : i32
        %dma_start3A_150 = arith.constant 0 : i32
        %dma_start3A_151 = tpu.memref_slice %arg11[%dma_start3A_149, %dma_start3A_150] : memref<10000x128xf32, #tpu.memory_space<hbm>> -> memref<10000x128xf32, #tpu.memory_space<hbm>>
        tpu.enqueue_indirect_dma source(%dma_start3A_151 : memref<10000x128xf32, #tpu.memory_space<hbm>>) target(%run_scoped3A_7 : memref<40x128xf32, #tpu.memory_space<vmem>>) offsets(%run_scoped3A_11 : memref<40xi32, #tpu.memory_space<vmem>>) semaphore(%arg27 : memref<!tpu.dma_semaphore, #tpu.memory_space<semaphore_mem>>)
        %dma_wait3A_152 = arith.constant 0 : i32
        %dma_wait3A_153 = arith.constant 0 : i32
        %dma_wait3A_154 = tpu.memref_slice %arg11[%dma_wait3A_152, %dma_wait3A_153] : memref<10000x128xf32, #tpu.memory_space<hbm>> -> memref<10000x128xf32, #tpu.memory_space<hbm>>
        tpu.wait_indirect_dma semaphore(%arg26 : memref<!tpu.dma_semaphore, #tpu.memory_space<semaphore_mem>>) src(%dma_wait3A_154 : memref<10000x128xf32, #tpu.memory_space<hbm>>) dst(%run_scoped3A_6 : memref<40x128xf32, #tpu.memory_space<vmem>>)
        %parallel_loop3A_155 = arith.constant 0 : i32
        %parallel_loop3A_156 = arith.constant 40 : i32
        %parallel_loop3A_157 = arith.constant 1 : i32
        scf.for %parallel_loop3A_176 = %parallel_loop3A_155 to %parallel_loop3A_156 step %parallel_loop3A_157  : i32 {
          %parallel_loop3A_177 = arith.index_cast %parallel_loop3A_176 : i32 to index
          %parallel_loop3A_178 = arith.constant 0 : index
          %parallel_loop3A_179 = tpu.vector_load %run_scoped3A_13[%parallel_loop3A_177, %parallel_loop3A_178] {strides = array<i32>} : memref<40x16xf32, #tpu.memory_space<vmem>>, vector<1x16xf32>,
          %parallel_loop3A_180 = vector.shape_cast %parallel_loop3A_179 : vector<1x16xf32> to vector<16xf32>
          %parallel_loop3A_181 = arith.index_cast %parallel_loop3A_176 : i32 to index
          %parallel_loop3A_182 = arith.constant 0 : index
          %parallel_loop3A_183 = tpu.vector_load %run_scoped3A_6[%parallel_loop3A_181, %parallel_loop3A_182] {strides = array<i32>} : memref<40x128xf32, #tpu.memory_space<vmem>>, vector<1x16xf32>,
          %parallel_loop3A_184 = vector.shape_cast %parallel_loop3A_183 : vector<1x16xf32> to vector<16xf32>
          %parallel_loop3A_185 = arith.mulf %parallel_loop3A_184, %parallel_loop3A_180 : vector<16xf32>
          %parallel_loop3A_186 = arith.index_cast %parallel_loop3A_176 : i32 to index
          %parallel_loop3A_187 = arith.constant 0 : index
          %parallel_loop3A_188 = tpu.vector_load %run_scoped3A_6[%parallel_loop3A_186, %parallel_loop3A_187] {strides = array<i32>} : memref<40x128xf32, #tpu.memory_space<vmem>>, vector<1x16xf32>,
          %parallel_loop3A_189 = vector.shape_cast %parallel_loop3A_188 : vector<1x16xf32> to vector<16xf32>
          %parallel_loop3A_190 = vector.shape_cast %parallel_loop3A_185 : vector<16xf32> to vector<1x16xf32>
          tpu.vector_store %run_scoped3A_6[%parallel_loop3A_186, %parallel_loop3A_187], %parallel_loop3A_190 {strides = array<i32>} : memref<40x128xf32, #tpu.memory_space<vmem>>, vector<1x16xf32>,
          %parallel_loop3A_191 = arith.index_cast %parallel_loop3A_176 : i32 to index
          %parallel_loop3A_192 = arith.constant 16 : index
          %parallel_loop3A_193 = tpu.vector_load %run_scoped3A_6[%parallel_loop3A_191, %parallel_loop3A_192] {strides = array<i32>} : memref<40x128xf32, #tpu.memory_space<vmem>>, vector<1x16xf32>,
          %parallel_loop3A_194 = vector.shape_cast %parallel_loop3A_193 : vector<1x16xf32> to vector<16xf32>
          %parallel_loop3A_195 = arith.mulf %parallel_loop3A_194, %parallel_loop3A_180 : vector<16xf32>
          %parallel_loop3A_196 = arith.index_cast %parallel_loop3A_176 : i32 to index
          %parallel_loop3A_197 = arith.constant 16 : index
          %parallel_loop3A_198 = tpu.vector_load %run_scoped3A_6[%parallel_loop3A_196, %parallel_loop3A_197] {strides = array<i32>} : memref<40x128xf32, #tpu.memory_space<vmem>>, vector<1x16xf32>,
          %parallel_loop3A_199 = vector.shape_cast %parallel_loop3A_198 : vector<1x16xf32> to vector<16xf32>
          %parallel_loop3A_200 = vector.shape_cast %parallel_loop3A_195 : vector<16xf32> to vector<1x16xf32>
          tpu.vector_store %run_scoped3A_6[%parallel_loop3A_196, %parallel_loop3A_197], %parallel_loop3A_200 {strides = array<i32>} : memref<40x128xf32, #tpu.memory_space<vmem>>, vector<1x16xf32>,
          %parallel_loop3A_201 = arith.index_cast %parallel_loop3A_176 : i32 to index
          %parallel_loop3A_202 = arith.constant 32 : index
          %parallel_loop3A_203 = tpu.vector_load %run_scoped3A_6[%parallel_loop3A_201, %parallel_loop3A_202] {strides = array<i32>} : memref<40x128xf32, #tpu.memory_space<vmem>>, vector<1x16xf32>,
          %parallel_loop3A_204 = vector.shape_cast %parallel_loop3A_203 : vector<1x16xf32> to vector<16xf32>
          %parallel_loop3A_205 = arith.mulf %parallel_loop3A_204, %parallel_loop3A_180 : vector<16xf32>
          %parallel_loop3A_206 = arith.index_cast %parallel_loop3A_176 : i32 to index
          %parallel_loop3A_207 = arith.constant 32 : index
          %parallel_loop3A_208 = tpu.vector_load %run_scoped3A_6[%parallel_loop3A_206, %parallel_loop3A_207] {strides = array<i32>} : memref<40x128xf32, #tpu.memory_space<vmem>>, vector<1x16xf32>,
          %parallel_loop3A_209 = vector.shape_cast %parallel_loop3A_208 : vector<1x16xf32> to vector<16xf32>
          %parallel_loop3A_210 = vector.shape_cast %parallel_loop3A_205 : vector<16xf32> to vector<1x16xf32>
          tpu.vector_store %run_scoped3A_6[%parallel_loop3A_206, %parallel_loop3A_207], %parallel_loop3A_210 {strides = array<i32>} : memref<40x128xf32, #tpu.memory_space<vmem>>, vector<1x16xf32>,
          %parallel_loop3A_211 = arith.index_cast %parallel_loop3A_176 : i32 to index
          %parallel_loop3A_212 = arith.constant 48 : index
          %parallel_loop3A_213 = tpu.vector_load %run_scoped3A_6[%parallel_loop3A_211, %parallel_loop3A_212] {strides = array<i32>} : memref<40x128xf32, #tpu.memory_space<vmem>>, vector<1x16xf32>,
          %parallel_loop3A_214 = vector.shape_cast %parallel_loop3A_213 : vector<1x16xf32> to vector<16xf32>
          %parallel_loop3A_215 = arith.mulf %parallel_loop3A_214, %parallel_loop3A_180 : vector<16xf32>
          %parallel_loop3A_216 = arith.index_cast %parallel_loop3A_176 : i32 to index
          %parallel_loop3A_217 = arith.constant 48 : index
          %parallel_loop3A_218 = tpu.vector_load %run_scoped3A_6[%parallel_loop3A_216, %parallel_loop3A_217] {strides = array<i32>} : memref<40x128xf32, #tpu.memory_space<vmem>>, vector<1x16xf32>,
          %parallel_loop3A_219 = vector.shape_cast %parallel_loop3A_218 : vector<1x16xf32> to vector<16xf32>
          %parallel_loop3A_220 = vector.shape_cast %parallel_loop3A_215 : vector<16xf32> to vector<1x16xf32>
          tpu.vector_store %run_scoped3A_6[%parallel_loop3A_216, %parallel_loop3A_217], %parallel_loop3A_220 {strides = array<i32>} : memref<40x128xf32, #tpu.memory_space<vmem>>, vector<1x16xf32>,
          %parallel_loop3A_221 = arith.index_cast %parallel_loop3A_176 : i32 to index
          %parallel_loop3A_222 = arith.constant 64 : index
          %parallel_loop3A_223 = tpu.vector_load %run_scoped3A_6[%parallel_loop3A_221, %parallel_loop3A_222] {strides = array<i32>} : memref<40x128xf32, #tpu.memory_space<vmem>>, vector<1x16xf32>,
          %parallel_loop3A_224 = vector.shape_cast %parallel_loop3A_223 : vector<1x16xf32> to vector<16xf32>
          %parallel_loop3A_225 = arith.mulf %parallel_loop3A_224, %parallel_loop3A_180 : vector<16xf32>
          %parallel_loop3A_226 = arith.index_cast %parallel_loop3A_176 : i32 to index
          %parallel_loop3A_227 = arith.constant 64 : index
          %parallel_loop3A_228 = tpu.vector_load %run_scoped3A_6[%parallel_loop3A_226, %parallel_loop3A_227] {strides = array<i32>} : memref<40x128xf32, #tpu.memory_space<vmem>>, vector<1x16xf32>,
          %parallel_loop3A_229 = vector.shape_cast %parallel_loop3A_228 : vector<1x16xf32> to vector<16xf32>
          %parallel_loop3A_230 = vector.shape_cast %parallel_loop3A_225 : vector<16xf32> to vector<1x16xf32>
          tpu.vector_store %run_scoped3A_6[%parallel_loop3A_226, %parallel_loop3A_227], %parallel_loop3A_230 {strides = array<i32>} : memref<40x128xf32, #tpu.memory_space<vmem>>, vector<1x16xf32>,
          %parallel_loop3A_231 = arith.index_cast %parallel_loop3A_176 : i32 to index
          %parallel_loop3A_232 = arith.constant 80 : index
          %parallel_loop3A_233 = tpu.vector_load %run_scoped3A_6[%parallel_loop3A_231, %parallel_loop3A_232] {strides = array<i32>} : memref<40x128xf32, #tpu.memory_space<vmem>>, vector<1x16xf32>,
          %parallel_loop3A_234 = vector.shape_cast %parallel_loop3A_233 : vector<1x16xf32> to vector<16xf32>
          %parallel_loop3A_235 = arith.mulf %parallel_loop3A_234, %parallel_loop3A_180 : vector<16xf32>
          %parallel_loop3A_236 = arith.index_cast %parallel_loop3A_176 : i32 to index
          %parallel_loop3A_237 = arith.constant 80 : index
          %parallel_loop3A_238 = tpu.vector_load %run_scoped3A_6[%parallel_loop3A_236, %parallel_loop3A_237] {strides = array<i32>} : memref<40x128xf32, #tpu.memory_space<vmem>>, vector<1x16xf32>,
          %parallel_loop3A_239 = vector.shape_cast %parallel_loop3A_238 : vector<1x16xf32> to vector<16xf32>
          %parallel_loop3A_240 = vector.shape_cast %parallel_loop3A_235 : vector<16xf32> to vector<1x16xf32>
          tpu.vector_store %run_scoped3A_6[%parallel_loop3A_236, %parallel_loop3A_237], %parallel_loop3A_240 {strides = array<i32>} : memref<40x128xf32, #tpu.memory_space<vmem>>, vector<1x16xf32>,
          %parallel_loop3A_241 = arith.index_cast %parallel_loop3A_176 : i32 to index
          %parallel_loop3A_242 = arith.constant 96 : index
          %parallel_loop3A_243 = tpu.vector_load %run_scoped3A_6[%parallel_loop3A_241, %parallel_loop3A_242] {strides = array<i32>} : memref<40x128xf32, #tpu.memory_space<vmem>>, vector<1x16xf32>,
          %parallel_loop3A_244 = vector.shape_cast %parallel_loop3A_243 : vector<1x16xf32> to vector<16xf32>
          %parallel_loop3A_245 = arith.mulf %parallel_loop3A_244, %parallel_loop3A_180 : vector<16xf32>
          %parallel_loop3A_246 = arith.index_cast %parallel_loop3A_176 : i32 to index
          %parallel_loop3A_247 = arith.constant 96 : index
          %parallel_loop3A_248 = tpu.vector_load %run_scoped3A_6[%parallel_loop3A_246, %parallel_loop3A_247] {strides = array<i32>} : memref<40x128xf32, #tpu.memory_space<vmem>>, vector<1x16xf32>,
          %parallel_loop3A_249 = vector.shape_cast %parallel_loop3A_248 : vector<1x16xf32> to vector<16xf32>
          %parallel_loop3A_250 = vector.shape_cast %parallel_loop3A_245 : vector<16xf32> to vector<1x16xf32>
          tpu.vector_store %run_scoped3A_6[%parallel_loop3A_246, %parallel_loop3A_247], %parallel_loop3A_250 {strides = array<i32>} : memref<40x128xf32, #tpu.memory_space<vmem>>, vector<1x16xf32>,
          %parallel_loop3A_251 = arith.index_cast %parallel_loop3A_176 : i32 to index
          %parallel_loop3A_252 = arith.constant 112 : index
          %parallel_loop3A_253 = tpu.vector_load %run_scoped3A_6[%parallel_loop3A_251, %parallel_loop3A_252] {strides = array<i32>} : memref<40x128xf32, #tpu.memory_space<vmem>>, vector<1x16xf32>,
          %parallel_loop3A_254 = vector.shape_cast %parallel_loop3A_253 : vector<1x16xf32> to vector<16xf32>
          %parallel_loop3A_255 = arith.mulf %parallel_loop3A_254, %parallel_loop3A_180 : vector<16xf32>
          %parallel_loop3A_256 = arith.index_cast %parallel_loop3A_176 : i32 to index
          %parallel_loop3A_257 = arith.constant 112 : index
          %parallel_loop3A_258 = tpu.vector_load %run_scoped3A_6[%parallel_loop3A_256, %parallel_loop3A_257] {strides = array<i32>} : memref<40x128xf32, #tpu.memory_space<vmem>>, vector<1x16xf32>,
          %parallel_loop3A_259 = vector.shape_cast %parallel_loop3A_258 : vector<1x16xf32> to vector<16xf32>
          %parallel_loop3A_260 = vector.shape_cast %parallel_loop3A_255 : vector<16xf32> to vector<1x16xf32>
          tpu.vector_store %run_scoped3A_6[%parallel_loop3A_256, %parallel_loop3A_257], %parallel_loop3A_260 {strides = array<i32>} : memref<40x128xf32, #tpu.memory_space<vmem>>, vector<1x16xf32>,
        } {sc.loop_unroll_factor = 1 : i64, sc.parallel_access}
        "tpu.region"() ({
          %run_scoped3A_176 = tpu.sem_alloc : memref<!tpu.dma_semaphore, #tpu.memory_space<semaphore_mem>>
          %dma_start3A_177 = arith.constant 0 : i32
          %dma_start3A_178 = arith.constant 0 : i32
          %dma_start3A_179 = tpu.memref_slice %arg25[%dma_start3A_177, %dma_start3A_178] : memref<10240x128xf32, #tpu.memory_space<vmem_shared>> -> memref<10240x128xf32, #tpu.memory_space<vmem_shared>>
          tpu.enqueue_indirect_dma source(%run_scoped3A_6 : memref<40x128xf32, #tpu.memory_space<vmem>>) target(%dma_start3A_179 : memref<10240x128xf32, #tpu.memory_space<vmem_shared>>) offsets(%run_scoped3A_10 : memref<40xi32, #tpu.memory_space<vmem>>) semaphore(%run_scoped3A_176 : memref<!tpu.dma_semaphore, #tpu.memory_space<semaphore_mem>>) {add = true}
          %dma_wait3A_180 = arith.constant 0 : i32
          %dma_wait3A_181 = arith.constant 0 : i32
          %dma_wait3A_182 = tpu.memref_slice %arg25[%dma_wait3A_180, %dma_wait3A_181] : memref<10240x128xf32, #tpu.memory_space<vmem_shared>> -> memref<10240x128xf32, #tpu.memory_space<vmem_shared>>
          tpu.wait_indirect_dma semaphore(%run_scoped3A_176 : memref<!tpu.dma_semaphore, #tpu.memory_space<semaphore_mem>>) src(%run_scoped3A_6 : memref<40x128xf32, #tpu.memory_space<vmem>>) dst(%dma_wait3A_182 : memref<10240x128xf32, #tpu.memory_space<vmem_shared>>)
          tpu.yield
        }) : () -> ()
        %mul3A_158 = arith.constant 2 : i32
        %mul3A_159 = arith.muli %mul3A_158, %scan3A_139 : i32
        %add3A_160 = arith.constant 1 : i32
        %add3A_161 = arith.addi %mul3A_159, %add3A_160 : i32
        %add3A_162 = arith.constant 1 : i32
        %add3A_163 = arith.addi %add3A_161, %add3A_162 : i32
        %mul3A_164 = arith.constant 40 : i32
        %mul3A_165 = arith.muli %add3A_163, %mul3A_164 : i32
        %add3A_166 = arith.addi %mul3A_2, %mul3A_165 : i32
        "tpu.region"() ({
          %run_scoped3A_176 = tpu.sem_alloc : memref<!tpu.dma_semaphore, #tpu.memory_space<semaphore_mem>>
          %dma_start3A_177 = tpu.memref_slice %arg2[%add3A_166] : memref<320000xi32, #tpu.memory_space<hbm>> -> memref<40xi32, #tpu.memory_space<hbm>>
          %dma_start3A_178 = tpu.memref_slice %arg2[%add3A_166] : memref<320000xi32, #tpu.memory_space<hbm>> -> memref<40xi32, #tpu.memory_space<hbm>>
          tpu.enqueue_dma source(%dma_start3A_178 : memref<40xi32, #tpu.memory_space<hbm>>) target(%run_scoped3A_9 : memref<40xi32, #tpu.memory_space<vmem>>) target_semaphore(%run_scoped3A_176 : memref<!tpu.dma_semaphore, #tpu.memory_space<semaphore_mem>>)
          %dma_wait3A_179 = tpu.memref_slice %arg2[%add3A_166] : memref<320000xi32, #tpu.memory_space<hbm>> -> memref<40xi32, #tpu.memory_space<hbm>>
          %dma_wait3A_180 = tpu.memref_slice %arg2[%add3A_166] : memref<320000xi32, #tpu.memory_space<hbm>> -> memref<40xi32, #tpu.memory_space<hbm>>
          tpu.wait_dma2 semaphore(%run_scoped3A_176 : memref<!tpu.dma_semaphore, #tpu.memory_space<semaphore_mem>>) src(%dma_wait3A_180 : memref<40xi32, #tpu.memory_space<hbm>>) dst(%run_scoped3A_9 : memref<40xi32, #tpu.memory_space<vmem>>)
          tpu.yield
        }) : () -> ()
        "tpu.region"() ({
          %run_scoped3A_176 = tpu.sem_alloc : memref<!tpu.dma_semaphore, #tpu.memory_space<semaphore_mem>>
          %dma_start3A_177 = tpu.memref_slice %arg3[%add3A_166] : memref<320000xi32, #tpu.memory_space<hbm>> -> memref<40xi32, #tpu.memory_space<hbm>>
          %dma_start3A_178 = tpu.memref_slice %arg3[%add3A_166] : memref<320000xi32, #tpu.memory_space<hbm>> -> memref<40xi32, #tpu.memory_space<hbm>>
          tpu.enqueue_dma source(%dma_start3A_178 : memref<40xi32, #tpu.memory_space<hbm>>) target(%run_scoped3A_10 : memref<40xi32, #tpu.memory_space<vmem>>) target_semaphore(%run_scoped3A_176 : memref<!tpu.dma_semaphore, #tpu.memory_space<semaphore_mem>>)
          %dma_wait3A_179 = tpu.memref_slice %arg3[%add3A_166] : memref<320000xi32, #tpu.memory_space<hbm>> -> memref<40xi32, #tpu.memory_space<hbm>>
          %dma_wait3A_180 = tpu.memref_slice %arg3[%add3A_166] : memref<320000xi32, #tpu.memory_space<hbm>> -> memref<40xi32, #tpu.memory_space<hbm>>
          tpu.wait_dma2 semaphore(%run_scoped3A_176 : memref<!tpu.dma_semaphore, #tpu.memory_space<semaphore_mem>>) src(%dma_wait3A_180 : memref<40xi32, #tpu.memory_space<hbm>>) dst(%run_scoped3A_10 : memref<40xi32, #tpu.memory_space<vmem>>)
          tpu.yield
        }) : () -> ()
        "tpu.region"() ({
          %run_scoped3A_176 = tpu.sem_alloc : memref<!tpu.dma_semaphore, #tpu.memory_space<semaphore_mem>>
          %dma_start3A_177 = arith.constant 0 : i32
          %dma_start3A_178 = tpu.memref_slice %arg18[%add3A_166, %dma_start3A_177] : memref<320000x16xf32, #tpu.memory_space<hbm>> -> memref<40x16xf32, #tpu.memory_space<hbm>>
          %dma_start3A_179 = arith.constant 0 : i32
          %dma_start3A_180 = tpu.memref_slice %arg18[%add3A_166, %dma_start3A_179] : memref<320000x16xf32, #tpu.memory_space<hbm>> -> memref<40x16xf32, #tpu.memory_space<hbm>>
          tpu.enqueue_dma source(%dma_start3A_180 : memref<40x16xf32, #tpu.memory_space<hbm>>) target(%run_scoped3A_13 : memref<40x16xf32, #tpu.memory_space<vmem>>) target_semaphore(%run_scoped3A_176 : memref<!tpu.dma_semaphore, #tpu.memory_space<semaphore_mem>>)
          %dma_wait3A_181 = arith.constant 0 : i32
          %dma_wait3A_182 = tpu.memref_slice %arg18[%add3A_166, %dma_wait3A_181] : memref<320000x16xf32, #tpu.memory_space<hbm>> -> memref<40x16xf32, #tpu.memory_space<hbm>>
          %dma_wait3A_183 = arith.constant 0 : i32
          %dma_wait3A_184 = tpu.memref_slice %arg18[%add3A_166, %dma_wait3A_183] : memref<320000x16xf32, #tpu.memory_space<hbm>> -> memref<40x16xf32, #tpu.memory_space<hbm>>
          tpu.wait_dma2 semaphore(%run_scoped3A_176 : memref<!tpu.dma_semaphore, #tpu.memory_space<semaphore_mem>>) src(%dma_wait3A_184 : memref<40x16xf32, #tpu.memory_space<hbm>>) dst(%run_scoped3A_13 : memref<40x16xf32, #tpu.memory_space<vmem>>)
          tpu.yield
        }) : () -> ()
        %dma_start3A_167 = arith.constant 0 : i32
        %dma_start3A_168 = arith.constant 0 : i32
        %dma_start3A_169 = tpu.memref_slice %arg11[%dma_start3A_167, %dma_start3A_168] : memref<10000x128xf32, #tpu.memory_space<hbm>> -> memref<10000x128xf32, #tpu.memory_space<hbm>>
        tpu.enqueue_indirect_dma source(%dma_start3A_169 : memref<10000x128xf32, #tpu.memory_space<hbm>>) target(%run_scoped3A_6 : memref<40x128xf32, #tpu.memory_space<vmem>>) offsets(%run_scoped3A_9 : memref<40xi32, #tpu.memory_space<vmem>>) semaphore(%arg26 : memref<!tpu.dma_semaphore, #tpu.memory_space<semaphore_mem>>)
        %dma_wait3A_170 = arith.constant 0 : i32
        %dma_wait3A_171 = arith.constant 0 : i32
        %dma_wait3A_172 = tpu.memref_slice %arg11[%dma_wait3A_170, %dma_wait3A_171] : memref<10000x128xf32, #tpu.memory_space<hbm>> -> memref<10000x128xf32, #tpu.memory_space<hbm>>
        tpu.wait_indirect_dma semaphore(%arg27 : memref<!tpu.dma_semaphore, #tpu.memory_space<semaphore_mem>>) src(%dma_wait3A_172 : memref<10000x128xf32, #tpu.memory_space<hbm>>) dst(%run_scoped3A_7 : memref<40x128xf32, #tpu.memory_space<vmem>>)
        %parallel_loop3A_173 = arith.constant 0 : i32
        %parallel_loop3A_174 = arith.constant 40 : i32
        %parallel_loop3A_175 = arith.constant 1 : i32
        scf.for %parallel_loop3A_176 = %parallel_loop3A_173 to %parallel_loop3A_174 step %parallel_loop3A_175  : i32 {
          %parallel_loop3A_177 = arith.index_cast %parallel_loop3A_176 : i32 to index
          %parallel_loop3A_178 = arith.constant 0 : index
          %parallel_loop3A_179 = tpu.vector_load %run_scoped3A_14[%parallel_loop3A_177, %parallel_loop3A_178] {strides = array<i32>} : memref<40x16xf32, #tpu.memory_space<vmem>>, vector<1x16xf32>,
          %parallel_loop3A_180 = vector.shape_cast %parallel_loop3A_179 : vector<1x16xf32> to vector<16xf32>
          %parallel_loop3A_181 = arith.index_cast %parallel_loop3A_176 : i32 to index
          %parallel_loop3A_182 = arith.constant 0 : index
          %parallel_loop3A_183 = tpu.vector_load %run_scoped3A_7[%parallel_loop3A_181, %parallel_loop3A_182] {strides = array<i32>} : memref<40x128xf32, #tpu.memory_space<vmem>>, vector<1x16xf32>,
          %parallel_loop3A_184 = vector.shape_cast %parallel_loop3A_183 : vector<1x16xf32> to vector<16xf32>
          %parallel_loop3A_185 = arith.mulf %parallel_loop3A_184, %parallel_loop3A_180 : vector<16xf32>
          %parallel_loop3A_186 = arith.index_cast %parallel_loop3A_176 : i32 to index
          %parallel_loop3A_187 = arith.constant 0 : index
          %parallel_loop3A_188 = tpu.vector_load %run_scoped3A_7[%parallel_loop3A_186, %parallel_loop3A_187] {strides = array<i32>} : memref<40x128xf32, #tpu.memory_space<vmem>>, vector<1x16xf32>,
          %parallel_loop3A_189 = vector.shape_cast %parallel_loop3A_188 : vector<1x16xf32> to vector<16xf32>
          %parallel_loop3A_190 = vector.shape_cast %parallel_loop3A_185 : vector<16xf32> to vector<1x16xf32>
          tpu.vector_store %run_scoped3A_7[%parallel_loop3A_186, %parallel_loop3A_187], %parallel_loop3A_190 {strides = array<i32>} : memref<40x128xf32, #tpu.memory_space<vmem>>, vector<1x16xf32>,
          %parallel_loop3A_191 = arith.index_cast %parallel_loop3A_176 : i32 to index
          %parallel_loop3A_192 = arith.constant 16 : index
          %parallel_loop3A_193 = tpu.vector_load %run_scoped3A_7[%parallel_loop3A_191, %parallel_loop3A_192] {strides = array<i32>} : memref<40x128xf32, #tpu.memory_space<vmem>>, vector<1x16xf32>,
          %parallel_loop3A_194 = vector.shape_cast %parallel_loop3A_193 : vector<1x16xf32> to vector<16xf32>
          %parallel_loop3A_195 = arith.mulf %parallel_loop3A_194, %parallel_loop3A_180 : vector<16xf32>
          %parallel_loop3A_196 = arith.index_cast %parallel_loop3A_176 : i32 to index
          %parallel_loop3A_197 = arith.constant 16 : index
          %parallel_loop3A_198 = tpu.vector_load %run_scoped3A_7[%parallel_loop3A_196, %parallel_loop3A_197] {strides = array<i32>} : memref<40x128xf32, #tpu.memory_space<vmem>>, vector<1x16xf32>,
          %parallel_loop3A_199 = vector.shape_cast %parallel_loop3A_198 : vector<1x16xf32> to vector<16xf32>
          %parallel_loop3A_200 = vector.shape_cast %parallel_loop3A_195 : vector<16xf32> to vector<1x16xf32>
          tpu.vector_store %run_scoped3A_7[%parallel_loop3A_196, %parallel_loop3A_197], %parallel_loop3A_200 {strides = array<i32>} : memref<40x128xf32, #tpu.memory_space<vmem>>, vector<1x16xf32>,
          %parallel_loop3A_201 = arith.index_cast %parallel_loop3A_176 : i32 to index
          %parallel_loop3A_202 = arith.constant 32 : index
          %parallel_loop3A_203 = tpu.vector_load %run_scoped3A_7[%parallel_loop3A_201, %parallel_loop3A_202] {strides = array<i32>} : memref<40x128xf32, #tpu.memory_space<vmem>>, vector<1x16xf32>,
          %parallel_loop3A_204 = vector.shape_cast %parallel_loop3A_203 : vector<1x16xf32> to vector<16xf32>
          %parallel_loop3A_205 = arith.mulf %parallel_loop3A_204, %parallel_loop3A_180 : vector<16xf32>
          %parallel_loop3A_206 = arith.index_cast %parallel_loop3A_176 : i32 to index
          %parallel_loop3A_207 = arith.constant 32 : index
          %parallel_loop3A_208 = tpu.vector_load %run_scoped3A_7[%parallel_loop3A_206, %parallel_loop3A_207] {strides = array<i32>} : memref<40x128xf32, #tpu.memory_space<vmem>>, vector<1x16xf32>,
          %parallel_loop3A_209 = vector.shape_cast %parallel_loop3A_208 : vector<1x16xf32> to vector<16xf32>
          %parallel_loop3A_210 = vector.shape_cast %parallel_loop3A_205 : vector<16xf32> to vector<1x16xf32>
          tpu.vector_store %run_scoped3A_7[%parallel_loop3A_206, %parallel_loop3A_207], %parallel_loop3A_210 {strides = array<i32>} : memref<40x128xf32, #tpu.memory_space<vmem>>, vector<1x16xf32>,
          %parallel_loop3A_211 = arith.index_cast %parallel_loop3A_176 : i32 to index
          %parallel_loop3A_212 = arith.constant 48 : index
          %parallel_loop3A_213 = tpu.vector_load %run_scoped3A_7[%parallel_loop3A_211, %parallel_loop3A_212] {strides = array<i32>} : memref<40x128xf32, #tpu.memory_space<vmem>>, vector<1x16xf32>,
          %parallel_loop3A_214 = vector.shape_cast %parallel_loop3A_213 : vector<1x16xf32> to vector<16xf32>
          %parallel_loop3A_215 = arith.mulf %parallel_loop3A_214, %parallel_loop3A_180 : vector<16xf32>
          %parallel_loop3A_216 = arith.index_cast %parallel_loop3A_176 : i32 to index
          %parallel_loop3A_217 = arith.constant 48 : index
          %parallel_loop3A_218 = tpu.vector_load %run_scoped3A_7[%parallel_loop3A_216, %parallel_loop3A_217] {strides = array<i32>} : memref<40x128xf32, #tpu.memory_space<vmem>>, vector<1x16xf32>,
          %parallel_loop3A_219 = vector.shape_cast %parallel_loop3A_218 : vector<1x16xf32> to vector<16xf32>
          %parallel_loop3A_220 = vector.shape_cast %parallel_loop3A_215 : vector<16xf32> to vector<1x16xf32>
          tpu.vector_store %run_scoped3A_7[%parallel_loop3A_216, %parallel_loop3A_217], %parallel_loop3A_220 {strides = array<i32>} : memref<40x128xf32, #tpu.memory_space<vmem>>, vector<1x16xf32>,
          %parallel_loop3A_221 = arith.index_cast %parallel_loop3A_176 : i32 to index
          %parallel_loop3A_222 = arith.constant 64 : index
          %parallel_loop3A_223 = tpu.vector_load %run_scoped3A_7[%parallel_loop3A_221, %parallel_loop3A_222] {strides = array<i32>} : memref<40x128xf32, #tpu.memory_space<vmem>>, vector<1x16xf32>,
          %parallel_loop3A_224 = vector.shape_cast %parallel_loop3A_223 : vector<1x16xf32> to vector<16xf32>
          %parallel_loop3A_225 = arith.mulf %parallel_loop3A_224, %parallel_loop3A_180 : vector<16xf32>
          %parallel_loop3A_226 = arith.index_cast %parallel_loop3A_176 : i32 to index
          %parallel_loop3A_227 = arith.constant 64 : index
          %parallel_loop3A_228 = tpu.vector_load %run_scoped3A_7[%parallel_loop3A_226, %parallel_loop3A_227] {strides = array<i32>} : memref<40x128xf32, #tpu.memory_space<vmem>>, vector<1x16xf32>,
          %parallel_loop3A_229 = vector.shape_cast %parallel_loop3A_228 : vector<1x16xf32> to vector<16xf32>
          %parallel_loop3A_230 = vector.shape_cast %parallel_loop3A_225 : vector<16xf32> to vector<1x16xf32>
          tpu.vector_store %run_scoped3A_7[%parallel_loop3A_226, %parallel_loop3A_227], %parallel_loop3A_230 {strides = array<i32>} : memref<40x128xf32, #tpu.memory_space<vmem>>, vector<1x16xf32>,
          %parallel_loop3A_231 = arith.index_cast %parallel_loop3A_176 : i32 to index
          %parallel_loop3A_232 = arith.constant 80 : index
          %parallel_loop3A_233 = tpu.vector_load %run_scoped3A_7[%parallel_loop3A_231, %parallel_loop3A_232] {strides = array<i32>} : memref<40x128xf32, #tpu.memory_space<vmem>>, vector<1x16xf32>,
          %parallel_loop3A_234 = vector.shape_cast %parallel_loop3A_233 : vector<1x16xf32> to vector<16xf32>
          %parallel_loop3A_235 = arith.mulf %parallel_loop3A_234, %parallel_loop3A_180 : vector<16xf32>
          %parallel_loop3A_236 = arith.index_cast %parallel_loop3A_176 : i32 to index
          %parallel_loop3A_237 = arith.constant 80 : index
          %parallel_loop3A_238 = tpu.vector_load %run_scoped3A_7[%parallel_loop3A_236, %parallel_loop3A_237] {strides = array<i32>} : memref<40x128xf32, #tpu.memory_space<vmem>>, vector<1x16xf32>,
          %parallel_loop3A_239 = vector.shape_cast %parallel_loop3A_238 : vector<1x16xf32> to vector<16xf32>
          %parallel_loop3A_240 = vector.shape_cast %parallel_loop3A_235 : vector<16xf32> to vector<1x16xf32>
          tpu.vector_store %run_scoped3A_7[%parallel_loop3A_236, %parallel_loop3A_237], %parallel_loop3A_240 {strides = array<i32>} : memref<40x128xf32, #tpu.memory_space<vmem>>, vector<1x16xf32>,
          %parallel_loop3A_241 = arith.index_cast %parallel_loop3A_176 : i32 to index
          %parallel_loop3A_242 = arith.constant 96 : index
          %parallel_loop3A_243 = tpu.vector_load %run_scoped3A_7[%parallel_loop3A_241, %parallel_loop3A_242] {strides = array<i32>} : memref<40x128xf32, #tpu.memory_space<vmem>>, vector<1x16xf32>,
          %parallel_loop3A_244 = vector.shape_cast %parallel_loop3A_243 : vector<1x16xf32> to vector<16xf32>
          %parallel_loop3A_245 = arith.mulf %parallel_loop3A_244, %parallel_loop3A_180 : vector<16xf32>
          %parallel_loop3A_246 = arith.index_cast %parallel_loop3A_176 : i32 to index
          %parallel_loop3A_247 = arith.constant 96 : index
          %parallel_loop3A_248 = tpu.vector_load %run_scoped3A_7[%parallel_loop3A_246, %parallel_loop3A_247] {strides = array<i32>} : memref<40x128xf32, #tpu.memory_space<vmem>>, vector<1x16xf32>,
          %parallel_loop3A_249 = vector.shape_cast %parallel_loop3A_248 : vector<1x16xf32> to vector<16xf32>
          %parallel_loop3A_250 = vector.shape_cast %parallel_loop3A_245 : vector<16xf32> to vector<1x16xf32>
          tpu.vector_store %run_scoped3A_7[%parallel_loop3A_246, %parallel_loop3A_247], %parallel_loop3A_250 {strides = array<i32>} : memref<40x128xf32, #tpu.memory_space<vmem>>, vector<1x16xf32>,
          %parallel_loop3A_251 = arith.index_cast %parallel_loop3A_176 : i32 to index
          %parallel_loop3A_252 = arith.constant 112 : index
          %parallel_loop3A_253 = tpu.vector_load %run_scoped3A_7[%parallel_loop3A_251, %parallel_loop3A_252] {strides = array<i32>} : memref<40x128xf32, #tpu.memory_space<vmem>>, vector<1x16xf32>,
          %parallel_loop3A_254 = vector.shape_cast %parallel_loop3A_253 : vector<1x16xf32> to vector<16xf32>
          %parallel_loop3A_255 = arith.mulf %parallel_loop3A_254, %parallel_loop3A_180 : vector<16xf32>
          %parallel_loop3A_256 = arith.index_cast %parallel_loop3A_176 : i32 to index
          %parallel_loop3A_257 = arith.constant 112 : index
          %parallel_loop3A_258 = tpu.vector_load %run_scoped3A_7[%parallel_loop3A_256, %parallel_loop3A_257] {strides = array<i32>} : memref<40x128xf32, #tpu.memory_space<vmem>>, vector<1x16xf32>,
          %parallel_loop3A_259 = vector.shape_cast %parallel_loop3A_258 : vector<1x16xf32> to vector<16xf32>
          %parallel_loop3A_260 = vector.shape_cast %parallel_loop3A_255 : vector<16xf32> to vector<1x16xf32>
          tpu.vector_store %run_scoped3A_7[%parallel_loop3A_256, %parallel_loop3A_257], %parallel_loop3A_260 {strides = array<i32>} : memref<40x128xf32, #tpu.memory_space<vmem>>, vector<1x16xf32>,
        } {sc.loop_unroll_factor = 1 : i64, sc.parallel_access}
        "tpu.region"() ({
          %run_scoped3A_176 = tpu.sem_alloc : memref<!tpu.dma_semaphore, #tpu.memory_space<semaphore_mem>>
          %dma_start3A_177 = arith.constant 0 : i32
          %dma_start3A_178 = arith.constant 0 : i32
          %dma_start3A_179 = tpu.memref_slice %arg25[%dma_start3A_177, %dma_start3A_178] : memref<10240x128xf32, #tpu.memory_space<vmem_shared>> -> memref<10240x128xf32, #tpu.memory_space<vmem_shared>>
          tpu.enqueue_indirect_dma source(%run_scoped3A_7 : memref<40x128xf32, #tpu.memory_space<vmem>>) target(%dma_start3A_179 : memref<10240x128xf32, #tpu.memory_space<vmem_shared>>) offsets(%run_scoped3A_12 : memref<40xi32, #tpu.memory_space<vmem>>) semaphore(%run_scoped3A_176 : memref<!tpu.dma_semaphore, #tpu.memory_space<semaphore_mem>>) {add = true}
          %dma_wait3A_180 = arith.constant 0 : i32
          %dma_wait3A_181 = arith.constant 0 : i32
          %dma_wait3A_182 = tpu.memref_slice %arg25[%dma_wait3A_180, %dma_wait3A_181] : memref<10240x128xf32, #tpu.memory_space<vmem_shared>> -> memref<10240x128xf32, #tpu.memory_space<vmem_shared>>
          tpu.wait_indirect_dma semaphore(%run_scoped3A_176 : memref<!tpu.dma_semaphore, #tpu.memory_space<semaphore_mem>>) src(%run_scoped3A_7 : memref<40x128xf32, #tpu.memory_space<vmem>>) dst(%dma_wait3A_182 : memref<10240x128xf32, #tpu.memory_space<vmem_shared>>)
          tpu.yield
        }) : () -> ()
      }
      %scan3A_58 = arith.constant 124 : i32
      %add3A_59 = arith.constant 9960 : i32
      %add3A_60 = arith.addi %mul3A_2, %add3A_59 : i32
      "tpu.region"() ({
        %run_scoped3A_139 = tpu.sem_alloc : memref<!tpu.dma_semaphore, #tpu.memory_space<semaphore_mem>>
        %dma_start3A_140 = tpu.memref_slice %arg2[%add3A_60] : memref<320000xi32, #tpu.memory_space<hbm>> -> memref<40xi32, #tpu.memory_space<hbm>>
        %dma_start3A_141 = tpu.memref_slice %arg2[%add3A_60] : memref<320000xi32, #tpu.memory_space<hbm>> -> memref<40xi32, #tpu.memory_space<hbm>>
        tpu.enqueue_dma source(%dma_start3A_141 : memref<40xi32, #tpu.memory_space<hbm>>) target(%run_scoped3A_11 : memref<40xi32, #tpu.memory_space<vmem>>) target_semaphore(%run_scoped3A_139 : memref<!tpu.dma_semaphore, #tpu.memory_space<semaphore_mem>>)
        %dma_wait3A_142 = tpu.memref_slice %arg2[%add3A_60] : memref<320000xi32, #tpu.memory_space<hbm>> -> memref<40xi32, #tpu.memory_space<hbm>>
        %dma_wait3A_143 = tpu.memref_slice %arg2[%add3A_60] : memref<320000xi32, #tpu.memory_space<hbm>> -> memref<40xi32, #tpu.memory_space<hbm>>
        tpu.wait_dma2 semaphore(%run_scoped3A_139 : memref<!tpu.dma_semaphore, #tpu.memory_space<semaphore_mem>>) src(%dma_wait3A_143 : memref<40xi32, #tpu.memory_space<hbm>>) dst(%run_scoped3A_11 : memref<40xi32, #tpu.memory_space<vmem>>)
        tpu.yield
      }) : () -> ()
      "tpu.region"() ({
        %run_scoped3A_139 = tpu.sem_alloc : memref<!tpu.dma_semaphore, #tpu.memory_space<semaphore_mem>>
        %dma_start3A_140 = tpu.memref_slice %arg3[%add3A_60] : memref<320000xi32, #tpu.memory_space<hbm>> -> memref<40xi32, #tpu.memory_space<hbm>>
        %dma_start3A_141 = tpu.memref_slice %arg3[%add3A_60] : memref<320000xi32, #tpu.memory_space<hbm>> -> memref<40xi32, #tpu.memory_space<hbm>>
        tpu.enqueue_dma source(%dma_start3A_141 : memref<40xi32, #tpu.memory_space<hbm>>) target(%run_scoped3A_12 : memref<40xi32, #tpu.memory_space<vmem>>) target_semaphore(%run_scoped3A_139 : memref<!tpu.dma_semaphore, #tpu.memory_space<semaphore_mem>>)
        %dma_wait3A_142 = tpu.memref_slice %arg3[%add3A_60] : memref<320000xi32, #tpu.memory_space<hbm>> -> memref<40xi32, #tpu.memory_space<hbm>>
        %dma_wait3A_143 = tpu.memref_slice %arg3[%add3A_60] : memref<320000xi32, #tpu.memory_space<hbm>> -> memref<40xi32, #tpu.memory_space<hbm>>
        tpu.wait_dma2 semaphore(%run_scoped3A_139 : memref<!tpu.dma_semaphore, #tpu.memory_space<semaphore_mem>>) src(%dma_wait3A_143 : memref<40xi32, #tpu.memory_space<hbm>>) dst(%run_scoped3A_12 : memref<40xi32, #tpu.memory_space<vmem>>)
        tpu.yield
      }) : () -> ()
      "tpu.region"() ({
        %run_scoped3A_139 = tpu.sem_alloc : memref<!tpu.dma_semaphore, #tpu.memory_space<semaphore_mem>>
        %dma_start3A_140 = arith.constant 0 : i32
        %dma_start3A_141 = tpu.memref_slice %arg18[%add3A_60, %dma_start3A_140] : memref<320000x16xf32, #tpu.memory_space<hbm>> -> memref<40x16xf32, #tpu.memory_space<hbm>>
        %dma_start3A_142 = arith.constant 0 : i32
        %dma_start3A_143 = tpu.memref_slice %arg18[%add3A_60, %dma_start3A_142] : memref<320000x16xf32, #tpu.memory_space<hbm>> -> memref<40x16xf32, #tpu.memory_space<hbm>>
        tpu.enqueue_dma source(%dma_start3A_143 : memref<40x16xf32, #tpu.memory_space<hbm>>) target(%run_scoped3A_14 : memref<40x16xf32, #tpu.memory_space<vmem>>) target_semaphore(%run_scoped3A_139 : memref<!tpu.dma_semaphore, #tpu.memory_space<semaphore_mem>>)
        %dma_wait3A_144 = arith.constant 0 : i32
        %dma_wait3A_145 = tpu.memref_slice %arg18[%add3A_60, %dma_wait3A_144] : memref<320000x16xf32, #tpu.memory_space<hbm>> -> memref<40x16xf32, #tpu.memory_space<hbm>>
        %dma_wait3A_146 = arith.constant 0 : i32
        %dma_wait3A_147 = tpu.memref_slice %arg18[%add3A_60, %dma_wait3A_146] : memref<320000x16xf32, #tpu.memory_space<hbm>> -> memref<40x16xf32, #tpu.memory_space<hbm>>
        tpu.wait_dma2 semaphore(%run_scoped3A_139 : memref<!tpu.dma_semaphore, #tpu.memory_space<semaphore_mem>>) src(%dma_wait3A_147 : memref<40x16xf32, #tpu.memory_space<hbm>>) dst(%run_scoped3A_14 : memref<40x16xf32, #tpu.memory_space<vmem>>)
        tpu.yield
      }) : () -> ()
      %dma_start3A_61 = arith.constant 0 : i32
      %dma_start3A_62 = arith.constant 0 : i32
      %dma_start3A_63 = tpu.memref_slice %arg11[%dma_start3A_61, %dma_start3A_62] : memref<10000x128xf32, #tpu.memory_space<hbm>> -> memref<10000x128xf32, #tpu.memory_space<hbm>>
      tpu.enqueue_indirect_dma source(%dma_start3A_63 : memref<10000x128xf32, #tpu.memory_space<hbm>>) target(%run_scoped3A_7 : memref<40x128xf32, #tpu.memory_space<vmem>>) offsets(%run_scoped3A_11 : memref<40xi32, #tpu.memory_space<vmem>>) semaphore(%arg27 : memref<!tpu.dma_semaphore, #tpu.memory_space<semaphore_mem>>)
      %dma_wait3A_64 = arith.constant 0 : i32
      %dma_wait3A_65 = arith.constant 0 : i32
      %dma_wait3A_66 = tpu.memref_slice %arg11[%dma_wait3A_64, %dma_wait3A_65] : memref<10000x128xf32, #tpu.memory_space<hbm>> -> memref<10000x128xf32, #tpu.memory_space<hbm>>
      tpu.wait_indirect_dma semaphore(%arg26 : memref<!tpu.dma_semaphore, #tpu.memory_space<semaphore_mem>>) src(%dma_wait3A_66 : memref<10000x128xf32, #tpu.memory_space<hbm>>) dst(%run_scoped3A_6 : memref<40x128xf32, #tpu.memory_space<vmem>>)
      %parallel_loop3A_67 = arith.constant 0 : i32
      %parallel_loop3A_68 = arith.constant 40 : i32
      %parallel_loop3A_69 = arith.constant 1 : i32
      scf.for %parallel_loop3A_139 = %parallel_loop3A_67 to %parallel_loop3A_68 step %parallel_loop3A_69  : i32 {
        %parallel_loop3A_140 = arith.index_cast %parallel_loop3A_139 : i32 to index
        %parallel_loop3A_141 = arith.constant 0 : index
        %parallel_loop3A_142 = tpu.vector_load %run_scoped3A_13[%parallel_loop3A_140, %parallel_loop3A_141] {strides = array<i32>} : memref<40x16xf32, #tpu.memory_space<vmem>>, vector<1x16xf32>,
        %parallel_loop3A_143 = vector.shape_cast %parallel_loop3A_142 : vector<1x16xf32> to vector<16xf32>
        %parallel_loop3A_144 = arith.index_cast %parallel_loop3A_139 : i32 to index
        %parallel_loop3A_145 = arith.constant 0 : index
        %parallel_loop3A_146 = tpu.vector_load %run_scoped3A_6[%parallel_loop3A_144, %parallel_loop3A_145] {strides = array<i32>} : memref<40x128xf32, #tpu.memory_space<vmem>>, vector<1x16xf32>,
        %parallel_loop3A_147 = vector.shape_cast %parallel_loop3A_146 : vector<1x16xf32> to vector<16xf32>
        %parallel_loop3A_148 = arith.mulf %parallel_loop3A_147, %parallel_loop3A_143 : vector<16xf32>
        %parallel_loop3A_149 = arith.index_cast %parallel_loop3A_139 : i32 to index
        %parallel_loop3A_150 = arith.constant 0 : index
        %parallel_loop3A_151 = tpu.vector_load %run_scoped3A_6[%parallel_loop3A_149, %parallel_loop3A_150] {strides = array<i32>} : memref<40x128xf32, #tpu.memory_space<vmem>>, vector<1x16xf32>,
        %parallel_loop3A_152 = vector.shape_cast %parallel_loop3A_151 : vector<1x16xf32> to vector<16xf32>
        %parallel_loop3A_153 = vector.shape_cast %parallel_loop3A_148 : vector<16xf32> to vector<1x16xf32>
        tpu.vector_store %run_scoped3A_6[%parallel_loop3A_149, %parallel_loop3A_150], %parallel_loop3A_153 {strides = array<i32>} : memref<40x128xf32, #tpu.memory_space<vmem>>, vector<1x16xf32>,
        %parallel_loop3A_154 = arith.index_cast %parallel_loop3A_139 : i32 to index
        %parallel_loop3A_155 = arith.constant 16 : index
        %parallel_loop3A_156 = tpu.vector_load %run_scoped3A_6[%parallel_loop3A_154, %parallel_loop3A_155] {strides = array<i32>} : memref<40x128xf32, #tpu.memory_space<vmem>>, vector<1x16xf32>,
        %parallel_loop3A_157 = vector.shape_cast %parallel_loop3A_156 : vector<1x16xf32> to vector<16xf32>
        %parallel_loop3A_158 = arith.mulf %parallel_loop3A_157, %parallel_loop3A_143 : vector<16xf32>
        %parallel_loop3A_159 = arith.index_cast %parallel_loop3A_139 : i32 to index
        %parallel_loop3A_160 = arith.constant 16 : index
        %parallel_loop3A_161 = tpu.vector_load %run_scoped3A_6[%parallel_loop3A_159, %parallel_loop3A_160] {strides = array<i32>} : memref<40x128xf32, #tpu.memory_space<vmem>>, vector<1x16xf32>,
        %parallel_loop3A_162 = vector.shape_cast %parallel_loop3A_161 : vector<1x16xf32> to vector<16xf32>
        %parallel_loop3A_163 = vector.shape_cast %parallel_loop3A_158 : vector<16xf32> to vector<1x16xf32>
        tpu.vector_store %run_scoped3A_6[%parallel_loop3A_159, %parallel_loop3A_160], %parallel_loop3A_163 {strides = array<i32>} : memref<40x128xf32, #tpu.memory_space<vmem>>, vector<1x16xf32>,
        %parallel_loop3A_164 = arith.index_cast %parallel_loop3A_139 : i32 to index
        %parallel_loop3A_165 = arith.constant 32 : index
        %parallel_loop3A_166 = tpu.vector_load %run_scoped3A_6[%parallel_loop3A_164, %parallel_loop3A_165] {strides = array<i32>} : memref<40x128xf32, #tpu.memory_space<vmem>>, vector<1x16xf32>,
        %parallel_loop3A_167 = vector.shape_cast %parallel_loop3A_166 : vector<1x16xf32> to vector<16xf32>
        %parallel_loop3A_168 = arith.mulf %parallel_loop3A_167, %parallel_loop3A_143 : vector<16xf32>
        %parallel_loop3A_169 = arith.index_cast %parallel_loop3A_139 : i32 to index
        %parallel_loop3A_170 = arith.constant 32 : index
        %parallel_loop3A_171 = tpu.vector_load %run_scoped3A_6[%parallel_loop3A_169, %parallel_loop3A_170] {strides = array<i32>} : memref<40x128xf32, #tpu.memory_space<vmem>>, vector<1x16xf32>,
        %parallel_loop3A_172 = vector.shape_cast %parallel_loop3A_171 : vector<1x16xf32> to vector<16xf32>
        %parallel_loop3A_173 = vector.shape_cast %parallel_loop3A_168 : vector<16xf32> to vector<1x16xf32>
        tpu.vector_store %run_scoped3A_6[%parallel_loop3A_169, %parallel_loop3A_170], %parallel_loop3A_173 {strides = array<i32>} : memref<40x128xf32, #tpu.memory_space<vmem>>, vector<1x16xf32>,
        %parallel_loop3A_174 = arith.index_cast %parallel_loop3A_139 : i32 to index
        %parallel_loop3A_175 = arith.constant 48 : index
        %parallel_loop3A_176 = tpu.vector_load %run_scoped3A_6[%parallel_loop3A_174, %parallel_loop3A_175] {strides = array<i32>} : memref<40x128xf32, #tpu.memory_space<vmem>>, vector<1x16xf32>,
        %parallel_loop3A_177 = vector.shape_cast %parallel_loop3A_176 : vector<1x16xf32> to vector<16xf32>
        %parallel_loop3A_178 = arith.mulf %parallel_loop3A_177, %parallel_loop3A_143 : vector<16xf32>
        %parallel_loop3A_179 = arith.index_cast %parallel_loop3A_139 : i32 to index
        %parallel_loop3A_180 = arith.constant 48 : index
        %parallel_loop3A_181 = tpu.vector_load %run_scoped3A_6[%parallel_loop3A_179, %parallel_loop3A_180] {strides = array<i32>} : memref<40x128xf32, #tpu.memory_space<vmem>>, vector<1x16xf32>,
        %parallel_loop3A_182 = vector.shape_cast %parallel_loop3A_181 : vector<1x16xf32> to vector<16xf32>
        %parallel_loop3A_183 = vector.shape_cast %parallel_loop3A_178 : vector<16xf32> to vector<1x16xf32>
        tpu.vector_store %run_scoped3A_6[%parallel_loop3A_179, %parallel_loop3A_180], %parallel_loop3A_183 {strides = array<i32>} : memref<40x128xf32, #tpu.memory_space<vmem>>, vector<1x16xf32>,
        %parallel_loop3A_184 = arith.index_cast %parallel_loop3A_139 : i32 to index
        %parallel_loop3A_185 = arith.constant 64 : index
        %parallel_loop3A_186 = tpu.vector_load %run_scoped3A_6[%parallel_loop3A_184, %parallel_loop3A_185] {strides = array<i32>} : memref<40x128xf32, #tpu.memory_space<vmem>>, vector<1x16xf32>,
        %parallel_loop3A_187 = vector.shape_cast %parallel_loop3A_186 : vector<1x16xf32> to vector<16xf32>
        %parallel_loop3A_188 = arith.mulf %parallel_loop3A_187, %parallel_loop3A_143 : vector<16xf32>
        %parallel_loop3A_189 = arith.index_cast %parallel_loop3A_139 : i32 to index
        %parallel_loop3A_190 = arith.constant 64 : index
        %parallel_loop3A_191 = tpu.vector_load %run_scoped3A_6[%parallel_loop3A_189, %parallel_loop3A_190] {strides = array<i32>} : memref<40x128xf32, #tpu.memory_space<vmem>>, vector<1x16xf32>,
        %parallel_loop3A_192 = vector.shape_cast %parallel_loop3A_191 : vector<1x16xf32> to vector<16xf32>
        %parallel_loop3A_193 = vector.shape_cast %parallel_loop3A_188 : vector<16xf32> to vector<1x16xf32>
        tpu.vector_store %run_scoped3A_6[%parallel_loop3A_189, %parallel_loop3A_190], %parallel_loop3A_193 {strides = array<i32>} : memref<40x128xf32, #tpu.memory_space<vmem>>, vector<1x16xf32>,
        %parallel_loop3A_194 = arith.index_cast %parallel_loop3A_139 : i32 to index
        %parallel_loop3A_195 = arith.constant 80 : index
        %parallel_loop3A_196 = tpu.vector_load %run_scoped3A_6[%parallel_loop3A_194, %parallel_loop3A_195] {strides = array<i32>} : memref<40x128xf32, #tpu.memory_space<vmem>>, vector<1x16xf32>,
        %parallel_loop3A_197 = vector.shape_cast %parallel_loop3A_196 : vector<1x16xf32> to vector<16xf32>
        %parallel_loop3A_198 = arith.mulf %parallel_loop3A_197, %parallel_loop3A_143 : vector<16xf32>
        %parallel_loop3A_199 = arith.index_cast %parallel_loop3A_139 : i32 to index
        %parallel_loop3A_200 = arith.constant 80 : index
        %parallel_loop3A_201 = tpu.vector_load %run_scoped3A_6[%parallel_loop3A_199, %parallel_loop3A_200] {strides = array<i32>} : memref<40x128xf32, #tpu.memory_space<vmem>>, vector<1x16xf32>,
        %parallel_loop3A_202 = vector.shape_cast %parallel_loop3A_201 : vector<1x16xf32> to vector<16xf32>
        %parallel_loop3A_203 = vector.shape_cast %parallel_loop3A_198 : vector<16xf32> to vector<1x16xf32>
        tpu.vector_store %run_scoped3A_6[%parallel_loop3A_199, %parallel_loop3A_200], %parallel_loop3A_203 {strides = array<i32>} : memref<40x128xf32, #tpu.memory_space<vmem>>, vector<1x16xf32>,
        %parallel_loop3A_204 = arith.index_cast %parallel_loop3A_139 : i32 to index
        %parallel_loop3A_205 = arith.constant 96 : index
        %parallel_loop3A_206 = tpu.vector_load %run_scoped3A_6[%parallel_loop3A_204, %parallel_loop3A_205] {strides = array<i32>} : memref<40x128xf32, #tpu.memory_space<vmem>>, vector<1x16xf32>,
        %parallel_loop3A_207 = vector.shape_cast %parallel_loop3A_206 : vector<1x16xf32> to vector<16xf32>
        %parallel_loop3A_208 = arith.mulf %parallel_loop3A_207, %parallel_loop3A_143 : vector<16xf32>
        %parallel_loop3A_209 = arith.index_cast %parallel_loop3A_139 : i32 to index
        %parallel_loop3A_210 = arith.constant 96 : index
        %parallel_loop3A_211 = tpu.vector_load %run_scoped3A_6[%parallel_loop3A_209, %parallel_loop3A_210] {strides = array<i32>} : memref<40x128xf32, #tpu.memory_space<vmem>>, vector<1x16xf32>,
        %parallel_loop3A_212 = vector.shape_cast %parallel_loop3A_211 : vector<1x16xf32> to vector<16xf32>
        %parallel_loop3A_213 = vector.shape_cast %parallel_loop3A_208 : vector<16xf32> to vector<1x16xf32>
        tpu.vector_store %run_scoped3A_6[%parallel_loop3A_209, %parallel_loop3A_210], %parallel_loop3A_213 {strides = array<i32>} : memref<40x128xf32, #tpu.memory_space<vmem>>, vector<1x16xf32>,
        %parallel_loop3A_214 = arith.index_cast %parallel_loop3A_139 : i32 to index
        %parallel_loop3A_215 = arith.constant 112 : index
        %parallel_loop3A_216 = tpu.vector_load %run_scoped3A_6[%parallel_loop3A_214, %parallel_loop3A_215] {strides = array<i32>} : memref<40x128xf32, #tpu.memory_space<vmem>>, vector<1x16xf32>,
        %parallel_loop3A_217 = vector.shape_cast %parallel_loop3A_216 : vector<1x16xf32> to vector<16xf32>
        %parallel_loop3A_218 = arith.mulf %parallel_loop3A_217, %parallel_loop3A_143 : vector<16xf32>
        %parallel_loop3A_219 = arith.index_cast %parallel_loop3A_139 : i32 to index
        %parallel_loop3A_220 = arith.constant 112 : index
        %parallel_loop3A_221 = tpu.vector_load %run_scoped3A_6[%parallel_loop3A_219, %parallel_loop3A_220] {strides = array<i32>} : memref<40x128xf32, #tpu.memory_space<vmem>>, vector<1x16xf32>,
        %parallel_loop3A_222 = vector.shape_cast %parallel_loop3A_221 : vector<1x16xf32> to vector<16xf32>
        %parallel_loop3A_223 = vector.shape_cast %parallel_loop3A_218 : vector<16xf32> to vector<1x16xf32>
        tpu.vector_store %run_scoped3A_6[%parallel_loop3A_219, %parallel_loop3A_220], %parallel_loop3A_223 {strides = array<i32>} : memref<40x128xf32, #tpu.memory_space<vmem>>, vector<1x16xf32>,
      } {sc.loop_unroll_factor = 1 : i64, sc.parallel_access}
      "tpu.region"() ({
        %run_scoped3A_139 = tpu.sem_alloc : memref<!tpu.dma_semaphore, #tpu.memory_space<semaphore_mem>>
        %dma_start3A_140 = arith.constant 0 : i32
        %dma_start3A_141 = arith.constant 0 : i32
        %dma_start3A_142 = tpu.memref_slice %arg25[%dma_start3A_140, %dma_start3A_141] : memref<10240x128xf32, #tpu.memory_space<vmem_shared>> -> memref<10240x128xf32, #tpu.memory_space<vmem_shared>>
        tpu.enqueue_indirect_dma source(%run_scoped3A_6 : memref<40x128xf32, #tpu.memory_space<vmem>>) target(%dma_start3A_142 : memref<10240x128xf32, #tpu.memory_space<vmem_shared>>) offsets(%run_scoped3A_10 : memref<40xi32, #tpu.memory_space<vmem>>) semaphore(%run_scoped3A_139 : memref<!tpu.dma_semaphore, #tpu.memory_space<semaphore_mem>>) {add = true}
        %dma_wait3A_143 = arith.constant 0 : i32
        %dma_wait3A_144 = arith.constant 0 : i32
        %dma_wait3A_145 = tpu.memref_slice %arg25[%dma_wait3A_143, %dma_wait3A_144] : memref<10240x128xf32, #tpu.memory_space<vmem_shared>> -> memref<10240x128xf32, #tpu.memory_space<vmem_shared>>
        tpu.wait_indirect_dma semaphore(%run_scoped3A_139 : memref<!tpu.dma_semaphore, #tpu.memory_space<semaphore_mem>>) src(%run_scoped3A_6 : memref<40x128xf32, #tpu.memory_space<vmem>>) dst(%dma_wait3A_145 : memref<10240x128xf32, #tpu.memory_space<vmem_shared>>)
        tpu.yield
      }) : () -> ()
      %dma_wait3A_70 = arith.constant 0 : i32
      %dma_wait3A_71 = arith.constant 0 : i32
      %dma_wait3A_72 = tpu.memref_slice %arg11[%dma_wait3A_70, %dma_wait3A_71] : memref<10000x128xf32, #tpu.memory_space<hbm>> -> memref<10000x128xf32, #tpu.memory_space<hbm>>
      tpu.wait_indirect_dma semaphore(%arg27 : memref<!tpu.dma_semaphore, #tpu.memory_space<semaphore_mem>>) src(%dma_wait3A_72 : memref<10000x128xf32, #tpu.memory_space<hbm>>) dst(%run_scoped3A_7 : memref<40x128xf32, #tpu.memory_space<vmem>>)
      %parallel_loop3A_73 = arith.constant 0 : i32
      %parallel_loop3A_74 = arith.constant 40 : i32
      %parallel_loop3A_75 = arith.constant 1 : i32
      scf.for %parallel_loop3A_139 = %parallel_loop3A_73 to %parallel_loop3A_74 step %parallel_loop3A_75  : i32 {
        %parallel_loop3A_140 = arith.index_cast %parallel_loop3A_139 : i32 to index
        %parallel_loop3A_141 = arith.constant 0 : index
        %parallel_loop3A_142 = tpu.vector_load %run_scoped3A_14[%parallel_loop3A_140, %parallel_loop3A_141] {strides = array<i32>} : memref<40x16xf32, #tpu.memory_space<vmem>>, vector<1x16xf32>,
        %parallel_loop3A_143 = vector.shape_cast %parallel_loop3A_142 : vector<1x16xf32> to vector<16xf32>
        %parallel_loop3A_144 = arith.index_cast %parallel_loop3A_139 : i32 to index
        %parallel_loop3A_145 = arith.constant 0 : index
        %parallel_loop3A_146 = tpu.vector_load %run_scoped3A_7[%parallel_loop3A_144, %parallel_loop3A_145] {strides = array<i32>} : memref<40x128xf32, #tpu.memory_space<vmem>>, vector<1x16xf32>,
        %parallel_loop3A_147 = vector.shape_cast %parallel_loop3A_146 : vector<1x16xf32> to vector<16xf32>
        %parallel_loop3A_148 = arith.mulf %parallel_loop3A_147, %parallel_loop3A_143 : vector<16xf32>
        %parallel_loop3A_149 = arith.index_cast %parallel_loop3A_139 : i32 to index
        %parallel_loop3A_150 = arith.constant 0 : index
        %parallel_loop3A_151 = tpu.vector_load %run_scoped3A_7[%parallel_loop3A_149, %parallel_loop3A_150] {strides = array<i32>} : memref<40x128xf32, #tpu.memory_space<vmem>>, vector<1x16xf32>,
        %parallel_loop3A_152 = vector.shape_cast %parallel_loop3A_151 : vector<1x16xf32> to vector<16xf32>
        %parallel_loop3A_153 = vector.shape_cast %parallel_loop3A_148 : vector<16xf32> to vector<1x16xf32>
        tpu.vector_store %run_scoped3A_7[%parallel_loop3A_149, %parallel_loop3A_150], %parallel_loop3A_153 {strides = array<i32>} : memref<40x128xf32, #tpu.memory_space<vmem>>, vector<1x16xf32>,
        %parallel_loop3A_154 = arith.index_cast %parallel_loop3A_139 : i32 to index
        %parallel_loop3A_155 = arith.constant 16 : index
        %parallel_loop3A_156 = tpu.vector_load %run_scoped3A_7[%parallel_loop3A_154, %parallel_loop3A_155] {strides = array<i32>} : memref<40x128xf32, #tpu.memory_space<vmem>>, vector<1x16xf32>,
        %parallel_loop3A_157 = vector.shape_cast %parallel_loop3A_156 : vector<1x16xf32> to vector<16xf32>
        %parallel_loop3A_158 = arith.mulf %parallel_loop3A_157, %parallel_loop3A_143 : vector<16xf32>
        %parallel_loop3A_159 = arith.index_cast %parallel_loop3A_139 : i32 to index
        %parallel_loop3A_160 = arith.constant 16 : index
        %parallel_loop3A_161 = tpu.vector_load %run_scoped3A_7[%parallel_loop3A_159, %parallel_loop3A_160] {strides = array<i32>} : memref<40x128xf32, #tpu.memory_space<vmem>>, vector<1x16xf32>,
        %parallel_loop3A_162 = vector.shape_cast %parallel_loop3A_161 : vector<1x16xf32> to vector<16xf32>
        %parallel_loop3A_163 = vector.shape_cast %parallel_loop3A_158 : vector<16xf32> to vector<1x16xf32>
        tpu.vector_store %run_scoped3A_7[%parallel_loop3A_159, %parallel_loop3A_160], %parallel_loop3A_163 {strides = array<i32>} : memref<40x128xf32, #tpu.memory_space<vmem>>, vector<1x16xf32>,
        %parallel_loop3A_164 = arith.index_cast %parallel_loop3A_139 : i32 to index
        %parallel_loop3A_165 = arith.constant 32 : index
        %parallel_loop3A_166 = tpu.vector_load %run_scoped3A_7[%parallel_loop3A_164, %parallel_loop3A_165] {strides = array<i32>} : memref<40x128xf32, #tpu.memory_space<vmem>>, vector<1x16xf32>,
        %parallel_loop3A_167 = vector.shape_cast %parallel_loop3A_166 : vector<1x16xf32> to vector<16xf32>
        %parallel_loop3A_168 = arith.mulf %parallel_loop3A_167, %parallel_loop3A_143 : vector<16xf32>
        %parallel_loop3A_169 = arith.index_cast %parallel_loop3A_139 : i32 to index
        %parallel_loop3A_170 = arith.constant 32 : index
        %parallel_loop3A_171 = tpu.vector_load %run_scoped3A_7[%parallel_loop3A_169, %parallel_loop3A_170] {strides = array<i32>} : memref<40x128xf32, #tpu.memory_space<vmem>>, vector<1x16xf32>,
        %parallel_loop3A_172 = vector.shape_cast %parallel_loop3A_171 : vector<1x16xf32> to vector<16xf32>
        %parallel_loop3A_173 = vector.shape_cast %parallel_loop3A_168 : vector<16xf32> to vector<1x16xf32>
        tpu.vector_store %run_scoped3A_7[%parallel_loop3A_169, %parallel_loop3A_170], %parallel_loop3A_173 {strides = array<i32>} : memref<40x128xf32, #tpu.memory_space<vmem>>, vector<1x16xf32>,
        %parallel_loop3A_174 = arith.index_cast %parallel_loop3A_139 : i32 to index
        %parallel_loop3A_175 = arith.constant 48 : index
        %parallel_loop3A_176 = tpu.vector_load %run_scoped3A_7[%parallel_loop3A_174, %parallel_loop3A_175] {strides = array<i32>} : memref<40x128xf32, #tpu.memory_space<vmem>>, vector<1x16xf32>,
        %parallel_loop3A_177 = vector.shape_cast %parallel_loop3A_176 : vector<1x16xf32> to vector<16xf32>
        %parallel_loop3A_178 = arith.mulf %parallel_loop3A_177, %parallel_loop3A_143 : vector<16xf32>
        %parallel_loop3A_179 = arith.index_cast %parallel_loop3A_139 : i32 to index
        %parallel_loop3A_180 = arith.constant 48 : index
        %parallel_loop3A_181 = tpu.vector_load %run_scoped3A_7[%parallel_loop3A_179, %parallel_loop3A_180] {strides = array<i32>} : memref<40x128xf32, #tpu.memory_space<vmem>>, vector<1x16xf32>,
        %parallel_loop3A_182 = vector.shape_cast %parallel_loop3A_181 : vector<1x16xf32> to vector<16xf32>
        %parallel_loop3A_183 = vector.shape_cast %parallel_loop3A_178 : vector<16xf32> to vector<1x16xf32>
        tpu.vector_store %run_scoped3A_7[%parallel_loop3A_179, %parallel_loop3A_180], %parallel_loop3A_183 {strides = array<i32>} : memref<40x128xf32, #tpu.memory_space<vmem>>, vector<1x16xf32>,
        %parallel_loop3A_184 = arith.index_cast %parallel_loop3A_139 : i32 to index
        %parallel_loop3A_185 = arith.constant 64 : index
        %parallel_loop3A_186 = tpu.vector_load %run_scoped3A_7[%parallel_loop3A_184, %parallel_loop3A_185] {strides = array<i32>} : memref<40x128xf32, #tpu.memory_space<vmem>>, vector<1x16xf32>,
        %parallel_loop3A_187 = vector.shape_cast %parallel_loop3A_186 : vector<1x16xf32> to vector<16xf32>
        %parallel_loop3A_188 = arith.mulf %parallel_loop3A_187, %parallel_loop3A_143 : vector<16xf32>
        %parallel_loop3A_189 = arith.index_cast %parallel_loop3A_139 : i32 to index
        %parallel_loop3A_190 = arith.constant 64 : index
        %parallel_loop3A_191 = tpu.vector_load %run_scoped3A_7[%parallel_loop3A_189, %parallel_loop3A_190] {strides = array<i32>} : memref<40x128xf32, #tpu.memory_space<vmem>>, vector<1x16xf32>,
        %parallel_loop3A_192 = vector.shape_cast %parallel_loop3A_191 : vector<1x16xf32> to vector<16xf32>
        %parallel_loop3A_193 = vector.shape_cast %parallel_loop3A_188 : vector<16xf32> to vector<1x16xf32>
        tpu.vector_store %run_scoped3A_7[%parallel_loop3A_189, %parallel_loop3A_190], %parallel_loop3A_193 {strides = array<i32>} : memref<40x128xf32, #tpu.memory_space<vmem>>, vector<1x16xf32>,
        %parallel_loop3A_194 = arith.index_cast %parallel_loop3A_139 : i32 to index
        %parallel_loop3A_195 = arith.constant 80 : index
        %parallel_loop3A_196 = tpu.vector_load %run_scoped3A_7[%parallel_loop3A_194, %parallel_loop3A_195] {strides = array<i32>} : memref<40x128xf32, #tpu.memory_space<vmem>>, vector<1x16xf32>,
        %parallel_loop3A_197 = vector.shape_cast %parallel_loop3A_196 : vector<1x16xf32> to vector<16xf32>
        %parallel_loop3A_198 = arith.mulf %parallel_loop3A_197, %parallel_loop3A_143 : vector<16xf32>
        %parallel_loop3A_199 = arith.index_cast %parallel_loop3A_139 : i32 to index
        %parallel_loop3A_200 = arith.constant 80 : index
        %parallel_loop3A_201 = tpu.vector_load %run_scoped3A_7[%parallel_loop3A_199, %parallel_loop3A_200] {strides = array<i32>} : memref<40x128xf32, #tpu.memory_space<vmem>>, vector<1x16xf32>,
        %parallel_loop3A_202 = vector.shape_cast %parallel_loop3A_201 : vector<1x16xf32> to vector<16xf32>
        %parallel_loop3A_203 = vector.shape_cast %parallel_loop3A_198 : vector<16xf32> to vector<1x16xf32>
        tpu.vector_store %run_scoped3A_7[%parallel_loop3A_199, %parallel_loop3A_200], %parallel_loop3A_203 {strides = array<i32>} : memref<40x128xf32, #tpu.memory_space<vmem>>, vector<1x16xf32>,
        %parallel_loop3A_204 = arith.index_cast %parallel_loop3A_139 : i32 to index
        %parallel_loop3A_205 = arith.constant 96 : index
        %parallel_loop3A_206 = tpu.vector_load %run_scoped3A_7[%parallel_loop3A_204, %parallel_loop3A_205] {strides = array<i32>} : memref<40x128xf32, #tpu.memory_space<vmem>>, vector<1x16xf32>,
        %parallel_loop3A_207 = vector.shape_cast %parallel_loop3A_206 : vector<1x16xf32> to vector<16xf32>
        %parallel_loop3A_208 = arith.mulf %parallel_loop3A_207, %parallel_loop3A_143 : vector<16xf32>
        %parallel_loop3A_209 = arith.index_cast %parallel_loop3A_139 : i32 to index
        %parallel_loop3A_210 = arith.constant 96 : index
        %parallel_loop3A_211 = tpu.vector_load %run_scoped3A_7[%parallel_loop3A_209, %parallel_loop3A_210] {strides = array<i32>} : memref<40x128xf32, #tpu.memory_space<vmem>>, vector<1x16xf32>,
        %parallel_loop3A_212 = vector.shape_cast %parallel_loop3A_211 : vector<1x16xf32> to vector<16xf32>
        %parallel_loop3A_213 = vector.shape_cast %parallel_loop3A_208 : vector<16xf32> to vector<1x16xf32>
        tpu.vector_store %run_scoped3A_7[%parallel_loop3A_209, %parallel_loop3A_210], %parallel_loop3A_213 {strides = array<i32>} : memref<40x128xf32, #tpu.memory_space<vmem>>, vector<1x16xf32>,
        %parallel_loop3A_214 = arith.index_cast %parallel_loop3A_139 : i32 to index
        %parallel_loop3A_215 = arith.constant 112 : index
        %parallel_loop3A_216 = tpu.vector_load %run_scoped3A_7[%parallel_loop3A_214, %parallel_loop3A_215] {strides = array<i32>} : memref<40x128xf32, #tpu.memory_space<vmem>>, vector<1x16xf32>,
        %parallel_loop3A_217 = vector.shape_cast %parallel_loop3A_216 : vector<1x16xf32> to vector<16xf32>
        %parallel_loop3A_218 = arith.mulf %parallel_loop3A_217, %parallel_loop3A_143 : vector<16xf32>
        %parallel_loop3A_219 = arith.index_cast %parallel_loop3A_139 : i32 to index
        %parallel_loop3A_220 = arith.constant 112 : index
        %parallel_loop3A_221 = tpu.vector_load %run_scoped3A_7[%parallel_loop3A_219, %parallel_loop3A_220] {strides = array<i32>} : memref<40x128xf32, #tpu.memory_space<vmem>>, vector<1x16xf32>,
        %parallel_loop3A_222 = vector.shape_cast %parallel_loop3A_221 : vector<1x16xf32> to vector<16xf32>
        %parallel_loop3A_223 = vector.shape_cast %parallel_loop3A_218 : vector<16xf32> to vector<1x16xf32>
        tpu.vector_store %run_scoped3A_7[%parallel_loop3A_219, %parallel_loop3A_220], %parallel_loop3A_223 {strides = array<i32>} : memref<40x128xf32, #tpu.memory_space<vmem>>, vector<1x16xf32>,
      } {sc.loop_unroll_factor = 1 : i64, sc.parallel_access}
      "tpu.region"() ({
        %run_scoped3A_139 = tpu.sem_alloc : memref<!tpu.dma_semaphore, #tpu.memory_space<semaphore_mem>>
        %dma_start3A_140 = arith.constant 0 : i32
        %dma_start3A_141 = arith.constant 0 : i32
        %dma_start3A_142 = tpu.memref_slice %arg25[%dma_start3A_140, %dma_start3A_141] : memref<10240x128xf32, #tpu.memory_space<vmem_shared>> -> memref<10240x128xf32, #tpu.memory_space<vmem_shared>>
        tpu.enqueue_indirect_dma source(%run_scoped3A_7 : memref<40x128xf32, #tpu.memory_space<vmem>>) target(%dma_start3A_142 : memref<10240x128xf32, #tpu.memory_space<vmem_shared>>) offsets(%run_scoped3A_12 : memref<40xi32, #tpu.memory_space<vmem>>) semaphore(%run_scoped3A_139 : memref<!tpu.dma_semaphore, #tpu.memory_space<semaphore_mem>>) {add = true}
        %dma_wait3A_143 = arith.constant 0 : i32
        %dma_wait3A_144 = arith.constant 0 : i32
        %dma_wait3A_145 = tpu.memref_slice %arg25[%dma_wait3A_143, %dma_wait3A_144] : memref<10240x128xf32, #tpu.memory_space<vmem_shared>> -> memref<10240x128xf32, #tpu.memory_space<vmem_shared>>
        tpu.wait_indirect_dma semaphore(%run_scoped3A_139 : memref<!tpu.dma_semaphore, #tpu.memory_space<semaphore_mem>>) src(%run_scoped3A_7 : memref<40x128xf32, #tpu.memory_space<vmem>>) dst(%dma_wait3A_145 : memref<10240x128xf32, #tpu.memory_space<vmem_shared>>)
        tpu.yield
      }) : () -> ()
      %barrier3A_76 = arith.constant 0 : index
      tpu.barrier barrier_id(%barrier3A_76)
      %run_scoped3A_77 = arith.constant 1 : i32
      "tpu.region"() ({
        %run_scoped3A_139 = tpu.sem_alloc : memref<!tpu.dma_semaphore, #tpu.memory_space<semaphore_mem>>
        %dma_start3A_140 = arith.constant 0 : i32
        %dma_start3A_141 = tpu.memref_slice %arg17[%run_scoped3A_77, %arg0, %mul3A_4, %dma_start3A_140] : memref<4x2x10240x128xf32, #tpu.memory_space<hbm>> -> memref<1x1x640x128xf32, #tpu.memory_space<hbm>>
        %dma_start3A_142 = tpu.memref_squeeze %dma_start3A_141 : memref<1x1x640x128xf32, #tpu.memory_space<hbm>> -> memref<640x128xf32, #tpu.memory_space<hbm>>
        %dma_start3A_143 = arith.constant 0 : i32
        %dma_start3A_144 = tpu.memref_slice %arg25[%mul3A_4, %dma_start3A_143] : memref<10240x128xf32, #tpu.memory_space<vmem_shared>> -> memref<640x128xf32, #tpu.memory_space<vmem_shared>>
        tpu.enqueue_dma source(%dma_start3A_144 : memref<640x128xf32, #tpu.memory_space<vmem_shared>>) target(%dma_start3A_142 : memref<640x128xf32, #tpu.memory_space<hbm>>) target_semaphore(%run_scoped3A_139 : memref<!tpu.dma_semaphore, #tpu.memory_space<semaphore_mem>>)
        %dma_wait3A_145 = arith.constant 0 : i32
        %dma_wait3A_146 = tpu.memref_slice %arg17[%run_scoped3A_77, %arg0, %mul3A_4, %dma_wait3A_145] : memref<4x2x10240x128xf32, #tpu.memory_space<hbm>> -> memref<1x1x640x128xf32, #tpu.memory_space<hbm>>
        %dma_wait3A_147 = tpu.memref_squeeze %dma_wait3A_146 : memref<1x1x640x128xf32, #tpu.memory_space<hbm>> -> memref<640x128xf32, #tpu.memory_space<hbm>>
        %dma_wait3A_148 = arith.constant 0 : i32
        %dma_wait3A_149 = tpu.memref_slice %arg25[%mul3A_4, %dma_wait3A_148] : memref<10240x128xf32, #tpu.memory_space<vmem_shared>> -> memref<640x128xf32, #tpu.memory_space<vmem_shared>>
        tpu.wait_dma2 semaphore(%run_scoped3A_139 : memref<!tpu.dma_semaphore, #tpu.memory_space<semaphore_mem>>) src(%dma_wait3A_149 : memref<640x128xf32, #tpu.memory_space<vmem_shared>>) dst(%dma_wait3A_147 : memref<640x128xf32, #tpu.memory_space<hbm>>)
        tpu.yield
      }) : () -> ()
      %barrier3A_78 = arith.constant 0 : index
      tpu.barrier barrier_id(%barrier3A_78)
      "tpu.region"() ({
        %run_scoped3A_139 = tpu.sem_alloc : memref<!tpu.dma_semaphore, #tpu.memory_space<semaphore_mem>>
        %dma_start3A_140 = arith.constant 0 : i32
        %dma_start3A_141 = tpu.memref_slice %arg25[%mul3A_4, %dma_start3A_140] : memref<10240x128xf32, #tpu.memory_space<vmem_shared>> -> memref<640x128xf32, #tpu.memory_space<vmem_shared>>
        tpu.enqueue_dma source(%arg15 : memref<640x128xf32, #tpu.memory_space<hbm>>) target(%dma_start3A_141 : memref<640x128xf32, #tpu.memory_space<vmem_shared>>) target_semaphore(%run_scoped3A_139 : memref<!tpu.dma_semaphore, #tpu.memory_space<semaphore_mem>>)
        %dma_wait3A_142 = arith.constant 0 : i32
        %dma_wait3A_143 = tpu.memref_slice %arg25[%mul3A_4, %dma_wait3A_142] : memref<10240x128xf32, #tpu.memory_space<vmem_shared>> -> memref<640x128xf32, #tpu.memory_space<vmem_shared>>
        tpu.wait_dma2 semaphore(%run_scoped3A_139 : memref<!tpu.dma_semaphore, #tpu.memory_space<semaphore_mem>>) src(%arg15 : memref<640x128xf32, #tpu.memory_space<hbm>>) dst(%dma_wait3A_143 : memref<640x128xf32, #tpu.memory_space<vmem_shared>>)
        tpu.yield
      }) : () -> ()
      %barrier3A_79 = arith.constant 0 : index
      tpu.barrier barrier_id(%barrier3A_79)
      "tpu.region"() ({
        %run_scoped3A_139 = tpu.sem_alloc : memref<!tpu.dma_semaphore, #tpu.memory_space<semaphore_mem>>
        %dma_start3A_140 = tpu.memref_slice %arg2[%mul3A_2] : memref<320000xi32, #tpu.memory_space<hbm>> -> memref<40xi32, #tpu.memory_space<hbm>>
        %dma_start3A_141 = tpu.memref_slice %arg2[%mul3A_2] : memref<320000xi32, #tpu.memory_space<hbm>> -> memref<40xi32, #tpu.memory_space<hbm>>
        tpu.enqueue_dma source(%dma_start3A_141 : memref<40xi32, #tpu.memory_space<hbm>>) target(%run_scoped3A_9 : memref<40xi32, #tpu.memory_space<vmem>>) target_semaphore(%run_scoped3A_139 : memref<!tpu.dma_semaphore, #tpu.memory_space<semaphore_mem>>)
        %dma_wait3A_142 = tpu.memref_slice %arg2[%mul3A_2] : memref<320000xi32, #tpu.memory_space<hbm>> -> memref<40xi32, #tpu.memory_space<hbm>>
        %dma_wait3A_143 = tpu.memref_slice %arg2[%mul3A_2] : memref<320000xi32, #tpu.memory_space<hbm>> -> memref<40xi32, #tpu.memory_space<hbm>>
        tpu.wait_dma2 semaphore(%run_scoped3A_139 : memref<!tpu.dma_semaphore, #tpu.memory_space<semaphore_mem>>) src(%dma_wait3A_143 : memref<40xi32, #tpu.memory_space<hbm>>) dst(%run_scoped3A_9 : memref<40xi32, #tpu.memory_space<vmem>>)
        tpu.yield
      }) : () -> ()
      "tpu.region"() ({
        %run_scoped3A_139 = tpu.sem_alloc : memref<!tpu.dma_semaphore, #tpu.memory_space<semaphore_mem>>
        %dma_start3A_140 = tpu.memref_slice %arg3[%mul3A_2] : memref<320000xi32, #tpu.memory_space<hbm>> -> memref<40xi32, #tpu.memory_space<hbm>>
        %dma_start3A_141 = tpu.memref_slice %arg3[%mul3A_2] : memref<320000xi32, #tpu.memory_space<hbm>> -> memref<40xi32, #tpu.memory_space<hbm>>
        tpu.enqueue_dma source(%dma_start3A_141 : memref<40xi32, #tpu.memory_space<hbm>>) target(%run_scoped3A_10 : memref<40xi32, #tpu.memory_space<vmem>>) target_semaphore(%run_scoped3A_139 : memref<!tpu.dma_semaphore, #tpu.memory_space<semaphore_mem>>)
        %dma_wait3A_142 = tpu.memref_slice %arg3[%mul3A_2] : memref<320000xi32, #tpu.memory_space<hbm>> -> memref<40xi32, #tpu.memory_space<hbm>>
        %dma_wait3A_143 = tpu.memref_slice %arg3[%mul3A_2] : memref<320000xi32, #tpu.memory_space<hbm>> -> memref<40xi32, #tpu.memory_space<hbm>>
        tpu.wait_dma2 semaphore(%run_scoped3A_139 : memref<!tpu.dma_semaphore, #tpu.memory_space<semaphore_mem>>) src(%dma_wait3A_143 : memref<40xi32, #tpu.memory_space<hbm>>) dst(%run_scoped3A_10 : memref<40xi32, #tpu.memory_space<vmem>>)
        tpu.yield
      }) : () -> ()
      "tpu.region"() ({
        %run_scoped3A_139 = tpu.sem_alloc : memref<!tpu.dma_semaphore, #tpu.memory_space<semaphore_mem>>
        %dma_start3A_140 = arith.constant 0 : i32
        %dma_start3A_141 = tpu.memref_slice %arg18[%mul3A_2, %dma_start3A_140] : memref<320000x16xf32, #tpu.memory_space<hbm>> -> memref<40x16xf32, #tpu.memory_space<hbm>>
        %dma_start3A_142 = arith.constant 0 : i32
        %dma_start3A_143 = tpu.memref_slice %arg18[%mul3A_2, %dma_start3A_142] : memref<320000x16xf32, #tpu.memory_space<hbm>> -> memref<40x16xf32, #tpu.memory_space<hbm>>
        tpu.enqueue_dma source(%dma_start3A_143 : memref<40x16xf32, #tpu.memory_space<hbm>>) target(%run_scoped3A_13 : memref<40x16xf32, #tpu.memory_space<vmem>>) target_semaphore(%run_scoped3A_139 : memref<!tpu.dma_semaphore, #tpu.memory_space<semaphore_mem>>)
        %dma_wait3A_144 = arith.constant 0 : i32
        %dma_wait3A_145 = tpu.memref_slice %arg18[%mul3A_2, %dma_wait3A_144] : memref<320000x16xf32, #tpu.memory_space<hbm>> -> memref<40x16xf32, #tpu.memory_space<hbm>>
        %dma_wait3A_146 = arith.constant 0 : i32
        %dma_wait3A_147 = tpu.memref_slice %arg18[%mul3A_2, %dma_wait3A_146] : memref<320000x16xf32, #tpu.memory_space<hbm>> -> memref<40x16xf32, #tpu.memory_space<hbm>>
        tpu.wait_dma2 semaphore(%run_scoped3A_139 : memref<!tpu.dma_semaphore, #tpu.memory_space<semaphore_mem>>) src(%dma_wait3A_147 : memref<40x16xf32, #tpu.memory_space<hbm>>) dst(%run_scoped3A_13 : memref<40x16xf32, #tpu.memory_space<vmem>>)
        tpu.yield
      }) : () -> ()
      %dma_start3A_80 = arith.constant 0 : i32
      %dma_start3A_81 = arith.constant 0 : i32
      %dma_start3A_82 = tpu.memref_slice %arg12[%dma_start3A_80, %dma_start3A_81] : memref<10000x128xf32, #tpu.memory_space<hbm>> -> memref<10000x128xf32, #tpu.memory_space<hbm>>
      tpu.enqueue_indirect_dma source(%dma_start3A_82 : memref<10000x128xf32, #tpu.memory_space<hbm>>) target(%run_scoped3A_6 : memref<40x128xf32, #tpu.memory_space<vmem>>) offsets(%run_scoped3A_9 : memref<40xi32, #tpu.memory_space<vmem>>) semaphore(%arg26 : memref<!tpu.dma_semaphore, #tpu.memory_space<semaphore_mem>>)
      %scan3A_83 = arith.constant 0 : i32
      %scan3A_84 = arith.constant 0 : i32
      %scan3A_85 = arith.constant 124 : i32
      %scan3A_86 = arith.addi %scan3A_84, %scan3A_85 : i32
      %scan3A_87 = arith.constant 1 : i32
      scf.for %scan3A_139 = %scan3A_84 to %scan3A_86 step %scan3A_87  : i32 {
        %mul3A_140 = arith.constant 2 : i32
        %mul3A_141 = arith.muli %mul3A_140, %scan3A_139 : i32
        %add3A_142 = arith.constant 0 : i32
        %add3A_143 = arith.addi %mul3A_141, %add3A_142 : i32
        %add3A_144 = arith.constant 1 : i32
        %add3A_145 = arith.addi %add3A_143, %add3A_144 : i32
        %mul3A_146 = arith.constant 40 : i32
        %mul3A_147 = arith.muli %add3A_145, %mul3A_146 : i32
        %add3A_148 = arith.addi %mul3A_2, %mul3A_147 : i32
        "tpu.region"() ({
          %run_scoped3A_176 = tpu.sem_alloc : memref<!tpu.dma_semaphore, #tpu.memory_space<semaphore_mem>>
          %dma_start3A_177 = tpu.memref_slice %arg2[%add3A_148] : memref<320000xi32, #tpu.memory_space<hbm>> -> memref<40xi32, #tpu.memory_space<hbm>>
          %dma_start3A_178 = tpu.memref_slice %arg2[%add3A_148] : memref<320000xi32, #tpu.memory_space<hbm>> -> memref<40xi32, #tpu.memory_space<hbm>>
          tpu.enqueue_dma source(%dma_start3A_178 : memref<40xi32, #tpu.memory_space<hbm>>) target(%run_scoped3A_11 : memref<40xi32, #tpu.memory_space<vmem>>) target_semaphore(%run_scoped3A_176 : memref<!tpu.dma_semaphore, #tpu.memory_space<semaphore_mem>>)
          %dma_wait3A_179 = tpu.memref_slice %arg2[%add3A_148] : memref<320000xi32, #tpu.memory_space<hbm>> -> memref<40xi32, #tpu.memory_space<hbm>>
          %dma_wait3A_180 = tpu.memref_slice %arg2[%add3A_148] : memref<320000xi32, #tpu.memory_space<hbm>> -> memref<40xi32, #tpu.memory_space<hbm>>
          tpu.wait_dma2 semaphore(%run_scoped3A_176 : memref<!tpu.dma_semaphore, #tpu.memory_space<semaphore_mem>>) src(%dma_wait3A_180 : memref<40xi32, #tpu.memory_space<hbm>>) dst(%run_scoped3A_11 : memref<40xi32, #tpu.memory_space<vmem>>)
          tpu.yield
        }) : () -> ()
        "tpu.region"() ({
          %run_scoped3A_176 = tpu.sem_alloc : memref<!tpu.dma_semaphore, #tpu.memory_space<semaphore_mem>>
          %dma_start3A_177 = tpu.memref_slice %arg3[%add3A_148] : memref<320000xi32, #tpu.memory_space<hbm>> -> memref<40xi32, #tpu.memory_space<hbm>>
          %dma_start3A_178 = tpu.memref_slice %arg3[%add3A_148] : memref<320000xi32, #tpu.memory_space<hbm>> -> memref<40xi32, #tpu.memory_space<hbm>>
          tpu.enqueue_dma source(%dma_start3A_178 : memref<40xi32, #tpu.memory_space<hbm>>) target(%run_scoped3A_12 : memref<40xi32, #tpu.memory_space<vmem>>) target_semaphore(%run_scoped3A_176 : memref<!tpu.dma_semaphore, #tpu.memory_space<semaphore_mem>>)
          %dma_wait3A_179 = tpu.memref_slice %arg3[%add3A_148] : memref<320000xi32, #tpu.memory_space<hbm>> -> memref<40xi32, #tpu.memory_space<hbm>>
          %dma_wait3A_180 = tpu.memref_slice %arg3[%add3A_148] : memref<320000xi32, #tpu.memory_space<hbm>> -> memref<40xi32, #tpu.memory_space<hbm>>
          tpu.wait_dma2 semaphore(%run_scoped3A_176 : memref<!tpu.dma_semaphore, #tpu.memory_space<semaphore_mem>>) src(%dma_wait3A_180 : memref<40xi32, #tpu.memory_space<hbm>>) dst(%run_scoped3A_12 : memref<40xi32, #tpu.memory_space<vmem>>)
          tpu.yield
        }) : () -> ()
        "tpu.region"() ({
          %run_scoped3A_176 = tpu.sem_alloc : memref<!tpu.dma_semaphore, #tpu.memory_space<semaphore_mem>>
          %dma_start3A_177 = arith.constant 0 : i32
          %dma_start3A_178 = tpu.memref_slice %arg18[%add3A_148, %dma_start3A_177] : memref<320000x16xf32, #tpu.memory_space<hbm>> -> memref<40x16xf32, #tpu.memory_space<hbm>>
          %dma_start3A_179 = arith.constant 0 : i32
          %dma_start3A_180 = tpu.memref_slice %arg18[%add3A_148, %dma_start3A_179] : memref<320000x16xf32, #tpu.memory_space<hbm>> -> memref<40x16xf32, #tpu.memory_space<hbm>>
          tpu.enqueue_dma source(%dma_start3A_180 : memref<40x16xf32, #tpu.memory_space<hbm>>) target(%run_scoped3A_14 : memref<40x16xf32, #tpu.memory_space<vmem>>) target_semaphore(%run_scoped3A_176 : memref<!tpu.dma_semaphore, #tpu.memory_space<semaphore_mem>>)
          %dma_wait3A_181 = arith.constant 0 : i32
          %dma_wait3A_182 = tpu.memref_slice %arg18[%add3A_148, %dma_wait3A_181] : memref<320000x16xf32, #tpu.memory_space<hbm>> -> memref<40x16xf32, #tpu.memory_space<hbm>>
          %dma_wait3A_183 = arith.constant 0 : i32
          %dma_wait3A_184 = tpu.memref_slice %arg18[%add3A_148, %dma_wait3A_183] : memref<320000x16xf32, #tpu.memory_space<hbm>> -> memref<40x16xf32, #tpu.memory_space<hbm>>
          tpu.wait_dma2 semaphore(%run_scoped3A_176 : memref<!tpu.dma_semaphore, #tpu.memory_space<semaphore_mem>>) src(%dma_wait3A_184 : memref<40x16xf32, #tpu.memory_space<hbm>>) dst(%run_scoped3A_14 : memref<40x16xf32, #tpu.memory_space<vmem>>)
          tpu.yield
        }) : () -> ()
        %dma_start3A_149 = arith.constant 0 : i32
        %dma_start3A_150 = arith.constant 0 : i32
        %dma_start3A_151 = tpu.memref_slice %arg12[%dma_start3A_149, %dma_start3A_150] : memref<10000x128xf32, #tpu.memory_space<hbm>> -> memref<10000x128xf32, #tpu.memory_space<hbm>>
        tpu.enqueue_indirect_dma source(%dma_start3A_151 : memref<10000x128xf32, #tpu.memory_space<hbm>>) target(%run_scoped3A_7 : memref<40x128xf32, #tpu.memory_space<vmem>>) offsets(%run_scoped3A_11 : memref<40xi32, #tpu.memory_space<vmem>>) semaphore(%arg27 : memref<!tpu.dma_semaphore, #tpu.memory_space<semaphore_mem>>)
        %dma_wait3A_152 = arith.constant 0 : i32
        %dma_wait3A_153 = arith.constant 0 : i32
        %dma_wait3A_154 = tpu.memref_slice %arg12[%dma_wait3A_152, %dma_wait3A_153] : memref<10000x128xf32, #tpu.memory_space<hbm>> -> memref<10000x128xf32, #tpu.memory_space<hbm>>
        tpu.wait_indirect_dma semaphore(%arg26 : memref<!tpu.dma_semaphore, #tpu.memory_space<semaphore_mem>>) src(%dma_wait3A_154 : memref<10000x128xf32, #tpu.memory_space<hbm>>) dst(%run_scoped3A_6 : memref<40x128xf32, #tpu.memory_space<vmem>>)
        %parallel_loop3A_155 = arith.constant 0 : i32
        %parallel_loop3A_156 = arith.constant 40 : i32
        %parallel_loop3A_157 = arith.constant 1 : i32
        scf.for %parallel_loop3A_176 = %parallel_loop3A_155 to %parallel_loop3A_156 step %parallel_loop3A_157  : i32 {
          %parallel_loop3A_177 = arith.index_cast %parallel_loop3A_176 : i32 to index
          %parallel_loop3A_178 = arith.constant 0 : index
          %parallel_loop3A_179 = tpu.vector_load %run_scoped3A_13[%parallel_loop3A_177, %parallel_loop3A_178] {strides = array<i32>} : memref<40x16xf32, #tpu.memory_space<vmem>>, vector<1x16xf32>,
          %parallel_loop3A_180 = vector.shape_cast %parallel_loop3A_179 : vector<1x16xf32> to vector<16xf32>
          %parallel_loop3A_181 = arith.index_cast %parallel_loop3A_176 : i32 to index
          %parallel_loop3A_182 = arith.constant 0 : index
          %parallel_loop3A_183 = tpu.vector_load %run_scoped3A_6[%parallel_loop3A_181, %parallel_loop3A_182] {strides = array<i32>} : memref<40x128xf32, #tpu.memory_space<vmem>>, vector<1x16xf32>,
          %parallel_loop3A_184 = vector.shape_cast %parallel_loop3A_183 : vector<1x16xf32> to vector<16xf32>
          %parallel_loop3A_185 = arith.mulf %parallel_loop3A_184, %parallel_loop3A_180 : vector<16xf32>
          %parallel_loop3A_186 = arith.index_cast %parallel_loop3A_176 : i32 to index
          %parallel_loop3A_187 = arith.constant 0 : index
          %parallel_loop3A_188 = tpu.vector_load %run_scoped3A_6[%parallel_loop3A_186, %parallel_loop3A_187] {strides = array<i32>} : memref<40x128xf32, #tpu.memory_space<vmem>>, vector<1x16xf32>,
          %parallel_loop3A_189 = vector.shape_cast %parallel_loop3A_188 : vector<1x16xf32> to vector<16xf32>
          %parallel_loop3A_190 = vector.shape_cast %parallel_loop3A_185 : vector<16xf32> to vector<1x16xf32>
          tpu.vector_store %run_scoped3A_6[%parallel_loop3A_186, %parallel_loop3A_187], %parallel_loop3A_190 {strides = array<i32>} : memref<40x128xf32, #tpu.memory_space<vmem>>, vector<1x16xf32>,
          %parallel_loop3A_191 = arith.index_cast %parallel_loop3A_176 : i32 to index
          %parallel_loop3A_192 = arith.constant 16 : index
          %parallel_loop3A_193 = tpu.vector_load %run_scoped3A_6[%parallel_loop3A_191, %parallel_loop3A_192] {strides = array<i32>} : memref<40x128xf32, #tpu.memory_space<vmem>>, vector<1x16xf32>,
          %parallel_loop3A_194 = vector.shape_cast %parallel_loop3A_193 : vector<1x16xf32> to vector<16xf32>
          %parallel_loop3A_195 = arith.mulf %parallel_loop3A_194, %parallel_loop3A_180 : vector<16xf32>
          %parallel_loop3A_196 = arith.index_cast %parallel_loop3A_176 : i32 to index
          %parallel_loop3A_197 = arith.constant 16 : index
          %parallel_loop3A_198 = tpu.vector_load %run_scoped3A_6[%parallel_loop3A_196, %parallel_loop3A_197] {strides = array<i32>} : memref<40x128xf32, #tpu.memory_space<vmem>>, vector<1x16xf32>,
          %parallel_loop3A_199 = vector.shape_cast %parallel_loop3A_198 : vector<1x16xf32> to vector<16xf32>
          %parallel_loop3A_200 = vector.shape_cast %parallel_loop3A_195 : vector<16xf32> to vector<1x16xf32>
          tpu.vector_store %run_scoped3A_6[%parallel_loop3A_196, %parallel_loop3A_197], %parallel_loop3A_200 {strides = array<i32>} : memref<40x128xf32, #tpu.memory_space<vmem>>, vector<1x16xf32>,
          %parallel_loop3A_201 = arith.index_cast %parallel_loop3A_176 : i32 to index
          %parallel_loop3A_202 = arith.constant 32 : index
          %parallel_loop3A_203 = tpu.vector_load %run_scoped3A_6[%parallel_loop3A_201, %parallel_loop3A_202] {strides = array<i32>} : memref<40x128xf32, #tpu.memory_space<vmem>>, vector<1x16xf32>,
          %parallel_loop3A_204 = vector.shape_cast %parallel_loop3A_203 : vector<1x16xf32> to vector<16xf32>
          %parallel_loop3A_205 = arith.mulf %parallel_loop3A_204, %parallel_loop3A_180 : vector<16xf32>
          %parallel_loop3A_206 = arith.index_cast %parallel_loop3A_176 : i32 to index
          %parallel_loop3A_207 = arith.constant 32 : index
          %parallel_loop3A_208 = tpu.vector_load %run_scoped3A_6[%parallel_loop3A_206, %parallel_loop3A_207] {strides = array<i32>} : memref<40x128xf32, #tpu.memory_space<vmem>>, vector<1x16xf32>,
          %parallel_loop3A_209 = vector.shape_cast %parallel_loop3A_208 : vector<1x16xf32> to vector<16xf32>
          %parallel_loop3A_210 = vector.shape_cast %parallel_loop3A_205 : vector<16xf32> to vector<1x16xf32>
          tpu.vector_store %run_scoped3A_6[%parallel_loop3A_206, %parallel_loop3A_207], %parallel_loop3A_210 {strides = array<i32>} : memref<40x128xf32, #tpu.memory_space<vmem>>, vector<1x16xf32>,
          %parallel_loop3A_211 = arith.index_cast %parallel_loop3A_176 : i32 to index
          %parallel_loop3A_212 = arith.constant 48 : index
          %parallel_loop3A_213 = tpu.vector_load %run_scoped3A_6[%parallel_loop3A_211, %parallel_loop3A_212] {strides = array<i32>} : memref<40x128xf32, #tpu.memory_space<vmem>>, vector<1x16xf32>,
          %parallel_loop3A_214 = vector.shape_cast %parallel_loop3A_213 : vector<1x16xf32> to vector<16xf32>
          %parallel_loop3A_215 = arith.mulf %parallel_loop3A_214, %parallel_loop3A_180 : vector<16xf32>
          %parallel_loop3A_216 = arith.index_cast %parallel_loop3A_176 : i32 to index
          %parallel_loop3A_217 = arith.constant 48 : index
          %parallel_loop3A_218 = tpu.vector_load %run_scoped3A_6[%parallel_loop3A_216, %parallel_loop3A_217] {strides = array<i32>} : memref<40x128xf32, #tpu.memory_space<vmem>>, vector<1x16xf32>,
          %parallel_loop3A_219 = vector.shape_cast %parallel_loop3A_218 : vector<1x16xf32> to vector<16xf32>
          %parallel_loop3A_220 = vector.shape_cast %parallel_loop3A_215 : vector<16xf32> to vector<1x16xf32>
          tpu.vector_store %run_scoped3A_6[%parallel_loop3A_216, %parallel_loop3A_217], %parallel_loop3A_220 {strides = array<i32>} : memref<40x128xf32, #tpu.memory_space<vmem>>, vector<1x16xf32>,
          %parallel_loop3A_221 = arith.index_cast %parallel_loop3A_176 : i32 to index
          %parallel_loop3A_222 = arith.constant 64 : index
          %parallel_loop3A_223 = tpu.vector_load %run_scoped3A_6[%parallel_loop3A_221, %parallel_loop3A_222] {strides = array<i32>} : memref<40x128xf32, #tpu.memory_space<vmem>>, vector<1x16xf32>,
          %parallel_loop3A_224 = vector.shape_cast %parallel_loop3A_223 : vector<1x16xf32> to vector<16xf32>
          %parallel_loop3A_225 = arith.mulf %parallel_loop3A_224, %parallel_loop3A_180 : vector<16xf32>
          %parallel_loop3A_226 = arith.index_cast %parallel_loop3A_176 : i32 to index
          %parallel_loop3A_227 = arith.constant 64 : index
          %parallel_loop3A_228 = tpu.vector_load %run_scoped3A_6[%parallel_loop3A_226, %parallel_loop3A_227] {strides = array<i32>} : memref<40x128xf32, #tpu.memory_space<vmem>>, vector<1x16xf32>,
          %parallel_loop3A_229 = vector.shape_cast %parallel_loop3A_228 : vector<1x16xf32> to vector<16xf32>
          %parallel_loop3A_230 = vector.shape_cast %parallel_loop3A_225 : vector<16xf32> to vector<1x16xf32>
          tpu.vector_store %run_scoped3A_6[%parallel_loop3A_226, %parallel_loop3A_227], %parallel_loop3A_230 {strides = array<i32>} : memref<40x128xf32, #tpu.memory_space<vmem>>, vector<1x16xf32>,
          %parallel_loop3A_231 = arith.index_cast %parallel_loop3A_176 : i32 to index
          %parallel_loop3A_232 = arith.constant 80 : index
          %parallel_loop3A_233 = tpu.vector_load %run_scoped3A_6[%parallel_loop3A_231, %parallel_loop3A_232] {strides = array<i32>} : memref<40x128xf32, #tpu.memory_space<vmem>>, vector<1x16xf32>,
          %parallel_loop3A_234 = vector.shape_cast %parallel_loop3A_233 : vector<1x16xf32> to vector<16xf32>
          %parallel_loop3A_235 = arith.mulf %parallel_loop3A_234, %parallel_loop3A_180 : vector<16xf32>
          %parallel_loop3A_236 = arith.index_cast %parallel_loop3A_176 : i32 to index
          %parallel_loop3A_237 = arith.constant 80 : index
          %parallel_loop3A_238 = tpu.vector_load %run_scoped3A_6[%parallel_loop3A_236, %parallel_loop3A_237] {strides = array<i32>} : memref<40x128xf32, #tpu.memory_space<vmem>>, vector<1x16xf32>,
          %parallel_loop3A_239 = vector.shape_cast %parallel_loop3A_238 : vector<1x16xf32> to vector<16xf32>
          %parallel_loop3A_240 = vector.shape_cast %parallel_loop3A_235 : vector<16xf32> to vector<1x16xf32>
          tpu.vector_store %run_scoped3A_6[%parallel_loop3A_236, %parallel_loop3A_237], %parallel_loop3A_240 {strides = array<i32>} : memref<40x128xf32, #tpu.memory_space<vmem>>, vector<1x16xf32>,
          %parallel_loop3A_241 = arith.index_cast %parallel_loop3A_176 : i32 to index
          %parallel_loop3A_242 = arith.constant 96 : index
          %parallel_loop3A_243 = tpu.vector_load %run_scoped3A_6[%parallel_loop3A_241, %parallel_loop3A_242] {strides = array<i32>} : memref<40x128xf32, #tpu.memory_space<vmem>>, vector<1x16xf32>,
          %parallel_loop3A_244 = vector.shape_cast %parallel_loop3A_243 : vector<1x16xf32> to vector<16xf32>
          %parallel_loop3A_245 = arith.mulf %parallel_loop3A_244, %parallel_loop3A_180 : vector<16xf32>
          %parallel_loop3A_246 = arith.index_cast %parallel_loop3A_176 : i32 to index
          %parallel_loop3A_247 = arith.constant 96 : index
          %parallel_loop3A_248 = tpu.vector_load %run_scoped3A_6[%parallel_loop3A_246, %parallel_loop3A_247] {strides = array<i32>} : memref<40x128xf32, #tpu.memory_space<vmem>>, vector<1x16xf32>,
          %parallel_loop3A_249 = vector.shape_cast %parallel_loop3A_248 : vector<1x16xf32> to vector<16xf32>
          %parallel_loop3A_250 = vector.shape_cast %parallel_loop3A_245 : vector<16xf32> to vector<1x16xf32>
          tpu.vector_store %run_scoped3A_6[%parallel_loop3A_246, %parallel_loop3A_247], %parallel_loop3A_250 {strides = array<i32>} : memref<40x128xf32, #tpu.memory_space<vmem>>, vector<1x16xf32>,
          %parallel_loop3A_251 = arith.index_cast %parallel_loop3A_176 : i32 to index
          %parallel_loop3A_252 = arith.constant 112 : index
          %parallel_loop3A_253 = tpu.vector_load %run_scoped3A_6[%parallel_loop3A_251, %parallel_loop3A_252] {strides = array<i32>} : memref<40x128xf32, #tpu.memory_space<vmem>>, vector<1x16xf32>,
          %parallel_loop3A_254 = vector.shape_cast %parallel_loop3A_253 : vector<1x16xf32> to vector<16xf32>
          %parallel_loop3A_255 = arith.mulf %parallel_loop3A_254, %parallel_loop3A_180 : vector<16xf32>
          %parallel_loop3A_256 = arith.index_cast %parallel_loop3A_176 : i32 to index
          %parallel_loop3A_257 = arith.constant 112 : index
          %parallel_loop3A_258 = tpu.vector_load %run_scoped3A_6[%parallel_loop3A_256, %parallel_loop3A_257] {strides = array<i32>} : memref<40x128xf32, #tpu.memory_space<vmem>>, vector<1x16xf32>,
          %parallel_loop3A_259 = vector.shape_cast %parallel_loop3A_258 : vector<1x16xf32> to vector<16xf32>
          %parallel_loop3A_260 = vector.shape_cast %parallel_loop3A_255 : vector<16xf32> to vector<1x16xf32>
          tpu.vector_store %run_scoped3A_6[%parallel_loop3A_256, %parallel_loop3A_257], %parallel_loop3A_260 {strides = array<i32>} : memref<40x128xf32, #tpu.memory_space<vmem>>, vector<1x16xf32>,
        } {sc.loop_unroll_factor = 1 : i64, sc.parallel_access}
        "tpu.region"() ({
          %run_scoped3A_176 = tpu.sem_alloc : memref<!tpu.dma_semaphore, #tpu.memory_space<semaphore_mem>>
          %dma_start3A_177 = arith.constant 0 : i32
          %dma_start3A_178 = arith.constant 0 : i32
          %dma_start3A_179 = tpu.memref_slice %arg25[%dma_start3A_177, %dma_start3A_178] : memref<10240x128xf32, #tpu.memory_space<vmem_shared>> -> memref<10240x128xf32, #tpu.memory_space<vmem_shared>>
          tpu.enqueue_indirect_dma source(%run_scoped3A_6 : memref<40x128xf32, #tpu.memory_space<vmem>>) target(%dma_start3A_179 : memref<10240x128xf32, #tpu.memory_space<vmem_shared>>) offsets(%run_scoped3A_10 : memref<40xi32, #tpu.memory_space<vmem>>) semaphore(%run_scoped3A_176 : memref<!tpu.dma_semaphore, #tpu.memory_space<semaphore_mem>>) {add = true}
          %dma_wait3A_180 = arith.constant 0 : i32
          %dma_wait3A_181 = arith.constant 0 : i32
          %dma_wait3A_182 = tpu.memref_slice %arg25[%dma_wait3A_180, %dma_wait3A_181] : memref<10240x128xf32, #tpu.memory_space<vmem_shared>> -> memref<10240x128xf32, #tpu.memory_space<vmem_shared>>
          tpu.wait_indirect_dma semaphore(%run_scoped3A_176 : memref<!tpu.dma_semaphore, #tpu.memory_space<semaphore_mem>>) src(%run_scoped3A_6 : memref<40x128xf32, #tpu.memory_space<vmem>>) dst(%dma_wait3A_182 : memref<10240x128xf32, #tpu.memory_space<vmem_shared>>)
          tpu.yield
        }) : () -> ()
        %mul3A_158 = arith.constant 2 : i32
        %mul3A_159 = arith.muli %mul3A_158, %scan3A_139 : i32
        %add3A_160 = arith.constant 1 : i32
        %add3A_161 = arith.addi %mul3A_159, %add3A_160 : i32
        %add3A_162 = arith.constant 1 : i32
        %add3A_163 = arith.addi %add3A_161, %add3A_162 : i32
        %mul3A_164 = arith.constant 40 : i32
        %mul3A_165 = arith.muli %add3A_163, %mul3A_164 : i32
        %add3A_166 = arith.addi %mul3A_2, %mul3A_165 : i32
        "tpu.region"() ({
          %run_scoped3A_176 = tpu.sem_alloc : memref<!tpu.dma_semaphore, #tpu.memory_space<semaphore_mem>>
          %dma_start3A_177 = tpu.memref_slice %arg2[%add3A_166] : memref<320000xi32, #tpu.memory_space<hbm>> -> memref<40xi32, #tpu.memory_space<hbm>>
          %dma_start3A_178 = tpu.memref_slice %arg2[%add3A_166] : memref<320000xi32, #tpu.memory_space<hbm>> -> memref<40xi32, #tpu.memory_space<hbm>>
          tpu.enqueue_dma source(%dma_start3A_178 : memref<40xi32, #tpu.memory_space<hbm>>) target(%run_scoped3A_9 : memref<40xi32, #tpu.memory_space<vmem>>) target_semaphore(%run_scoped3A_176 : memref<!tpu.dma_semaphore, #tpu.memory_space<semaphore_mem>>)
          %dma_wait3A_179 = tpu.memref_slice %arg2[%add3A_166] : memref<320000xi32, #tpu.memory_space<hbm>> -> memref<40xi32, #tpu.memory_space<hbm>>
          %dma_wait3A_180 = tpu.memref_slice %arg2[%add3A_166] : memref<320000xi32, #tpu.memory_space<hbm>> -> memref<40xi32, #tpu.memory_space<hbm>>
          tpu.wait_dma2 semaphore(%run_scoped3A_176 : memref<!tpu.dma_semaphore, #tpu.memory_space<semaphore_mem>>) src(%dma_wait3A_180 : memref<40xi32, #tpu.memory_space<hbm>>) dst(%run_scoped3A_9 : memref<40xi32, #tpu.memory_space<vmem>>)
          tpu.yield
        }) : () -> ()
        "tpu.region"() ({
          %run_scoped3A_176 = tpu.sem_alloc : memref<!tpu.dma_semaphore, #tpu.memory_space<semaphore_mem>>
          %dma_start3A_177 = tpu.memref_slice %arg3[%add3A_166] : memref<320000xi32, #tpu.memory_space<hbm>> -> memref<40xi32, #tpu.memory_space<hbm>>
          %dma_start3A_178 = tpu.memref_slice %arg3[%add3A_166] : memref<320000xi32, #tpu.memory_space<hbm>> -> memref<40xi32, #tpu.memory_space<hbm>>
          tpu.enqueue_dma source(%dma_start3A_178 : memref<40xi32, #tpu.memory_space<hbm>>) target(%run_scoped3A_10 : memref<40xi32, #tpu.memory_space<vmem>>) target_semaphore(%run_scoped3A_176 : memref<!tpu.dma_semaphore, #tpu.memory_space<semaphore_mem>>)
          %dma_wait3A_179 = tpu.memref_slice %arg3[%add3A_166] : memref<320000xi32, #tpu.memory_space<hbm>> -> memref<40xi32, #tpu.memory_space<hbm>>
          %dma_wait3A_180 = tpu.memref_slice %arg3[%add3A_166] : memref<320000xi32, #tpu.memory_space<hbm>> -> memref<40xi32, #tpu.memory_space<hbm>>
          tpu.wait_dma2 semaphore(%run_scoped3A_176 : memref<!tpu.dma_semaphore, #tpu.memory_space<semaphore_mem>>) src(%dma_wait3A_180 : memref<40xi32, #tpu.memory_space<hbm>>) dst(%run_scoped3A_10 : memref<40xi32, #tpu.memory_space<vmem>>)
          tpu.yield
        }) : () -> ()
        "tpu.region"() ({
          %run_scoped3A_176 = tpu.sem_alloc : memref<!tpu.dma_semaphore, #tpu.memory_space<semaphore_mem>>
          %dma_start3A_177 = arith.constant 0 : i32
          %dma_start3A_178 = tpu.memref_slice %arg18[%add3A_166, %dma_start3A_177] : memref<320000x16xf32, #tpu.memory_space<hbm>> -> memref<40x16xf32, #tpu.memory_space<hbm>>
          %dma_start3A_179 = arith.constant 0 : i32
          %dma_start3A_180 = tpu.memref_slice %arg18[%add3A_166, %dma_start3A_179] : memref<320000x16xf32, #tpu.memory_space<hbm>> -> memref<40x16xf32, #tpu.memory_space<hbm>>
          tpu.enqueue_dma source(%dma_start3A_180 : memref<40x16xf32, #tpu.memory_space<hbm>>) target(%run_scoped3A_13 : memref<40x16xf32, #tpu.memory_space<vmem>>) target_semaphore(%run_scoped3A_176 : memref<!tpu.dma_semaphore, #tpu.memory_space<semaphore_mem>>)
          %dma_wait3A_181 = arith.constant 0 : i32
          %dma_wait3A_182 = tpu.memref_slice %arg18[%add3A_166, %dma_wait3A_181] : memref<320000x16xf32, #tpu.memory_space<hbm>> -> memref<40x16xf32, #tpu.memory_space<hbm>>
          %dma_wait3A_183 = arith.constant 0 : i32
          %dma_wait3A_184 = tpu.memref_slice %arg18[%add3A_166, %dma_wait3A_183] : memref<320000x16xf32, #tpu.memory_space<hbm>> -> memref<40x16xf32, #tpu.memory_space<hbm>>
          tpu.wait_dma2 semaphore(%run_scoped3A_176 : memref<!tpu.dma_semaphore, #tpu.memory_space<semaphore_mem>>) src(%dma_wait3A_184 : memref<40x16xf32, #tpu.memory_space<hbm>>) dst(%run_scoped3A_13 : memref<40x16xf32, #tpu.memory_space<vmem>>)
          tpu.yield
        }) : () -> ()
        %dma_start3A_167 = arith.constant 0 : i32
        %dma_start3A_168 = arith.constant 0 : i32
        %dma_start3A_169 = tpu.memref_slice %arg12[%dma_start3A_167, %dma_start3A_168] : memref<10000x128xf32, #tpu.memory_space<hbm>> -> memref<10000x128xf32, #tpu.memory_space<hbm>>
        tpu.enqueue_indirect_dma source(%dma_start3A_169 : memref<10000x128xf32, #tpu.memory_space<hbm>>) target(%run_scoped3A_6 : memref<40x128xf32, #tpu.memory_space<vmem>>) offsets(%run_scoped3A_9 : memref<40xi32, #tpu.memory_space<vmem>>) semaphore(%arg26 : memref<!tpu.dma_semaphore, #tpu.memory_space<semaphore_mem>>)
        %dma_wait3A_170 = arith.constant 0 : i32
        %dma_wait3A_171 = arith.constant 0 : i32
        %dma_wait3A_172 = tpu.memref_slice %arg12[%dma_wait3A_170, %dma_wait3A_171] : memref<10000x128xf32, #tpu.memory_space<hbm>> -> memref<10000x128xf32, #tpu.memory_space<hbm>>
        tpu.wait_indirect_dma semaphore(%arg27 : memref<!tpu.dma_semaphore, #tpu.memory_space<semaphore_mem>>) src(%dma_wait3A_172 : memref<10000x128xf32, #tpu.memory_space<hbm>>) dst(%run_scoped3A_7 : memref<40x128xf32, #tpu.memory_space<vmem>>)
        %parallel_loop3A_173 = arith.constant 0 : i32
        %parallel_loop3A_174 = arith.constant 40 : i32
        %parallel_loop3A_175 = arith.constant 1 : i32
        scf.for %parallel_loop3A_176 = %parallel_loop3A_173 to %parallel_loop3A_174 step %parallel_loop3A_175  : i32 {
          %parallel_loop3A_177 = arith.index_cast %parallel_loop3A_176 : i32 to index
          %parallel_loop3A_178 = arith.constant 0 : index
          %parallel_loop3A_179 = tpu.vector_load %run_scoped3A_14[%parallel_loop3A_177, %parallel_loop3A_178] {strides = array<i32>} : memref<40x16xf32, #tpu.memory_space<vmem>>, vector<1x16xf32>,
          %parallel_loop3A_180 = vector.shape_cast %parallel_loop3A_179 : vector<1x16xf32> to vector<16xf32>
          %parallel_loop3A_181 = arith.index_cast %parallel_loop3A_176 : i32 to index
          %parallel_loop3A_182 = arith.constant 0 : index
          %parallel_loop3A_183 = tpu.vector_load %run_scoped3A_7[%parallel_loop3A_181, %parallel_loop3A_182] {strides = array<i32>} : memref<40x128xf32, #tpu.memory_space<vmem>>, vector<1x16xf32>,
          %parallel_loop3A_184 = vector.shape_cast %parallel_loop3A_183 : vector<1x16xf32> to vector<16xf32>
          %parallel_loop3A_185 = arith.mulf %parallel_loop3A_184, %parallel_loop3A_180 : vector<16xf32>
          %parallel_loop3A_186 = arith.index_cast %parallel_loop3A_176 : i32 to index
          %parallel_loop3A_187 = arith.constant 0 : index
          %parallel_loop3A_188 = tpu.vector_load %run_scoped3A_7[%parallel_loop3A_186, %parallel_loop3A_187] {strides = array<i32>} : memref<40x128xf32, #tpu.memory_space<vmem>>, vector<1x16xf32>,
          %parallel_loop3A_189 = vector.shape_cast %parallel_loop3A_188 : vector<1x16xf32> to vector<16xf32>
          %parallel_loop3A_190 = vector.shape_cast %parallel_loop3A_185 : vector<16xf32> to vector<1x16xf32>
          tpu.vector_store %run_scoped3A_7[%parallel_loop3A_186, %parallel_loop3A_187], %parallel_loop3A_190 {strides = array<i32>} : memref<40x128xf32, #tpu.memory_space<vmem>>, vector<1x16xf32>,
          %parallel_loop3A_191 = arith.index_cast %parallel_loop3A_176 : i32 to index
          %parallel_loop3A_192 = arith.constant 16 : index
          %parallel_loop3A_193 = tpu.vector_load %run_scoped3A_7[%parallel_loop3A_191, %parallel_loop3A_192] {strides = array<i32>} : memref<40x128xf32, #tpu.memory_space<vmem>>, vector<1x16xf32>,
          %parallel_loop3A_194 = vector.shape_cast %parallel_loop3A_193 : vector<1x16xf32> to vector<16xf32>
          %parallel_loop3A_195 = arith.mulf %parallel_loop3A_194, %parallel_loop3A_180 : vector<16xf32>
          %parallel_loop3A_196 = arith.index_cast %parallel_loop3A_176 : i32 to index
          %parallel_loop3A_197 = arith.constant 16 : index
          %parallel_loop3A_198 = tpu.vector_load %run_scoped3A_7[%parallel_loop3A_196, %parallel_loop3A_197] {strides = array<i32>} : memref<40x128xf32, #tpu.memory_space<vmem>>, vector<1x16xf32>,
          %parallel_loop3A_199 = vector.shape_cast %parallel_loop3A_198 : vector<1x16xf32> to vector<16xf32>
          %parallel_loop3A_200 = vector.shape_cast %parallel_loop3A_195 : vector<16xf32> to vector<1x16xf32>
          tpu.vector_store %run_scoped3A_7[%parallel_loop3A_196, %parallel_loop3A_197], %parallel_loop3A_200 {strides = array<i32>} : memref<40x128xf32, #tpu.memory_space<vmem>>, vector<1x16xf32>,
          %parallel_loop3A_201 = arith.index_cast %parallel_loop3A_176 : i32 to index
          %parallel_loop3A_202 = arith.constant 32 : index
          %parallel_loop3A_203 = tpu.vector_load %run_scoped3A_7[%parallel_loop3A_201, %parallel_loop3A_202] {strides = array<i32>} : memref<40x128xf32, #tpu.memory_space<vmem>>, vector<1x16xf32>,
          %parallel_loop3A_204 = vector.shape_cast %parallel_loop3A_203 : vector<1x16xf32> to vector<16xf32>
          %parallel_loop3A_205 = arith.mulf %parallel_loop3A_204, %parallel_loop3A_180 : vector<16xf32>
          %parallel_loop3A_206 = arith.index_cast %parallel_loop3A_176 : i32 to index
          %parallel_loop3A_207 = arith.constant 32 : index
          %parallel_loop3A_208 = tpu.vector_load %run_scoped3A_7[%parallel_loop3A_206, %parallel_loop3A_207] {strides = array<i32>} : memref<40x128xf32, #tpu.memory_space<vmem>>, vector<1x16xf32>,
          %parallel_loop3A_209 = vector.shape_cast %parallel_loop3A_208 : vector<1x16xf32> to vector<16xf32>
          %parallel_loop3A_210 = vector.shape_cast %parallel_loop3A_205 : vector<16xf32> to vector<1x16xf32>
          tpu.vector_store %run_scoped3A_7[%parallel_loop3A_206, %parallel_loop3A_207], %parallel_loop3A_210 {strides = array<i32>} : memref<40x128xf32, #tpu.memory_space<vmem>>, vector<1x16xf32>,
          %parallel_loop3A_211 = arith.index_cast %parallel_loop3A_176 : i32 to index
          %parallel_loop3A_212 = arith.constant 48 : index
          %parallel_loop3A_213 = tpu.vector_load %run_scoped3A_7[%parallel_loop3A_211, %parallel_loop3A_212] {strides = array<i32>} : memref<40x128xf32, #tpu.memory_space<vmem>>, vector<1x16xf32>,
          %parallel_loop3A_214 = vector.shape_cast %parallel_loop3A_213 : vector<1x16xf32> to vector<16xf32>
          %parallel_loop3A_215 = arith.mulf %parallel_loop3A_214, %parallel_loop3A_180 : vector<16xf32>
          %parallel_loop3A_216 = arith.index_cast %parallel_loop3A_176 : i32 to index
          %parallel_loop3A_217 = arith.constant 48 : index
          %parallel_loop3A_218 = tpu.vector_load %run_scoped3A_7[%parallel_loop3A_216, %parallel_loop3A_217] {strides = array<i32>} : memref<40x128xf32, #tpu.memory_space<vmem>>, vector<1x16xf32>,
          %parallel_loop3A_219 = vector.shape_cast %parallel_loop3A_218 : vector<1x16xf32> to vector<16xf32>
          %parallel_loop3A_220 = vector.shape_cast %parallel_loop3A_215 : vector<16xf32> to vector<1x16xf32>
          tpu.vector_store %run_scoped3A_7[%parallel_loop3A_216, %parallel_loop3A_217], %parallel_loop3A_220 {strides = array<i32>} : memref<40x128xf32, #tpu.memory_space<vmem>>, vector<1x16xf32>,
          %parallel_loop3A_221 = arith.index_cast %parallel_loop3A_176 : i32 to index
          %parallel_loop3A_222 = arith.constant 64 : index
          %parallel_loop3A_223 = tpu.vector_load %run_scoped3A_7[%parallel_loop3A_221, %parallel_loop3A_222] {strides = array<i32>} : memref<40x128xf32, #tpu.memory_space<vmem>>, vector<1x16xf32>,
          %parallel_loop3A_224 = vector.shape_cast %parallel_loop3A_223 : vector<1x16xf32> to vector<16xf32>
          %parallel_loop3A_225 = arith.mulf %parallel_loop3A_224, %parallel_loop3A_180 : vector<16xf32>
          %parallel_loop3A_226 = arith.index_cast %parallel_loop3A_176 : i32 to index
          %parallel_loop3A_227 = arith.constant 64 : index
          %parallel_loop3A_228 = tpu.vector_load %run_scoped3A_7[%parallel_loop3A_226, %parallel_loop3A_227] {strides = array<i32>} : memref<40x128xf32, #tpu.memory_space<vmem>>, vector<1x16xf32>,
          %parallel_loop3A_229 = vector.shape_cast %parallel_loop3A_228 : vector<1x16xf32> to vector<16xf32>
          %parallel_loop3A_230 = vector.shape_cast %parallel_loop3A_225 : vector<16xf32> to vector<1x16xf32>
          tpu.vector_store %run_scoped3A_7[%parallel_loop3A_226, %parallel_loop3A_227], %parallel_loop3A_230 {strides = array<i32>} : memref<40x128xf32, #tpu.memory_space<vmem>>, vector<1x16xf32>,
          %parallel_loop3A_231 = arith.index_cast %parallel_loop3A_176 : i32 to index
          %parallel_loop3A_232 = arith.constant 80 : index
          %parallel_loop3A_233 = tpu.vector_load %run_scoped3A_7[%parallel_loop3A_231, %parallel_loop3A_232] {strides = array<i32>} : memref<40x128xf32, #tpu.memory_space<vmem>>, vector<1x16xf32>,
          %parallel_loop3A_234 = vector.shape_cast %parallel_loop3A_233 : vector<1x16xf32> to vector<16xf32>
          %parallel_loop3A_235 = arith.mulf %parallel_loop3A_234, %parallel_loop3A_180 : vector<16xf32>
          %parallel_loop3A_236 = arith.index_cast %parallel_loop3A_176 : i32 to index
          %parallel_loop3A_237 = arith.constant 80 : index
          %parallel_loop3A_238 = tpu.vector_load %run_scoped3A_7[%parallel_loop3A_236, %parallel_loop3A_237] {strides = array<i32>} : memref<40x128xf32, #tpu.memory_space<vmem>>, vector<1x16xf32>,
          %parallel_loop3A_239 = vector.shape_cast %parallel_loop3A_238 : vector<1x16xf32> to vector<16xf32>
          %parallel_loop3A_240 = vector.shape_cast %parallel_loop3A_235 : vector<16xf32> to vector<1x16xf32>
          tpu.vector_store %run_scoped3A_7[%parallel_loop3A_236, %parallel_loop3A_237], %parallel_loop3A_240 {strides = array<i32>} : memref<40x128xf32, #tpu.memory_space<vmem>>, vector<1x16xf32>,
          %parallel_loop3A_241 = arith.index_cast %parallel_loop3A_176 : i32 to index
          %parallel_loop3A_242 = arith.constant 96 : index
          %parallel_loop3A_243 = tpu.vector_load %run_scoped3A_7[%parallel_loop3A_241, %parallel_loop3A_242] {strides = array<i32>} : memref<40x128xf32, #tpu.memory_space<vmem>>, vector<1x16xf32>,
          %parallel_loop3A_244 = vector.shape_cast %parallel_loop3A_243 : vector<1x16xf32> to vector<16xf32>
          %parallel_loop3A_245 = arith.mulf %parallel_loop3A_244, %parallel_loop3A_180 : vector<16xf32>
          %parallel_loop3A_246 = arith.index_cast %parallel_loop3A_176 : i32 to index
          %parallel_loop3A_247 = arith.constant 96 : index
          %parallel_loop3A_248 = tpu.vector_load %run_scoped3A_7[%parallel_loop3A_246, %parallel_loop3A_247] {strides = array<i32>} : memref<40x128xf32, #tpu.memory_space<vmem>>, vector<1x16xf32>,
          %parallel_loop3A_249 = vector.shape_cast %parallel_loop3A_248 : vector<1x16xf32> to vector<16xf32>
          %parallel_loop3A_250 = vector.shape_cast %parallel_loop3A_245 : vector<16xf32> to vector<1x16xf32>
          tpu.vector_store %run_scoped3A_7[%parallel_loop3A_246, %parallel_loop3A_247], %parallel_loop3A_250 {strides = array<i32>} : memref<40x128xf32, #tpu.memory_space<vmem>>, vector<1x16xf32>,
          %parallel_loop3A_251 = arith.index_cast %parallel_loop3A_176 : i32 to index
          %parallel_loop3A_252 = arith.constant 112 : index
          %parallel_loop3A_253 = tpu.vector_load %run_scoped3A_7[%parallel_loop3A_251, %parallel_loop3A_252] {strides = array<i32>} : memref<40x128xf32, #tpu.memory_space<vmem>>, vector<1x16xf32>,
          %parallel_loop3A_254 = vector.shape_cast %parallel_loop3A_253 : vector<1x16xf32> to vector<16xf32>
          %parallel_loop3A_255 = arith.mulf %parallel_loop3A_254, %parallel_loop3A_180 : vector<16xf32>
          %parallel_loop3A_256 = arith.index_cast %parallel_loop3A_176 : i32 to index
          %parallel_loop3A_257 = arith.constant 112 : index
          %parallel_loop3A_258 = tpu.vector_load %run_scoped3A_7[%parallel_loop3A_256, %parallel_loop3A_257] {strides = array<i32>} : memref<40x128xf32, #tpu.memory_space<vmem>>, vector<1x16xf32>,
          %parallel_loop3A_259 = vector.shape_cast %parallel_loop3A_258 : vector<1x16xf32> to vector<16xf32>
          %parallel_loop3A_260 = vector.shape_cast %parallel_loop3A_255 : vector<16xf32> to vector<1x16xf32>
          tpu.vector_store %run_scoped3A_7[%parallel_loop3A_256, %parallel_loop3A_257], %parallel_loop3A_260 {strides = array<i32>} : memref<40x128xf32, #tpu.memory_space<vmem>>, vector<1x16xf32>,
        } {sc.loop_unroll_factor = 1 : i64, sc.parallel_access}
        "tpu.region"() ({
          %run_scoped3A_176 = tpu.sem_alloc : memref<!tpu.dma_semaphore, #tpu.memory_space<semaphore_mem>>
          %dma_start3A_177 = arith.constant 0 : i32
          %dma_start3A_178 = arith.constant 0 : i32
          %dma_start3A_179 = tpu.memref_slice %arg25[%dma_start3A_177, %dma_start3A_178] : memref<10240x128xf32, #tpu.memory_space<vmem_shared>> -> memref<10240x128xf32, #tpu.memory_space<vmem_shared>>
          tpu.enqueue_indirect_dma source(%run_scoped3A_7 : memref<40x128xf32, #tpu.memory_space<vmem>>) target(%dma_start3A_179 : memref<10240x128xf32, #tpu.memory_space<vmem_shared>>) offsets(%run_scoped3A_12 : memref<40xi32, #tpu.memory_space<vmem>>) semaphore(%run_scoped3A_176 : memref<!tpu.dma_semaphore, #tpu.memory_space<semaphore_mem>>) {add = true}
          %dma_wait3A_180 = arith.constant 0 : i32
          %dma_wait3A_181 = arith.constant 0 : i32
          %dma_wait3A_182 = tpu.memref_slice %arg25[%dma_wait3A_180, %dma_wait3A_181] : memref<10240x128xf32, #tpu.memory_space<vmem_shared>> -> memref<10240x128xf32, #tpu.memory_space<vmem_shared>>
          tpu.wait_indirect_dma semaphore(%run_scoped3A_176 : memref<!tpu.dma_semaphore, #tpu.memory_space<semaphore_mem>>) src(%run_scoped3A_7 : memref<40x128xf32, #tpu.memory_space<vmem>>) dst(%dma_wait3A_182 : memref<10240x128xf32, #tpu.memory_space<vmem_shared>>)
          tpu.yield
        }) : () -> ()
      }
      %scan3A_88 = arith.constant 124 : i32
      %add3A_89 = arith.constant 9960 : i32
      %add3A_90 = arith.addi %mul3A_2, %add3A_89 : i32
      "tpu.region"() ({
        %run_scoped3A_139 = tpu.sem_alloc : memref<!tpu.dma_semaphore, #tpu.memory_space<semaphore_mem>>
        %dma_start3A_140 = tpu.memref_slice %arg2[%add3A_90] : memref<320000xi32, #tpu.memory_space<hbm>> -> memref<40xi32, #tpu.memory_space<hbm>>
        %dma_start3A_141 = tpu.memref_slice %arg2[%add3A_90] : memref<320000xi32, #tpu.memory_space<hbm>> -> memref<40xi32, #tpu.memory_space<hbm>>
        tpu.enqueue_dma source(%dma_start3A_141 : memref<40xi32, #tpu.memory_space<hbm>>) target(%run_scoped3A_11 : memref<40xi32, #tpu.memory_space<vmem>>) target_semaphore(%run_scoped3A_139 : memref<!tpu.dma_semaphore, #tpu.memory_space<semaphore_mem>>)
        %dma_wait3A_142 = tpu.memref_slice %arg2[%add3A_90] : memref<320000xi32, #tpu.memory_space<hbm>> -> memref<40xi32, #tpu.memory_space<hbm>>
        %dma_wait3A_143 = tpu.memref_slice %arg2[%add3A_90] : memref<320000xi32, #tpu.memory_space<hbm>> -> memref<40xi32, #tpu.memory_space<hbm>>
        tpu.wait_dma2 semaphore(%run_scoped3A_139 : memref<!tpu.dma_semaphore, #tpu.memory_space<semaphore_mem>>) src(%dma_wait3A_143 : memref<40xi32, #tpu.memory_space<hbm>>) dst(%run_scoped3A_11 : memref<40xi32, #tpu.memory_space<vmem>>)
        tpu.yield
      }) : () -> ()
      "tpu.region"() ({
        %run_scoped3A_139 = tpu.sem_alloc : memref<!tpu.dma_semaphore, #tpu.memory_space<semaphore_mem>>
        %dma_start3A_140 = tpu.memref_slice %arg3[%add3A_90] : memref<320000xi32, #tpu.memory_space<hbm>> -> memref<40xi32, #tpu.memory_space<hbm>>
        %dma_start3A_141 = tpu.memref_slice %arg3[%add3A_90] : memref<320000xi32, #tpu.memory_space<hbm>> -> memref<40xi32, #tpu.memory_space<hbm>>
        tpu.enqueue_dma source(%dma_start3A_141 : memref<40xi32, #tpu.memory_space<hbm>>) target(%run_scoped3A_12 : memref<40xi32, #tpu.memory_space<vmem>>) target_semaphore(%run_scoped3A_139 : memref<!tpu.dma_semaphore, #tpu.memory_space<semaphore_mem>>)
        %dma_wait3A_142 = tpu.memref_slice %arg3[%add3A_90] : memref<320000xi32, #tpu.memory_space<hbm>> -> memref<40xi32, #tpu.memory_space<hbm>>
        %dma_wait3A_143 = tpu.memref_slice %arg3[%add3A_90] : memref<320000xi32, #tpu.memory_space<hbm>> -> memref<40xi32, #tpu.memory_space<hbm>>
        tpu.wait_dma2 semaphore(%run_scoped3A_139 : memref<!tpu.dma_semaphore, #tpu.memory_space<semaphore_mem>>) src(%dma_wait3A_143 : memref<40xi32, #tpu.memory_space<hbm>>) dst(%run_scoped3A_12 : memref<40xi32, #tpu.memory_space<vmem>>)
        tpu.yield
      }) : () -> ()
      "tpu.region"() ({
        %run_scoped3A_139 = tpu.sem_alloc : memref<!tpu.dma_semaphore, #tpu.memory_space<semaphore_mem>>
        %dma_start3A_140 = arith.constant 0 : i32
        %dma_start3A_141 = tpu.memref_slice %arg18[%add3A_90, %dma_start3A_140] : memref<320000x16xf32, #tpu.memory_space<hbm>> -> memref<40x16xf32, #tpu.memory_space<hbm>>
        %dma_start3A_142 = arith.constant 0 : i32
        %dma_start3A_143 = tpu.memref_slice %arg18[%add3A_90, %dma_start3A_142] : memref<320000x16xf32, #tpu.memory_space<hbm>> -> memref<40x16xf32, #tpu.memory_space<hbm>>
        tpu.enqueue_dma source(%dma_start3A_143 : memref<40x16xf32, #tpu.memory_space<hbm>>) target(%run_scoped3A_14 : memref<40x16xf32, #tpu.memory_space<vmem>>) target_semaphore(%run_scoped3A_139 : memref<!tpu.dma_semaphore, #tpu.memory_space<semaphore_mem>>)
        %dma_wait3A_144 = arith.constant 0 : i32
        %dma_wait3A_145 = tpu.memref_slice %arg18[%add3A_90, %dma_wait3A_144] : memref<320000x16xf32, #tpu.memory_space<hbm>> -> memref<40x16xf32, #tpu.memory_space<hbm>>
        %dma_wait3A_146 = arith.constant 0 : i32
        %dma_wait3A_147 = tpu.memref_slice %arg18[%add3A_90, %dma_wait3A_146] : memref<320000x16xf32, #tpu.memory_space<hbm>> -> memref<40x16xf32, #tpu.memory_space<hbm>>
        tpu.wait_dma2 semaphore(%run_scoped3A_139 : memref<!tpu.dma_semaphore, #tpu.memory_space<semaphore_mem>>) src(%dma_wait3A_147 : memref<40x16xf32, #tpu.memory_space<hbm>>) dst(%run_scoped3A_14 : memref<40x16xf32, #tpu.memory_space<vmem>>)
        tpu.yield
      }) : () -> ()
      %dma_start3A_91 = arith.constant 0 : i32
      %dma_start3A_92 = arith.constant 0 : i32
      %dma_start3A_93 = tpu.memref_slice %arg12[%dma_start3A_91, %dma_start3A_92] : memref<10000x128xf32, #tpu.memory_space<hbm>> -> memref<10000x128xf32, #tpu.memory_space<hbm>>
      tpu.enqueue_indirect_dma source(%dma_start3A_93 : memref<10000x128xf32, #tpu.memory_space<hbm>>) target(%run_scoped3A_7 : memref<40x128xf32, #tpu.memory_space<vmem>>) offsets(%run_scoped3A_11 : memref<40xi32, #tpu.memory_space<vmem>>) semaphore(%arg27 : memref<!tpu.dma_semaphore, #tpu.memory_space<semaphore_mem>>)
      %dma_wait3A_94 = arith.constant 0 : i32
      %dma_wait3A_95 = arith.constant 0 : i32
      %dma_wait3A_96 = tpu.memref_slice %arg12[%dma_wait3A_94, %dma_wait3A_95] : memref<10000x128xf32, #tpu.memory_space<hbm>> -> memref<10000x128xf32, #tpu.memory_space<hbm>>
      tpu.wait_indirect_dma semaphore(%arg26 : memref<!tpu.dma_semaphore, #tpu.memory_space<semaphore_mem>>) src(%dma_wait3A_96 : memref<10000x128xf32, #tpu.memory_space<hbm>>) dst(%run_scoped3A_6 : memref<40x128xf32, #tpu.memory_space<vmem>>)
      %parallel_loop3A_97 = arith.constant 0 : i32
      %parallel_loop3A_98 = arith.constant 40 : i32
      %parallel_loop3A_99 = arith.constant 1 : i32
      scf.for %parallel_loop3A_139 = %parallel_loop3A_97 to %parallel_loop3A_98 step %parallel_loop3A_99  : i32 {
        %parallel_loop3A_140 = arith.index_cast %parallel_loop3A_139 : i32 to index
        %parallel_loop3A_141 = arith.constant 0 : index
        %parallel_loop3A_142 = tpu.vector_load %run_scoped3A_13[%parallel_loop3A_140, %parallel_loop3A_141] {strides = array<i32>} : memref<40x16xf32, #tpu.memory_space<vmem>>, vector<1x16xf32>,
        %parallel_loop3A_143 = vector.shape_cast %parallel_loop3A_142 : vector<1x16xf32> to vector<16xf32>
        %parallel_loop3A_144 = arith.index_cast %parallel_loop3A_139 : i32 to index
        %parallel_loop3A_145 = arith.constant 0 : index
        %parallel_loop3A_146 = tpu.vector_load %run_scoped3A_6[%parallel_loop3A_144, %parallel_loop3A_145] {strides = array<i32>} : memref<40x128xf32, #tpu.memory_space<vmem>>, vector<1x16xf32>,
        %parallel_loop3A_147 = vector.shape_cast %parallel_loop3A_146 : vector<1x16xf32> to vector<16xf32>
        %parallel_loop3A_148 = arith.mulf %parallel_loop3A_147, %parallel_loop3A_143 : vector<16xf32>
        %parallel_loop3A_149 = arith.index_cast %parallel_loop3A_139 : i32 to index
        %parallel_loop3A_150 = arith.constant 0 : index
        %parallel_loop3A_151 = tpu.vector_load %run_scoped3A_6[%parallel_loop3A_149, %parallel_loop3A_150] {strides = array<i32>} : memref<40x128xf32, #tpu.memory_space<vmem>>, vector<1x16xf32>,
        %parallel_loop3A_152 = vector.shape_cast %parallel_loop3A_151 : vector<1x16xf32> to vector<16xf32>
        %parallel_loop3A_153 = vector.shape_cast %parallel_loop3A_148 : vector<16xf32> to vector<1x16xf32>
        tpu.vector_store %run_scoped3A_6[%parallel_loop3A_149, %parallel_loop3A_150], %parallel_loop3A_153 {strides = array<i32>} : memref<40x128xf32, #tpu.memory_space<vmem>>, vector<1x16xf32>,
        %parallel_loop3A_154 = arith.index_cast %parallel_loop3A_139 : i32 to index
        %parallel_loop3A_155 = arith.constant 16 : index
        %parallel_loop3A_156 = tpu.vector_load %run_scoped3A_6[%parallel_loop3A_154, %parallel_loop3A_155] {strides = array<i32>} : memref<40x128xf32, #tpu.memory_space<vmem>>, vector<1x16xf32>,
        %parallel_loop3A_157 = vector.shape_cast %parallel_loop3A_156 : vector<1x16xf32> to vector<16xf32>
        %parallel_loop3A_158 = arith.mulf %parallel_loop3A_157, %parallel_loop3A_143 : vector<16xf32>
        %parallel_loop3A_159 = arith.index_cast %parallel_loop3A_139 : i32 to index
        %parallel_loop3A_160 = arith.constant 16 : index
        %parallel_loop3A_161 = tpu.vector_load %run_scoped3A_6[%parallel_loop3A_159, %parallel_loop3A_160] {strides = array<i32>} : memref<40x128xf32, #tpu.memory_space<vmem>>, vector<1x16xf32>,
        %parallel_loop3A_162 = vector.shape_cast %parallel_loop3A_161 : vector<1x16xf32> to vector<16xf32>
        %parallel_loop3A_163 = vector.shape_cast %parallel_loop3A_158 : vector<16xf32> to vector<1x16xf32>
        tpu.vector_store %run_scoped3A_6[%parallel_loop3A_159, %parallel_loop3A_160], %parallel_loop3A_163 {strides = array<i32>} : memref<40x128xf32, #tpu.memory_space<vmem>>, vector<1x16xf32>,
        %parallel_loop3A_164 = arith.index_cast %parallel_loop3A_139 : i32 to index
        %parallel_loop3A_165 = arith.constant 32 : index
        %parallel_loop3A_166 = tpu.vector_load %run_scoped3A_6[%parallel_loop3A_164, %parallel_loop3A_165] {strides = array<i32>} : memref<40x128xf32, #tpu.memory_space<vmem>>, vector<1x16xf32>,
        %parallel_loop3A_167 = vector.shape_cast %parallel_loop3A_166 : vector<1x16xf32> to vector<16xf32>
        %parallel_loop3A_168 = arith.mulf %parallel_loop3A_167, %parallel_loop3A_143 : vector<16xf32>
        %parallel_loop3A_169 = arith.index_cast %parallel_loop3A_139 : i32 to index
        %parallel_loop3A_170 = arith.constant 32 : index
        %parallel_loop3A_171 = tpu.vector_load %run_scoped3A_6[%parallel_loop3A_169, %parallel_loop3A_170] {strides = array<i32>} : memref<40x128xf32, #tpu.memory_space<vmem>>, vector<1x16xf32>,
        %parallel_loop3A_172 = vector.shape_cast %parallel_loop3A_171 : vector<1x16xf32> to vector<16xf32>
        %parallel_loop3A_173 = vector.shape_cast %parallel_loop3A_168 : vector<16xf32> to vector<1x16xf32>
        tpu.vector_store %run_scoped3A_6[%parallel_loop3A_169, %parallel_loop3A_170], %parallel_loop3A_173 {strides = array<i32>} : memref<40x128xf32, #tpu.memory_space<vmem>>, vector<1x16xf32>,
        %parallel_loop3A_174 = arith.index_cast %parallel_loop3A_139 : i32 to index
        %parallel_loop3A_175 = arith.constant 48 : index
        %parallel_loop3A_176 = tpu.vector_load %run_scoped3A_6[%parallel_loop3A_174, %parallel_loop3A_175] {strides = array<i32>} : memref<40x128xf32, #tpu.memory_space<vmem>>, vector<1x16xf32>,
        %parallel_loop3A_177 = vector.shape_cast %parallel_loop3A_176 : vector<1x16xf32> to vector<16xf32>
        %parallel_loop3A_178 = arith.mulf %parallel_loop3A_177, %parallel_loop3A_143 : vector<16xf32>
        %parallel_loop3A_179 = arith.index_cast %parallel_loop3A_139 : i32 to index
        %parallel_loop3A_180 = arith.constant 48 : index
        %parallel_loop3A_181 = tpu.vector_load %run_scoped3A_6[%parallel_loop3A_179, %parallel_loop3A_180] {strides = array<i32>} : memref<40x128xf32, #tpu.memory_space<vmem>>, vector<1x16xf32>,
        %parallel_loop3A_182 = vector.shape_cast %parallel_loop3A_181 : vector<1x16xf32> to vector<16xf32>
        %parallel_loop3A_183 = vector.shape_cast %parallel_loop3A_178 : vector<16xf32> to vector<1x16xf32>
        tpu.vector_store %run_scoped3A_6[%parallel_loop3A_179, %parallel_loop3A_180], %parallel_loop3A_183 {strides = array<i32>} : memref<40x128xf32, #tpu.memory_space<vmem>>, vector<1x16xf32>,
        %parallel_loop3A_184 = arith.index_cast %parallel_loop3A_139 : i32 to index
        %parallel_loop3A_185 = arith.constant 64 : index
        %parallel_loop3A_186 = tpu.vector_load %run_scoped3A_6[%parallel_loop3A_184, %parallel_loop3A_185] {strides = array<i32>} : memref<40x128xf32, #tpu.memory_space<vmem>>, vector<1x16xf32>,
        %parallel_loop3A_187 = vector.shape_cast %parallel_loop3A_186 : vector<1x16xf32> to vector<16xf32>
        %parallel_loop3A_188 = arith.mulf %parallel_loop3A_187, %parallel_loop3A_143 : vector<16xf32>
        %parallel_loop3A_189 = arith.index_cast %parallel_loop3A_139 : i32 to index
        %parallel_loop3A_190 = arith.constant 64 : index
        %parallel_loop3A_191 = tpu.vector_load %run_scoped3A_6[%parallel_loop3A_189, %parallel_loop3A_190] {strides = array<i32>} : memref<40x128xf32, #tpu.memory_space<vmem>>, vector<1x16xf32>,
        %parallel_loop3A_192 = vector.shape_cast %parallel_loop3A_191 : vector<1x16xf32> to vector<16xf32>
        %parallel_loop3A_193 = vector.shape_cast %parallel_loop3A_188 : vector<16xf32> to vector<1x16xf32>
        tpu.vector_store %run_scoped3A_6[%parallel_loop3A_189, %parallel_loop3A_190], %parallel_loop3A_193 {strides = array<i32>} : memref<40x128xf32, #tpu.memory_space<vmem>>, vector<1x16xf32>,
        %parallel_loop3A_194 = arith.index_cast %parallel_loop3A_139 : i32 to index
        %parallel_loop3A_195 = arith.constant 80 : index
        %parallel_loop3A_196 = tpu.vector_load %run_scoped3A_6[%parallel_loop3A_194, %parallel_loop3A_195] {strides = array<i32>} : memref<40x128xf32, #tpu.memory_space<vmem>>, vector<1x16xf32>,
        %parallel_loop3A_197 = vector.shape_cast %parallel_loop3A_196 : vector<1x16xf32> to vector<16xf32>
        %parallel_loop3A_198 = arith.mulf %parallel_loop3A_197, %parallel_loop3A_143 : vector<16xf32>
        %parallel_loop3A_199 = arith.index_cast %parallel_loop3A_139 : i32 to index
        %parallel_loop3A_200 = arith.constant 80 : index
        %parallel_loop3A_201 = tpu.vector_load %run_scoped3A_6[%parallel_loop3A_199, %parallel_loop3A_200] {strides = array<i32>} : memref<40x128xf32, #tpu.memory_space<vmem>>, vector<1x16xf32>,
        %parallel_loop3A_202 = vector.shape_cast %parallel_loop3A_201 : vector<1x16xf32> to vector<16xf32>
        %parallel_loop3A_203 = vector.shape_cast %parallel_loop3A_198 : vector<16xf32> to vector<1x16xf32>
        tpu.vector_store %run_scoped3A_6[%parallel_loop3A_199, %parallel_loop3A_200], %parallel_loop3A_203 {strides = array<i32>} : memref<40x128xf32, #tpu.memory_space<vmem>>, vector<1x16xf32>,
        %parallel_loop3A_204 = arith.index_cast %parallel_loop3A_139 : i32 to index
        %parallel_loop3A_205 = arith.constant 96 : index
        %parallel_loop3A_206 = tpu.vector_load %run_scoped3A_6[%parallel_loop3A_204, %parallel_loop3A_205] {strides = array<i32>} : memref<40x128xf32, #tpu.memory_space<vmem>>, vector<1x16xf32>,
        %parallel_loop3A_207 = vector.shape_cast %parallel_loop3A_206 : vector<1x16xf32> to vector<16xf32>
        %parallel_loop3A_208 = arith.mulf %parallel_loop3A_207, %parallel_loop3A_143 : vector<16xf32>
        %parallel_loop3A_209 = arith.index_cast %parallel_loop3A_139 : i32 to index
        %parallel_loop3A_210 = arith.constant 96 : index
        %parallel_loop3A_211 = tpu.vector_load %run_scoped3A_6[%parallel_loop3A_209, %parallel_loop3A_210] {strides = array<i32>} : memref<40x128xf32, #tpu.memory_space<vmem>>, vector<1x16xf32>,
        %parallel_loop3A_212 = vector.shape_cast %parallel_loop3A_211 : vector<1x16xf32> to vector<16xf32>
        %parallel_loop3A_213 = vector.shape_cast %parallel_loop3A_208 : vector<16xf32> to vector<1x16xf32>
        tpu.vector_store %run_scoped3A_6[%parallel_loop3A_209, %parallel_loop3A_210], %parallel_loop3A_213 {strides = array<i32>} : memref<40x128xf32, #tpu.memory_space<vmem>>, vector<1x16xf32>,
        %parallel_loop3A_214 = arith.index_cast %parallel_loop3A_139 : i32 to index
        %parallel_loop3A_215 = arith.constant 112 : index
        %parallel_loop3A_216 = tpu.vector_load %run_scoped3A_6[%parallel_loop3A_214, %parallel_loop3A_215] {strides = array<i32>} : memref<40x128xf32, #tpu.memory_space<vmem>>, vector<1x16xf32>,
        %parallel_loop3A_217 = vector.shape_cast %parallel_loop3A_216 : vector<1x16xf32> to vector<16xf32>
        %parallel_loop3A_218 = arith.mulf %parallel_loop3A_217, %parallel_loop3A_143 : vector<16xf32>
        %parallel_loop3A_219 = arith.index_cast %parallel_loop3A_139 : i32 to index
        %parallel_loop3A_220 = arith.constant 112 : index
        %parallel_loop3A_221 = tpu.vector_load %run_scoped3A_6[%parallel_loop3A_219, %parallel_loop3A_220] {strides = array<i32>} : memref<40x128xf32, #tpu.memory_space<vmem>>, vector<1x16xf32>,
        %parallel_loop3A_222 = vector.shape_cast %parallel_loop3A_221 : vector<1x16xf32> to vector<16xf32>
        %parallel_loop3A_223 = vector.shape_cast %parallel_loop3A_218 : vector<16xf32> to vector<1x16xf32>
        tpu.vector_store %run_scoped3A_6[%parallel_loop3A_219, %parallel_loop3A_220], %parallel_loop3A_223 {strides = array<i32>} : memref<40x128xf32, #tpu.memory_space<vmem>>, vector<1x16xf32>,
      } {sc.loop_unroll_factor = 1 : i64, sc.parallel_access}
      "tpu.region"() ({
        %run_scoped3A_139 = tpu.sem_alloc : memref<!tpu.dma_semaphore, #tpu.memory_space<semaphore_mem>>
        %dma_start3A_140 = arith.constant 0 : i32
        %dma_start3A_141 = arith.constant 0 : i32
        %dma_start3A_142 = tpu.memref_slice %arg25[%dma_start3A_140, %dma_start3A_141] : memref<10240x128xf32, #tpu.memory_space<vmem_shared>> -> memref<10240x128xf32, #tpu.memory_space<vmem_shared>>
        tpu.enqueue_indirect_dma source(%run_scoped3A_6 : memref<40x128xf32, #tpu.memory_space<vmem>>) target(%dma_start3A_142 : memref<10240x128xf32, #tpu.memory_space<vmem_shared>>) offsets(%run_scoped3A_10 : memref<40xi32, #tpu.memory_space<vmem>>) semaphore(%run_scoped3A_139 : memref<!tpu.dma_semaphore, #tpu.memory_space<semaphore_mem>>) {add = true}
        %dma_wait3A_143 = arith.constant 0 : i32
        %dma_wait3A_144 = arith.constant 0 : i32
        %dma_wait3A_145 = tpu.memref_slice %arg25[%dma_wait3A_143, %dma_wait3A_144] : memref<10240x128xf32, #tpu.memory_space<vmem_shared>> -> memref<10240x128xf32, #tpu.memory_space<vmem_shared>>
        tpu.wait_indirect_dma semaphore(%run_scoped3A_139 : memref<!tpu.dma_semaphore, #tpu.memory_space<semaphore_mem>>) src(%run_scoped3A_6 : memref<40x128xf32, #tpu.memory_space<vmem>>) dst(%dma_wait3A_145 : memref<10240x128xf32, #tpu.memory_space<vmem_shared>>)
        tpu.yield
      }) : () -> ()
      %dma_wait3A_100 = arith.constant 0 : i32
      %dma_wait3A_101 = arith.constant 0 : i32
      %dma_wait3A_102 = tpu.memref_slice %arg12[%dma_wait3A_100, %dma_wait3A_101] : memref<10000x128xf32, #tpu.memory_space<hbm>> -> memref<10000x128xf32, #tpu.memory_space<hbm>>
      tpu.wait_indirect_dma semaphore(%arg27 : memref<!tpu.dma_semaphore, #tpu.memory_space<semaphore_mem>>) src(%dma_wait3A_102 : memref<10000x128xf32, #tpu.memory_space<hbm>>) dst(%run_scoped3A_7 : memref<40x128xf32, #tpu.memory_space<vmem>>)
      %parallel_loop3A_103 = arith.constant 0 : i32
      %parallel_loop3A_104 = arith.constant 40 : i32
      %parallel_loop3A_105 = arith.constant 1 : i32
      scf.for %parallel_loop3A_139 = %parallel_loop3A_103 to %parallel_loop3A_104 step %parallel_loop3A_105  : i32 {
        %parallel_loop3A_140 = arith.index_cast %parallel_loop3A_139 : i32 to index
        %parallel_loop3A_141 = arith.constant 0 : index
        %parallel_loop3A_142 = tpu.vector_load %run_scoped3A_14[%parallel_loop3A_140, %parallel_loop3A_141] {strides = array<i32>} : memref<40x16xf32, #tpu.memory_space<vmem>>, vector<1x16xf32>,
        %parallel_loop3A_143 = vector.shape_cast %parallel_loop3A_142 : vector<1x16xf32> to vector<16xf32>
        %parallel_loop3A_144 = arith.index_cast %parallel_loop3A_139 : i32 to index
        %parallel_loop3A_145 = arith.constant 0 : index
        %parallel_loop3A_146 = tpu.vector_load %run_scoped3A_7[%parallel_loop3A_144, %parallel_loop3A_145] {strides = array<i32>} : memref<40x128xf32, #tpu.memory_space<vmem>>, vector<1x16xf32>,
        %parallel_loop3A_147 = vector.shape_cast %parallel_loop3A_146 : vector<1x16xf32> to vector<16xf32>
        %parallel_loop3A_148 = arith.mulf %parallel_loop3A_147, %parallel_loop3A_143 : vector<16xf32>
        %parallel_loop3A_149 = arith.index_cast %parallel_loop3A_139 : i32 to index
        %parallel_loop3A_150 = arith.constant 0 : index
        %parallel_loop3A_151 = tpu.vector_load %run_scoped3A_7[%parallel_loop3A_149, %parallel_loop3A_150] {strides = array<i32>} : memref<40x128xf32, #tpu.memory_space<vmem>>, vector<1x16xf32>,
        %parallel_loop3A_152 = vector.shape_cast %parallel_loop3A_151 : vector<1x16xf32> to vector<16xf32>
        %parallel_loop3A_153 = vector.shape_cast %parallel_loop3A_148 : vector<16xf32> to vector<1x16xf32>
        tpu.vector_store %run_scoped3A_7[%parallel_loop3A_149, %parallel_loop3A_150], %parallel_loop3A_153 {strides = array<i32>} : memref<40x128xf32, #tpu.memory_space<vmem>>, vector<1x16xf32>,
        %parallel_loop3A_154 = arith.index_cast %parallel_loop3A_139 : i32 to index
        %parallel_loop3A_155 = arith.constant 16 : index
        %parallel_loop3A_156 = tpu.vector_load %run_scoped3A_7[%parallel_loop3A_154, %parallel_loop3A_155] {strides = array<i32>} : memref<40x128xf32, #tpu.memory_space<vmem>>, vector<1x16xf32>,
        %parallel_loop3A_157 = vector.shape_cast %parallel_loop3A_156 : vector<1x16xf32> to vector<16xf32>
        %parallel_loop3A_158 = arith.mulf %parallel_loop3A_157, %parallel_loop3A_143 : vector<16xf32>
        %parallel_loop3A_159 = arith.index_cast %parallel_loop3A_139 : i32 to index
        %parallel_loop3A_160 = arith.constant 16 : index
        %parallel_loop3A_161 = tpu.vector_load %run_scoped3A_7[%parallel_loop3A_159, %parallel_loop3A_160] {strides = array<i32>} : memref<40x128xf32, #tpu.memory_space<vmem>>, vector<1x16xf32>,
        %parallel_loop3A_162 = vector.shape_cast %parallel_loop3A_161 : vector<1x16xf32> to vector<16xf32>
        %parallel_loop3A_163 = vector.shape_cast %parallel_loop3A_158 : vector<16xf32> to vector<1x16xf32>
        tpu.vector_store %run_scoped3A_7[%parallel_loop3A_159, %parallel_loop3A_160], %parallel_loop3A_163 {strides = array<i32>} : memref<40x128xf32, #tpu.memory_space<vmem>>, vector<1x16xf32>,
        %parallel_loop3A_164 = arith.index_cast %parallel_loop3A_139 : i32 to index
        %parallel_loop3A_165 = arith.constant 32 : index
        %parallel_loop3A_166 = tpu.vector_load %run_scoped3A_7[%parallel_loop3A_164, %parallel_loop3A_165] {strides = array<i32>} : memref<40x128xf32, #tpu.memory_space<vmem>>, vector<1x16xf32>,
        %parallel_loop3A_167 = vector.shape_cast %parallel_loop3A_166 : vector<1x16xf32> to vector<16xf32>
        %parallel_loop3A_168 = arith.mulf %parallel_loop3A_167, %parallel_loop3A_143 : vector<16xf32>
        %parallel_loop3A_169 = arith.index_cast %parallel_loop3A_139 : i32 to index
        %parallel_loop3A_170 = arith.constant 32 : index
        %parallel_loop3A_171 = tpu.vector_load %run_scoped3A_7[%parallel_loop3A_169, %parallel_loop3A_170] {strides = array<i32>} : memref<40x128xf32, #tpu.memory_space<vmem>>, vector<1x16xf32>,
        %parallel_loop3A_172 = vector.shape_cast %parallel_loop3A_171 : vector<1x16xf32> to vector<16xf32>
        %parallel_loop3A_173 = vector.shape_cast %parallel_loop3A_168 : vector<16xf32> to vector<1x16xf32>
        tpu.vector_store %run_scoped3A_7[%parallel_loop3A_169, %parallel_loop3A_170], %parallel_loop3A_173 {strides = array<i32>} : memref<40x128xf32, #tpu.memory_space<vmem>>, vector<1x16xf32>,
        %parallel_loop3A_174 = arith.index_cast %parallel_loop3A_139 : i32 to index
        %parallel_loop3A_175 = arith.constant 48 : index
        %parallel_loop3A_176 = tpu.vector_load %run_scoped3A_7[%parallel_loop3A_174, %parallel_loop3A_175] {strides = array<i32>} : memref<40x128xf32, #tpu.memory_space<vmem>>, vector<1x16xf32>,
        %parallel_loop3A_177 = vector.shape_cast %parallel_loop3A_176 : vector<1x16xf32> to vector<16xf32>
        %parallel_loop3A_178 = arith.mulf %parallel_loop3A_177, %parallel_loop3A_143 : vector<16xf32>
        %parallel_loop3A_179 = arith.index_cast %parallel_loop3A_139 : i32 to index
        %parallel_loop3A_180 = arith.constant 48 : index
        %parallel_loop3A_181 = tpu.vector_load %run_scoped3A_7[%parallel_loop3A_179, %parallel_loop3A_180] {strides = array<i32>} : memref<40x128xf32, #tpu.memory_space<vmem>>, vector<1x16xf32>,
        %parallel_loop3A_182 = vector.shape_cast %parallel_loop3A_181 : vector<1x16xf32> to vector<16xf32>
        %parallel_loop3A_183 = vector.shape_cast %parallel_loop3A_178 : vector<16xf32> to vector<1x16xf32>
        tpu.vector_store %run_scoped3A_7[%parallel_loop3A_179, %parallel_loop3A_180], %parallel_loop3A_183 {strides = array<i32>} : memref<40x128xf32, #tpu.memory_space<vmem>>, vector<1x16xf32>,
        %parallel_loop3A_184 = arith.index_cast %parallel_loop3A_139 : i32 to index
        %parallel_loop3A_185 = arith.constant 64 : index
        %parallel_loop3A_186 = tpu.vector_load %run_scoped3A_7[%parallel_loop3A_184, %parallel_loop3A_185] {strides = array<i32>} : memref<40x128xf32, #tpu.memory_space<vmem>>, vector<1x16xf32>,
        %parallel_loop3A_187 = vector.shape_cast %parallel_loop3A_186 : vector<1x16xf32> to vector<16xf32>
        %parallel_loop3A_188 = arith.mulf %parallel_loop3A_187, %parallel_loop3A_143 : vector<16xf32>
        %parallel_loop3A_189 = arith.index_cast %parallel_loop3A_139 : i32 to index
        %parallel_loop3A_190 = arith.constant 64 : index
        %parallel_loop3A_191 = tpu.vector_load %run_scoped3A_7[%parallel_loop3A_189, %parallel_loop3A_190] {strides = array<i32>} : memref<40x128xf32, #tpu.memory_space<vmem>>, vector<1x16xf32>,
        %parallel_loop3A_192 = vector.shape_cast %parallel_loop3A_191 : vector<1x16xf32> to vector<16xf32>
        %parallel_loop3A_193 = vector.shape_cast %parallel_loop3A_188 : vector<16xf32> to vector<1x16xf32>
        tpu.vector_store %run_scoped3A_7[%parallel_loop3A_189, %parallel_loop3A_190], %parallel_loop3A_193 {strides = array<i32>} : memref<40x128xf32, #tpu.memory_space<vmem>>, vector<1x16xf32>,
        %parallel_loop3A_194 = arith.index_cast %parallel_loop3A_139 : i32 to index
        %parallel_loop3A_195 = arith.constant 80 : index
        %parallel_loop3A_196 = tpu.vector_load %run_scoped3A_7[%parallel_loop3A_194, %parallel_loop3A_195] {strides = array<i32>} : memref<40x128xf32, #tpu.memory_space<vmem>>, vector<1x16xf32>,
        %parallel_loop3A_197 = vector.shape_cast %parallel_loop3A_196 : vector<1x16xf32> to vector<16xf32>
        %parallel_loop3A_198 = arith.mulf %parallel_loop3A_197, %parallel_loop3A_143 : vector<16xf32>
        %parallel_loop3A_199 = arith.index_cast %parallel_loop3A_139 : i32 to index
        %parallel_loop3A_200 = arith.constant 80 : index
        %parallel_loop3A_201 = tpu.vector_load %run_scoped3A_7[%parallel_loop3A_199, %parallel_loop3A_200] {strides = array<i32>} : memref<40x128xf32, #tpu.memory_space<vmem>>, vector<1x16xf32>,
        %parallel_loop3A_202 = vector.shape_cast %parallel_loop3A_201 : vector<1x16xf32> to vector<16xf32>
        %parallel_loop3A_203 = vector.shape_cast %parallel_loop3A_198 : vector<16xf32> to vector<1x16xf32>
        tpu.vector_store %run_scoped3A_7[%parallel_loop3A_199, %parallel_loop3A_200], %parallel_loop3A_203 {strides = array<i32>} : memref<40x128xf32, #tpu.memory_space<vmem>>, vector<1x16xf32>,
        %parallel_loop3A_204 = arith.index_cast %parallel_loop3A_139 : i32 to index
        %parallel_loop3A_205 = arith.constant 96 : index
        %parallel_loop3A_206 = tpu.vector_load %run_scoped3A_7[%parallel_loop3A_204, %parallel_loop3A_205] {strides = array<i32>} : memref<40x128xf32, #tpu.memory_space<vmem>>, vector<1x16xf32>,
        %parallel_loop3A_207 = vector.shape_cast %parallel_loop3A_206 : vector<1x16xf32> to vector<16xf32>
        %parallel_loop3A_208 = arith.mulf %parallel_loop3A_207, %parallel_loop3A_143 : vector<16xf32>
        %parallel_loop3A_209 = arith.index_cast %parallel_loop3A_139 : i32 to index
        %parallel_loop3A_210 = arith.constant 96 : index
        %parallel_loop3A_211 = tpu.vector_load %run_scoped3A_7[%parallel_loop3A_209, %parallel_loop3A_210] {strides = array<i32>} : memref<40x128xf32, #tpu.memory_space<vmem>>, vector<1x16xf32>,
        %parallel_loop3A_212 = vector.shape_cast %parallel_loop3A_211 : vector<1x16xf32> to vector<16xf32>
        %parallel_loop3A_213 = vector.shape_cast %parallel_loop3A_208 : vector<16xf32> to vector<1x16xf32>
        tpu.vector_store %run_scoped3A_7[%parallel_loop3A_209, %parallel_loop3A_210], %parallel_loop3A_213 {strides = array<i32>} : memref<40x128xf32, #tpu.memory_space<vmem>>, vector<1x16xf32>,
        %parallel_loop3A_214 = arith.index_cast %parallel_loop3A_139 : i32 to index
        %parallel_loop3A_215 = arith.constant 112 : index
        %parallel_loop3A_216 = tpu.vector_load %run_scoped3A_7[%parallel_loop3A_214, %parallel_loop3A_215] {strides = array<i32>} : memref<40x128xf32, #tpu.memory_space<vmem>>, vector<1x16xf32>,
        %parallel_loop3A_217 = vector.shape_cast %parallel_loop3A_216 : vector<1x16xf32> to vector<16xf32>
        %parallel_loop3A_218 = arith.mulf %parallel_loop3A_217, %parallel_loop3A_143 : vector<16xf32>
        %parallel_loop3A_219 = arith.index_cast %parallel_loop3A_139 : i32 to index
        %parallel_loop3A_220 = arith.constant 112 : index
        %parallel_loop3A_221 = tpu.vector_load %run_scoped3A_7[%parallel_loop3A_219, %parallel_loop3A_220] {strides = array<i32>} : memref<40x128xf32, #tpu.memory_space<vmem>>, vector<1x16xf32>,
        %parallel_loop3A_222 = vector.shape_cast %parallel_loop3A_221 : vector<1x16xf32> to vector<16xf32>
        %parallel_loop3A_223 = vector.shape_cast %parallel_loop3A_218 : vector<16xf32> to vector<1x16xf32>
        tpu.vector_store %run_scoped3A_7[%parallel_loop3A_219, %parallel_loop3A_220], %parallel_loop3A_223 {strides = array<i32>} : memref<40x128xf32, #tpu.memory_space<vmem>>, vector<1x16xf32>,
      } {sc.loop_unroll_factor = 1 : i64, sc.parallel_access}
      "tpu.region"() ({
        %run_scoped3A_139 = tpu.sem_alloc : memref<!tpu.dma_semaphore, #tpu.memory_space<semaphore_mem>>
        %dma_start3A_140 = arith.constant 0 : i32
        %dma_start3A_141 = arith.constant 0 : i32
        %dma_start3A_142 = tpu.memref_slice %arg25[%dma_start3A_140, %dma_start3A_141] : memref<10240x128xf32, #tpu.memory_space<vmem_shared>> -> memref<10240x128xf32, #tpu.memory_space<vmem_shared>>
        tpu.enqueue_indirect_dma source(%run_scoped3A_7 : memref<40x128xf32, #tpu.memory_space<vmem>>) target(%dma_start3A_142 : memref<10240x128xf32, #tpu.memory_space<vmem_shared>>) offsets(%run_scoped3A_12 : memref<40xi32, #tpu.memory_space<vmem>>) semaphore(%run_scoped3A_139 : memref<!tpu.dma_semaphore, #tpu.memory_space<semaphore_mem>>) {add = true}
        %dma_wait3A_143 = arith.constant 0 : i32
        %dma_wait3A_144 = arith.constant 0 : i32
        %dma_wait3A_145 = tpu.memref_slice %arg25[%dma_wait3A_143, %dma_wait3A_144] : memref<10240x128xf32, #tpu.memory_space<vmem_shared>> -> memref<10240x128xf32, #tpu.memory_space<vmem_shared>>
        tpu.wait_indirect_dma semaphore(%run_scoped3A_139 : memref<!tpu.dma_semaphore, #tpu.memory_space<semaphore_mem>>) src(%run_scoped3A_7 : memref<40x128xf32, #tpu.memory_space<vmem>>) dst(%dma_wait3A_145 : memref<10240x128xf32, #tpu.memory_space<vmem_shared>>)
        tpu.yield
      }) : () -> ()
      %barrier3A_106 = arith.constant 0 : index
      tpu.barrier barrier_id(%barrier3A_106)
      %run_scoped3A_107 = arith.constant 2 : i32
      "tpu.region"() ({
        %run_scoped3A_139 = tpu.sem_alloc : memref<!tpu.dma_semaphore, #tpu.memory_space<semaphore_mem>>
        %dma_start3A_140 = arith.constant 0 : i32
        %dma_start3A_141 = tpu.memref_slice %arg17[%run_scoped3A_107, %arg0, %mul3A_4, %dma_start3A_140] : memref<4x2x10240x128xf32, #tpu.memory_space<hbm>> -> memref<1x1x640x128xf32, #tpu.memory_space<hbm>>
        %dma_start3A_142 = tpu.memref_squeeze %dma_start3A_141 : memref<1x1x640x128xf32, #tpu.memory_space<hbm>> -> memref<640x128xf32, #tpu.memory_space<hbm>>
        %dma_start3A_143 = arith.constant 0 : i32
        %dma_start3A_144 = tpu.memref_slice %arg25[%mul3A_4, %dma_start3A_143] : memref<10240x128xf32, #tpu.memory_space<vmem_shared>> -> memref<640x128xf32, #tpu.memory_space<vmem_shared>>
        tpu.enqueue_dma source(%dma_start3A_144 : memref<640x128xf32, #tpu.memory_space<vmem_shared>>) target(%dma_start3A_142 : memref<640x128xf32, #tpu.memory_space<hbm>>) target_semaphore(%run_scoped3A_139 : memref<!tpu.dma_semaphore, #tpu.memory_space<semaphore_mem>>)
        %dma_wait3A_145 = arith.constant 0 : i32
        %dma_wait3A_146 = tpu.memref_slice %arg17[%run_scoped3A_107, %arg0, %mul3A_4, %dma_wait3A_145] : memref<4x2x10240x128xf32, #tpu.memory_space<hbm>> -> memref<1x1x640x128xf32, #tpu.memory_space<hbm>>
        %dma_wait3A_147 = tpu.memref_squeeze %dma_wait3A_146 : memref<1x1x640x128xf32, #tpu.memory_space<hbm>> -> memref<640x128xf32, #tpu.memory_space<hbm>>
        %dma_wait3A_148 = arith.constant 0 : i32
        %dma_wait3A_149 = tpu.memref_slice %arg25[%mul3A_4, %dma_wait3A_148] : memref<10240x128xf32, #tpu.memory_space<vmem_shared>> -> memref<640x128xf32, #tpu.memory_space<vmem_shared>>
        tpu.wait_dma2 semaphore(%run_scoped3A_139 : memref<!tpu.dma_semaphore, #tpu.memory_space<semaphore_mem>>) src(%dma_wait3A_149 : memref<640x128xf32, #tpu.memory_space<vmem_shared>>) dst(%dma_wait3A_147 : memref<640x128xf32, #tpu.memory_space<hbm>>)
        tpu.yield
      }) : () -> ()
      %barrier3A_108 = arith.constant 0 : index
      tpu.barrier barrier_id(%barrier3A_108)
      "tpu.region"() ({
        %run_scoped3A_139 = tpu.sem_alloc : memref<!tpu.dma_semaphore, #tpu.memory_space<semaphore_mem>>
        %dma_start3A_140 = arith.constant 0 : i32
        %dma_start3A_141 = tpu.memref_slice %arg25[%mul3A_4, %dma_start3A_140] : memref<10240x128xf32, #tpu.memory_space<vmem_shared>> -> memref<640x128xf32, #tpu.memory_space<vmem_shared>>
        tpu.enqueue_dma source(%arg15 : memref<640x128xf32, #tpu.memory_space<hbm>>) target(%dma_start3A_141 : memref<640x128xf32, #tpu.memory_space<vmem_shared>>) target_semaphore(%run_scoped3A_139 : memref<!tpu.dma_semaphore, #tpu.memory_space<semaphore_mem>>)
        %dma_wait3A_142 = arith.constant 0 : i32
        %dma_wait3A_143 = tpu.memref_slice %arg25[%mul3A_4, %dma_wait3A_142] : memref<10240x128xf32, #tpu.memory_space<vmem_shared>> -> memref<640x128xf32, #tpu.memory_space<vmem_shared>>
        tpu.wait_dma2 semaphore(%run_scoped3A_139 : memref<!tpu.dma_semaphore, #tpu.memory_space<semaphore_mem>>) src(%arg15 : memref<640x128xf32, #tpu.memory_space<hbm>>) dst(%dma_wait3A_143 : memref<640x128xf32, #tpu.memory_space<vmem_shared>>)
        tpu.yield
      }) : () -> ()
      %barrier3A_109 = arith.constant 0 : index
      tpu.barrier barrier_id(%barrier3A_109)
      "tpu.region"() ({
        %run_scoped3A_139 = tpu.sem_alloc : memref<!tpu.dma_semaphore, #tpu.memory_space<semaphore_mem>>
        %dma_start3A_140 = tpu.memref_slice %arg2[%mul3A_2] : memref<320000xi32, #tpu.memory_space<hbm>> -> memref<40xi32, #tpu.memory_space<hbm>>
        %dma_start3A_141 = tpu.memref_slice %arg2[%mul3A_2] : memref<320000xi32, #tpu.memory_space<hbm>> -> memref<40xi32, #tpu.memory_space<hbm>>
        tpu.enqueue_dma source(%dma_start3A_141 : memref<40xi32, #tpu.memory_space<hbm>>) target(%run_scoped3A_9 : memref<40xi32, #tpu.memory_space<vmem>>) target_semaphore(%run_scoped3A_139 : memref<!tpu.dma_semaphore, #tpu.memory_space<semaphore_mem>>)
        %dma_wait3A_142 = tpu.memref_slice %arg2[%mul3A_2] : memref<320000xi32, #tpu.memory_space<hbm>> -> memref<40xi32, #tpu.memory_space<hbm>>
        %dma_wait3A_143 = tpu.memref_slice %arg2[%mul3A_2] : memref<320000xi32, #tpu.memory_space<hbm>> -> memref<40xi32, #tpu.memory_space<hbm>>
        tpu.wait_dma2 semaphore(%run_scoped3A_139 : memref<!tpu.dma_semaphore, #tpu.memory_space<semaphore_mem>>) src(%dma_wait3A_143 : memref<40xi32, #tpu.memory_space<hbm>>) dst(%run_scoped3A_9 : memref<40xi32, #tpu.memory_space<vmem>>)
        tpu.yield
      }) : () -> ()
      "tpu.region"() ({
        %run_scoped3A_139 = tpu.sem_alloc : memref<!tpu.dma_semaphore, #tpu.memory_space<semaphore_mem>>
        %dma_start3A_140 = tpu.memref_slice %arg3[%mul3A_2] : memref<320000xi32, #tpu.memory_space<hbm>> -> memref<40xi32, #tpu.memory_space<hbm>>
        %dma_start3A_141 = tpu.memref_slice %arg3[%mul3A_2] : memref<320000xi32, #tpu.memory_space<hbm>> -> memref<40xi32, #tpu.memory_space<hbm>>
        tpu.enqueue_dma source(%dma_start3A_141 : memref<40xi32, #tpu.memory_space<hbm>>) target(%run_scoped3A_10 : memref<40xi32, #tpu.memory_space<vmem>>) target_semaphore(%run_scoped3A_139 : memref<!tpu.dma_semaphore, #tpu.memory_space<semaphore_mem>>)
        %dma_wait3A_142 = tpu.memref_slice %arg3[%mul3A_2] : memref<320000xi32, #tpu.memory_space<hbm>> -> memref<40xi32, #tpu.memory_space<hbm>>
        %dma_wait3A_143 = tpu.memref_slice %arg3[%mul3A_2] : memref<320000xi32, #tpu.memory_space<hbm>> -> memref<40xi32, #tpu.memory_space<hbm>>
        tpu.wait_dma2 semaphore(%run_scoped3A_139 : memref<!tpu.dma_semaphore, #tpu.memory_space<semaphore_mem>>) src(%dma_wait3A_143 : memref<40xi32, #tpu.memory_space<hbm>>) dst(%run_scoped3A_10 : memref<40xi32, #tpu.memory_space<vmem>>)
        tpu.yield
      }) : () -> ()
      "tpu.region"() ({
        %run_scoped3A_139 = tpu.sem_alloc : memref<!tpu.dma_semaphore, #tpu.memory_space<semaphore_mem>>
        %dma_start3A_140 = arith.constant 0 : i32
        %dma_start3A_141 = tpu.memref_slice %arg18[%mul3A_2, %dma_start3A_140] : memref<320000x16xf32, #tpu.memory_space<hbm>> -> memref<40x16xf32, #tpu.memory_space<hbm>>
        %dma_start3A_142 = arith.constant 0 : i32
        %dma_start3A_143 = tpu.memref_slice %arg18[%mul3A_2, %dma_start3A_142] : memref<320000x16xf32, #tpu.memory_space<hbm>> -> memref<40x16xf32, #tpu.memory_space<hbm>>
        tpu.enqueue_dma source(%dma_start3A_143 : memref<40x16xf32, #tpu.memory_space<hbm>>) target(%run_scoped3A_13 : memref<40x16xf32, #tpu.memory_space<vmem>>) target_semaphore(%run_scoped3A_139 : memref<!tpu.dma_semaphore, #tpu.memory_space<semaphore_mem>>)
        %dma_wait3A_144 = arith.constant 0 : i32
        %dma_wait3A_145 = tpu.memref_slice %arg18[%mul3A_2, %dma_wait3A_144] : memref<320000x16xf32, #tpu.memory_space<hbm>> -> memref<40x16xf32, #tpu.memory_space<hbm>>
        %dma_wait3A_146 = arith.constant 0 : i32
        %dma_wait3A_147 = tpu.memref_slice %arg18[%mul3A_2, %dma_wait3A_146] : memref<320000x16xf32, #tpu.memory_space<hbm>> -> memref<40x16xf32, #tpu.memory_space<hbm>>
        tpu.wait_dma2 semaphore(%run_scoped3A_139 : memref<!tpu.dma_semaphore, #tpu.memory_space<semaphore_mem>>) src(%dma_wait3A_147 : memref<40x16xf32, #tpu.memory_space<hbm>>) dst(%run_scoped3A_13 : memref<40x16xf32, #tpu.memory_space<vmem>>)
        tpu.yield
      }) : () -> ()
      %dma_start3A_110 = arith.constant 0 : i32
      %dma_start3A_111 = arith.constant 0 : i32
      %dma_start3A_112 = tpu.memref_slice %arg13[%dma_start3A_110, %dma_start3A_111] : memref<10000x128xf32, #tpu.memory_space<hbm>> -> memref<10000x128xf32, #tpu.memory_space<hbm>>
      tpu.enqueue_indirect_dma source(%dma_start3A_112 : memref<10000x128xf32, #tpu.memory_space<hbm>>) target(%run_scoped3A_6 : memref<40x128xf32, #tpu.memory_space<vmem>>) offsets(%run_scoped3A_9 : memref<40xi32, #tpu.memory_space<vmem>>) semaphore(%arg26 : memref<!tpu.dma_semaphore, #tpu.memory_space<semaphore_mem>>)
      %scan3A_113 = arith.constant 0 : i32
      %scan3A_114 = arith.constant 0 : i32
      %scan3A_115 = arith.constant 124 : i32
      %scan3A_116 = arith.addi %scan3A_114, %scan3A_115 : i32
      %scan3A_117 = arith.constant 1 : i32
      scf.for %scan3A_139 = %scan3A_114 to %scan3A_116 step %scan3A_117  : i32 {
        %mul3A_140 = arith.constant 2 : i32
        %mul3A_141 = arith.muli %mul3A_140, %scan3A_139 : i32
        %add3A_142 = arith.constant 0 : i32
        %add3A_143 = arith.addi %mul3A_141, %add3A_142 : i32
        %add3A_144 = arith.constant 1 : i32
        %add3A_145 = arith.addi %add3A_143, %add3A_144 : i32
        %mul3A_146 = arith.constant 40 : i32
        %mul3A_147 = arith.muli %add3A_145, %mul3A_146 : i32
        %add3A_148 = arith.addi %mul3A_2, %mul3A_147 : i32
        "tpu.region"() ({
          %run_scoped3A_176 = tpu.sem_alloc : memref<!tpu.dma_semaphore, #tpu.memory_space<semaphore_mem>>
          %dma_start3A_177 = tpu.memref_slice %arg2[%add3A_148] : memref<320000xi32, #tpu.memory_space<hbm>> -> memref<40xi32, #tpu.memory_space<hbm>>
          %dma_start3A_178 = tpu.memref_slice %arg2[%add3A_148] : memref<320000xi32, #tpu.memory_space<hbm>> -> memref<40xi32, #tpu.memory_space<hbm>>
          tpu.enqueue_dma source(%dma_start3A_178 : memref<40xi32, #tpu.memory_space<hbm>>) target(%run_scoped3A_11 : memref<40xi32, #tpu.memory_space<vmem>>) target_semaphore(%run_scoped3A_176 : memref<!tpu.dma_semaphore, #tpu.memory_space<semaphore_mem>>)
          %dma_wait3A_179 = tpu.memref_slice %arg2[%add3A_148] : memref<320000xi32, #tpu.memory_space<hbm>> -> memref<40xi32, #tpu.memory_space<hbm>>
          %dma_wait3A_180 = tpu.memref_slice %arg2[%add3A_148] : memref<320000xi32, #tpu.memory_space<hbm>> -> memref<40xi32, #tpu.memory_space<hbm>>
          tpu.wait_dma2 semaphore(%run_scoped3A_176 : memref<!tpu.dma_semaphore, #tpu.memory_space<semaphore_mem>>) src(%dma_wait3A_180 : memref<40xi32, #tpu.memory_space<hbm>>) dst(%run_scoped3A_11 : memref<40xi32, #tpu.memory_space<vmem>>)
          tpu.yield
        }) : () -> ()
        "tpu.region"() ({
          %run_scoped3A_176 = tpu.sem_alloc : memref<!tpu.dma_semaphore, #tpu.memory_space<semaphore_mem>>
          %dma_start3A_177 = tpu.memref_slice %arg3[%add3A_148] : memref<320000xi32, #tpu.memory_space<hbm>> -> memref<40xi32, #tpu.memory_space<hbm>>
          %dma_start3A_178 = tpu.memref_slice %arg3[%add3A_148] : memref<320000xi32, #tpu.memory_space<hbm>> -> memref<40xi32, #tpu.memory_space<hbm>>
          tpu.enqueue_dma source(%dma_start3A_178 : memref<40xi32, #tpu.memory_space<hbm>>) target(%run_scoped3A_12 : memref<40xi32, #tpu.memory_space<vmem>>) target_semaphore(%run_scoped3A_176 : memref<!tpu.dma_semaphore, #tpu.memory_space<semaphore_mem>>)
          %dma_wait3A_179 = tpu.memref_slice %arg3[%add3A_148] : memref<320000xi32, #tpu.memory_space<hbm>> -> memref<40xi32, #tpu.memory_space<hbm>>
          %dma_wait3A_180 = tpu.memref_slice %arg3[%add3A_148] : memref<320000xi32, #tpu.memory_space<hbm>> -> memref<40xi32, #tpu.memory_space<hbm>>
          tpu.wait_dma2 semaphore(%run_scoped3A_176 : memref<!tpu.dma_semaphore, #tpu.memory_space<semaphore_mem>>) src(%dma_wait3A_180 : memref<40xi32, #tpu.memory_space<hbm>>) dst(%run_scoped3A_12 : memref<40xi32, #tpu.memory_space<vmem>>)
          tpu.yield
        }) : () -> ()
        "tpu.region"() ({
          %run_scoped3A_176 = tpu.sem_alloc : memref<!tpu.dma_semaphore, #tpu.memory_space<semaphore_mem>>
          %dma_start3A_177 = arith.constant 0 : i32
          %dma_start3A_178 = tpu.memref_slice %arg18[%add3A_148, %dma_start3A_177] : memref<320000x16xf32, #tpu.memory_space<hbm>> -> memref<40x16xf32, #tpu.memory_space<hbm>>
          %dma_start3A_179 = arith.constant 0 : i32
          %dma_start3A_180 = tpu.memref_slice %arg18[%add3A_148, %dma_start3A_179] : memref<320000x16xf32, #tpu.memory_space<hbm>> -> memref<40x16xf32, #tpu.memory_space<hbm>>
          tpu.enqueue_dma source(%dma_start3A_180 : memref<40x16xf32, #tpu.memory_space<hbm>>) target(%run_scoped3A_14 : memref<40x16xf32, #tpu.memory_space<vmem>>) target_semaphore(%run_scoped3A_176 : memref<!tpu.dma_semaphore, #tpu.memory_space<semaphore_mem>>)
          %dma_wait3A_181 = arith.constant 0 : i32
          %dma_wait3A_182 = tpu.memref_slice %arg18[%add3A_148, %dma_wait3A_181] : memref<320000x16xf32, #tpu.memory_space<hbm>> -> memref<40x16xf32, #tpu.memory_space<hbm>>
          %dma_wait3A_183 = arith.constant 0 : i32
          %dma_wait3A_184 = tpu.memref_slice %arg18[%add3A_148, %dma_wait3A_183] : memref<320000x16xf32, #tpu.memory_space<hbm>> -> memref<40x16xf32, #tpu.memory_space<hbm>>
          tpu.wait_dma2 semaphore(%run_scoped3A_176 : memref<!tpu.dma_semaphore, #tpu.memory_space<semaphore_mem>>) src(%dma_wait3A_184 : memref<40x16xf32, #tpu.memory_space<hbm>>) dst(%run_scoped3A_14 : memref<40x16xf32, #tpu.memory_space<vmem>>)
          tpu.yield
        }) : () -> ()
        %dma_start3A_149 = arith.constant 0 : i32
        %dma_start3A_150 = arith.constant 0 : i32
        %dma_start3A_151 = tpu.memref_slice %arg13[%dma_start3A_149, %dma_start3A_150] : memref<10000x128xf32, #tpu.memory_space<hbm>> -> memref<10000x128xf32, #tpu.memory_space<hbm>>
        tpu.enqueue_indirect_dma source(%dma_start3A_151 : memref<10000x128xf32, #tpu.memory_space<hbm>>) target(%run_scoped3A_7 : memref<40x128xf32, #tpu.memory_space<vmem>>) offsets(%run_scoped3A_11 : memref<40xi32, #tpu.memory_space<vmem>>) semaphore(%arg27 : memref<!tpu.dma_semaphore, #tpu.memory_space<semaphore_mem>>)
        %dma_wait3A_152 = arith.constant 0 : i32
        %dma_wait3A_153 = arith.constant 0 : i32
        %dma_wait3A_154 = tpu.memref_slice %arg13[%dma_wait3A_152, %dma_wait3A_153] : memref<10000x128xf32, #tpu.memory_space<hbm>> -> memref<10000x128xf32, #tpu.memory_space<hbm>>
        tpu.wait_indirect_dma semaphore(%arg26 : memref<!tpu.dma_semaphore, #tpu.memory_space<semaphore_mem>>) src(%dma_wait3A_154 : memref<10000x128xf32, #tpu.memory_space<hbm>>) dst(%run_scoped3A_6 : memref<40x128xf32, #tpu.memory_space<vmem>>)
        %parallel_loop3A_155 = arith.constant 0 : i32
        %parallel_loop3A_156 = arith.constant 40 : i32
        %parallel_loop3A_157 = arith.constant 1 : i32
        scf.for %parallel_loop3A_176 = %parallel_loop3A_155 to %parallel_loop3A_156 step %parallel_loop3A_157  : i32 {
          %parallel_loop3A_177 = arith.index_cast %parallel_loop3A_176 : i32 to index
          %parallel_loop3A_178 = arith.constant 0 : index
          %parallel_loop3A_179 = tpu.vector_load %run_scoped3A_13[%parallel_loop3A_177, %parallel_loop3A_178] {strides = array<i32>} : memref<40x16xf32, #tpu.memory_space<vmem>>, vector<1x16xf32>,
          %parallel_loop3A_180 = vector.shape_cast %parallel_loop3A_179 : vector<1x16xf32> to vector<16xf32>
          %parallel_loop3A_181 = arith.index_cast %parallel_loop3A_176 : i32 to index
          %parallel_loop3A_182 = arith.constant 0 : index
          %parallel_loop3A_183 = tpu.vector_load %run_scoped3A_6[%parallel_loop3A_181, %parallel_loop3A_182] {strides = array<i32>} : memref<40x128xf32, #tpu.memory_space<vmem>>, vector<1x16xf32>,
          %parallel_loop3A_184 = vector.shape_cast %parallel_loop3A_183 : vector<1x16xf32> to vector<16xf32>
          %parallel_loop3A_185 = arith.mulf %parallel_loop3A_184, %parallel_loop3A_180 : vector<16xf32>
          %parallel_loop3A_186 = arith.index_cast %parallel_loop3A_176 : i32 to index
          %parallel_loop3A_187 = arith.constant 0 : index
          %parallel_loop3A_188 = tpu.vector_load %run_scoped3A_6[%parallel_loop3A_186, %parallel_loop3A_187] {strides = array<i32>} : memref<40x128xf32, #tpu.memory_space<vmem>>, vector<1x16xf32>,
          %parallel_loop3A_189 = vector.shape_cast %parallel_loop3A_188 : vector<1x16xf32> to vector<16xf32>
          %parallel_loop3A_190 = vector.shape_cast %parallel_loop3A_185 : vector<16xf32> to vector<1x16xf32>
          tpu.vector_store %run_scoped3A_6[%parallel_loop3A_186, %parallel_loop3A_187], %parallel_loop3A_190 {strides = array<i32>} : memref<40x128xf32, #tpu.memory_space<vmem>>, vector<1x16xf32>,
          %parallel_loop3A_191 = arith.index_cast %parallel_loop3A_176 : i32 to index
          %parallel_loop3A_192 = arith.constant 16 : index
          %parallel_loop3A_193 = tpu.vector_load %run_scoped3A_6[%parallel_loop3A_191, %parallel_loop3A_192] {strides = array<i32>} : memref<40x128xf32, #tpu.memory_space<vmem>>, vector<1x16xf32>,
          %parallel_loop3A_194 = vector.shape_cast %parallel_loop3A_193 : vector<1x16xf32> to vector<16xf32>
          %parallel_loop3A_195 = arith.mulf %parallel_loop3A_194, %parallel_loop3A_180 : vector<16xf32>
          %parallel_loop3A_196 = arith.index_cast %parallel_loop3A_176 : i32 to index
          %parallel_loop3A_197 = arith.constant 16 : index
          %parallel_loop3A_198 = tpu.vector_load %run_scoped3A_6[%parallel_loop3A_196, %parallel_loop3A_197] {strides = array<i32>} : memref<40x128xf32, #tpu.memory_space<vmem>>, vector<1x16xf32>,
          %parallel_loop3A_199 = vector.shape_cast %parallel_loop3A_198 : vector<1x16xf32> to vector<16xf32>
          %parallel_loop3A_200 = vector.shape_cast %parallel_loop3A_195 : vector<16xf32> to vector<1x16xf32>
          tpu.vector_store %run_scoped3A_6[%parallel_loop3A_196, %parallel_loop3A_197], %parallel_loop3A_200 {strides = array<i32>} : memref<40x128xf32, #tpu.memory_space<vmem>>, vector<1x16xf32>,
          %parallel_loop3A_201 = arith.index_cast %parallel_loop3A_176 : i32 to index
          %parallel_loop3A_202 = arith.constant 32 : index
          %parallel_loop3A_203 = tpu.vector_load %run_scoped3A_6[%parallel_loop3A_201, %parallel_loop3A_202] {strides = array<i32>} : memref<40x128xf32, #tpu.memory_space<vmem>>, vector<1x16xf32>,
          %parallel_loop3A_204 = vector.shape_cast %parallel_loop3A_203 : vector<1x16xf32> to vector<16xf32>
          %parallel_loop3A_205 = arith.mulf %parallel_loop3A_204, %parallel_loop3A_180 : vector<16xf32>
          %parallel_loop3A_206 = arith.index_cast %parallel_loop3A_176 : i32 to index
          %parallel_loop3A_207 = arith.constant 32 : index
          %parallel_loop3A_208 = tpu.vector_load %run_scoped3A_6[%parallel_loop3A_206, %parallel_loop3A_207] {strides = array<i32>} : memref<40x128xf32, #tpu.memory_space<vmem>>, vector<1x16xf32>,
          %parallel_loop3A_209 = vector.shape_cast %parallel_loop3A_208 : vector<1x16xf32> to vector<16xf32>
          %parallel_loop3A_210 = vector.shape_cast %parallel_loop3A_205 : vector<16xf32> to vector<1x16xf32>
          tpu.vector_store %run_scoped3A_6[%parallel_loop3A_206, %parallel_loop3A_207], %parallel_loop3A_210 {strides = array<i32>} : memref<40x128xf32, #tpu.memory_space<vmem>>, vector<1x16xf32>,
          %parallel_loop3A_211 = arith.index_cast %parallel_loop3A_176 : i32 to index
          %parallel_loop3A_212 = arith.constant 48 : index
          %parallel_loop3A_213 = tpu.vector_load %run_scoped3A_6[%parallel_loop3A_211, %parallel_loop3A_212] {strides = array<i32>} : memref<40x128xf32, #tpu.memory_space<vmem>>, vector<1x16xf32>,
          %parallel_loop3A_214 = vector.shape_cast %parallel_loop3A_213 : vector<1x16xf32> to vector<16xf32>
          %parallel_loop3A_215 = arith.mulf %parallel_loop3A_214, %parallel_loop3A_180 : vector<16xf32>
          %parallel_loop3A_216 = arith.index_cast %parallel_loop3A_176 : i32 to index
          %parallel_loop3A_217 = arith.constant 48 : index
          %parallel_loop3A_218 = tpu.vector_load %run_scoped3A_6[%parallel_loop3A_216, %parallel_loop3A_217] {strides = array<i32>} : memref<40x128xf32, #tpu.memory_space<vmem>>, vector<1x16xf32>,
          %parallel_loop3A_219 = vector.shape_cast %parallel_loop3A_218 : vector<1x16xf32> to vector<16xf32>
          %parallel_loop3A_220 = vector.shape_cast %parallel_loop3A_215 : vector<16xf32> to vector<1x16xf32>
          tpu.vector_store %run_scoped3A_6[%parallel_loop3A_216, %parallel_loop3A_217], %parallel_loop3A_220 {strides = array<i32>} : memref<40x128xf32, #tpu.memory_space<vmem>>, vector<1x16xf32>,
          %parallel_loop3A_221 = arith.index_cast %parallel_loop3A_176 : i32 to index
          %parallel_loop3A_222 = arith.constant 64 : index
          %parallel_loop3A_223 = tpu.vector_load %run_scoped3A_6[%parallel_loop3A_221, %parallel_loop3A_222] {strides = array<i32>} : memref<40x128xf32, #tpu.memory_space<vmem>>, vector<1x16xf32>,
          %parallel_loop3A_224 = vector.shape_cast %parallel_loop3A_223 : vector<1x16xf32> to vector<16xf32>
          %parallel_loop3A_225 = arith.mulf %parallel_loop3A_224, %parallel_loop3A_180 : vector<16xf32>
          %parallel_loop3A_226 = arith.index_cast %parallel_loop3A_176 : i32 to index
          %parallel_loop3A_227 = arith.constant 64 : index
          %parallel_loop3A_228 = tpu.vector_load %run_scoped3A_6[%parallel_loop3A_226, %parallel_loop3A_227] {strides = array<i32>} : memref<40x128xf32, #tpu.memory_space<vmem>>, vector<1x16xf32>,
          %parallel_loop3A_229 = vector.shape_cast %parallel_loop3A_228 : vector<1x16xf32> to vector<16xf32>
          %parallel_loop3A_230 = vector.shape_cast %parallel_loop3A_225 : vector<16xf32> to vector<1x16xf32>
          tpu.vector_store %run_scoped3A_6[%parallel_loop3A_226, %parallel_loop3A_227], %parallel_loop3A_230 {strides = array<i32>} : memref<40x128xf32, #tpu.memory_space<vmem>>, vector<1x16xf32>,
          %parallel_loop3A_231 = arith.index_cast %parallel_loop3A_176 : i32 to index
          %parallel_loop3A_232 = arith.constant 80 : index
          %parallel_loop3A_233 = tpu.vector_load %run_scoped3A_6[%parallel_loop3A_231, %parallel_loop3A_232] {strides = array<i32>} : memref<40x128xf32, #tpu.memory_space<vmem>>, vector<1x16xf32>,
          %parallel_loop3A_234 = vector.shape_cast %parallel_loop3A_233 : vector<1x16xf32> to vector<16xf32>
          %parallel_loop3A_235 = arith.mulf %parallel_loop3A_234, %parallel_loop3A_180 : vector<16xf32>
          %parallel_loop3A_236 = arith.index_cast %parallel_loop3A_176 : i32 to index
          %parallel_loop3A_237 = arith.constant 80 : index
          %parallel_loop3A_238 = tpu.vector_load %run_scoped3A_6[%parallel_loop3A_236, %parallel_loop3A_237] {strides = array<i32>} : memref<40x128xf32, #tpu.memory_space<vmem>>, vector<1x16xf32>,
          %parallel_loop3A_239 = vector.shape_cast %parallel_loop3A_238 : vector<1x16xf32> to vector<16xf32>
          %parallel_loop3A_240 = vector.shape_cast %parallel_loop3A_235 : vector<16xf32> to vector<1x16xf32>
          tpu.vector_store %run_scoped3A_6[%parallel_loop3A_236, %parallel_loop3A_237], %parallel_loop3A_240 {strides = array<i32>} : memref<40x128xf32, #tpu.memory_space<vmem>>, vector<1x16xf32>,
          %parallel_loop3A_241 = arith.index_cast %parallel_loop3A_176 : i32 to index
          %parallel_loop3A_242 = arith.constant 96 : index
          %parallel_loop3A_243 = tpu.vector_load %run_scoped3A_6[%parallel_loop3A_241, %parallel_loop3A_242] {strides = array<i32>} : memref<40x128xf32, #tpu.memory_space<vmem>>, vector<1x16xf32>,
          %parallel_loop3A_244 = vector.shape_cast %parallel_loop3A_243 : vector<1x16xf32> to vector<16xf32>
          %parallel_loop3A_245 = arith.mulf %parallel_loop3A_244, %parallel_loop3A_180 : vector<16xf32>
          %parallel_loop3A_246 = arith.index_cast %parallel_loop3A_176 : i32 to index
          %parallel_loop3A_247 = arith.constant 96 : index
          %parallel_loop3A_248 = tpu.vector_load %run_scoped3A_6[%parallel_loop3A_246, %parallel_loop3A_247] {strides = array<i32>} : memref<40x128xf32, #tpu.memory_space<vmem>>, vector<1x16xf32>,
          %parallel_loop3A_249 = vector.shape_cast %parallel_loop3A_248 : vector<1x16xf32> to vector<16xf32>
          %parallel_loop3A_250 = vector.shape_cast %parallel_loop3A_245 : vector<16xf32> to vector<1x16xf32>
          tpu.vector_store %run_scoped3A_6[%parallel_loop3A_246, %parallel_loop3A_247], %parallel_loop3A_250 {strides = array<i32>} : memref<40x128xf32, #tpu.memory_space<vmem>>, vector<1x16xf32>,
          %parallel_loop3A_251 = arith.index_cast %parallel_loop3A_176 : i32 to index
          %parallel_loop3A_252 = arith.constant 112 : index
          %parallel_loop3A_253 = tpu.vector_load %run_scoped3A_6[%parallel_loop3A_251, %parallel_loop3A_252] {strides = array<i32>} : memref<40x128xf32, #tpu.memory_space<vmem>>, vector<1x16xf32>,
          %parallel_loop3A_254 = vector.shape_cast %parallel_loop3A_253 : vector<1x16xf32> to vector<16xf32>
          %parallel_loop3A_255 = arith.mulf %parallel_loop3A_254, %parallel_loop3A_180 : vector<16xf32>
          %parallel_loop3A_256 = arith.index_cast %parallel_loop3A_176 : i32 to index
          %parallel_loop3A_257 = arith.constant 112 : index
          %parallel_loop3A_258 = tpu.vector_load %run_scoped3A_6[%parallel_loop3A_256, %parallel_loop3A_257] {strides = array<i32>} : memref<40x128xf32, #tpu.memory_space<vmem>>, vector<1x16xf32>,
          %parallel_loop3A_259 = vector.shape_cast %parallel_loop3A_258 : vector<1x16xf32> to vector<16xf32>
          %parallel_loop3A_260 = vector.shape_cast %parallel_loop3A_255 : vector<16xf32> to vector<1x16xf32>
          tpu.vector_store %run_scoped3A_6[%parallel_loop3A_256, %parallel_loop3A_257], %parallel_loop3A_260 {strides = array<i32>} : memref<40x128xf32, #tpu.memory_space<vmem>>, vector<1x16xf32>,
        } {sc.loop_unroll_factor = 1 : i64, sc.parallel_access}
        "tpu.region"() ({
          %run_scoped3A_176 = tpu.sem_alloc : memref<!tpu.dma_semaphore, #tpu.memory_space<semaphore_mem>>
          %dma_start3A_177 = arith.constant 0 : i32
          %dma_start3A_178 = arith.constant 0 : i32
          %dma_start3A_179 = tpu.memref_slice %arg25[%dma_start3A_177, %dma_start3A_178] : memref<10240x128xf32, #tpu.memory_space<vmem_shared>> -> memref<10240x128xf32, #tpu.memory_space<vmem_shared>>
          tpu.enqueue_indirect_dma source(%run_scoped3A_6 : memref<40x128xf32, #tpu.memory_space<vmem>>) target(%dma_start3A_179 : memref<10240x128xf32, #tpu.memory_space<vmem_shared>>) offsets(%run_scoped3A_10 : memref<40xi32, #tpu.memory_space<vmem>>) semaphore(%run_scoped3A_176 : memref<!tpu.dma_semaphore, #tpu.memory_space<semaphore_mem>>) {add = true}
          %dma_wait3A_180 = arith.constant 0 : i32
          %dma_wait3A_181 = arith.constant 0 : i32
          %dma_wait3A_182 = tpu.memref_slice %arg25[%dma_wait3A_180, %dma_wait3A_181] : memref<10240x128xf32, #tpu.memory_space<vmem_shared>> -> memref<10240x128xf32, #tpu.memory_space<vmem_shared>>
          tpu.wait_indirect_dma semaphore(%run_scoped3A_176 : memref<!tpu.dma_semaphore, #tpu.memory_space<semaphore_mem>>) src(%run_scoped3A_6 : memref<40x128xf32, #tpu.memory_space<vmem>>) dst(%dma_wait3A_182 : memref<10240x128xf32, #tpu.memory_space<vmem_shared>>)
          tpu.yield
        }) : () -> ()
        %mul3A_158 = arith.constant 2 : i32
        %mul3A_159 = arith.muli %mul3A_158, %scan3A_139 : i32
        %add3A_160 = arith.constant 1 : i32
        %add3A_161 = arith.addi %mul3A_159, %add3A_160 : i32
        %add3A_162 = arith.constant 1 : i32
        %add3A_163 = arith.addi %add3A_161, %add3A_162 : i32
        %mul3A_164 = arith.constant 40 : i32
        %mul3A_165 = arith.muli %add3A_163, %mul3A_164 : i32
        %add3A_166 = arith.addi %mul3A_2, %mul3A_165 : i32
        "tpu.region"() ({
          %run_scoped3A_176 = tpu.sem_alloc : memref<!tpu.dma_semaphore, #tpu.memory_space<semaphore_mem>>
          %dma_start3A_177 = tpu.memref_slice %arg2[%add3A_166] : memref<320000xi32, #tpu.memory_space<hbm>> -> memref<40xi32, #tpu.memory_space<hbm>>
          %dma_start3A_178 = tpu.memref_slice %arg2[%add3A_166] : memref<320000xi32, #tpu.memory_space<hbm>> -> memref<40xi32, #tpu.memory_space<hbm>>
          tpu.enqueue_dma source(%dma_start3A_178 : memref<40xi32, #tpu.memory_space<hbm>>) target(%run_scoped3A_9 : memref<40xi32, #tpu.memory_space<vmem>>) target_semaphore(%run_scoped3A_176 : memref<!tpu.dma_semaphore, #tpu.memory_space<semaphore_mem>>)
          %dma_wait3A_179 = tpu.memref_slice %arg2[%add3A_166] : memref<320000xi32, #tpu.memory_space<hbm>> -> memref<40xi32, #tpu.memory_space<hbm>>
          %dma_wait3A_180 = tpu.memref_slice %arg2[%add3A_166] : memref<320000xi32, #tpu.memory_space<hbm>> -> memref<40xi32, #tpu.memory_space<hbm>>
          tpu.wait_dma2 semaphore(%run_scoped3A_176 : memref<!tpu.dma_semaphore, #tpu.memory_space<semaphore_mem>>) src(%dma_wait3A_180 : memref<40xi32, #tpu.memory_space<hbm>>) dst(%run_scoped3A_9 : memref<40xi32, #tpu.memory_space<vmem>>)
          tpu.yield
        }) : () -> ()
        "tpu.region"() ({
          %run_scoped3A_176 = tpu.sem_alloc : memref<!tpu.dma_semaphore, #tpu.memory_space<semaphore_mem>>
          %dma_start3A_177 = tpu.memref_slice %arg3[%add3A_166] : memref<320000xi32, #tpu.memory_space<hbm>> -> memref<40xi32, #tpu.memory_space<hbm>>
          %dma_start3A_178 = tpu.memref_slice %arg3[%add3A_166] : memref<320000xi32, #tpu.memory_space<hbm>> -> memref<40xi32, #tpu.memory_space<hbm>>
          tpu.enqueue_dma source(%dma_start3A_178 : memref<40xi32, #tpu.memory_space<hbm>>) target(%run_scoped3A_10 : memref<40xi32, #tpu.memory_space<vmem>>) target_semaphore(%run_scoped3A_176 : memref<!tpu.dma_semaphore, #tpu.memory_space<semaphore_mem>>)
          %dma_wait3A_179 = tpu.memref_slice %arg3[%add3A_166] : memref<320000xi32, #tpu.memory_space<hbm>> -> memref<40xi32, #tpu.memory_space<hbm>>
          %dma_wait3A_180 = tpu.memref_slice %arg3[%add3A_166] : memref<320000xi32, #tpu.memory_space<hbm>> -> memref<40xi32, #tpu.memory_space<hbm>>
          tpu.wait_dma2 semaphore(%run_scoped3A_176 : memref<!tpu.dma_semaphore, #tpu.memory_space<semaphore_mem>>) src(%dma_wait3A_180 : memref<40xi32, #tpu.memory_space<hbm>>) dst(%run_scoped3A_10 : memref<40xi32, #tpu.memory_space<vmem>>)
          tpu.yield
        }) : () -> ()
        "tpu.region"() ({
          %run_scoped3A_176 = tpu.sem_alloc : memref<!tpu.dma_semaphore, #tpu.memory_space<semaphore_mem>>
          %dma_start3A_177 = arith.constant 0 : i32
          %dma_start3A_178 = tpu.memref_slice %arg18[%add3A_166, %dma_start3A_177] : memref<320000x16xf32, #tpu.memory_space<hbm>> -> memref<40x16xf32, #tpu.memory_space<hbm>>
          %dma_start3A_179 = arith.constant 0 : i32
          %dma_start3A_180 = tpu.memref_slice %arg18[%add3A_166, %dma_start3A_179] : memref<320000x16xf32, #tpu.memory_space<hbm>> -> memref<40x16xf32, #tpu.memory_space<hbm>>
          tpu.enqueue_dma source(%dma_start3A_180 : memref<40x16xf32, #tpu.memory_space<hbm>>) target(%run_scoped3A_13 : memref<40x16xf32, #tpu.memory_space<vmem>>) target_semaphore(%run_scoped3A_176 : memref<!tpu.dma_semaphore, #tpu.memory_space<semaphore_mem>>)
          %dma_wait3A_181 = arith.constant 0 : i32
          %dma_wait3A_182 = tpu.memref_slice %arg18[%add3A_166, %dma_wait3A_181] : memref<320000x16xf32, #tpu.memory_space<hbm>> -> memref<40x16xf32, #tpu.memory_space<hbm>>
          %dma_wait3A_183 = arith.constant 0 : i32
          %dma_wait3A_184 = tpu.memref_slice %arg18[%add3A_166, %dma_wait3A_183] : memref<320000x16xf32, #tpu.memory_space<hbm>> -> memref<40x16xf32, #tpu.memory_space<hbm>>
          tpu.wait_dma2 semaphore(%run_scoped3A_176 : memref<!tpu.dma_semaphore, #tpu.memory_space<semaphore_mem>>) src(%dma_wait3A_184 : memref<40x16xf32, #tpu.memory_space<hbm>>) dst(%run_scoped3A_13 : memref<40x16xf32, #tpu.memory_space<vmem>>)
          tpu.yield
        }) : () -> ()
        %dma_start3A_167 = arith.constant 0 : i32
        %dma_start3A_168 = arith.constant 0 : i32
        %dma_start3A_169 = tpu.memref_slice %arg13[%dma_start3A_167, %dma_start3A_168] : memref<10000x128xf32, #tpu.memory_space<hbm>> -> memref<10000x128xf32, #tpu.memory_space<hbm>>
        tpu.enqueue_indirect_dma source(%dma_start3A_169 : memref<10000x128xf32, #tpu.memory_space<hbm>>) target(%run_scoped3A_6 : memref<40x128xf32, #tpu.memory_space<vmem>>) offsets(%run_scoped3A_9 : memref<40xi32, #tpu.memory_space<vmem>>) semaphore(%arg26 : memref<!tpu.dma_semaphore, #tpu.memory_space<semaphore_mem>>)
        %dma_wait3A_170 = arith.constant 0 : i32
        %dma_wait3A_171 = arith.constant 0 : i32
        %dma_wait3A_172 = tpu.memref_slice %arg13[%dma_wait3A_170, %dma_wait3A_171] : memref<10000x128xf32, #tpu.memory_space<hbm>> -> memref<10000x128xf32, #tpu.memory_space<hbm>>
        tpu.wait_indirect_dma semaphore(%arg27 : memref<!tpu.dma_semaphore, #tpu.memory_space<semaphore_mem>>) src(%dma_wait3A_172 : memref<10000x128xf32, #tpu.memory_space<hbm>>) dst(%run_scoped3A_7 : memref<40x128xf32, #tpu.memory_space<vmem>>)
        %parallel_loop3A_173 = arith.constant 0 : i32
        %parallel_loop3A_174 = arith.constant 40 : i32
        %parallel_loop3A_175 = arith.constant 1 : i32
        scf.for %parallel_loop3A_176 = %parallel_loop3A_173 to %parallel_loop3A_174 step %parallel_loop3A_175  : i32 {
          %parallel_loop3A_177 = arith.index_cast %parallel_loop3A_176 : i32 to index
          %parallel_loop3A_178 = arith.constant 0 : index
          %parallel_loop3A_179 = tpu.vector_load %run_scoped3A_14[%parallel_loop3A_177, %parallel_loop3A_178] {strides = array<i32>} : memref<40x16xf32, #tpu.memory_space<vmem>>, vector<1x16xf32>,
          %parallel_loop3A_180 = vector.shape_cast %parallel_loop3A_179 : vector<1x16xf32> to vector<16xf32>
          %parallel_loop3A_181 = arith.index_cast %parallel_loop3A_176 : i32 to index
          %parallel_loop3A_182 = arith.constant 0 : index
          %parallel_loop3A_183 = tpu.vector_load %run_scoped3A_7[%parallel_loop3A_181, %parallel_loop3A_182] {strides = array<i32>} : memref<40x128xf32, #tpu.memory_space<vmem>>, vector<1x16xf32>,
          %parallel_loop3A_184 = vector.shape_cast %parallel_loop3A_183 : vector<1x16xf32> to vector<16xf32>
          %parallel_loop3A_185 = arith.mulf %parallel_loop3A_184, %parallel_loop3A_180 : vector<16xf32>
          %parallel_loop3A_186 = arith.index_cast %parallel_loop3A_176 : i32 to index
          %parallel_loop3A_187 = arith.constant 0 : index
          %parallel_loop3A_188 = tpu.vector_load %run_scoped3A_7[%parallel_loop3A_186, %parallel_loop3A_187] {strides = array<i32>} : memref<40x128xf32, #tpu.memory_space<vmem>>, vector<1x16xf32>,
          %parallel_loop3A_189 = vector.shape_cast %parallel_loop3A_188 : vector<1x16xf32> to vector<16xf32>
          %parallel_loop3A_190 = vector.shape_cast %parallel_loop3A_185 : vector<16xf32> to vector<1x16xf32>
          tpu.vector_store %run_scoped3A_7[%parallel_loop3A_186, %parallel_loop3A_187], %parallel_loop3A_190 {strides = array<i32>} : memref<40x128xf32, #tpu.memory_space<vmem>>, vector<1x16xf32>,
          %parallel_loop3A_191 = arith.index_cast %parallel_loop3A_176 : i32 to index
          %parallel_loop3A_192 = arith.constant 16 : index
          %parallel_loop3A_193 = tpu.vector_load %run_scoped3A_7[%parallel_loop3A_191, %parallel_loop3A_192] {strides = array<i32>} : memref<40x128xf32, #tpu.memory_space<vmem>>, vector<1x16xf32>,
          %parallel_loop3A_194 = vector.shape_cast %parallel_loop3A_193 : vector<1x16xf32> to vector<16xf32>
          %parallel_loop3A_195 = arith.mulf %parallel_loop3A_194, %parallel_loop3A_180 : vector<16xf32>
          %parallel_loop3A_196 = arith.index_cast %parallel_loop3A_176 : i32 to index
          %parallel_loop3A_197 = arith.constant 16 : index
          %parallel_loop3A_198 = tpu.vector_load %run_scoped3A_7[%parallel_loop3A_196, %parallel_loop3A_197] {strides = array<i32>} : memref<40x128xf32, #tpu.memory_space<vmem>>, vector<1x16xf32>,
          %parallel_loop3A_199 = vector.shape_cast %parallel_loop3A_198 : vector<1x16xf32> to vector<16xf32>
          %parallel_loop3A_200 = vector.shape_cast %parallel_loop3A_195 : vector<16xf32> to vector<1x16xf32>
          tpu.vector_store %run_scoped3A_7[%parallel_loop3A_196, %parallel_loop3A_197], %parallel_loop3A_200 {strides = array<i32>} : memref<40x128xf32, #tpu.memory_space<vmem>>, vector<1x16xf32>,
          %parallel_loop3A_201 = arith.index_cast %parallel_loop3A_176 : i32 to index
          %parallel_loop3A_202 = arith.constant 32 : index
          %parallel_loop3A_203 = tpu.vector_load %run_scoped3A_7[%parallel_loop3A_201, %parallel_loop3A_202] {strides = array<i32>} : memref<40x128xf32, #tpu.memory_space<vmem>>, vector<1x16xf32>,
          %parallel_loop3A_204 = vector.shape_cast %parallel_loop3A_203 : vector<1x16xf32> to vector<16xf32>
          %parallel_loop3A_205 = arith.mulf %parallel_loop3A_204, %parallel_loop3A_180 : vector<16xf32>
          %parallel_loop3A_206 = arith.index_cast %parallel_loop3A_176 : i32 to index
          %parallel_loop3A_207 = arith.constant 32 : index
          %parallel_loop3A_208 = tpu.vector_load %run_scoped3A_7[%parallel_loop3A_206, %parallel_loop3A_207] {strides = array<i32>} : memref<40x128xf32, #tpu.memory_space<vmem>>, vector<1x16xf32>,
          %parallel_loop3A_209 = vector.shape_cast %parallel_loop3A_208 : vector<1x16xf32> to vector<16xf32>
          %parallel_loop3A_210 = vector.shape_cast %parallel_loop3A_205 : vector<16xf32> to vector<1x16xf32>
          tpu.vector_store %run_scoped3A_7[%parallel_loop3A_206, %parallel_loop3A_207], %parallel_loop3A_210 {strides = array<i32>} : memref<40x128xf32, #tpu.memory_space<vmem>>, vector<1x16xf32>,
          %parallel_loop3A_211 = arith.index_cast %parallel_loop3A_176 : i32 to index
          %parallel_loop3A_212 = arith.constant 48 : index
          %parallel_loop3A_213 = tpu.vector_load %run_scoped3A_7[%parallel_loop3A_211, %parallel_loop3A_212] {strides = array<i32>} : memref<40x128xf32, #tpu.memory_space<vmem>>, vector<1x16xf32>,
          %parallel_loop3A_214 = vector.shape_cast %parallel_loop3A_213 : vector<1x16xf32> to vector<16xf32>
          %parallel_loop3A_215 = arith.mulf %parallel_loop3A_214, %parallel_loop3A_180 : vector<16xf32>
          %parallel_loop3A_216 = arith.index_cast %parallel_loop3A_176 : i32 to index
          %parallel_loop3A_217 = arith.constant 48 : index
          %parallel_loop3A_218 = tpu.vector_load %run_scoped3A_7[%parallel_loop3A_216, %parallel_loop3A_217] {strides = array<i32>} : memref<40x128xf32, #tpu.memory_space<vmem>>, vector<1x16xf32>,
          %parallel_loop3A_219 = vector.shape_cast %parallel_loop3A_218 : vector<1x16xf32> to vector<16xf32>
          %parallel_loop3A_220 = vector.shape_cast %parallel_loop3A_215 : vector<16xf32> to vector<1x16xf32>
          tpu.vector_store %run_scoped3A_7[%parallel_loop3A_216, %parallel_loop3A_217], %parallel_loop3A_220 {strides = array<i32>} : memref<40x128xf32, #tpu.memory_space<vmem>>, vector<1x16xf32>,
          %parallel_loop3A_221 = arith.index_cast %parallel_loop3A_176 : i32 to index
          %parallel_loop3A_222 = arith.constant 64 : index
          %parallel_loop3A_223 = tpu.vector_load %run_scoped3A_7[%parallel_loop3A_221, %parallel_loop3A_222] {strides = array<i32>} : memref<40x128xf32, #tpu.memory_space<vmem>>, vector<1x16xf32>,
          %parallel_loop3A_224 = vector.shape_cast %parallel_loop3A_223 : vector<1x16xf32> to vector<16xf32>
          %parallel_loop3A_225 = arith.mulf %parallel_loop3A_224, %parallel_loop3A_180 : vector<16xf32>
          %parallel_loop3A_226 = arith.index_cast %parallel_loop3A_176 : i32 to index
          %parallel_loop3A_227 = arith.constant 64 : index
          %parallel_loop3A_228 = tpu.vector_load %run_scoped3A_7[%parallel_loop3A_226, %parallel_loop3A_227] {strides = array<i32>} : memref<40x128xf32, #tpu.memory_space<vmem>>, vector<1x16xf32>,
          %parallel_loop3A_229 = vector.shape_cast %parallel_loop3A_228 : vector<1x16xf32> to vector<16xf32>
          %parallel_loop3A_230 = vector.shape_cast %parallel_loop3A_225 : vector<16xf32> to vector<1x16xf32>
          tpu.vector_store %run_scoped3A_7[%parallel_loop3A_226, %parallel_loop3A_227], %parallel_loop3A_230 {strides = array<i32>} : memref<40x128xf32, #tpu.memory_space<vmem>>, vector<1x16xf32>,
          %parallel_loop3A_231 = arith.index_cast %parallel_loop3A_176 : i32 to index
          %parallel_loop3A_232 = arith.constant 80 : index
          %parallel_loop3A_233 = tpu.vector_load %run_scoped3A_7[%parallel_loop3A_231, %parallel_loop3A_232] {strides = array<i32>} : memref<40x128xf32, #tpu.memory_space<vmem>>, vector<1x16xf32>,
          %parallel_loop3A_234 = vector.shape_cast %parallel_loop3A_233 : vector<1x16xf32> to vector<16xf32>
          %parallel_loop3A_235 = arith.mulf %parallel_loop3A_234, %parallel_loop3A_180 : vector<16xf32>
          %parallel_loop3A_236 = arith.index_cast %parallel_loop3A_176 : i32 to index
          %parallel_loop3A_237 = arith.constant 80 : index
          %parallel_loop3A_238 = tpu.vector_load %run_scoped3A_7[%parallel_loop3A_236, %parallel_loop3A_237] {strides = array<i32>} : memref<40x128xf32, #tpu.memory_space<vmem>>, vector<1x16xf32>,
          %parallel_loop3A_239 = vector.shape_cast %parallel_loop3A_238 : vector<1x16xf32> to vector<16xf32>
          %parallel_loop3A_240 = vector.shape_cast %parallel_loop3A_235 : vector<16xf32> to vector<1x16xf32>
          tpu.vector_store %run_scoped3A_7[%parallel_loop3A_236, %parallel_loop3A_237], %parallel_loop3A_240 {strides = array<i32>} : memref<40x128xf32, #tpu.memory_space<vmem>>, vector<1x16xf32>,
          %parallel_loop3A_241 = arith.index_cast %parallel_loop3A_176 : i32 to index
          %parallel_loop3A_242 = arith.constant 96 : index
          %parallel_loop3A_243 = tpu.vector_load %run_scoped3A_7[%parallel_loop3A_241, %parallel_loop3A_242] {strides = array<i32>} : memref<40x128xf32, #tpu.memory_space<vmem>>, vector<1x16xf32>,
          %parallel_loop3A_244 = vector.shape_cast %parallel_loop3A_243 : vector<1x16xf32> to vector<16xf32>
          %parallel_loop3A_245 = arith.mulf %parallel_loop3A_244, %parallel_loop3A_180 : vector<16xf32>
          %parallel_loop3A_246 = arith.index_cast %parallel_loop3A_176 : i32 to index
          %parallel_loop3A_247 = arith.constant 96 : index
          %parallel_loop3A_248 = tpu.vector_load %run_scoped3A_7[%parallel_loop3A_246, %parallel_loop3A_247] {strides = array<i32>} : memref<40x128xf32, #tpu.memory_space<vmem>>, vector<1x16xf32>,
          %parallel_loop3A_249 = vector.shape_cast %parallel_loop3A_248 : vector<1x16xf32> to vector<16xf32>
          %parallel_loop3A_250 = vector.shape_cast %parallel_loop3A_245 : vector<16xf32> to vector<1x16xf32>
          tpu.vector_store %run_scoped3A_7[%parallel_loop3A_246, %parallel_loop3A_247], %parallel_loop3A_250 {strides = array<i32>} : memref<40x128xf32, #tpu.memory_space<vmem>>, vector<1x16xf32>,
          %parallel_loop3A_251 = arith.index_cast %parallel_loop3A_176 : i32 to index
          %parallel_loop3A_252 = arith.constant 112 : index
          %parallel_loop3A_253 = tpu.vector_load %run_scoped3A_7[%parallel_loop3A_251, %parallel_loop3A_252] {strides = array<i32>} : memref<40x128xf32, #tpu.memory_space<vmem>>, vector<1x16xf32>,
          %parallel_loop3A_254 = vector.shape_cast %parallel_loop3A_253 : vector<1x16xf32> to vector<16xf32>
          %parallel_loop3A_255 = arith.mulf %parallel_loop3A_254, %parallel_loop3A_180 : vector<16xf32>
          %parallel_loop3A_256 = arith.index_cast %parallel_loop3A_176 : i32 to index
          %parallel_loop3A_257 = arith.constant 112 : index
          %parallel_loop3A_258 = tpu.vector_load %run_scoped3A_7[%parallel_loop3A_256, %parallel_loop3A_257] {strides = array<i32>} : memref<40x128xf32, #tpu.memory_space<vmem>>, vector<1x16xf32>,
          %parallel_loop3A_259 = vector.shape_cast %parallel_loop3A_258 : vector<1x16xf32> to vector<16xf32>
          %parallel_loop3A_260 = vector.shape_cast %parallel_loop3A_255 : vector<16xf32> to vector<1x16xf32>
          tpu.vector_store %run_scoped3A_7[%parallel_loop3A_256, %parallel_loop3A_257], %parallel_loop3A_260 {strides = array<i32>} : memref<40x128xf32, #tpu.memory_space<vmem>>, vector<1x16xf32>,
        } {sc.loop_unroll_factor = 1 : i64, sc.parallel_access}
        "tpu.region"() ({
          %run_scoped3A_176 = tpu.sem_alloc : memref<!tpu.dma_semaphore, #tpu.memory_space<semaphore_mem>>
          %dma_start3A_177 = arith.constant 0 : i32
          %dma_start3A_178 = arith.constant 0 : i32
          %dma_start3A_179 = tpu.memref_slice %arg25[%dma_start3A_177, %dma_start3A_178] : memref<10240x128xf32, #tpu.memory_space<vmem_shared>> -> memref<10240x128xf32, #tpu.memory_space<vmem_shared>>
          tpu.enqueue_indirect_dma source(%run_scoped3A_7 : memref<40x128xf32, #tpu.memory_space<vmem>>) target(%dma_start3A_179 : memref<10240x128xf32, #tpu.memory_space<vmem_shared>>) offsets(%run_scoped3A_12 : memref<40xi32, #tpu.memory_space<vmem>>) semaphore(%run_scoped3A_176 : memref<!tpu.dma_semaphore, #tpu.memory_space<semaphore_mem>>) {add = true}
          %dma_wait3A_180 = arith.constant 0 : i32
          %dma_wait3A_181 = arith.constant 0 : i32
          %dma_wait3A_182 = tpu.memref_slice %arg25[%dma_wait3A_180, %dma_wait3A_181] : memref<10240x128xf32, #tpu.memory_space<vmem_shared>> -> memref<10240x128xf32, #tpu.memory_space<vmem_shared>>
          tpu.wait_indirect_dma semaphore(%run_scoped3A_176 : memref<!tpu.dma_semaphore, #tpu.memory_space<semaphore_mem>>) src(%run_scoped3A_7 : memref<40x128xf32, #tpu.memory_space<vmem>>) dst(%dma_wait3A_182 : memref<10240x128xf32, #tpu.memory_space<vmem_shared>>)
          tpu.yield
        }) : () -> ()
      }
      %scan3A_118 = arith.constant 124 : i32
      %add3A_119 = arith.constant 9960 : i32
      %add3A_120 = arith.addi %mul3A_2, %add3A_119 : i32
      "tpu.region"() ({
        %run_scoped3A_139 = tpu.sem_alloc : memref<!tpu.dma_semaphore, #tpu.memory_space<semaphore_mem>>
        %dma_start3A_140 = tpu.memref_slice %arg2[%add3A_120] : memref<320000xi32, #tpu.memory_space<hbm>> -> memref<40xi32, #tpu.memory_space<hbm>>
        %dma_start3A_141 = tpu.memref_slice %arg2[%add3A_120] : memref<320000xi32, #tpu.memory_space<hbm>> -> memref<40xi32, #tpu.memory_space<hbm>>
        tpu.enqueue_dma source(%dma_start3A_141 : memref<40xi32, #tpu.memory_space<hbm>>) target(%run_scoped3A_11 : memref<40xi32, #tpu.memory_space<vmem>>) target_semaphore(%run_scoped3A_139 : memref<!tpu.dma_semaphore, #tpu.memory_space<semaphore_mem>>)
        %dma_wait3A_142 = tpu.memref_slice %arg2[%add3A_120] : memref<320000xi32, #tpu.memory_space<hbm>> -> memref<40xi32, #tpu.memory_space<hbm>>
        %dma_wait3A_143 = tpu.memref_slice %arg2[%add3A_120] : memref<320000xi32, #tpu.memory_space<hbm>> -> memref<40xi32, #tpu.memory_space<hbm>>
        tpu.wait_dma2 semaphore(%run_scoped3A_139 : memref<!tpu.dma_semaphore, #tpu.memory_space<semaphore_mem>>) src(%dma_wait3A_143 : memref<40xi32, #tpu.memory_space<hbm>>) dst(%run_scoped3A_11 : memref<40xi32, #tpu.memory_space<vmem>>)
        tpu.yield
      }) : () -> ()
      "tpu.region"() ({
        %run_scoped3A_139 = tpu.sem_alloc : memref<!tpu.dma_semaphore, #tpu.memory_space<semaphore_mem>>
        %dma_start3A_140 = tpu.memref_slice %arg3[%add3A_120] : memref<320000xi32, #tpu.memory_space<hbm>> -> memref<40xi32, #tpu.memory_space<hbm>>
        %dma_start3A_141 = tpu.memref_slice %arg3[%add3A_120] : memref<320000xi32, #tpu.memory_space<hbm>> -> memref<40xi32, #tpu.memory_space<hbm>>
        tpu.enqueue_dma source(%dma_start3A_141 : memref<40xi32, #tpu.memory_space<hbm>>) target(%run_scoped3A_12 : memref<40xi32, #tpu.memory_space<vmem>>) target_semaphore(%run_scoped3A_139 : memref<!tpu.dma_semaphore, #tpu.memory_space<semaphore_mem>>)
        %dma_wait3A_142 = tpu.memref_slice %arg3[%add3A_120] : memref<320000xi32, #tpu.memory_space<hbm>> -> memref<40xi32, #tpu.memory_space<hbm>>
        %dma_wait3A_143 = tpu.memref_slice %arg3[%add3A_120] : memref<320000xi32, #tpu.memory_space<hbm>> -> memref<40xi32, #tpu.memory_space<hbm>>
        tpu.wait_dma2 semaphore(%run_scoped3A_139 : memref<!tpu.dma_semaphore, #tpu.memory_space<semaphore_mem>>) src(%dma_wait3A_143 : memref<40xi32, #tpu.memory_space<hbm>>) dst(%run_scoped3A_12 : memref<40xi32, #tpu.memory_space<vmem>>)
        tpu.yield
      }) : () -> ()
      "tpu.region"() ({
        %run_scoped3A_139 = tpu.sem_alloc : memref<!tpu.dma_semaphore, #tpu.memory_space<semaphore_mem>>
        %dma_start3A_140 = arith.constant 0 : i32
        %dma_start3A_141 = tpu.memref_slice %arg18[%add3A_120, %dma_start3A_140] : memref<320000x16xf32, #tpu.memory_space<hbm>> -> memref<40x16xf32, #tpu.memory_space<hbm>>
        %dma_start3A_142 = arith.constant 0 : i32
        %dma_start3A_143 = tpu.memref_slice %arg18[%add3A_120, %dma_start3A_142] : memref<320000x16xf32, #tpu.memory_space<hbm>> -> memref<40x16xf32, #tpu.memory_space<hbm>>
        tpu.enqueue_dma source(%dma_start3A_143 : memref<40x16xf32, #tpu.memory_space<hbm>>) target(%run_scoped3A_14 : memref<40x16xf32, #tpu.memory_space<vmem>>) target_semaphore(%run_scoped3A_139 : memref<!tpu.dma_semaphore, #tpu.memory_space<semaphore_mem>>)
        %dma_wait3A_144 = arith.constant 0 : i32
        %dma_wait3A_145 = tpu.memref_slice %arg18[%add3A_120, %dma_wait3A_144] : memref<320000x16xf32, #tpu.memory_space<hbm>> -> memref<40x16xf32, #tpu.memory_space<hbm>>
        %dma_wait3A_146 = arith.constant 0 : i32
        %dma_wait3A_147 = tpu.memref_slice %arg18[%add3A_120, %dma_wait3A_146] : memref<320000x16xf32, #tpu.memory_space<hbm>> -> memref<40x16xf32, #tpu.memory_space<hbm>>
        tpu.wait_dma2 semaphore(%run_scoped3A_139 : memref<!tpu.dma_semaphore, #tpu.memory_space<semaphore_mem>>) src(%dma_wait3A_147 : memref<40x16xf32, #tpu.memory_space<hbm>>) dst(%run_scoped3A_14 : memref<40x16xf32, #tpu.memory_space<vmem>>)
        tpu.yield
      }) : () -> ()
      %dma_start3A_121 = arith.constant 0 : i32
      %dma_start3A_122 = arith.constant 0 : i32
      %dma_start3A_123 = tpu.memref_slice %arg13[%dma_start3A_121, %dma_start3A_122] : memref<10000x128xf32, #tpu.memory_space<hbm>> -> memref<10000x128xf32, #tpu.memory_space<hbm>>
      tpu.enqueue_indirect_dma source(%dma_start3A_123 : memref<10000x128xf32, #tpu.memory_space<hbm>>) target(%run_scoped3A_7 : memref<40x128xf32, #tpu.memory_space<vmem>>) offsets(%run_scoped3A_11 : memref<40xi32, #tpu.memory_space<vmem>>) semaphore(%arg27 : memref<!tpu.dma_semaphore, #tpu.memory_space<semaphore_mem>>)
      %dma_wait3A_124 = arith.constant 0 : i32
      %dma_wait3A_125 = arith.constant 0 : i32
      %dma_wait3A_126 = tpu.memref_slice %arg13[%dma_wait3A_124, %dma_wait3A_125] : memref<10000x128xf32, #tpu.memory_space<hbm>> -> memref<10000x128xf32, #tpu.memory_space<hbm>>
      tpu.wait_indirect_dma semaphore(%arg26 : memref<!tpu.dma_semaphore, #tpu.memory_space<semaphore_mem>>) src(%dma_wait3A_126 : memref<10000x128xf32, #tpu.memory_space<hbm>>) dst(%run_scoped3A_6 : memref<40x128xf32, #tpu.memory_space<vmem>>)
      %parallel_loop3A_127 = arith.constant 0 : i32
      %parallel_loop3A_128 = arith.constant 40 : i32
      %parallel_loop3A_129 = arith.constant 1 : i32
      scf.for %parallel_loop3A_139 = %parallel_loop3A_127 to %parallel_loop3A_128 step %parallel_loop3A_129  : i32 {
        %parallel_loop3A_140 = arith.index_cast %parallel_loop3A_139 : i32 to index
        %parallel_loop3A_141 = arith.constant 0 : index
        %parallel_loop3A_142 = tpu.vector_load %run_scoped3A_13[%parallel_loop3A_140, %parallel_loop3A_141] {strides = array<i32>} : memref<40x16xf32, #tpu.memory_space<vmem>>, vector<1x16xf32>,
        %parallel_loop3A_143 = vector.shape_cast %parallel_loop3A_142 : vector<1x16xf32> to vector<16xf32>
        %parallel_loop3A_144 = arith.index_cast %parallel_loop3A_139 : i32 to index
        %parallel_loop3A_145 = arith.constant 0 : index
        %parallel_loop3A_146 = tpu.vector_load %run_scoped3A_6[%parallel_loop3A_144, %parallel_loop3A_145] {strides = array<i32>} : memref<40x128xf32, #tpu.memory_space<vmem>>, vector<1x16xf32>,
        %parallel_loop3A_147 = vector.shape_cast %parallel_loop3A_146 : vector<1x16xf32> to vector<16xf32>
        %parallel_loop3A_148 = arith.mulf %parallel_loop3A_147, %parallel_loop3A_143 : vector<16xf32>
        %parallel_loop3A_149 = arith.index_cast %parallel_loop3A_139 : i32 to index
        %parallel_loop3A_150 = arith.constant 0 : index
        %parallel_loop3A_151 = tpu.vector_load %run_scoped3A_6[%parallel_loop3A_149, %parallel_loop3A_150] {strides = array<i32>} : memref<40x128xf32, #tpu.memory_space<vmem>>, vector<1x16xf32>,
        %parallel_loop3A_152 = vector.shape_cast %parallel_loop3A_151 : vector<1x16xf32> to vector<16xf32>
        %parallel_loop3A_153 = vector.shape_cast %parallel_loop3A_148 : vector<16xf32> to vector<1x16xf32>
        tpu.vector_store %run_scoped3A_6[%parallel_loop3A_149, %parallel_loop3A_150], %parallel_loop3A_153 {strides = array<i32>} : memref<40x128xf32, #tpu.memory_space<vmem>>, vector<1x16xf32>,
        %parallel_loop3A_154 = arith.index_cast %parallel_loop3A_139 : i32 to index
        %parallel_loop3A_155 = arith.constant 16 : index
        %parallel_loop3A_156 = tpu.vector_load %run_scoped3A_6[%parallel_loop3A_154, %parallel_loop3A_155] {strides = array<i32>} : memref<40x128xf32, #tpu.memory_space<vmem>>, vector<1x16xf32>,
        %parallel_loop3A_157 = vector.shape_cast %parallel_loop3A_156 : vector<1x16xf32> to vector<16xf32>
        %parallel_loop3A_158 = arith.mulf %parallel_loop3A_157, %parallel_loop3A_143 : vector<16xf32>
        %parallel_loop3A_159 = arith.index_cast %parallel_loop3A_139 : i32 to index
        %parallel_loop3A_160 = arith.constant 16 : index
        %parallel_loop3A_161 = tpu.vector_load %run_scoped3A_6[%parallel_loop3A_159, %parallel_loop3A_160] {strides = array<i32>} : memref<40x128xf32, #tpu.memory_space<vmem>>, vector<1x16xf32>,
        %parallel_loop3A_162 = vector.shape_cast %parallel_loop3A_161 : vector<1x16xf32> to vector<16xf32>
        %parallel_loop3A_163 = vector.shape_cast %parallel_loop3A_158 : vector<16xf32> to vector<1x16xf32>
        tpu.vector_store %run_scoped3A_6[%parallel_loop3A_159, %parallel_loop3A_160], %parallel_loop3A_163 {strides = array<i32>} : memref<40x128xf32, #tpu.memory_space<vmem>>, vector<1x16xf32>,
        %parallel_loop3A_164 = arith.index_cast %parallel_loop3A_139 : i32 to index
        %parallel_loop3A_165 = arith.constant 32 : index
        %parallel_loop3A_166 = tpu.vector_load %run_scoped3A_6[%parallel_loop3A_164, %parallel_loop3A_165] {strides = array<i32>} : memref<40x128xf32, #tpu.memory_space<vmem>>, vector<1x16xf32>,
        %parallel_loop3A_167 = vector.shape_cast %parallel_loop3A_166 : vector<1x16xf32> to vector<16xf32>
        %parallel_loop3A_168 = arith.mulf %parallel_loop3A_167, %parallel_loop3A_143 : vector<16xf32>
        %parallel_loop3A_169 = arith.index_cast %parallel_loop3A_139 : i32 to index
        %parallel_loop3A_170 = arith.constant 32 : index
        %parallel_loop3A_171 = tpu.vector_load %run_scoped3A_6[%parallel_loop3A_169, %parallel_loop3A_170] {strides = array<i32>} : memref<40x128xf32, #tpu.memory_space<vmem>>, vector<1x16xf32>,
        %parallel_loop3A_172 = vector.shape_cast %parallel_loop3A_171 : vector<1x16xf32> to vector<16xf32>
        %parallel_loop3A_173 = vector.shape_cast %parallel_loop3A_168 : vector<16xf32> to vector<1x16xf32>
        tpu.vector_store %run_scoped3A_6[%parallel_loop3A_169, %parallel_loop3A_170], %parallel_loop3A_173 {strides = array<i32>} : memref<40x128xf32, #tpu.memory_space<vmem>>, vector<1x16xf32>,
        %parallel_loop3A_174 = arith.index_cast %parallel_loop3A_139 : i32 to index
        %parallel_loop3A_175 = arith.constant 48 : index
        %parallel_loop3A_176 = tpu.vector_load %run_scoped3A_6[%parallel_loop3A_174, %parallel_loop3A_175] {strides = array<i32>} : memref<40x128xf32, #tpu.memory_space<vmem>>, vector<1x16xf32>,
        %parallel_loop3A_177 = vector.shape_cast %parallel_loop3A_176 : vector<1x16xf32> to vector<16xf32>
        %parallel_loop3A_178 = arith.mulf %parallel_loop3A_177, %parallel_loop3A_143 : vector<16xf32>
        %parallel_loop3A_179 = arith.index_cast %parallel_loop3A_139 : i32 to index
        %parallel_loop3A_180 = arith.constant 48 : index
        %parallel_loop3A_181 = tpu.vector_load %run_scoped3A_6[%parallel_loop3A_179, %parallel_loop3A_180] {strides = array<i32>} : memref<40x128xf32, #tpu.memory_space<vmem>>, vector<1x16xf32>,
        %parallel_loop3A_182 = vector.shape_cast %parallel_loop3A_181 : vector<1x16xf32> to vector<16xf32>
        %parallel_loop3A_183 = vector.shape_cast %parallel_loop3A_178 : vector<16xf32> to vector<1x16xf32>
        tpu.vector_store %run_scoped3A_6[%parallel_loop3A_179, %parallel_loop3A_180], %parallel_loop3A_183 {strides = array<i32>} : memref<40x128xf32, #tpu.memory_space<vmem>>, vector<1x16xf32>,
        %parallel_loop3A_184 = arith.index_cast %parallel_loop3A_139 : i32 to index
        %parallel_loop3A_185 = arith.constant 64 : index
        %parallel_loop3A_186 = tpu.vector_load %run_scoped3A_6[%parallel_loop3A_184, %parallel_loop3A_185] {strides = array<i32>} : memref<40x128xf32, #tpu.memory_space<vmem>>, vector<1x16xf32>,
        %parallel_loop3A_187 = vector.shape_cast %parallel_loop3A_186 : vector<1x16xf32> to vector<16xf32>
        %parallel_loop3A_188 = arith.mulf %parallel_loop3A_187, %parallel_loop3A_143 : vector<16xf32>
        %parallel_loop3A_189 = arith.index_cast %parallel_loop3A_139 : i32 to index
        %parallel_loop3A_190 = arith.constant 64 : index
        %parallel_loop3A_191 = tpu.vector_load %run_scoped3A_6[%parallel_loop3A_189, %parallel_loop3A_190] {strides = array<i32>} : memref<40x128xf32, #tpu.memory_space<vmem>>, vector<1x16xf32>,
        %parallel_loop3A_192 = vector.shape_cast %parallel_loop3A_191 : vector<1x16xf32> to vector<16xf32>
        %parallel_loop3A_193 = vector.shape_cast %parallel_loop3A_188 : vector<16xf32> to vector<1x16xf32>
        tpu.vector_store %run_scoped3A_6[%parallel_loop3A_189, %parallel_loop3A_190], %parallel_loop3A_193 {strides = array<i32>} : memref<40x128xf32, #tpu.memory_space<vmem>>, vector<1x16xf32>,
        %parallel_loop3A_194 = arith.index_cast %parallel_loop3A_139 : i32 to index
        %parallel_loop3A_195 = arith.constant 80 : index
        %parallel_loop3A_196 = tpu.vector_load %run_scoped3A_6[%parallel_loop3A_194, %parallel_loop3A_195] {strides = array<i32>} : memref<40x128xf32, #tpu.memory_space<vmem>>, vector<1x16xf32>,
        %parallel_loop3A_197 = vector.shape_cast %parallel_loop3A_196 : vector<1x16xf32> to vector<16xf32>
        %parallel_loop3A_198 = arith.mulf %parallel_loop3A_197, %parallel_loop3A_143 : vector<16xf32>
        %parallel_loop3A_199 = arith.index_cast %parallel_loop3A_139 : i32 to index
        %parallel_loop3A_200 = arith.constant 80 : index
        %parallel_loop3A_201 = tpu.vector_load %run_scoped3A_6[%parallel_loop3A_199, %parallel_loop3A_200] {strides = array<i32>} : memref<40x128xf32, #tpu.memory_space<vmem>>, vector<1x16xf32>,
        %parallel_loop3A_202 = vector.shape_cast %parallel_loop3A_201 : vector<1x16xf32> to vector<16xf32>
        %parallel_loop3A_203 = vector.shape_cast %parallel_loop3A_198 : vector<16xf32> to vector<1x16xf32>
        tpu.vector_store %run_scoped3A_6[%parallel_loop3A_199, %parallel_loop3A_200], %parallel_loop3A_203 {strides = array<i32>} : memref<40x128xf32, #tpu.memory_space<vmem>>, vector<1x16xf32>,
        %parallel_loop3A_204 = arith.index_cast %parallel_loop3A_139 : i32 to index
        %parallel_loop3A_205 = arith.constant 96 : index
        %parallel_loop3A_206 = tpu.vector_load %run_scoped3A_6[%parallel_loop3A_204, %parallel_loop3A_205] {strides = array<i32>} : memref<40x128xf32, #tpu.memory_space<vmem>>, vector<1x16xf32>,
        %parallel_loop3A_207 = vector.shape_cast %parallel_loop3A_206 : vector<1x16xf32> to vector<16xf32>
        %parallel_loop3A_208 = arith.mulf %parallel_loop3A_207, %parallel_loop3A_143 : vector<16xf32>
        %parallel_loop3A_209 = arith.index_cast %parallel_loop3A_139 : i32 to index
        %parallel_loop3A_210 = arith.constant 96 : index
        %parallel_loop3A_211 = tpu.vector_load %run_scoped3A_6[%parallel_loop3A_209, %parallel_loop3A_210] {strides = array<i32>} : memref<40x128xf32, #tpu.memory_space<vmem>>, vector<1x16xf32>,
        %parallel_loop3A_212 = vector.shape_cast %parallel_loop3A_211 : vector<1x16xf32> to vector<16xf32>
        %parallel_loop3A_213 = vector.shape_cast %parallel_loop3A_208 : vector<16xf32> to vector<1x16xf32>
        tpu.vector_store %run_scoped3A_6[%parallel_loop3A_209, %parallel_loop3A_210], %parallel_loop3A_213 {strides = array<i32>} : memref<40x128xf32, #tpu.memory_space<vmem>>, vector<1x16xf32>,
        %parallel_loop3A_214 = arith.index_cast %parallel_loop3A_139 : i32 to index
        %parallel_loop3A_215 = arith.constant 112 : index
        %parallel_loop3A_216 = tpu.vector_load %run_scoped3A_6[%parallel_loop3A_214, %parallel_loop3A_215] {strides = array<i32>} : memref<40x128xf32, #tpu.memory_space<vmem>>, vector<1x16xf32>,
        %parallel_loop3A_217 = vector.shape_cast %parallel_loop3A_216 : vector<1x16xf32> to vector<16xf32>
        %parallel_loop3A_218 = arith.mulf %parallel_loop3A_217, %parallel_loop3A_143 : vector<16xf32>
        %parallel_loop3A_219 = arith.index_cast %parallel_loop3A_139 : i32 to index
        %parallel_loop3A_220 = arith.constant 112 : index
        %parallel_loop3A_221 = tpu.vector_load %run_scoped3A_6[%parallel_loop3A_219, %parallel_loop3A_220] {strides = array<i32>} : memref<40x128xf32, #tpu.memory_space<vmem>>, vector<1x16xf32>,
        %parallel_loop3A_222 = vector.shape_cast %parallel_loop3A_221 : vector<1x16xf32> to vector<16xf32>
        %parallel_loop3A_223 = vector.shape_cast %parallel_loop3A_218 : vector<16xf32> to vector<1x16xf32>
        tpu.vector_store %run_scoped3A_6[%parallel_loop3A_219, %parallel_loop3A_220], %parallel_loop3A_223 {strides = array<i32>} : memref<40x128xf32, #tpu.memory_space<vmem>>, vector<1x16xf32>,
      } {sc.loop_unroll_factor = 1 : i64, sc.parallel_access}
      "tpu.region"() ({
        %run_scoped3A_139 = tpu.sem_alloc : memref<!tpu.dma_semaphore, #tpu.memory_space<semaphore_mem>>
        %dma_start3A_140 = arith.constant 0 : i32
        %dma_start3A_141 = arith.constant 0 : i32
        %dma_start3A_142 = tpu.memref_slice %arg25[%dma_start3A_140, %dma_start3A_141] : memref<10240x128xf32, #tpu.memory_space<vmem_shared>> -> memref<10240x128xf32, #tpu.memory_space<vmem_shared>>
        tpu.enqueue_indirect_dma source(%run_scoped3A_6 : memref<40x128xf32, #tpu.memory_space<vmem>>) target(%dma_start3A_142 : memref<10240x128xf32, #tpu.memory_space<vmem_shared>>) offsets(%run_scoped3A_10 : memref<40xi32, #tpu.memory_space<vmem>>) semaphore(%run_scoped3A_139 : memref<!tpu.dma_semaphore, #tpu.memory_space<semaphore_mem>>) {add = true}
        %dma_wait3A_143 = arith.constant 0 : i32
        %dma_wait3A_144 = arith.constant 0 : i32
        %dma_wait3A_145 = tpu.memref_slice %arg25[%dma_wait3A_143, %dma_wait3A_144] : memref<10240x128xf32, #tpu.memory_space<vmem_shared>> -> memref<10240x128xf32, #tpu.memory_space<vmem_shared>>
        tpu.wait_indirect_dma semaphore(%run_scoped3A_139 : memref<!tpu.dma_semaphore, #tpu.memory_space<semaphore_mem>>) src(%run_scoped3A_6 : memref<40x128xf32, #tpu.memory_space<vmem>>) dst(%dma_wait3A_145 : memref<10240x128xf32, #tpu.memory_space<vmem_shared>>)
        tpu.yield
      }) : () -> ()
      %dma_wait3A_130 = arith.constant 0 : i32
      %dma_wait3A_131 = arith.constant 0 : i32
      %dma_wait3A_132 = tpu.memref_slice %arg13[%dma_wait3A_130, %dma_wait3A_131] : memref<10000x128xf32, #tpu.memory_space<hbm>> -> memref<10000x128xf32, #tpu.memory_space<hbm>>
      tpu.wait_indirect_dma semaphore(%arg27 : memref<!tpu.dma_semaphore, #tpu.memory_space<semaphore_mem>>) src(%dma_wait3A_132 : memref<10000x128xf32, #tpu.memory_space<hbm>>) dst(%run_scoped3A_7 : memref<40x128xf32, #tpu.memory_space<vmem>>)
      %parallel_loop3A_133 = arith.constant 0 : i32
      %parallel_loop3A_134 = arith.constant 40 : i32
      %parallel_loop3A_135 = arith.constant 1 : i32
      scf.for %parallel_loop3A_139 = %parallel_loop3A_133 to %parallel_loop3A_134 step %parallel_loop3A_135  : i32 {
        %parallel_loop3A_140 = arith.index_cast %parallel_loop3A_139 : i32 to index
        %parallel_loop3A_141 = arith.constant 0 : index
        %parallel_loop3A_142 = tpu.vector_load %run_scoped3A_14[%parallel_loop3A_140, %parallel_loop3A_141] {strides = array<i32>} : memref<40x16xf32, #tpu.memory_space<vmem>>, vector<1x16xf32>,
        %parallel_loop3A_143 = vector.shape_cast %parallel_loop3A_142 : vector<1x16xf32> to vector<16xf32>
        %parallel_loop3A_144 = arith.index_cast %parallel_loop3A_139 : i32 to index
        %parallel_loop3A_145 = arith.constant 0 : index
        %parallel_loop3A_146 = tpu.vector_load %run_scoped3A_7[%parallel_loop3A_144, %parallel_loop3A_145] {strides = array<i32>} : memref<40x128xf32, #tpu.memory_space<vmem>>, vector<1x16xf32>,
        %parallel_loop3A_147 = vector.shape_cast %parallel_loop3A_146 : vector<1x16xf32> to vector<16xf32>
        %parallel_loop3A_148 = arith.mulf %parallel_loop3A_147, %parallel_loop3A_143 : vector<16xf32>
        %parallel_loop3A_149 = arith.index_cast %parallel_loop3A_139 : i32 to index
        %parallel_loop3A_150 = arith.constant 0 : index
        %parallel_loop3A_151 = tpu.vector_load %run_scoped3A_7[%parallel_loop3A_149, %parallel_loop3A_150] {strides = array<i32>} : memref<40x128xf32, #tpu.memory_space<vmem>>, vector<1x16xf32>,
        %parallel_loop3A_152 = vector.shape_cast %parallel_loop3A_151 : vector<1x16xf32> to vector<16xf32>
        %parallel_loop3A_153 = vector.shape_cast %parallel_loop3A_148 : vector<16xf32> to vector<1x16xf32>
        tpu.vector_store %run_scoped3A_7[%parallel_loop3A_149, %parallel_loop3A_150], %parallel_loop3A_153 {strides = array<i32>} : memref<40x128xf32, #tpu.memory_space<vmem>>, vector<1x16xf32>,
        %parallel_loop3A_154 = arith.index_cast %parallel_loop3A_139 : i32 to index
        %parallel_loop3A_155 = arith.constant 16 : index
        %parallel_loop3A_156 = tpu.vector_load %run_scoped3A_7[%parallel_loop3A_154, %parallel_loop3A_155] {strides = array<i32>} : memref<40x128xf32, #tpu.memory_space<vmem>>, vector<1x16xf32>,
        %parallel_loop3A_157 = vector.shape_cast %parallel_loop3A_156 : vector<1x16xf32> to vector<16xf32>
        %parallel_loop3A_158 = arith.mulf %parallel_loop3A_157, %parallel_loop3A_143 : vector<16xf32>
        %parallel_loop3A_159 = arith.index_cast %parallel_loop3A_139 : i32 to index
        %parallel_loop3A_160 = arith.constant 16 : index
        %parallel_loop3A_161 = tpu.vector_load %run_scoped3A_7[%parallel_loop3A_159, %parallel_loop3A_160] {strides = array<i32>} : memref<40x128xf32, #tpu.memory_space<vmem>>, vector<1x16xf32>,
        %parallel_loop3A_162 = vector.shape_cast %parallel_loop3A_161 : vector<1x16xf32> to vector<16xf32>
        %parallel_loop3A_163 = vector.shape_cast %parallel_loop3A_158 : vector<16xf32> to vector<1x16xf32>
        tpu.vector_store %run_scoped3A_7[%parallel_loop3A_159, %parallel_loop3A_160], %parallel_loop3A_163 {strides = array<i32>} : memref<40x128xf32, #tpu.memory_space<vmem>>, vector<1x16xf32>,
        %parallel_loop3A_164 = arith.index_cast %parallel_loop3A_139 : i32 to index
        %parallel_loop3A_165 = arith.constant 32 : index
        %parallel_loop3A_166 = tpu.vector_load %run_scoped3A_7[%parallel_loop3A_164, %parallel_loop3A_165] {strides = array<i32>} : memref<40x128xf32, #tpu.memory_space<vmem>>, vector<1x16xf32>,
        %parallel_loop3A_167 = vector.shape_cast %parallel_loop3A_166 : vector<1x16xf32> to vector<16xf32>
        %parallel_loop3A_168 = arith.mulf %parallel_loop3A_167, %parallel_loop3A_143 : vector<16xf32>
        %parallel_loop3A_169 = arith.index_cast %parallel_loop3A_139 : i32 to index
        %parallel_loop3A_170 = arith.constant 32 : index
        %parallel_loop3A_171 = tpu.vector_load %run_scoped3A_7[%parallel_loop3A_169, %parallel_loop3A_170] {strides = array<i32>} : memref<40x128xf32, #tpu.memory_space<vmem>>, vector<1x16xf32>,
        %parallel_loop3A_172 = vector.shape_cast %parallel_loop3A_171 : vector<1x16xf32> to vector<16xf32>
        %parallel_loop3A_173 = vector.shape_cast %parallel_loop3A_168 : vector<16xf32> to vector<1x16xf32>
        tpu.vector_store %run_scoped3A_7[%parallel_loop3A_169, %parallel_loop3A_170], %parallel_loop3A_173 {strides = array<i32>} : memref<40x128xf32, #tpu.memory_space<vmem>>, vector<1x16xf32>,
        %parallel_loop3A_174 = arith.index_cast %parallel_loop3A_139 : i32 to index
        %parallel_loop3A_175 = arith.constant 48 : index
        %parallel_loop3A_176 = tpu.vector_load %run_scoped3A_7[%parallel_loop3A_174, %parallel_loop3A_175] {strides = array<i32>} : memref<40x128xf32, #tpu.memory_space<vmem>>, vector<1x16xf32>,
        %parallel_loop3A_177 = vector.shape_cast %parallel_loop3A_176 : vector<1x16xf32> to vector<16xf32>
        %parallel_loop3A_178 = arith.mulf %parallel_loop3A_177, %parallel_loop3A_143 : vector<16xf32>
        %parallel_loop3A_179 = arith.index_cast %parallel_loop3A_139 : i32 to index
        %parallel_loop3A_180 = arith.constant 48 : index
        %parallel_loop3A_181 = tpu.vector_load %run_scoped3A_7[%parallel_loop3A_179, %parallel_loop3A_180] {strides = array<i32>} : memref<40x128xf32, #tpu.memory_space<vmem>>, vector<1x16xf32>,
        %parallel_loop3A_182 = vector.shape_cast %parallel_loop3A_181 : vector<1x16xf32> to vector<16xf32>
        %parallel_loop3A_183 = vector.shape_cast %parallel_loop3A_178 : vector<16xf32> to vector<1x16xf32>
        tpu.vector_store %run_scoped3A_7[%parallel_loop3A_179, %parallel_loop3A_180], %parallel_loop3A_183 {strides = array<i32>} : memref<40x128xf32, #tpu.memory_space<vmem>>, vector<1x16xf32>,
        %parallel_loop3A_184 = arith.index_cast %parallel_loop3A_139 : i32 to index
        %parallel_loop3A_185 = arith.constant 64 : index
        %parallel_loop3A_186 = tpu.vector_load %run_scoped3A_7[%parallel_loop3A_184, %parallel_loop3A_185] {strides = array<i32>} : memref<40x128xf32, #tpu.memory_space<vmem>>, vector<1x16xf32>,
        %parallel_loop3A_187 = vector.shape_cast %parallel_loop3A_186 : vector<1x16xf32> to vector<16xf32>
        %parallel_loop3A_188 = arith.mulf %parallel_loop3A_187, %parallel_loop3A_143 : vector<16xf32>
        %parallel_loop3A_189 = arith.index_cast %parallel_loop3A_139 : i32 to index
        %parallel_loop3A_190 = arith.constant 64 : index
        %parallel_loop3A_191 = tpu.vector_load %run_scoped3A_7[%parallel_loop3A_189, %parallel_loop3A_190] {strides = array<i32>} : memref<40x128xf32, #tpu.memory_space<vmem>>, vector<1x16xf32>,
        %parallel_loop3A_192 = vector.shape_cast %parallel_loop3A_191 : vector<1x16xf32> to vector<16xf32>
        %parallel_loop3A_193 = vector.shape_cast %parallel_loop3A_188 : vector<16xf32> to vector<1x16xf32>
        tpu.vector_store %run_scoped3A_7[%parallel_loop3A_189, %parallel_loop3A_190], %parallel_loop3A_193 {strides = array<i32>} : memref<40x128xf32, #tpu.memory_space<vmem>>, vector<1x16xf32>,
        %parallel_loop3A_194 = arith.index_cast %parallel_loop3A_139 : i32 to index
        %parallel_loop3A_195 = arith.constant 80 : index
        %parallel_loop3A_196 = tpu.vector_load %run_scoped3A_7[%parallel_loop3A_194, %parallel_loop3A_195] {strides = array<i32>} : memref<40x128xf32, #tpu.memory_space<vmem>>, vector<1x16xf32>,
        %parallel_loop3A_197 = vector.shape_cast %parallel_loop3A_196 : vector<1x16xf32> to vector<16xf32>
        %parallel_loop3A_198 = arith.mulf %parallel_loop3A_197, %parallel_loop3A_143 : vector<16xf32>
        %parallel_loop3A_199 = arith.index_cast %parallel_loop3A_139 : i32 to index
        %parallel_loop3A_200 = arith.constant 80 : index
        %parallel_loop3A_201 = tpu.vector_load %run_scoped3A_7[%parallel_loop3A_199, %parallel_loop3A_200] {strides = array<i32>} : memref<40x128xf32, #tpu.memory_space<vmem>>, vector<1x16xf32>,
        %parallel_loop3A_202 = vector.shape_cast %parallel_loop3A_201 : vector<1x16xf32> to vector<16xf32>
        %parallel_loop3A_203 = vector.shape_cast %parallel_loop3A_198 : vector<16xf32> to vector<1x16xf32>
        tpu.vector_store %run_scoped3A_7[%parallel_loop3A_199, %parallel_loop3A_200], %parallel_loop3A_203 {strides = array<i32>} : memref<40x128xf32, #tpu.memory_space<vmem>>, vector<1x16xf32>,
        %parallel_loop3A_204 = arith.index_cast %parallel_loop3A_139 : i32 to index
        %parallel_loop3A_205 = arith.constant 96 : index
        %parallel_loop3A_206 = tpu.vector_load %run_scoped3A_7[%parallel_loop3A_204, %parallel_loop3A_205] {strides = array<i32>} : memref<40x128xf32, #tpu.memory_space<vmem>>, vector<1x16xf32>,
        %parallel_loop3A_207 = vector.shape_cast %parallel_loop3A_206 : vector<1x16xf32> to vector<16xf32>
        %parallel_loop3A_208 = arith.mulf %parallel_loop3A_207, %parallel_loop3A_143 : vector<16xf32>
        %parallel_loop3A_209 = arith.index_cast %parallel_loop3A_139 : i32 to index
        %parallel_loop3A_210 = arith.constant 96 : index
        %parallel_loop3A_211 = tpu.vector_load %run_scoped3A_7[%parallel_loop3A_209, %parallel_loop3A_210] {strides = array<i32>} : memref<40x128xf32, #tpu.memory_space<vmem>>, vector<1x16xf32>,
        %parallel_loop3A_212 = vector.shape_cast %parallel_loop3A_211 : vector<1x16xf32> to vector<16xf32>
        %parallel_loop3A_213 = vector.shape_cast %parallel_loop3A_208 : vector<16xf32> to vector<1x16xf32>
        tpu.vector_store %run_scoped3A_7[%parallel_loop3A_209, %parallel_loop3A_210], %parallel_loop3A_213 {strides = array<i32>} : memref<40x128xf32, #tpu.memory_space<vmem>>, vector<1x16xf32>,
        %parallel_loop3A_214 = arith.index_cast %parallel_loop3A_139 : i32 to index
        %parallel_loop3A_215 = arith.constant 112 : index
        %parallel_loop3A_216 = tpu.vector_load %run_scoped3A_7[%parallel_loop3A_214, %parallel_loop3A_215] {strides = array<i32>} : memref<40x128xf32, #tpu.memory_space<vmem>>, vector<1x16xf32>,
        %parallel_loop3A_217 = vector.shape_cast %parallel_loop3A_216 : vector<1x16xf32> to vector<16xf32>
        %parallel_loop3A_218 = arith.mulf %parallel_loop3A_217, %parallel_loop3A_143 : vector<16xf32>
        %parallel_loop3A_219 = arith.index_cast %parallel_loop3A_139 : i32 to index
        %parallel_loop3A_220 = arith.constant 112 : index
        %parallel_loop3A_221 = tpu.vector_load %run_scoped3A_7[%parallel_loop3A_219, %parallel_loop3A_220] {strides = array<i32>} : memref<40x128xf32, #tpu.memory_space<vmem>>, vector<1x16xf32>,
        %parallel_loop3A_222 = vector.shape_cast %parallel_loop3A_221 : vector<1x16xf32> to vector<16xf32>
        %parallel_loop3A_223 = vector.shape_cast %parallel_loop3A_218 : vector<16xf32> to vector<1x16xf32>
        tpu.vector_store %run_scoped3A_7[%parallel_loop3A_219, %parallel_loop3A_220], %parallel_loop3A_223 {strides = array<i32>} : memref<40x128xf32, #tpu.memory_space<vmem>>, vector<1x16xf32>,
      } {sc.loop_unroll_factor = 1 : i64, sc.parallel_access}
      "tpu.region"() ({
        %run_scoped3A_139 = tpu.sem_alloc : memref<!tpu.dma_semaphore, #tpu.memory_space<semaphore_mem>>
        %dma_start3A_140 = arith.constant 0 : i32
        %dma_start3A_141 = arith.constant 0 : i32
        %dma_start3A_142 = tpu.memref_slice %arg25[%dma_start3A_140, %dma_start3A_141] : memref<10240x128xf32, #tpu.memory_space<vmem_shared>> -> memref<10240x128xf32, #tpu.memory_space<vmem_shared>>
        tpu.enqueue_indirect_dma source(%run_scoped3A_7 : memref<40x128xf32, #tpu.memory_space<vmem>>) target(%dma_start3A_142 : memref<10240x128xf32, #tpu.memory_space<vmem_shared>>) offsets(%run_scoped3A_12 : memref<40xi32, #tpu.memory_space<vmem>>) semaphore(%run_scoped3A_139 : memref<!tpu.dma_semaphore, #tpu.memory_space<semaphore_mem>>) {add = true}
        %dma_wait3A_143 = arith.constant 0 : i32
        %dma_wait3A_144 = arith.constant 0 : i32
        %dma_wait3A_145 = tpu.memref_slice %arg25[%dma_wait3A_143, %dma_wait3A_144] : memref<10240x128xf32, #tpu.memory_space<vmem_shared>> -> memref<10240x128xf32, #tpu.memory_space<vmem_shared>>
        tpu.wait_indirect_dma semaphore(%run_scoped3A_139 : memref<!tpu.dma_semaphore, #tpu.memory_space<semaphore_mem>>) src(%run_scoped3A_7 : memref<40x128xf32, #tpu.memory_space<vmem>>) dst(%dma_wait3A_145 : memref<10240x128xf32, #tpu.memory_space<vmem_shared>>)
        tpu.yield
      }) : () -> ()
      %barrier3A_136 = arith.constant 0 : index
      tpu.barrier barrier_id(%barrier3A_136)
      %run_scoped3A_137 = arith.constant 3 : i32
      "tpu.region"() ({
        %run_scoped3A_139 = tpu.sem_alloc : memref<!tpu.dma_semaphore, #tpu.memory_space<semaphore_mem>>
        %dma_start3A_140 = arith.constant 0 : i32
        %dma_start3A_141 = tpu.memref_slice %arg17[%run_scoped3A_137, %arg0, %mul3A_4, %dma_start3A_140] : memref<4x2x10240x128xf32, #tpu.memory_space<hbm>> -> memref<1x1x640x128xf32, #tpu.memory_space<hbm>>
        %dma_start3A_142 = tpu.memref_squeeze %dma_start3A_141 : memref<1x1x640x128xf32, #tpu.memory_space<hbm>> -> memref<640x128xf32, #tpu.memory_space<hbm>>
        %dma_start3A_143 = arith.constant 0 : i32
        %dma_start3A_144 = tpu.memref_slice %arg25[%mul3A_4, %dma_start3A_143] : memref<10240x128xf32, #tpu.memory_space<vmem_shared>> -> memref<640x128xf32, #tpu.memory_space<vmem_shared>>
        tpu.enqueue_dma source(%dma_start3A_144 : memref<640x128xf32, #tpu.memory_space<vmem_shared>>) target(%dma_start3A_142 : memref<640x128xf32, #tpu.memory_space<hbm>>) target_semaphore(%run_scoped3A_139 : memref<!tpu.dma_semaphore, #tpu.memory_space<semaphore_mem>>)
        %dma_wait3A_145 = arith.constant 0 : i32
        %dma_wait3A_146 = tpu.memref_slice %arg17[%run_scoped3A_137, %arg0, %mul3A_4, %dma_wait3A_145] : memref<4x2x10240x128xf32, #tpu.memory_space<hbm>> -> memref<1x1x640x128xf32, #tpu.memory_space<hbm>>
        %dma_wait3A_147 = tpu.memref_squeeze %dma_wait3A_146 : memref<1x1x640x128xf32, #tpu.memory_space<hbm>> -> memref<640x128xf32, #tpu.memory_space<hbm>>
        %dma_wait3A_148 = arith.constant 0 : i32
        %dma_wait3A_149 = tpu.memref_slice %arg25[%mul3A_4, %dma_wait3A_148] : memref<10240x128xf32, #tpu.memory_space<vmem_shared>> -> memref<640x128xf32, #tpu.memory_space<vmem_shared>>
        tpu.wait_dma2 semaphore(%run_scoped3A_139 : memref<!tpu.dma_semaphore, #tpu.memory_space<semaphore_mem>>) src(%dma_wait3A_149 : memref<640x128xf32, #tpu.memory_space<vmem_shared>>) dst(%dma_wait3A_147 : memref<640x128xf32, #tpu.memory_space<hbm>>)
        tpu.yield
      }) : () -> ()
      %barrier3A_138 = arith.constant 0 : index
      tpu.barrier barrier_id(%barrier3A_138)
      tpu.yield
    }) : () -> ()
    return
  }
}

module attributes {stable_mosaic.version = 14 : i64} {
  func.func @_prep_body(%arg0: i32, %arg1: memref<1000x4x128xf32, #tpu.memory_space<vmem>>, %arg2: memref<1000x4x128xf32, #tpu.memory_space<vmem>>, %arg3: memref<1000x3xf32, #tpu.memory_space<vmem>>, %arg4: memref<1000x3xf32, #tpu.memory_space<vmem>>, %arg5: memref<128x128xf32, #tpu.memory_space<vmem>>, %arg6: memref<128x128xf32, #tpu.memory_space<vmem>>, %arg7: memref<128x128xf32, #tpu.memory_space<vmem>>, %arg8: memref<1x128xf32, #tpu.memory_space<vmem>>, %arg9: memref<128x16xf32, #tpu.memory_space<vmem>>, %arg10: memref<1000x2x128xf32, #tpu.memory_space<vmem>>, %arg11: memref<1000x2x128xf32, #tpu.memory_space<vmem>>, %arg12: memref<1000x2x128xf32, #tpu.memory_space<vmem>>, %arg13: memref<1000x2x128xf32, #tpu.memory_space<vmem>>, %arg14: memref<1000x16xf32, #tpu.memory_space<vmem>>, %arg15: memref<1000x128xf32, #tpu.memory_space<vmem>>, %arg16: memref<1000x128xf32, #tpu.memory_space<vmem>>, %arg17: memref<1000x128xf32, #tpu.memory_space<vmem>>, %arg18: memref<1000x128xf32, #tpu.memory_space<vmem>>) attributes {dimension_semantics = [#tpu.dimension_semantics<arbitrary>], iteration_bounds = array<i64: 10>, scalar_prefetch = 0 : i64, scratch_operands = 0 : i64, tpu.core_type = #tpu.core_type<tc>, window_params = [{transform_indices = @transform_0, window_bounds = array<i64: 1000, 4, 128>}, {transform_indices = @transform_1, window_bounds = array<i64: 1000, 4, 128>}, {transform_indices = @transform_2, window_bounds = array<i64: 1000, 3>}, {transform_indices = @transform_3, window_bounds = array<i64: 1000, 3>}, {pipeline_mode = #tpu.pipeline_mode<synchronous>, transform_indices = @transform_4, window_bounds = array<i64: 128, 128>}, {pipeline_mode = #tpu.pipeline_mode<synchronous>, transform_indices = @transform_5, window_bounds = array<i64: 128, 128>}, {pipeline_mode = #tpu.pipeline_mode<synchronous>, transform_indices = @transform_6, window_bounds = array<i64: 128, 128>}, {pipeline_mode = #tpu.pipeline_mode<synchronous>, transform_indices = @transform_7, window_bounds = array<i64: 1, 128>}, {pipeline_mode = #tpu.pipeline_mode<synchronous>, transform_indices = @transform_8, window_bounds = array<i64: 128, 16>}, {transform_indices = @transform_9, window_bounds = array<i64: 1000, 2, 128>}, {transform_indices = @transform_10, window_bounds = array<i64: 1000, 2, 128>}, {transform_indices = @transform_11, window_bounds = array<i64: 1000, 2, 128>}, {transform_indices = @transform_12, window_bounds = array<i64: 1000, 2, 128>}, {transform_indices = @transform_13, window_bounds = array<i64: 1000, 16>}, {transform_indices = @transform_14, window_bounds = array<i64: 1000, 128>}, {transform_indices = @transform_15, window_bounds = array<i64: 1000, 128>}, {transform_indices = @transform_16, window_bounds = array<i64: 1000, 128>}, {transform_indices = @transform_17, window_bounds = array<i64: 1000, 128>}]} {
    %get3A = arith.constant 0 : index
    %get3A_0 = arith.constant 0 : index
    %get3A_1 = vector.load %arg5[%get3A, %get3A_0] : memref<128x128xf32, #tpu.memory_space<vmem>>, vector<128x128xf32>
    %get3A_2 = arith.constant 0 : index
    %get3A_3 = arith.constant 0 : index
    %get3A_4 = vector.load %arg6[%get3A_2, %get3A_3] : memref<128x128xf32, #tpu.memory_space<vmem>>, vector<128x128xf32>
    %get3A_5 = arith.constant 0 : index
    %get3A_6 = arith.constant 0 : index
    %get3A_7 = vector.load %arg7[%get3A_5, %get3A_6] : memref<128x128xf32, #tpu.memory_space<vmem>>, vector<128x128xf32>
    %get3A_8 = arith.constant 0 : index
    %get3A_9 = arith.constant 0 : index
    %get3A_10 = vector.load %arg8[%get3A_8, %get3A_9] : memref<1x128xf32, #tpu.memory_space<vmem>>, vector<1x128xf32>
    %get3A_11 = arith.constant 0 : index
    %get3A_12 = arith.constant 0 : index
    %get3A_13 = vector.load %arg9[%get3A_11, %get3A_12] : memref<128x16xf32, #tpu.memory_space<vmem>>, vector<128x16xf32>
    %get3A_14 = arith.constant 0 : index
    %get3A_15 = arith.constant 0 : index
    %get3A_16 = arith.constant 0 : index
    %get3A_17 = vector.load %arg1[%get3A_14, %get3A_15, %get3A_16] : memref<1000x4x128xf32, #tpu.memory_space<vmem>>, vector<1000x4x128xf32>
    %reshape3A = vector.shape_cast %get3A_17 : vector<1000x4x128xf32> to vector<4000x128xf32>
    %dot_general3A = arith.constant dense<0.000000e+00> : vector<4000x128xf32>
    %dot_general3A_18 = tpu.matmul %reshape3A, %get3A_1, %dot_general3A {dimension_numbers = #tpu.dot_dimension_numbers<[1], [0], [0], [1], [0, 0, 1, 1], [], []>, transpose_lhs_hint = false} : vector<4000x128xf32>, vector<128x128xf32>, vector<4000x128xf32> -> vector<4000x128xf32>
    %reshape3A_19 = vector.shape_cast %dot_general3A_18 : vector<4000x128xf32> to vector<1000x4x128xf32>
    %get3A_20 = arith.constant 0 : index
    %get3A_21 = arith.constant 0 : index
    %get3A_22 = arith.constant 0 : index
    %get3A_23 = vector.load %arg2[%get3A_20, %get3A_21, %get3A_22] : memref<1000x4x128xf32, #tpu.memory_space<vmem>>, vector<1000x4x128xf32>
    %reshape3A_24 = vector.shape_cast %get3A_23 : vector<1000x4x128xf32> to vector<4000x128xf32>
    %dot_general3A_25 = arith.constant dense<0.000000e+00> : vector<4000x128xf32>
    %dot_general3A_26 = tpu.matmul %reshape3A_24, %get3A_4, %dot_general3A_25 {dimension_numbers = #tpu.dot_dimension_numbers<[1], [0], [0], [1], [0, 0, 1, 1], [], []>, transpose_lhs_hint = false} : vector<4000x128xf32>, vector<128x128xf32>, vector<4000x128xf32> -> vector<4000x128xf32>
    %reshape3A_27 = vector.shape_cast %dot_general3A_26 : vector<4000x128xf32> to vector<1000x4x128xf32>
    %get3A_28 = arith.constant 0 : index
    %get3A_29 = arith.constant 0 : index
    %get3A_30 = arith.constant 0 : index
    %get3A_31 = vector.load %arg2[%get3A_28, %get3A_29, %get3A_30] : memref<1000x4x128xf32, #tpu.memory_space<vmem>>, vector<1000x4x128xf32>
    %reshape3A_32 = vector.shape_cast %get3A_31 : vector<1000x4x128xf32> to vector<4000x128xf32>
    %dot_general3A_33 = arith.constant dense<0.000000e+00> : vector<4000x128xf32>
    %dot_general3A_34 = tpu.matmul %reshape3A_32, %get3A_7, %dot_general3A_33 {dimension_numbers = #tpu.dot_dimension_numbers<[1], [0], [0], [1], [0, 0, 1, 1], [], []>, transpose_lhs_hint = false} : vector<4000x128xf32>, vector<128x128xf32>, vector<4000x128xf32> -> vector<4000x128xf32>
    %reshape3A_35 = vector.shape_cast %dot_general3A_34 : vector<4000x128xf32> to vector<1000x4x128xf32>
    %get3A_36 = arith.constant 0 : index
    %get3A_37 = arith.constant 0 : index
    %get3A_38 = vector.load %arg3[%get3A_36, %get3A_37] : memref<1000x3xf32, #tpu.memory_space<vmem>>, vector<1000x3xf32>
    %div3A = arith.constant 1.000000e+01 : f32
    %div3A_39 = vector.broadcast %div3A : f32 to vector<1000x3xf32>
    %div3A_40 = arith.divf %get3A_38, %div3A_39 : vector<1000x3xf32>
    %get3A_41 = arith.constant 0 : index
    %get3A_42 = arith.constant 0 : index
    %get3A_43 = vector.load %arg4[%get3A_41, %get3A_42] : memref<1000x3xf32, #tpu.memory_space<vmem>>, vector<1000x3xf32>
    %div3A_44 = arith.constant 1.000000e+01 : f32
    %div3A_45 = vector.broadcast %div3A_44 : f32 to vector<1000x3xf32>
    %div3A_46 = arith.divf %get3A_43, %div3A_45 : vector<1000x3xf32>
    %slice3A = vector.extract_strided_slice %reshape3A_19 {offsets = [0, 0, 0], sizes = [1000, 1, 128], strides = [1, 1, 1]} : vector<1000x4x128xf32> to vector<1000x1x128xf32>
    %squeeze3A = vector.shape_cast %slice3A : vector<1000x1x128xf32> to vector<1000x128xf32>
    %slice3A_47 = vector.extract_strided_slice %reshape3A_19 {offsets = [0, 1, 0], sizes = [1000, 3, 128], strides = [1, 1, 1]} : vector<1000x4x128xf32> to vector<1000x3x128xf32>
    %broadcast_in_dim3A = vector.shape_cast %div3A_40 : vector<1000x3xf32> to vector<1000x3x1xf32>
    %add3A = vector.broadcast %broadcast_in_dim3A : vector<1000x3x1xf32> to vector<1000x3x128xf32>
    %add3A_48 = arith.addf %slice3A_47, %add3A : vector<1000x3x128xf32>
    %slice3A_49 = vector.extract_strided_slice %reshape3A_27 {offsets = [0, 0, 0], sizes = [1000, 1, 128], strides = [1, 1, 1]} : vector<1000x4x128xf32> to vector<1000x1x128xf32>
    %squeeze3A_50 = vector.shape_cast %slice3A_49 : vector<1000x1x128xf32> to vector<1000x128xf32>
    %slice3A_51 = vector.extract_strided_slice %reshape3A_27 {offsets = [0, 1, 0], sizes = [1000, 3, 128], strides = [1, 1, 1]} : vector<1000x4x128xf32> to vector<1000x3x128xf32>
    %broadcast_in_dim3A_52 = vector.shape_cast %div3A_46 : vector<1000x3xf32> to vector<1000x3x1xf32>
    %add3A_53 = vector.broadcast %broadcast_in_dim3A_52 : vector<1000x3x1xf32> to vector<1000x3x128xf32>
    %add3A_54 = arith.addf %slice3A_51, %add3A_53 : vector<1000x3x128xf32>
    %slice3A_55 = vector.extract_strided_slice %reshape3A_35 {offsets = [0, 0, 0], sizes = [1000, 1, 128], strides = [1, 1, 1]} : vector<1000x4x128xf32> to vector<1000x1x128xf32>
    %squeeze3A_56 = vector.shape_cast %slice3A_55 : vector<1000x1x128xf32> to vector<1000x128xf32>
    %slice3A_57 = vector.extract_strided_slice %reshape3A_35 {offsets = [0, 1, 0], sizes = [1000, 3, 128], strides = [1, 1, 1]} : vector<1000x4x128xf32> to vector<1000x3x128xf32>
    %broadcast_in_dim3A_58 = vector.shape_cast %div3A_46 : vector<1000x3xf32> to vector<1000x3x1xf32>
    %add3A_59 = vector.broadcast %broadcast_in_dim3A_58 : vector<1000x3x1xf32> to vector<1000x3x128xf32>
    %add3A_60 = arith.addf %slice3A_57, %add3A_59 : vector<1000x3x128xf32>
    %broadcast_in_dim3A_61 = vector.shape_cast %get3A_10 : vector<1x128xf32> to vector<1x1x128xf32>
    %mul3A = vector.broadcast %broadcast_in_dim3A_61 : vector<1x1x128xf32> to vector<1000x3x128xf32>
    %mul3A_62 = arith.mulf %add3A_48, %mul3A : vector<1000x3x128xf32>
    %mul3A_63 = arith.constant 2.500000e-01 : f32
    %mul3A_64 = vector.broadcast %mul3A_63 : f32 to vector<1000x128xf32>
    %mul3A_65 = arith.mulf %squeeze3A, %mul3A_64 : vector<1000x128xf32>
    %broadcast_in_dim3A_66 = vector.shape_cast %mul3A_65 : vector<1000x128xf32> to vector<1000x1x128xf32>
    %swap3A = arith.constant 0 : index
    %swap3A_67 = arith.constant 0 : index
    %swap3A_68 = arith.constant 0 : index
    %swap3A_69 = vector.load %arg10[%swap3A, %swap3A_67, %swap3A_68] : memref<1000x2x128xf32, #tpu.memory_space<vmem>>, vector<1000x1x128xf32>
    tpu.vector_store %arg10[%swap3A, %swap3A_67, %swap3A_68], %broadcast_in_dim3A_66 {strides = array<i32>} : memref<1000x2x128xf32, #tpu.memory_space<vmem>>, vector<1000x1x128xf32>,
    %slice3A_70 = vector.extract_strided_slice %mul3A_62 {offsets = [0, 0, 0], sizes = [1000, 1, 128], strides = [1, 1, 1]} : vector<1000x3x128xf32> to vector<1000x1x128xf32>
    %swap3A_71 = arith.constant 0 : index
    %swap3A_72 = arith.constant 1 : index
    %swap3A_73 = arith.constant 0 : index
    %swap3A_74 = vector.load %arg10[%swap3A_71, %swap3A_72, %swap3A_73] : memref<1000x2x128xf32, #tpu.memory_space<vmem>>, vector<1000x1x128xf32>
    tpu.vector_store %arg10[%swap3A_71, %swap3A_72, %swap3A_73], %slice3A_70 {strides = array<i32>} : memref<1000x2x128xf32, #tpu.memory_space<vmem>>, vector<1000x1x128xf32>,
    %slice3A_75 = vector.extract_strided_slice %mul3A_62 {offsets = [0, 1, 0], sizes = [1000, 2, 128], strides = [1, 1, 1]} : vector<1000x3x128xf32> to vector<1000x2x128xf32>
    %swap3A_76 = arith.constant 0 : index
    %swap3A_77 = arith.constant 0 : index
    %swap3A_78 = arith.constant 0 : index
    %swap3A_79 = vector.load %arg11[%swap3A_76, %swap3A_77, %swap3A_78] : memref<1000x2x128xf32, #tpu.memory_space<vmem>>, vector<1000x2x128xf32>
    tpu.vector_store %arg11[%swap3A_76, %swap3A_77, %swap3A_78], %slice3A_75 {strides = array<i32>} : memref<1000x2x128xf32, #tpu.memory_space<vmem>>, vector<1000x2x128xf32>,
    %broadcast_in_dim3A_80 = vector.shape_cast %squeeze3A_50 : vector<1000x128xf32> to vector<1000x1x128xf32>
    %swap3A_81 = arith.constant 0 : index
    %swap3A_82 = arith.constant 0 : index
    %swap3A_83 = arith.constant 0 : index
    %swap3A_84 = vector.load %arg12[%swap3A_81, %swap3A_82, %swap3A_83] : memref<1000x2x128xf32, #tpu.memory_space<vmem>>, vector<1000x1x128xf32>
    tpu.vector_store %arg12[%swap3A_81, %swap3A_82, %swap3A_83], %broadcast_in_dim3A_80 {strides = array<i32>} : memref<1000x2x128xf32, #tpu.memory_space<vmem>>, vector<1000x1x128xf32>,
    %slice3A_85 = vector.extract_strided_slice %add3A_54 {offsets = [0, 0, 0], sizes = [1000, 1, 128], strides = [1, 1, 1]} : vector<1000x3x128xf32> to vector<1000x1x128xf32>
    %swap3A_86 = arith.constant 0 : index
    %swap3A_87 = arith.constant 1 : index
    %swap3A_88 = arith.constant 0 : index
    %swap3A_89 = vector.load %arg12[%swap3A_86, %swap3A_87, %swap3A_88] : memref<1000x2x128xf32, #tpu.memory_space<vmem>>, vector<1000x1x128xf32>
    tpu.vector_store %arg12[%swap3A_86, %swap3A_87, %swap3A_88], %slice3A_85 {strides = array<i32>} : memref<1000x2x128xf32, #tpu.memory_space<vmem>>, vector<1000x1x128xf32>,
    %slice3A_90 = vector.extract_strided_slice %add3A_54 {offsets = [0, 1, 0], sizes = [1000, 2, 128], strides = [1, 1, 1]} : vector<1000x3x128xf32> to vector<1000x2x128xf32>
    %swap3A_91 = arith.constant 0 : index
    %swap3A_92 = arith.constant 0 : index
    %swap3A_93 = arith.constant 0 : index
    %swap3A_94 = vector.load %arg13[%swap3A_91, %swap3A_92, %swap3A_93] : memref<1000x2x128xf32, #tpu.memory_space<vmem>>, vector<1000x2x128xf32>
    tpu.vector_store %arg13[%swap3A_91, %swap3A_92, %swap3A_93], %slice3A_90 {strides = array<i32>} : memref<1000x2x128xf32, #tpu.memory_space<vmem>>, vector<1000x2x128xf32>,
    %mul3A_95 = arith.mulf %add3A_54, %add3A_54 : vector<1000x3x128xf32>
    %broadcast_in_dim3A_96 = vector.shape_cast %get3A_10 : vector<1x128xf32> to vector<1x1x128xf32>
    %mul3A_97 = vector.broadcast %broadcast_in_dim3A_96 : vector<1x1x128xf32> to vector<1000x3x128xf32>
    %mul3A_98 = arith.mulf %mul3A_95, %mul3A_97 : vector<1000x3x128xf32>
    %slice3A_99 = vector.extract_strided_slice %mul3A_98 {offsets = [0, 0, 0], sizes = [1000, 1, 128], strides = [1, 1, 1]} : vector<1000x3x128xf32> to vector<1000x1x128xf32>
    %squeeze3A_100 = vector.shape_cast %slice3A_99 : vector<1000x1x128xf32> to vector<1000x128xf32>
    %slice3A_101 = vector.extract_strided_slice %mul3A_98 {offsets = [0, 1, 0], sizes = [1000, 1, 128], strides = [1, 1, 1]} : vector<1000x3x128xf32> to vector<1000x1x128xf32>
    %squeeze3A_102 = vector.shape_cast %slice3A_101 : vector<1000x1x128xf32> to vector<1000x128xf32>
    %add3A_103 = arith.addf %squeeze3A_100, %squeeze3A_102 : vector<1000x128xf32>
    %slice3A_104 = vector.extract_strided_slice %mul3A_98 {offsets = [0, 2, 0], sizes = [1000, 1, 128], strides = [1, 1, 1]} : vector<1000x3x128xf32> to vector<1000x1x128xf32>
    %squeeze3A_105 = vector.shape_cast %slice3A_104 : vector<1000x1x128xf32> to vector<1000x128xf32>
    %add3A_106 = arith.addf %add3A_103, %squeeze3A_105 : vector<1000x128xf32>
    %dot_general3A_107 = arith.constant dense<0.000000e+00> : vector<1000x16xf32>
    %dot_general3A_108 = tpu.matmul %add3A_106, %get3A_13, %dot_general3A_107 {dimension_numbers = #tpu.dot_dimension_numbers<[1], [0], [0], [1], [0, 0, 1, 1], [], []>, transpose_lhs_hint = false} : vector<1000x128xf32>, vector<128x16xf32>, vector<1000x16xf32> -> vector<1000x16xf32>
    %mul3A_109 = arith.constant 5.000000e-01 : f32
    %mul3A_110 = vector.broadcast %mul3A_109 : f32 to vector<1000x16xf32>
    %mul3A_111 = arith.mulf %mul3A_110, %dot_general3A_108 : vector<1000x16xf32>
    %swap3A_112 = arith.constant 0 : index
    %swap3A_113 = arith.constant 0 : index
    %swap3A_114 = vector.load %arg14[%swap3A_112, %swap3A_113] : memref<1000x16xf32, #tpu.memory_space<vmem>>, vector<1000x16xf32>
    tpu.vector_store %arg14[%swap3A_112, %swap3A_113], %mul3A_111 {strides = array<i32>} : memref<1000x16xf32, #tpu.memory_space<vmem>>, vector<1000x16xf32>,
    %slice3A_115 = vector.extract_strided_slice %add3A_60 {offsets = [0, 0, 0], sizes = [1000, 1, 128], strides = [1, 1, 1]} : vector<1000x3x128xf32> to vector<1000x1x128xf32>
    %squeeze3A_116 = vector.shape_cast %slice3A_115 : vector<1000x1x128xf32> to vector<1000x128xf32>
    %slice3A_117 = vector.extract_strided_slice %add3A_60 {offsets = [0, 1, 0], sizes = [1000, 1, 128], strides = [1, 1, 1]} : vector<1000x3x128xf32> to vector<1000x1x128xf32>
    %squeeze3A_118 = vector.shape_cast %slice3A_117 : vector<1000x1x128xf32> to vector<1000x128xf32>
    %slice3A_119 = vector.extract_strided_slice %add3A_60 {offsets = [0, 2, 0], sizes = [1000, 1, 128], strides = [1, 1, 1]} : vector<1000x3x128xf32> to vector<1000x1x128xf32>
    %squeeze3A_120 = vector.shape_cast %slice3A_119 : vector<1000x1x128xf32> to vector<1000x128xf32>
    %swap3A_121 = arith.constant 0 : index
    %swap3A_122 = arith.constant 0 : index
    %swap3A_123 = vector.load %arg15[%swap3A_121, %swap3A_122] : memref<1000x128xf32, #tpu.memory_space<vmem>>, vector<1000x128xf32>
    tpu.vector_store %arg15[%swap3A_121, %swap3A_122], %squeeze3A_56 {strides = array<i32>} : memref<1000x128xf32, #tpu.memory_space<vmem>>, vector<1000x128xf32>,
    %swap3A_124 = arith.constant 0 : index
    %swap3A_125 = arith.constant 0 : index
    %swap3A_126 = vector.load %arg16[%swap3A_124, %swap3A_125] : memref<1000x128xf32, #tpu.memory_space<vmem>>, vector<1000x128xf32>
    tpu.vector_store %arg16[%swap3A_124, %swap3A_125], %squeeze3A_116 {strides = array<i32>} : memref<1000x128xf32, #tpu.memory_space<vmem>>, vector<1000x128xf32>,
    %swap3A_127 = arith.constant 0 : index
    %swap3A_128 = arith.constant 0 : index
    %swap3A_129 = vector.load %arg17[%swap3A_127, %swap3A_128] : memref<1000x128xf32, #tpu.memory_space<vmem>>, vector<1000x128xf32>
    tpu.vector_store %arg17[%swap3A_127, %swap3A_128], %squeeze3A_118 {strides = array<i32>} : memref<1000x128xf32, #tpu.memory_space<vmem>>, vector<1000x128xf32>,
    %swap3A_130 = arith.constant 0 : index
    %swap3A_131 = arith.constant 0 : index
    %swap3A_132 = vector.load %arg18[%swap3A_130, %swap3A_131] : memref<1000x128xf32, #tpu.memory_space<vmem>>, vector<1000x128xf32>
    tpu.vector_store %arg18[%swap3A_130, %swap3A_131], %squeeze3A_120 {strides = array<i32>} : memref<1000x128xf32, #tpu.memory_space<vmem>>, vector<1000x128xf32>,
    return
  }
  func.func @transform_0(%arg0: i32) -> (i32, i32, i32) {
    %c0_i32 = arith.constant 0 : i32
    %c0_i32_0 = arith.constant 0 : i32
    %c0_i32_1 = arith.constant 0 : i32
    return %arg0, %c0_i32, %c0_i32_0 : i32, i32, i32
  }
  func.func @transform_1(%arg0: i32) -> (i32, i32, i32) {
    %c0_i32 = arith.constant 0 : i32
    %c0_i32_0 = arith.constant 0 : i32
    %c0_i32_1 = arith.constant 0 : i32
    return %arg0, %c0_i32, %c0_i32_0 : i32, i32, i32
  }
  func.func @transform_2(%arg0: i32) -> (i32, i32) {
    %c0_i32 = arith.constant 0 : i32
    %c0_i32_0 = arith.constant 0 : i32
    return %arg0, %c0_i32 : i32, i32
  }
  func.func @transform_3(%arg0: i32) -> (i32, i32) {
    %c0_i32 = arith.constant 0 : i32
    %c0_i32_0 = arith.constant 0 : i32
    return %arg0, %c0_i32 : i32, i32
  }
  func.func @transform_4(%arg0: i32) -> (i32, i32) {
    %c0_i32 = arith.constant 0 : i32
    %c0_i32_0 = arith.constant 0 : i32
    %c0_i32_1 = arith.constant 0 : i32
    return %c0_i32, %c0_i32_0 : i32, i32
  }
  func.func @transform_5(%arg0: i32) -> (i32, i32) {
    %c0_i32 = arith.constant 0 : i32
    %c0_i32_0 = arith.constant 0 : i32
    %c0_i32_1 = arith.constant 0 : i32
    return %c0_i32, %c0_i32_0 : i32, i32
  }
  func.func @transform_6(%arg0: i32) -> (i32, i32) {
    %c0_i32 = arith.constant 0 : i32
    %c0_i32_0 = arith.constant 0 : i32
    %c0_i32_1 = arith.constant 0 : i32
    return %c0_i32, %c0_i32_0 : i32, i32
  }
  func.func @transform_7(%arg0: i32) -> (i32, i32) {
    %c0_i32 = arith.constant 0 : i32
    %c0_i32_0 = arith.constant 0 : i32
    %c0_i32_1 = arith.constant 0 : i32
    return %c0_i32, %c0_i32_0 : i32, i32
  }
  func.func @transform_8(%arg0: i32) -> (i32, i32) {
    %c0_i32 = arith.constant 0 : i32
    %c0_i32_0 = arith.constant 0 : i32
    %c0_i32_1 = arith.constant 0 : i32
    return %c0_i32, %c0_i32_0 : i32, i32
  }
  func.func @transform_9(%arg0: i32) -> (i32, i32, i32) {
    %c0_i32 = arith.constant 0 : i32
    %c0_i32_0 = arith.constant 0 : i32
    %c0_i32_1 = arith.constant 0 : i32
    return %arg0, %c0_i32, %c0_i32_0 : i32, i32, i32
  }
  func.func @transform_10(%arg0: i32) -> (i32, i32, i32) {
    %c0_i32 = arith.constant 0 : i32
    %c0_i32_0 = arith.constant 0 : i32
    %c0_i32_1 = arith.constant 0 : i32
    return %arg0, %c0_i32, %c0_i32_0 : i32, i32, i32
  }
  func.func @transform_11(%arg0: i32) -> (i32, i32, i32) {
    %c0_i32 = arith.constant 0 : i32
    %c0_i32_0 = arith.constant 0 : i32
    %c0_i32_1 = arith.constant 0 : i32
    return %arg0, %c0_i32, %c0_i32_0 : i32, i32, i32
  }
  func.func @transform_12(%arg0: i32) -> (i32, i32, i32) {
    %c0_i32 = arith.constant 0 : i32
    %c0_i32_0 = arith.constant 0 : i32
    %c0_i32_1 = arith.constant 0 : i32
    return %arg0, %c0_i32, %c0_i32_0 : i32, i32, i32
  }
  func.func @transform_13(%arg0: i32) -> (i32, i32) {
    %c0_i32 = arith.constant 0 : i32
    %c0_i32_0 = arith.constant 0 : i32
    return %arg0, %c0_i32 : i32, i32
  }
  func.func @transform_14(%arg0: i32) -> (i32, i32) {
    %c0_i32 = arith.constant 0 : i32
    %c0_i32_0 = arith.constant 0 : i32
    return %arg0, %c0_i32 : i32, i32
  }
  func.func @transform_15(%arg0: i32) -> (i32, i32) {
    %c0_i32 = arith.constant 0 : i32
    %c0_i32_0 = arith.constant 0 : i32
    return %arg0, %c0_i32 : i32, i32
  }
  func.func @transform_16(%arg0: i32) -> (i32, i32) {
    %c0_i32 = arith.constant 0 : i32
    %c0_i32_0 = arith.constant 0 : i32
    return %arg0, %c0_i32 : i32, i32
  }
  func.func @transform_17(%arg0: i32) -> (i32, i32) {
    %c0_i32 = arith.constant 0 : i32
    %c0_i32_0 = arith.constant 0 : i32
    return %arg0, %c0_i32 : i32, i32
  }
}

module attributes {stable_mosaic.version = 14 : i64} {
  func.func @_ebias_body(%arg0: i32, %arg1: memref<8000x16xf32, #tpu.memory_space<vmem>>, %arg2: memref<16x16xf32, #tpu.memory_space<vmem>>, %arg3: memref<8000x16xf32, #tpu.memory_space<vmem>>) attributes {dimension_semantics = [#tpu.dimension_semantics<arbitrary>], iteration_bounds = array<i64: 40>, scalar_prefetch = 0 : i64, scratch_operands = 0 : i64, tpu.core_type = #tpu.core_type<tc>, window_params = [{transform_indices = @transform_0, window_bounds = array<i64: 8000, 16>}, {pipeline_mode = #tpu.pipeline_mode<synchronous>, transform_indices = @transform_1, window_bounds = array<i64: 16, 16>}, {transform_indices = @transform_2, window_bounds = array<i64: 8000, 16>}]} {
    %get3A = arith.constant 0 : index
    %get3A_0 = arith.constant 0 : index
    %get3A_1 = vector.load %arg1[%get3A, %get3A_0] : memref<8000x16xf32, #tpu.memory_space<vmem>>, vector<8000x16xf32>
    %get3A_2 = arith.constant 0 : index
    %get3A_3 = arith.constant 0 : index
    %get3A_4 = vector.load %arg2[%get3A_2, %get3A_3] : memref<16x16xf32, #tpu.memory_space<vmem>>, vector<16x16xf32>
    %dot_general3A = arith.constant dense<0.000000e+00> : vector<8000x16xf32>
    %dot_general3A_5 = tpu.matmul %get3A_1, %get3A_4, %dot_general3A {dimension_numbers = #tpu.dot_dimension_numbers<[1], [0], [0], [1], [0, 0, 1, 1], [], []>, transpose_lhs_hint = false} : vector<8000x16xf32>, vector<16x16xf32>, vector<8000x16xf32> -> vector<8000x16xf32>
    %swap3A = arith.constant 0 : index
    %swap3A_6 = arith.constant 0 : index
    %swap3A_7 = vector.load %arg3[%swap3A, %swap3A_6] : memref<8000x16xf32, #tpu.memory_space<vmem>>, vector<8000x16xf32>
    tpu.vector_store %arg3[%swap3A, %swap3A_6], %dot_general3A_5 {strides = array<i32>} : memref<8000x16xf32, #tpu.memory_space<vmem>>, vector<8000x16xf32>,
    return
  }
  func.func @transform_0(%arg0: i32) -> (i32, i32) {
    %c0_i32 = arith.constant 0 : i32
    %c0_i32_0 = arith.constant 0 : i32
    return %arg0, %c0_i32 : i32, i32
  }
  func.func @transform_1(%arg0: i32) -> (i32, i32) {
    %c0_i32 = arith.constant 0 : i32
    %c0_i32_0 = arith.constant 0 : i32
    %c0_i32_1 = arith.constant 0 : i32
    return %c0_i32, %c0_i32_0 : i32, i32
  }
  func.func @transform_2(%arg0: i32) -> (i32, i32) {
    %c0_i32 = arith.constant 0 : i32
    %c0_i32_0 = arith.constant 0 : i32
    return %arg0, %c0_i32 : i32, i32
  }
}

module attributes {stable_mosaic.version = 14 : i64} {
  func.func @_final_body(%arg0: i32, %arg1: memref<2x1000x16xf32, #tpu.memory_space<vmem>>, %arg2: memref<4x2x1000x128xf32, #tpu.memory_space<vmem>>, %arg3: memref<1000x3xf32, #tpu.memory_space<vmem>>, %arg4: memref<16x128xf32, #tpu.memory_space<vmem>>, %arg5: memref<128x128xf32, #tpu.memory_space<vmem>>, %arg6: memref<1000x4x128xf32, #tpu.memory_space<vmem>>) attributes {dimension_semantics = [#tpu.dimension_semantics<arbitrary>], iteration_bounds = array<i64: 10>, scalar_prefetch = 0 : i64, scratch_operands = 0 : i64, tpu.core_type = #tpu.core_type<tc>, window_params = [{transform_indices = @transform_0, window_bounds = array<i64: 2, 1000, 16>}, {transform_indices = @transform_1, window_bounds = array<i64: 4, 2, 1000, 128>}, {transform_indices = @transform_2, window_bounds = array<i64: 1000, 3>}, {pipeline_mode = #tpu.pipeline_mode<synchronous>, transform_indices = @transform_3, window_bounds = array<i64: 16, 128>}, {pipeline_mode = #tpu.pipeline_mode<synchronous>, transform_indices = @transform_4, window_bounds = array<i64: 128, 128>}, {transform_indices = @transform_5, window_bounds = array<i64: 1000, 4, 128>}]} {
    %get3A = arith.constant 0 : index
    %get3A_0 = arith.constant 0 : index
    %get3A_1 = arith.constant 0 : index
    %get3A_2 = vector.load %arg1[%get3A, %get3A_0, %get3A_1] : memref<2x1000x16xf32, #tpu.memory_space<vmem>>, vector<1x1000x16xf32>
    %get3A_3 = vector.shape_cast %get3A_2 : vector<1x1000x16xf32> to vector<1000x16xf32>
    %get3A_4 = arith.constant 1 : index
    %get3A_5 = arith.constant 0 : index
    %get3A_6 = arith.constant 0 : index
    %get3A_7 = vector.load %arg1[%get3A_4, %get3A_5, %get3A_6] : memref<2x1000x16xf32, #tpu.memory_space<vmem>>, vector<1x1000x16xf32>
    %get3A_8 = vector.shape_cast %get3A_7 : vector<1x1000x16xf32> to vector<1000x16xf32>
    %add3A = arith.addf %get3A_3, %get3A_8 : vector<1000x16xf32>
    %add3A_9 = arith.constant 1.000000e-16 : f32
    %add3A_10 = vector.broadcast %add3A_9 : f32 to vector<1000x16xf32>
    %add3A_11 = arith.addf %add3A, %add3A_10 : vector<1000x16xf32>
    %div3A = arith.constant 1.000000e+00 : f32
    %div3A_12 = vector.broadcast %div3A : f32 to vector<1000x16xf32>
    %div3A_13 = arith.divf %div3A_12, %add3A_11 : vector<1000x16xf32>
    %get3A_14 = arith.constant 0 : index
    %get3A_15 = arith.constant 0 : index
    %get3A_16 = vector.load %arg4[%get3A_14, %get3A_15] : memref<16x128xf32, #tpu.memory_space<vmem>>, vector<16x128xf32>
    %dot_general3A = arith.constant dense<0.000000e+00> : vector<1000x128xf32>
    %dot_general3A_17 = tpu.matmul %div3A_13, %get3A_16, %dot_general3A {dimension_numbers = #tpu.dot_dimension_numbers<[1], [0], [0], [1], [0, 0, 1, 1], [], []>, transpose_lhs_hint = false} : vector<1000x16xf32>, vector<16x128xf32>, vector<1000x128xf32> -> vector<1000x128xf32>
    %get3A_18 = arith.constant 0 : index
    %get3A_19 = arith.constant 0 : index
    %get3A_20 = vector.load %arg3[%get3A_18, %get3A_19] : memref<1000x3xf32, #tpu.memory_space<vmem>>, vector<1000x3xf32>
    %div3A_21 = arith.constant 1.000000e+01 : f32
    %div3A_22 = vector.broadcast %div3A_21 : f32 to vector<1000x3xf32>
    %div3A_23 = arith.divf %get3A_20, %div3A_22 : vector<1000x3xf32>
    %get3A_24 = arith.constant 0 : index
    %get3A_25 = arith.constant 0 : index
    %get3A_26 = vector.load %arg5[%get3A_24, %get3A_25] : memref<128x128xf32, #tpu.memory_space<vmem>>, vector<128x128xf32>
    %get3A_27 = arith.constant 0 : index
    %get3A_28 = arith.constant 0 : index
    %get3A_29 = arith.constant 0 : index
    %get3A_30 = arith.constant 0 : index
    %get3A_31 = vector.load %arg2[%get3A_27, %get3A_28, %get3A_29, %get3A_30] : memref<4x2x1000x128xf32, #tpu.memory_space<vmem>>, vector<1x1x1000x128xf32>
    %get3A_32 = vector.shape_cast %get3A_31 : vector<1x1x1000x128xf32> to vector<1000x128xf32>
    %get3A_33 = arith.constant 0 : index
    %get3A_34 = arith.constant 1 : index
    %get3A_35 = arith.constant 0 : index
    %get3A_36 = arith.constant 0 : index
    %get3A_37 = vector.load %arg2[%get3A_33, %get3A_34, %get3A_35, %get3A_36] : memref<4x2x1000x128xf32, #tpu.memory_space<vmem>>, vector<1x1x1000x128xf32>
    %get3A_38 = vector.shape_cast %get3A_37 : vector<1x1x1000x128xf32> to vector<1000x128xf32>
    %add3A_39 = arith.addf %get3A_32, %get3A_38 : vector<1000x128xf32>
    %mul3A = arith.mulf %add3A_39, %dot_general3A_17 : vector<1000x128xf32>
    %dot_general3A_40 = arith.constant dense<0.000000e+00> : vector<1000x128xf32>
    %dot_general3A_41 = tpu.matmul %mul3A, %get3A_26, %dot_general3A_40 {dimension_numbers = #tpu.dot_dimension_numbers<[1], [0], [0], [1], [0, 0, 1, 1], [], []>, transpose_lhs_hint = false} : vector<1000x128xf32>, vector<128x128xf32>, vector<1000x128xf32> -> vector<1000x128xf32>
    %broadcast_in_dim3A = vector.shape_cast %dot_general3A_41 : vector<1000x128xf32> to vector<1000x1x128xf32>
    %get3A_42 = arith.constant 1 : index
    %get3A_43 = arith.constant 0 : index
    %get3A_44 = arith.constant 0 : index
    %get3A_45 = arith.constant 0 : index
    %get3A_46 = vector.load %arg2[%get3A_42, %get3A_43, %get3A_44, %get3A_45] : memref<4x2x1000x128xf32, #tpu.memory_space<vmem>>, vector<1x1x1000x128xf32>
    %get3A_47 = vector.shape_cast %get3A_46 : vector<1x1x1000x128xf32> to vector<1000x128xf32>
    %get3A_48 = arith.constant 1 : index
    %get3A_49 = arith.constant 1 : index
    %get3A_50 = arith.constant 0 : index
    %get3A_51 = arith.constant 0 : index
    %get3A_52 = vector.load %arg2[%get3A_48, %get3A_49, %get3A_50, %get3A_51] : memref<4x2x1000x128xf32, #tpu.memory_space<vmem>>, vector<1x1x1000x128xf32>
    %get3A_53 = vector.shape_cast %get3A_52 : vector<1x1x1000x128xf32> to vector<1000x128xf32>
    %add3A_54 = arith.addf %get3A_47, %get3A_53 : vector<1000x128xf32>
    %mul3A_55 = arith.mulf %add3A_54, %dot_general3A_17 : vector<1000x128xf32>
    %slice3A = vector.extract_strided_slice %div3A_23 {offsets = [0, 0], sizes = [1000, 1], strides = [1, 1]} : vector<1000x3xf32> to vector<1000x1xf32>
    %squeeze3A = vector.shape_cast %slice3A : vector<1000x1xf32> to vector<1000xf32>
    %broadcast_in_dim3A_56 = vector.shape_cast %squeeze3A : vector<1000xf32> to vector<1000x1xf32>
    %sub3A = vector.broadcast %broadcast_in_dim3A_56 : vector<1000x1xf32> to vector<1000x128xf32>
    %sub3A_57 = arith.subf %mul3A_55, %sub3A : vector<1000x128xf32>
    %dot_general3A_58 = arith.constant dense<0.000000e+00> : vector<1000x128xf32>
    %dot_general3A_59 = tpu.matmul %sub3A_57, %get3A_26, %dot_general3A_58 {dimension_numbers = #tpu.dot_dimension_numbers<[1], [0], [0], [1], [0, 0, 1, 1], [], []>, transpose_lhs_hint = false} : vector<1000x128xf32>, vector<128x128xf32>, vector<1000x128xf32> -> vector<1000x128xf32>
    %broadcast_in_dim3A_60 = vector.shape_cast %dot_general3A_59 : vector<1000x128xf32> to vector<1000x1x128xf32>
    %get3A_61 = arith.constant 2 : index
    %get3A_62 = arith.constant 0 : index
    %get3A_63 = arith.constant 0 : index
    %get3A_64 = arith.constant 0 : index
    %get3A_65 = vector.load %arg2[%get3A_61, %get3A_62, %get3A_63, %get3A_64] : memref<4x2x1000x128xf32, #tpu.memory_space<vmem>>, vector<1x1x1000x128xf32>
    %get3A_66 = vector.shape_cast %get3A_65 : vector<1x1x1000x128xf32> to vector<1000x128xf32>
    %get3A_67 = arith.constant 2 : index
    %get3A_68 = arith.constant 1 : index
    %get3A_69 = arith.constant 0 : index
    %get3A_70 = arith.constant 0 : index
    %get3A_71 = vector.load %arg2[%get3A_67, %get3A_68, %get3A_69, %get3A_70] : memref<4x2x1000x128xf32, #tpu.memory_space<vmem>>, vector<1x1x1000x128xf32>
    %get3A_72 = vector.shape_cast %get3A_71 : vector<1x1x1000x128xf32> to vector<1000x128xf32>
    %add3A_73 = arith.addf %get3A_66, %get3A_72 : vector<1000x128xf32>
    %mul3A_74 = arith.mulf %add3A_73, %dot_general3A_17 : vector<1000x128xf32>
    %slice3A_75 = vector.extract_strided_slice %div3A_23 {offsets = [0, 1], sizes = [1000, 1], strides = [1, 1]} : vector<1000x3xf32> to vector<1000x1xf32>
    %squeeze3A_76 = vector.shape_cast %slice3A_75 : vector<1000x1xf32> to vector<1000xf32>
    %broadcast_in_dim3A_77 = vector.shape_cast %squeeze3A_76 : vector<1000xf32> to vector<1000x1xf32>
    %sub3A_78 = vector.broadcast %broadcast_in_dim3A_77 : vector<1000x1xf32> to vector<1000x128xf32>
    %sub3A_79 = arith.subf %mul3A_74, %sub3A_78 : vector<1000x128xf32>
    %dot_general3A_80 = arith.constant dense<0.000000e+00> : vector<1000x128xf32>
    %dot_general3A_81 = tpu.matmul %sub3A_79, %get3A_26, %dot_general3A_80 {dimension_numbers = #tpu.dot_dimension_numbers<[1], [0], [0], [1], [0, 0, 1, 1], [], []>, transpose_lhs_hint = false} : vector<1000x128xf32>, vector<128x128xf32>, vector<1000x128xf32> -> vector<1000x128xf32>
    %broadcast_in_dim3A_82 = vector.shape_cast %dot_general3A_81 : vector<1000x128xf32> to vector<1000x1x128xf32>
    %get3A_83 = arith.constant 3 : index
    %get3A_84 = arith.constant 0 : index
    %get3A_85 = arith.constant 0 : index
    %get3A_86 = arith.constant 0 : index
    %get3A_87 = vector.load %arg2[%get3A_83, %get3A_84, %get3A_85, %get3A_86] : memref<4x2x1000x128xf32, #tpu.memory_space<vmem>>, vector<1x1x1000x128xf32>
    %get3A_88 = vector.shape_cast %get3A_87 : vector<1x1x1000x128xf32> to vector<1000x128xf32>
    %get3A_89 = arith.constant 3 : index
    %get3A_90 = arith.constant 1 : index
    %get3A_91 = arith.constant 0 : index
    %get3A_92 = arith.constant 0 : index
    %get3A_93 = vector.load %arg2[%get3A_89, %get3A_90, %get3A_91, %get3A_92] : memref<4x2x1000x128xf32, #tpu.memory_space<vmem>>, vector<1x1x1000x128xf32>
    %get3A_94 = vector.shape_cast %get3A_93 : vector<1x1x1000x128xf32> to vector<1000x128xf32>
    %add3A_95 = arith.addf %get3A_88, %get3A_94 : vector<1000x128xf32>
    %mul3A_96 = arith.mulf %add3A_95, %dot_general3A_17 : vector<1000x128xf32>
    %slice3A_97 = vector.extract_strided_slice %div3A_23 {offsets = [0, 2], sizes = [1000, 1], strides = [1, 1]} : vector<1000x3xf32> to vector<1000x1xf32>
    %squeeze3A_98 = vector.shape_cast %slice3A_97 : vector<1000x1xf32> to vector<1000xf32>
    %broadcast_in_dim3A_99 = vector.shape_cast %squeeze3A_98 : vector<1000xf32> to vector<1000x1xf32>
    %sub3A_100 = vector.broadcast %broadcast_in_dim3A_99 : vector<1000x1xf32> to vector<1000x128xf32>
    %sub3A_101 = arith.subf %mul3A_96, %sub3A_100 : vector<1000x128xf32>
    %dot_general3A_102 = arith.constant dense<0.000000e+00> : vector<1000x128xf32>
    %dot_general3A_103 = tpu.matmul %sub3A_101, %get3A_26, %dot_general3A_102 {dimension_numbers = #tpu.dot_dimension_numbers<[1], [0], [0], [1], [0, 0, 1, 1], [], []>, transpose_lhs_hint = false} : vector<1000x128xf32>, vector<128x128xf32>, vector<1000x128xf32> -> vector<1000x128xf32>
    %broadcast_in_dim3A_104 = vector.shape_cast %dot_general3A_103 : vector<1000x128xf32> to vector<1000x1x128xf32>
    %concatenate3A = tpu.concatenate %broadcast_in_dim3A, %broadcast_in_dim3A_60, %broadcast_in_dim3A_82, %broadcast_in_dim3A_104 in 1 : vector<1000x1x128xf32>, vector<1000x1x128xf32>, vector<1000x1x128xf32>, vector<1000x1x128xf32> -> vector<1000x4x128xf32>
    %swap3A = arith.constant 0 : index
    %swap3A_105 = arith.constant 0 : index
    %swap3A_106 = arith.constant 0 : index
    %swap3A_107 = vector.load %arg6[%swap3A, %swap3A_105, %swap3A_106] : memref<1000x4x128xf32, #tpu.memory_space<vmem>>, vector<1000x4x128xf32>
    tpu.vector_store %arg6[%swap3A, %swap3A_105, %swap3A_106], %concatenate3A {strides = array<i32>} : memref<1000x4x128xf32, #tpu.memory_space<vmem>>, vector<1000x4x128xf32>,
    return
  }
  func.func @transform_0(%arg0: i32) -> (i32, i32, i32) {
    %c0_i32 = arith.constant 0 : i32
    %c0_i32_0 = arith.constant 0 : i32
    %c0_i32_1 = arith.constant 0 : i32
    return %c0_i32, %arg0, %c0_i32_0 : i32, i32, i32
  }
  func.func @transform_1(%arg0: i32) -> (i32, i32, i32, i32) {
    %c0_i32 = arith.constant 0 : i32
    %c0_i32_0 = arith.constant 0 : i32
    %c0_i32_1 = arith.constant 0 : i32
    %c0_i32_2 = arith.constant 0 : i32
    return %c0_i32, %c0_i32_0, %arg0, %c0_i32_1 : i32, i32, i32, i32
  }
  func.func @transform_2(%arg0: i32) -> (i32, i32) {
    %c0_i32 = arith.constant 0 : i32
    %c0_i32_0 = arith.constant 0 : i32
    return %arg0, %c0_i32 : i32, i32
  }
  func.func @transform_3(%arg0: i32) -> (i32, i32) {
    %c0_i32 = arith.constant 0 : i32
    %c0_i32_0 = arith.constant 0 : i32
    %c0_i32_1 = arith.constant 0 : i32
    return %c0_i32, %c0_i32_0 : i32, i32
  }
  func.func @transform_4(%arg0: i32) -> (i32, i32) {
    %c0_i32 = arith.constant 0 : i32
    %c0_i32_0 = arith.constant 0 : i32
    %c0_i32_1 = arith.constant 0 : i32
    return %c0_i32, %c0_i32_0 : i32, i32
  }
  func.func @transform_5(%arg0: i32) -> (i32, i32, i32) {
    %c0_i32 = arith.constant 0 : i32
    %c0_i32_0 = arith.constant 0 : i32
    %c0_i32_1 = arith.constant 0 : i32
    return %arg0, %c0_i32, %c0_i32_0 : i32, i32, i32
  }
}

</mosaic_0001>

<sc_bundles>
// kernel: kernel.6.cloned.1.call-start
scs
__scs_entry_jumppad:
0x0: {  	(pc) =	sbr.rel $0x88, $3  }
0x1: {  	(tag) =	ssettag $0x0;
	lr =	simm.s32 $0x1  }
0x2: {  	[smem:$0x3F95] =	sst lr;
	_ =	strace $0xD0000000  }
0x3: {  	_ = 	snop  }
0x4: {  	_ = 	snop  }
0x5: {  	_ = 	snop  }
0x6: {  	_ = 	snop  }
0x7: {  	_ = 	snop  }
__scs_overlays_trampoline_lowered:
0x8: {  	[smem:$0x3FA4] =	sst s0  }
0x9: {  	[smem:$0x3FA5] =	sst s1  }
0xa: {  	[smem:$0x3FA6] =	sst s2  }
0xb: {  	[smem:$0x3FA7] =	sst s3  }
0xc: {  	[smem:$0x3FA8] =	sst s4  }
0xd: {  	[smem:$0x3FA9] =	sst s5  }
0xe: {  	[smem:$0x3FAA] =	sst s6  }
0xf: {  	[smem:$0x3FAB] =	sst s7  }
0x10: {  	[smem:$0x3FAC] =	sst s8  }
0x11: {  	[smem:$0x3FAD] =	sst s9;
	s0 =	simm.s32 @!p0 $0x0  }
0x12: {  	s1 =	sld [smem:$0x3F93];
	s0 =	simm.s32 @p0 $0x1  }
0x13: {  	[smem:$0x3FAE] =	sst s0;
	s0 =	simm.s32 @!p1 $0x0  }
0x14: {  	s2 =	sld [smem:$0x3F92];
	s0 =	simm.s32 @p1 $0x1  }
0x15: {  	[smem:$0x3FAF] =	sst s0;
	s0 =	simm.s32 @!p2 $0x0  }
0x16: {  	s3 =	sld [smem:$0x3FDB];
	s0 =	simm.s32 @p2 $0x1  }
0x17: {  	s4 =	simm.s32 $0x1BF5;
	[smem:$0x3FB1] =	sst s0  }
0x18: {  	s0 =	sld [smem:$0x3F94];
	_ =	swait.ge [sflag:s4], $0x0  }
0x19: {  	s7 =	sld [smem:$0x3F95]  }
0x1a: {  	s8 =	sadd.s32 $0xFFFFE003, lr  }
0x1b: {  	s9 =	sadd.s32 $0xFFFFFEF7, lr;
	s5 =	simm.s32 $0xFFFFFFFF;
	p2 =	slt.u32 s8, $0xFFFFF086  }
0x1c: {  	p1 =	slt.u32 s9, $0xF7A;
	s5 =	simm.s32 @!p2 $0x0  }
0x1d: {  	s5 =	simm.s32 @p1 $0x1;
	p0 =	seq.s32 s7, s2  }
0x1e: {  	s7 =	smul.u32 @!p0 $0xF7A, s2;
	p2 =	seq.s32 @!p0 s5, $0x0  }
0x1f: {  	s9 =	smul.u32 $0xF7A, s1;
	s8 =	simm.s32 @!p0 $0x1BF5;
	p2 =	por !p2, p0  }
0x20: {  	[sflag:s8] =	ssyncset.s32 @!p0 $0xFFFFF086;
	s6 =	sadd.s32 @!p0 s3, s7;
	s7 =	simm.s32 @!p0 $0x108  }
0x21: {  	s3 =	sadd.s32 s3, s9;
	s6 =	sadd.s32 @!p0 $0x88, s6;
	s7 =	simm.s32 @p2 $0x1082  }
0x22: {  	[simem:s7], [sflag:s8] =	dma.local @!p0 [hbm:s6], $0xF7A  }
0x23: {  	s9 =	sor.u32 $0xD0000000, s2;
	s6 =	simm.s32 $0x108;
	_ =	swait.ge @!p0 [sflag:s8], $0x0  }
0x24: {  	s3 =	sadd.s32 $0x88, s3;
	s6 =	simm.s32 @!p1 $0x1082;
	[sflag:s4] =	ssyncset.s32 $0xFFFFF086  }
0x25: {  	[simem:s6], [sflag:s4] =	dma.local [hbm:s3], $0xF7A  }
0x26: {  	[smem:$0x3F95] =	sst s1;
	(tag) =	ssettag s2;
	_ =	strace s9  }
0x27: {  	s1 =	sld [smem:$0x3FA5]  }
0x28: {  	s2 =	sld [smem:$0x3FA6]  }
0x29: {  	s4 =	sld [smem:$0x3FA8]  }
0x2a: {  	p0 =	seq.s32 s5, $0x0;
	s5 =	sld [smem:$0x3FA9]  }
0x2b: {  	s6 =	sld [smem:$0x3FAA]  }
0x2c: {  	s7 =	sld [smem:$0x3FAB]  }
0x2d: {  	s3 =	simm.s32 $0x108;
	s8 =	sld [smem:$0x3FAC]  }
0x2e: {  	s3 =	simm.s32 @!p0 $0x1082;
	s9 =	sld [smem:$0x3FAD]  }
0x2f: {  	lr =	sadd.s32 s0, s3;
	s0 =	sld [smem:$0x3FA4]  }
0x30: {  	s3 =	sld [smem:$0x3FA7]  }
0x31: {  	[smem:$0x3FB0] =	sst s10  }
0x32: {  	s10 =	sld [smem:$0x3FAE];
	_ =	sdelay $0x3  }
0x33: {  	p0 =	seq.s32 s10, $0x1;
	s10 =	sld [smem:$0x3FB0];
	_ =	sdelay $0x3  }
0x34: {  	[smem:$0x3FB0] =	sst s10  }
0x35: {  	s10 =	sld [smem:$0x3FAF];
	_ =	sdelay $0x3  }
0x36: {  	p1 =	seq.s32 s10, $0x1;
	s10 =	sld [smem:$0x3FB0];
	_ =	sdelay $0x3  }
0x37: {  	[smem:$0x3FB0] =	sst s10  }
0x38: {  	s10 =	sld [smem:$0x3FB1]  }
0x39: {  	_ = 	snop;
	(pc) =	sbr.ind lr, $3  }
0x3a: {  	_ = 	snop  }
0x3b: {  	_ = 	snop  }
0x3c: {  	p2 =	seq.s32 s10, $0x1;
	s10 =	sld [smem:$0x3FB0]  }
0x3d: {  	_ =	shalt  }
0x3e: {  	_ =	shalt  }
0x3f: {  	_ =	shalt  }
0x40: {  	_ =	shalt  }
0x41: {  	_ =	shalt  }
0x42: {  	_ =	shalt  }
0x43: {  	_ =	shalt  }
0x44: {  	_ =	shalt  }
0x45: {  	_ =	shalt  }
0x46: {  	_ =	shalt  }
0x47: {  	_ =	shalt  }
0x48: {  	_ =	shalt  }
0x49: {  	_ =	shalt  }
0x4a: {  	_ =	shalt  }
0x4b: {  	_ =	shalt  }
0x4c: {  	_ =	shalt  }
0x4d: {  	_ =	shalt  }
0x4e: {  	_ =	shalt  }
0x4f: {  	_ =	shalt  }
0x50: {  	_ =	shalt  }
0x51: {  	_ =	shalt  }
0x52: {  	_ =	shalt  }
0x53: {  	_ =	shalt  }
0x54: {  	_ =	shalt  }
0x55: {  	_ =	shalt  }
0x56: {  	_ =	shalt  }
0x57: {  	_ =	shalt  }
0x58: {  	_ =	shalt  }
0x59: {  	_ =	shalt  }
0x5a: {  	_ =	shalt  }
0x5b: {  	_ =	shalt  }
0x5c: {  	_ =	shalt  }
0x5d: {  	_ =	shalt  }
0x5e: {  	_ =	shalt  }
0x5f: {  	_ =	shalt  }
0x60: {  	_ =	shalt  }
0x61: {  	_ =	shalt  }
0x62: {  	_ =	shalt  }
0x63: {  	_ =	shalt  }
0x64: {  	_ =	shalt  }
0x65: {  	_ =	shalt  }
0x66: {  	_ =	shalt  }
0x67: {  	_ =	shalt  }
0x68: {  	_ =	shalt  }
0x69: {  	_ =	shalt  }
0x6a: {  	_ =	shalt  }
0x6b: {  	_ =	shalt  }
0x6c: {  	_ =	shalt  }
0x6d: {  	_ =	shalt  }
0x6e: {  	_ =	shalt  }
0x6f: {  	_ =	shalt  }
0x70: {  	_ =	shalt  }
0x71: {  	_ =	shalt  }
0x72: {  	_ =	shalt  }
0x73: {  	_ =	shalt  }
0x74: {  	_ =	shalt  }
0x75: {  	_ =	shalt  }
0x76: {  	_ =	shalt  }
0x77: {  	_ =	shalt  }
0x78: {  	_ =	shalt  }
0x79: {  	_ =	shalt  }
0x7a: {  	_ =	shalt  }
0x7b: {  	_ =	shalt  }
0x7c: {  	_ =	shalt  }
0x7d: {  	_ =	shalt  }
0x7e: {  	_ =	shalt  }
0x7f: {  	_ =	shalt  }
0x80: {  	_ =	shalt  }
0x81: {  	_ =	shalt  }
0x82: {  	_ =	shalt  }
0x83: {  	_ =	shalt  }
0x84: {  	_ =	shalt  }
0x85: {  	_ =	shalt  }
0x86: {  	_ =	shalt  }
0x87: {  	_ =	shalt  }
.Lfunc_end0:
.L_simem_size_0:
called_computation_lowered:
.L_overlay_start_0:
0x88: {  	s2 =	sld [smem:$0x3FD9]  }
0x89: {  	s3 =	sld [smem:$0x3FFE];
	_ =	sdelay $0x1  }
0x8a: {  	s1 =	srdreg.scid  }
0x8b: {  	s0 =	sand.u32 $0x1, s1  }
0x8c: {  	s17 =	sshll.u32 s0, $0xA;
	s2 =	sadd.s32 s3, s2  }
0x8d: {  	s2 =	sadd.s32 s2, s17  }
0x8e: {  	[smem:$0x3FBC] =	sst s2  }
0x8f: {  	_ = 	snop  }
0x90: {  	s2 =	sld [smem:$0x3FD0];
	(tm) =	ssettm $0x1  }
0x91: {  	s18 =	sld [smem:$0x3FFB];
	_ =	sdelay $0x3  }
0x92: {  	_ =	strace s18  }
0x93: {  	s3 =	sld [smem:$0x3FFC];
	_ =	sdelay $0x3  }
0x94: {  	_ =	strace s3  }
0x95: {  	s3 =	sld [smem:$0x3FFD];
	_ =	sdelay $0x3  }
0x96: {  	_ =	strace s3  }
0x97: {  	_ =	strace $0x8FFFFFFF  }
0x98: {  	s19 =	sld [smem:$0x3FDB];
	_ =	sdelay $0x1  }
0x99: {  	s4 =	simm.s32 $_scs_section_size  }
0x9a: {  	s5 =	simm.s32 $_size__tile_overlayer_lowered;
	s6 =	simm.s32 $_tile_overlayer_lowered  }
0x9b: {  	s22 =	simm.s32 $0x1BFF;
	s21 =	sshll.u32 s6, $0x1;
	s3 =	sadd.s32 s4, s19  }
0x9c: {  	s7 =	simm.s32 $0x0;
	s20 =	sshll.u32 s5, $0x1;
	s5 =	sadd.s32 s21, s3  }
0x9d: {  	[timem:s7], [sflag:s22] =	dma.local [hbm:s5], s20  }
0x9e: {  	_ =	swait.ge [sflag:s22], s20  }
0x9f: {  	s4 =	ssub.s32 $0x0, s20;
	[sflag:s22] =	ssyncset.done $0x0  }
0xa0: {  	[sflag:s22] =	ssyncadd.s32 s4;
	_ =	sdelay $0x1  }
0xa1: {  	s23 =	simm.s32 $0x1B8B  }
0xa2: {  	_ =	swait.ge [sflag:s23], $0x1  }
0xa3: {  	[sflag:s23] =	ssyncset.done $0x0  }
0xa4: {  	s25 =	simm.s32 $0x1B8E;
	s24 =	sld [smem:$0x3FFE];
	[sflag:s23] =	ssyncadd.s32 $0xFFFFFFFF  }
0xa5: {  	s26 =	simm.s32 $execute0_lowered;
	[smem:$0x3FD2] =	sst s25  }
0xa6: {  	s5 =	sshll.u32 s26, $0x1;
	_ =	strace $0x80000046;
	[dreg:$0x1] =	wrdreg $0xFFFFFFFF  }
0xa7: {  	s28 =	simm.s32 $_size_execute0_lowered;
	s3 =	sadd.s32 s3, s5;
	[dreg:$0x0] =	wrdreg $0x0  }
0xa8: {  	s5 =	sshll.u32 s28, $0x1;
	[dreg:$0x2] =	wrdreg s3  }
0xa9: {  	[dreg:$0x3] =	wrdreg s5  }
0xaa: {  	[dreg:$0x4] =	wrdreg $0xC0  }
0xab: {  	_ =	task [dreg:s7], $0x5FFFF  }
0xac: {  	[dreg:$0x1] =	wrdreg $0xFFFFFFFF  }
0xad: {  	[dreg:$0x0] =	wrdreg $0x60  }
0xae: {  	[dreg:$0x2] =	wrdreg s24  }
0xaf: {  	[dreg:$0x3] =	wrdreg s2  }
0xb0: {  	[dreg:$0x4] =	wrdreg $0x7D00  }
0xb1: {  	[dreg:$0x5] =	wrdreg $0x2FD00  }
0xb2: {  	[dreg:$0x6] =	wrdreg $0x9  }
0xb3: {  	_ =	task.clear_ibuf [dreg:s7], $0x7FFFF;
	_ =	strace $0x90000046  }
0xb4: {  	s29 =	simm.s32 $0x9;
	_ =	strace $0x80000048  }
0xb5: {  	_ =	swait.ge [sflag:s29], $0x1  }
0xb6: {  	[sflag:s29] =	ssyncadd.s32 $0xFFFFFFFF  }
0xb7: {  	_ =	strace $0x90000048  }
0xb8: {  	_ =	sfence  }
0xb9: {  	s30 =	sld [smem:$0x0];
	_ =	sdelay $0x2  }
0xba: {  	s31 =	sshll.u32 s1, $0xD;
	s1 =	sshrl.u32 s1, $0x2  }
0xbb: {  	s3 =	sand.u32 $0x4000, s31;
	s1 =	sadd.s32 s1, s30  }
0xbc: {  	s0 =	sor.u32 s3, s0;
	s1 =	sshll.u32 s1, $0x11  }
0xbd: {  	s0 =	sor.u32 s1, s0  }
0xbe: {  	s0 =	sadd.s32 $0x8F2B, s0  }
0xbf: {  	[sflag:s0] =	ssyncadd.remote.s32 $0x1  }
0xc0: {  	_ =	sfence.sel $0xFFFF  }
0xc1: {  	[dreg:$0x0] =	wrdreg $0xFFFFFFFF;
	(pc) =	sbr.abs _section_cstart, $3  }
0xc2: {  	[dreg:$0x1] =	wrdreg $0xFFFFFFFF  }
0xc3: {  	_ =	task.clear_ibuf [dreg:s7], $0x2FFFF;
	_ =	strace $0x9FFFFFFF  }
0xc4: {  	(tm) =	ssettm $0x7FFFFFFF  }
0xc5: {  	_ =	shalt  }
tec
execute0_lowered:
.L_overlay_start_1:
0x0: {  	(tag) =	ssettag $0x1  }
0x1: {  	s0 =	rddreg [dreg:$0x0]  }
0x2: {  	s23 =	rddreg [dreg:$0x1]  }
0x3: {  	s11 =	rddreg [dreg:$0x2]  }
0x4: {  	s3 =	rddreg [dreg:$0x3]  }
0x5: {  	s1 =	simm.s32 $0x0;
	s17 =	srdreg.scid;
	s28 =	simm.s32 $0x2  }
0x6: {  	s29 =	simm.s32 $0x3;
	s31 =	simm.s32 $0x1EA50;
	s5 =	sadd.s32 $0x20D400, s0  }
0x7: {  	[smem:$0x7FF] =	sst s1;
	s6 =	sadd.s32 $0x203600, s0;
	s12 =	sadd.s32 $0x29600, s0  }
0x8: {  	s13 =	sadd.s32 $0x77800, s0;
	_ =	strace $0x80000047;
	[dreg:$0x5] =	wrdreg s12  }
0x9: {  	s14 =	sadd.s32 $0xC5A00, s0;
	s15 =	sadd.s32 $0x113C00, s0;
	[dreg:$0x6] =	wrdreg s13  }
0xa: {  	s16 =	sadd.s32 $0x1FE600, s0;
	s1 =	sand.u32 $0x1, s17;
	[dreg:$0x7] =	wrdreg s14  }
0xb: {  	s9 =	sadd.s32 $0x219A00, s0;
	s20 =	sadd.s32 $0x217200, s0;
	[dreg:$0x8] =	wrdreg s15  }
0xc: {  	[dreg:$0x9] =	wrdreg s16;
	s12 =	stileid.u32;
	s13 =	sadd.s32 $0x1B0200, s0  }
0xd: {  	s14 =	sadd.s32 $0x1D7400, s0;
	s15 =	sadd.s32 $0x189000, s0;
	s4 =	smul.u32 $0x28000, s1  }
0xe: {  	s16 =	sadd.s32 $0x161E00, s0;
	[dreg:$0xa] =	wrdreg s9;
	s18 =	smul.u32 $0x140000, s1  }
0xf: {  	s8 =	ssub.s32 $0x2, s1;
	[dreg:$0xb] =	wrdreg s20;
	s2 =	smul.u32 $0x2800, s12  }
0x10: {  	s20 =	sadd.s32 $0x21A000, s0;
	s7 =	smul.u32 $0x14000, s12;
	s10 =	sshrl.u32 s8, $0x1  }
0x11: {  	s19 =	sshll.u32 s12, $0x1;
	s21 =	sshll.u32 s12, $0x6;
	s8 =	ssub.s32 s8, s10  }
0x12: {  	s1 =	sor.u32 s1, s19;
	s10 =	sor.u32 $0x1C04, s21;
	s4 =	sadd.s32 s2, s4  }
0x13: {  	s9 =	sadd.s32 s7, s18;
	s17 =	smul.u32 $0x2710, s1;
	s22 =	sadd.s32 s2, s11  }
0x14: {  	s25 =	smul.u32 $0x4E20, s1;
	s2 =	simm.s32 $0x1BFD0;
	[dreg:$0xd] =	wrdreg s10  }
0x15: {  	s4 =	sshrl.u32 s4, $0x3;
	s9 =	sshrl.u32 s9, $0x3;
	[dreg:$0xc] =	wrdreg s22  }
0x16: {  	s4 =	sadd.s32 s4, s0;
	s9 =	sadd.s32 s9, s0;
	s0 =	sadd.s32 s20, s25  }
0x17: {  	s26 =	sshrl.u32 s17, $0x3;
	s24 =	sadd.s32 $0x2B6400, s4;
	[dreg:$0x12] =	wrdreg s0  }
0x18: {  	s11 =	sadd.s32 $0x26E8, s17;
	s4 =	sadd.s32 s7, s3;
	[dreg:$0xe] =	wrdreg s24  }
0x19: {  	s30 =	smov.u32 s17;
	s7 =	sadd.s32 s5, s26;
	[dreg:$0xf] =	wrdreg s4  }
0x1a: {  	s1 =	sadd.s32 s6, s26;
	s12 =	sshrl.u32 s11, $0x3;
	[dreg:$0x10] =	wrdreg s7  }
0x1b: {  	s19 =	sshll.u32 s11, $0x1;
	s21 =	sadd.s32 $0x2C0400, s9;
	[dreg:$0x11] =	wrdreg s1  }
0x1c: {  	s22 =	sadd.s32 $0x310400, s9;
	s25 =	sadd.s32 $0x3B0400, s9;
	[dreg:$0x16] =	wrdreg s21  }
0x1d: {  	s26 =	smax.u32 s8, $0x1;
	s11 =	simm.s32 $0x0;
	[dreg:$0x17] =	wrdreg s22  }
0x1e: {  	s18 =	sadd.s32 s5, s12;
	s0 =	sadd.s32 s6, s12;
	[dreg:$0x19] =	wrdreg s25  }
0x1f: {  	s24 =	sadd.s32 $0x360400, s9;
	[dreg:$0x1a] =	wrdreg s26;
	s9 =	simm.s32 $0x4  }
0x20: {  	s26 =	simm.s32 $0x1;
	s22 =	simm.s32 $0x1EA78;
	s1 =	simm.s32 $0x1EAF0  }
0x21: {  	s4 =	simm.s32 $0x1EAA0;
	s25 =	simm.s32 $0x1ED70;
	[dreg:$0x13] =	wrdreg s18  }
0x22: {  	s7 =	simm.s32 $0x1D3D0;
	[dreg:$0x14] =	wrdreg s0;
	s0 =	sadd.s32 s20, s19  }
0x23: {  	[dreg:$0x18] =	wrdreg s24;
	s24 =	sadd.s32 $0x28, s17;
	s18 =	simm.s32 $0x1EAC8  }
0x24: {  	[dreg:$0x15] =	wrdreg s0;
	s0 =	sadd.s32 $0x50, s17;
	s17 =	simm.s32 $0x28  }
.LBB2_1:
0x25: {  	[dreg:$0x1b] =	wrdreg s11  }
0x26: {  	s8 =	rddreg [dreg:$0xc]  }
0x27: {  	s21 =	rddreg [dreg:$0xa];
	s19 =	sshrl.u32 s8, $0x3  }
0x28: {  	[dreg:$0x1d] =	wrdreg s19  }
0x29: {  	[spmem:s19], [sflag:s10] =	dma.local [hbm:s21], $0x500  }
0x2a: {  	_ =	swait.ge [sflag:s9], $0x500  }
0x2b: {  	[sflag:s9] =	ssyncset.done $0x0  }
0x2c: {  	[sflag:s9] =	ssyncadd.s32 $0xFFFFFB00  }
0x2d: {  	s8 =	simm.s32 $0x0;
	[bflag:$0x0] =	sbarrier.arrive $0xFFFF  }
.LBB2_2:
0x2e: {  	s10 =	smul.u32 $0x28, s8;
	_ =	sdelay $0x1  }
0x2f: {  	s10 =	sadd.s32 s30, s10  }
0x30: {  	s11 =	sshrl.u32 s10, $0x3  }
0x31: {  	s19 =	simm.s32 $0x0;
	s12 =	sadd.s32 s5, s11  }
0x32: {  	[tilespmem:s19], [sflag:$0x4] =	stream.linear.gather [hbm4b:s12+s19], $0x28, $0x38;
	[tilespmem:$0x1EFF0] =	vst v63  }
0x33: {  	_ =	swait.ge [sflag:s9], $0x28  }
0x34: {  	[sflag:s9] =	ssyncset.done $0x0  }
0x35: {  	s11 =	sadd.s32 s6, s11;
	[sflag:s9] =	ssyncadd.s32 $0xFFFFFFD8  }
0x36: {  	[tilespmem:s17], [sflag:$0x4] =	stream.linear.gather [hbm4b:s11+s19], $0x28, $0x38;
	[tilespmem:$0x1EFF0] =	vst v63  }
0x37: {  	_ =	swait.ge [sflag:s9], $0x28  }
0x38: {  	[sflag:s9] =	ssyncset.done $0x0  }
0x39: {  	s21 =	simm.s32 $0x16FD0;
	s12 =	rddreg [dreg:$0x5];
	[sflag:s9] =	ssyncadd.s32 $0xFFFFFFD8  }
0x3a: {  	[tilespmem:s21], [sflag:$0x1] =	stream.indirect.gather [hbm4b:s12+s17], $0x100, s17, s17, $0xb8;
	[tilespmem:$0x1EFF0] =	vst v63  }
0x3b: {  	s12 =	rddreg [dreg:$0x7];
	s21 =	simm.s32 $0x197D0  }
0x3c: {  	[tilespmem:s21], [sflag:$0x2] =	stream.indirect.gather [hbm4b:s12+s17], $0x100, s19, s17, $0xb8;
	[tilespmem:$0x1EFF0] =	vst v63  }
0x3d: {  	s10 =	sshll.u32 s10, $0x1;
	s12 =	rddreg [dreg:$0x9];
	s21 =	simm.s32 $0x50  }
0x3e: {  	[tilespmem:s21], [sflag:$0x3] =	stream.indirect.gather [hbm4b:s12+s17], $0x10, s19, s17, $0xb8;
	[tilespmem:$0x1EFF0] =	vst v63  }
0x3f: {  	s12 =	sadd.s32 s23, s10;
	s21 =	simm.s32 $0x2D0  }
0x40: {  	[tilespmem:s21], [sflag:$0x4] =	stream.linear.gather [hbm4b:s12+s19], $0x280, $0x38;
	[tilespmem:$0x1EFF0] =	vst v63  }
0x41: {  	_ =	swait.ge [sflag:s9], $0x280  }
0x42: {  	[sflag:s9] =	ssyncset.done $0x0  }
0x43: {  	[sflag:s9] =	ssyncadd.s32 $0xFFFFFD80  }
0x44: {  	_ =	swait.ge [sflag:s26], $0x2800  }
0x45: {  	[sflag:s26] =	ssyncset.done $0x0  }
0x46: {  	[sflag:s26] =	ssyncadd.s32 $0xFFFFD800  }
0x47: {  	_ =	swait.ge [sflag:s28], $0x2800  }
0x48: {  	[sflag:s28] =	ssyncset.done $0x0  }
0x49: {  	s21 =	simm.s32 $0x0;
	[sflag:s28] =	ssyncadd.s32 $0xFFFFD800  }
0x4a: {  	v5 =	vld [tilespmem:s21+$0x17090]  }
0x4b: {  	v7 =	vld [tilespmem:s21+$0x19890]  }
0x4c: {  	v11 =	vld [tilespmem:s21+$0x170A0]  }
0x4d: {  	v12 =	vld [tilespmem:s21+$0x198A0]  }
0x4e: {  	v17 =	vld [tilespmem:s21+$0x170B0]  }
0x4f: {  	v18 =	vld [tilespmem:s21+$0x198B0]  }
0x50: {  	v13 =	vld [tilespmem:s21+$0x17050]  }
0x51: {  	v14 =	vld [tilespmem:s21+$0x19850]  }
0x52: {  	v15 =	vld [tilespmem:s21+$0x17060]  }
0x53: {  	v16 =	vld [tilespmem:s21+$0x19860]  }
0x54: {  	v19 =	vld [tilespmem:s21+$0x17070]  }
0x55: {  	v20 =	vld [tilespmem:s21+$0x19870]  }
0x56: {  	v21 =	vld [tilespmem:s21+$0x16FD0]  }
0x57: {  	v22 =	vld [tilespmem:s21+$0x197D0]  }
0x58: {  	v23 =	vld [tilespmem:s21+$0x16FE0]  }
0x59: {  	v24 =	vld [tilespmem:s21+$0x197E0]  }
0x5a: {  	v25 =	vld [tilespmem:s21+$0x16FF0]  }
0x5b: {  	v26 =	vld [tilespmem:s21+$0x197F0]  }
0x5c: {  	v27 =	vld [tilespmem:s21+$0x17000]  }
0x5d: {  	v28 =	vld [tilespmem:s21+$0x19800]  }
0x5e: {  	v29 =	vld [tilespmem:s21+$0x17010]  }
0x5f: {  	v30 =	vld [tilespmem:s21+$0x19810]  }
0x60: {  	v31 =	vld [tilespmem:s21+$0x17020]  }
0x61: {  	v32 =	vld [tilespmem:s21+$0x19820]  }
0x62: {  	v33 =	vld [tilespmem:s21+$0x17030]  }
0x63: {  	v34 =	vld [tilespmem:s21+$0x19830]  }
0x64: {  	v35 =	vld [tilespmem:s21+$0x17040]  }
0x65: {  	v36 =	vld [tilespmem:s21+$0x19840]  }
0x66: {  	v37 =	vld [tilespmem:s21+$0x17080]  }
0x67: {  	v38 =	vld [tilespmem:s21+$0x19880]  }
0x68: {  	v39 =	vld [tilespmem:s21+$0x170C0]  }
0x69: {  	s11 =	simm.s32 $0x100;
	v40 =	vld [tilespmem:s21+$0x198C0]  }
0x6a: {  	v2 =	vld [tilespmem:s11+$0x17090]  }
0x6b: {  	v3 =	vld [tilespmem:s11+$0x19890]  }
0x6c: {  	v4 =	vld [tilespmem:s11+$0x170A0]  }
0x6d: {  	v6 =	vld [tilespmem:s11+$0x198A0]  }
0x6e: {  	v0 =	vld [tilespmem:s11+$0x170B0]  }
0x6f: {  	v1 =	vld [tilespmem:s11+$0x198B0]  }
0x70: {  	v8 =	vld [tilespmem:s11+$0x17050]  }
0x71: {  	v9 =	vld [tilespmem:s11+$0x19850]  }
0x72: {  	v10 =	vld [tilespmem:s11+$0x17060]  }
0x73: {  	v41 =	vmul.f32 v7, v5;
	v42 =	vmul.f32 v12, v11;
	v11 =	vld [tilespmem:s11+$0x19860]  }
0x74: {  	v43 =	vmul.f32 v14, v13;
	v44 =	vmul.f32 v16, v15;
	v5 =	vld [tilespmem:s11+$0x17070]  }
0x75: {  	v15 =	vmul.f32 v22, v21;
	v16 =	vmul.f32 v24, v23;
	v7 =	vld [tilespmem:s11+$0x19870]  }
0x76: {  	v21 =	vmul.f32 v26, v25;
	v22 =	vmul.f32 v28, v27;
	v12 =	vld [tilespmem:s11+$0x16FD0]  }
0x77: {  	v23 =	vmul.f32 v30, v29;
	v24 =	vmul.f32 v32, v31;
	v13 =	vld [tilespmem:s11+$0x197D0]  }
0x78: {  	v25 =	vmul.f32 v34, v33;
	v26 =	vmul.f32 v36, v35;
	v14 =	vld [tilespmem:s11+$0x16FE0]  }
0x79: {  	v19 =	vmul.f32 v20, v19;
	v23 =	vadd.f32 v23, v15;
	v24 =	vadd.f32 v24, v16;
	v15 =	vld [tilespmem:s11+$0x197E0]  }
0x7a: {  	v20 =	vadd.f32 v25, v21;
	v21 =	vadd.f32 v26, v22;
	v22 =	vmul.f32 v38, v37;
	v16 =	vld [tilespmem:s11+$0x16FF0]  }
0x7b: {  	v25 =	vmul.f32 v18, v17;
	v17 =	vld [tilespmem:s11+$0x197F0];
	v23 =	vadd.f32 v43, v23;
	v24 =	vadd.f32 v44, v24  }
0x7c: {  	v18 =	vld [tilespmem:s11+$0x17000];
	v20 =	vadd.f32 v19, v20;
	v21 =	vadd.f32 v22, v21;
	v22 =	vmul.f32 v40, v39  }
0x7d: {  	v19 =	vld [tilespmem:s11+$0x19800];
	v23 =	vadd.f32 v41, v23;
	v24 =	vadd.f32 v42, v24  }
0x7e: {  	v25 =	vadd.f32 v25, v20;
	v22 =	vadd.f32 v22, v21;
	v20 =	vld [tilespmem:s11+$0x17010]  }
0x7f: {  	v21 =	vld [tilespmem:s11+$0x19810]  }
0x80: {  	v23 =	vadd.f32 v24, v23;
	v25 =	vadd.f32 v22, v25;
	v22 =	vld [tilespmem:s11+$0x17020]  }
0x81: {  	v24 =	vld [tilespmem:s11+$0x19820]  }
0x82: {  	v26 =	vadd.f32 v25, v23;
	v23 =	vld [tilespmem:s11+$0x17030]  }
0x83: {  	s12 =	simm.s32 $0x1E7D0;
	v25 =	vld [tilespmem:s11+$0x19830]  }
0x84: {  	s19 =	simm.s32 $0x800;
	[tilespmem:s12+$0x0] =	vst v26;
	v26 =	vld [tilespmem:s11+$0x17040]  }
.LBB2_3:
0x85: {  	p0 =	sne.s32 s19, $0x9C00;
	v27 =	vld [tilespmem:s11+$0x19840];
	v28 =	vmul.f32 v3, v2;
	v29 =	vmul.f32 v6, v4  }
0x86: {  	v8 =	vmul.f32 v9, v8;
	v9 =	vmul.f32 v11, v10;
	v6 =	vld [tilespmem:s11+$0x17080]  }
0x87: {  	v4 =	vmul.f32 v13, v12;
	v10 =	vmul.f32 v15, v14;
	v11 =	vld [tilespmem:s11+$0x19880]  }
0x88: {  	v12 =	vmul.f32 v17, v16;
	v13 =	vmul.f32 v19, v18;
	v14 =	vld [tilespmem:s11+$0x170C0]  }
0x89: {  	v15 =	vmul.f32 v21, v20;
	v16 =	vmul.f32 v24, v22;
	v17 =	vld [tilespmem:s11+$0x198C0];
	s11 =	sshra.s32 s19, $0x2  }
0x8a: {  	v18 =	vmul.f32 v25, v23;
	v2 =	vld [tilespmem:s11+$0x17090];
	v19 =	vmul.f32 v27, v26  }
0x8b: {  	v5 =	vmul.f32 v7, v5;
	v15 =	vadd.f32 v15, v4;
	v10 =	vadd.f32 v16, v10;
	v3 =	vld [tilespmem:s11+$0x19890]  }
0x8c: {  	v7 =	vadd.f32 v18, v12;
	v4 =	vld [tilespmem:s11+$0x170A0];
	v12 =	vadd.f32 v19, v13;
	v11 =	vmul.f32 v11, v6  }
0x8d: {  	v8 =	vadd.f32 v8, v15;
	v9 =	vadd.f32 v9, v10;
	v10 =	vmul.f32 v1, v0;
	v6 =	vld [tilespmem:s11+$0x198A0]  }
0x8e: {  	v5 =	vadd.f32 v5, v7;
	v0 =	vld [tilespmem:s11+$0x170B0];
	v7 =	vadd.f32 v11, v12;
	v11 =	vmul.f32 v17, v14  }
0x8f: {  	v13 =	vadd.f32 v29, v9;
	v12 =	vadd.f32 v28, v8;
	v1 =	vld [tilespmem:s11+$0x198B0]  }
0x90: {  	v5 =	vadd.f32 v10, v5;
	v8 =	vld [tilespmem:s11+$0x17050];
	v7 =	vadd.f32 v11, v7  }
0x91: {  	v9 =	vld [tilespmem:s11+$0x19850]  }
0x92: {  	v12 =	vadd.f32 v13, v12;
	v10 =	vld [tilespmem:s11+$0x17060];
	v7 =	vadd.f32 v7, v5  }
0x93: {  	v11 =	vld [tilespmem:s11+$0x19860]  }
0x94: {  	v5 =	vld [tilespmem:s11+$0x17070];
	v13 =	vadd.f32 v7, v12  }
0x95: {  	s12 =	sadd.s32 $0x10, s12;
	v7 =	vld [tilespmem:s11+$0x19870]  }
0x96: {  	v12 =	vld [tilespmem:s11+$0x16FD0];
	[tilespmem:s12+$0x0] =	vst v13  }
0x97: {  	v13 =	vld [tilespmem:s11+$0x197D0]  }
0x98: {  	v14 =	vld [tilespmem:s11+$0x16FE0]  }
0x99: {  	v15 =	vld [tilespmem:s11+$0x197E0]  }
0x9a: {  	v16 =	vld [tilespmem:s11+$0x16FF0]  }
0x9b: {  	v17 =	vld [tilespmem:s11+$0x197F0]  }
0x9c: {  	v18 =	vld [tilespmem:s11+$0x17000]  }
0x9d: {  	v19 =	vld [tilespmem:s11+$0x19800]  }
0x9e: {  	v20 =	vld [tilespmem:s11+$0x17010]  }
0x9f: {  	v21 =	vld [tilespmem:s11+$0x19810]  }
.Ltmp0:
0xa0: {  	v22 =	vld [tilespmem:s11+$0x17020];
	(pc) =	sbr.rel @p0 .LBB2_3-.Ltmp0, $4  }
0xa1: {  	v24 =	vld [tilespmem:s11+$0x19820]  }
0xa2: {  	v23 =	vld [tilespmem:s11+$0x17030]  }
0xa3: {  	v25 =	vld [tilespmem:s11+$0x19830]  }
0xa4: {  	s19 =	sadd.s32 $0x400, s19;
	v26 =	vld [tilespmem:s11+$0x17040]  }
0xa5: {  	v27 =	vld [tilespmem:s11+$0x19840];
	v2 =	vmul.f32 v3, v2;
	v3 =	vmul.f32 v6, v4  }
0xa6: {  	v4 =	vmul.f32 v9, v8;
	v6 =	vmul.f32 v11, v10;
	v8 =	vld [tilespmem:s11+$0x17080]  }
0xa7: {  	v9 =	vmul.f32 v13, v12;
	v10 =	vmul.f32 v15, v14;
	v11 =	vld [tilespmem:s11+$0x19880]  }
0xa8: {  	v12 =	vmul.f32 v17, v16;
	v13 =	vmul.f32 v19, v18;
	v14 =	vld [tilespmem:s11+$0x170C0]  }
0xa9: {  	v15 =	vmul.f32 v21, v20;
	v17 =	vld [tilespmem:s11+$0x198C0];
	v16 =	vmul.f32 v24, v22  }
0xaa: {  	v18 =	vmul.f32 v25, v23;
	v19 =	vmul.f32 v27, v26  }
0xab: {  	v5 =	vmul.f32 v7, v5;
	v9 =	vadd.f32 v15, v9;
	v10 =	vadd.f32 v16, v10  }
0xac: {  	v7 =	vadd.f32 v18, v12;
	v8 =	vmul.f32 v11, v8;
	v12 =	vadd.f32 v19, v13  }
0xad: {  	v0 =	vmul.f32 v1, v0;
	v4 =	vadd.f32 v4, v9;
	v6 =	vadd.f32 v6, v10  }
0xae: {  	v1 =	vadd.f32 v5, v7;
	v7 =	vmul.f32 v17, v14;
	v5 =	vadd.f32 v8, v12  }
0xaf: {  	v2 =	vadd.f32 v2, v4;
	v3 =	vadd.f32 v3, v6  }
0xb0: {  	v0 =	vadd.f32 v0, v1;
	v1 =	vadd.f32 v7, v5;
	_ =	sdelay $0x1  }
0xb1: {  	v2 =	vadd.f32 v3, v2;
	v0 =	vadd.f32 v1, v0;
	_ =	sdelay $0x1  }
0xb2: {  	v0 =	vadd.f32 v0, v2  }
0xb3: {  	s19 =	sadd.s32 $0x10, s12  }
0xb4: {  	[tilespmem:s19+$0x0] =	vst v0  }
0xb5: {  	s21 =	simm.s32 $0x16FD0;
	s11 =	rddreg [dreg:$0x6]  }
0xb6: {  	[tilespmem:s21], [sflag:$0x1] =	stream.indirect.gather [hbm4b:s11+s17], $0x100, s17, s17, $0xb8;
	[tilespmem:$0x1EFF0] =	vst v63  }
0xb7: {  	s12 =	simm.s32 $0x0;
	s19 =	simm.s32 $0x197D0;
	s21 =	rddreg [dreg:$0x8]  }
0xb8: {  	[tilespmem:s19], [sflag:$0x2] =	stream.indirect.gather [hbm4b:s21+s17], $0x100, s12, s17, $0xb8;
	[tilespmem:$0x1EFF0] =	vst v63  }
0xb9: {  	_ =	swait.ge [sflag:s29], $0x280  }
0xba: {  	[sflag:s29] =	ssyncset.done $0x0  }
0xbb: {  	[sflag:s29] =	ssyncadd.s32 $0xFFFFFD80  }
0xbc: {  	_ =	swait.ge [sflag:s26], $0x2800  }
0xbd: {  	[sflag:s26] =	ssyncset.done $0x0  }
0xbe: {  	[sflag:s26] =	ssyncadd.s32 $0xFFFFD800  }
0xbf: {  	_ =	swait.ge [sflag:s28], $0x2800  }
0xc0: {  	[sflag:s28] =	ssyncset.done $0x0  }
0xc1: {  	s12 =	simm.s32 $0x17050;
	[sflag:s28] =	ssyncadd.s32 $0xFFFFD800  }
0xc2: {  	s11 =	simm.s32 $0x19850;
	v3 =	vld [tilespmem:s12+$0x40]  }
0xc3: {  	v6 =	vld [tilespmem:s11+$0x40]  }
0xc4: {  	v5 =	vld [tilespmem:s12+$0x50]  }
0xc5: {  	v7 =	vld [tilespmem:s11+$0x50]  }
0xc6: {  	v0 =	vld [tilespmem:s12+$0x60]  }
0xc7: {  	v1 =	vld [tilespmem:s11+$0x60]  }
0xc8: {  	v8 =	vld [tilespmem:s12+$0x0]  }
0xc9: {  	v10 =	vld [tilespmem:s11+$0x0]  }
0xca: {  	v9 =	vld [tilespmem:s12+$0x10]  }
0xcb: {  	v11 =	vld [tilespmem:s11+$0x10]  }
0xcc: {  	v2 =	vld [tilespmem:s12+$0x20]  }
0xcd: {  	v4 =	vld [tilespmem:s11+$0x20]  }
0xce: {  	v14 =	vld [tilespmem:s12+$0xFFFFFF80]  }
0xcf: {  	v18 =	vld [tilespmem:s11+$0xFFFFFF80]  }
0xd0: {  	v15 =	vld [tilespmem:s12+$0xFFFFFF90]  }
0xd1: {  	v19 =	vld [tilespmem:s11+$0xFFFFFF90]  }
0xd2: {  	v21 =	vld [tilespmem:s12+$0xFFFFFFC0]  }
0xd3: {  	v22 =	vld [tilespmem:s11+$0xFFFFFFC0]  }
0xd4: {  	v13 =	vld [tilespmem:s12+$0xFFFFFFD0]  }
0xd5: {  	v16 =	vld [tilespmem:s11+$0xFFFFFFD0]  }
0xd6: {  	v17 =	vld [tilespmem:s12+$0xFFFFFFE0]  }
0xd7: {  	v20 =	vld [tilespmem:s11+$0xFFFFFFE0]  }
0xd8: {  	v12 =	vld [tilespmem:s12+$0xFFFFFFF0]  }
0xd9: {  	v23 =	vld [tilespmem:s12+$0xFFFFFFA0]  }
0xda: {  	v24 =	vld [tilespmem:s11+$0xFFFFFFA0]  }
0xdb: {  	v25 =	vld [tilespmem:s12+$0xFFFFFFB0]  }
0xdc: {  	s19 =	simm.s32 $0x0;
	v26 =	vld [tilespmem:s11+$0xFFFFFFB0]  }
0xdd: {  	s21 =	simm.s32 $0x40;
	v27 =	vld [tilespmem:s19+$0x1E7D0]  }
.LBB2_5:
0xde: {  	p0 =	sne.s32 s21, $0x9C0;
	v28 =	vld [tilespmem:s19+$0x2D0]  }
0xdf: {  	v30 =	vmul.f32 v6, v3;
	v29 =	vld [tilespmem:s11+$0xFFFFFFF0]  }
0xe0: {  	v8 =	vmul.f32 v10, v8;
	v10 =	vmul.f32 v7, v5;
	v6 =	vld [tilespmem:s19+$0x50]  }
0xe1: {  	v5 =	vmul.f32 v18, v14;
	v9 =	vmul.f32 v11, v9;
	v7 =	vld [tilespmem:s12+$0x30]  }
0xe2: {  	v11 =	vmul.f32 v19, v15;
	v14 =	vmul.f32 v22, v21;
	v15 =	vld [tilespmem:s11+$0x30]  }
0xe3: {  	v19 =	vmul.f32 v24, v23;
	v21 =	vmul.f32 v26, v25;
	v18 =	vadd.f32 v28, v27;
	v22 =	vld [tilespmem:s12+$0x70]  }
0xe4: {  	v13 =	vmul.f32 v16, v13;
	v16 =	vmul.f32 v20, v17;
	s12 =	sadd.s32 $0x100, s12;
	v17 =	vld [tilespmem:s11+$0x70]  }
0xe5: {  	v19 =	vadd.f32 v21, v19;
	v12 =	vmul.f32 v29, v12;
	s11 =	sadd.s32 $0x100, s11;
	v3 =	vld [tilespmem:s12+$0x40];
	v18 =	vsub.f32 v18, v6  }
0xe6: {  	v2 =	vmul.f32 v4, v2;
	v13 =	vadd.f32 v13, v5;
	v11 =	vadd.f32 v16, v11;
	v6 =	vld [tilespmem:s11+$0x40]  }
0xe7: {  	v12 =	vadd.f32 v12, v19;
	v5 =	vld [tilespmem:s12+$0x50];
	v4 =	vadd.f32 v14, v18;
	v14 =	vmul.f32 v15, v7  }
0xe8: {  	v9 =	vadd.f32 v9, v13;
	v2 =	vadd.f32 v2, v11;
	v11 =	vmul.f32 v1, v0;
	v7 =	vld [tilespmem:s11+$0x50]  }
0xe9: {  	v0 =	vld [tilespmem:s12+$0x60];
	v4 =	vadd.f32 v8, v4;
	v12 =	vadd.f32 v14, v12;
	v13 =	vmul.f32 v17, v22  }
0xea: {  	v2 =	vadd.f32 v11, v2;
	v14 =	vadd.f32 v10, v9;
	v1 =	vld [tilespmem:s11+$0x60]  }
0xeb: {  	v8 =	vld [tilespmem:s12+$0x0];
	v4 =	vadd.f32 v30, v4;
	v11 =	vadd.f32 v13, v12  }
0xec: {  	v10 =	vld [tilespmem:s11+$0x0]  }
0xed: {  	v9 =	vld [tilespmem:s12+$0x10];
	v4 =	vadd.f32 v14, v4;
	v12 =	vadd.f32 v11, v2  }
0xee: {  	v11 =	vld [tilespmem:s11+$0x10]  }
0xef: {  	v2 =	vld [tilespmem:s12+$0x20];
	v12 =	vadd.f32 v12, v4  }
0xf0: {  	v4 =	vld [tilespmem:s11+$0x20]  }
0xf1: {  	v14 =	vld [tilespmem:s12+$0xFFFFFF80];
	v12 =	vmul.f32 $1.442695020e+00, v12  }
0xf2: {  	v18 =	vld [tilespmem:s11+$0xFFFFFF80]  }
0xf3: {  	v15 =	vld [tilespmem:s12+$0xFFFFFF90];
	(erf) = vpow2.f32 v12  }
0xf4: {  	v19 =	vld [tilespmem:s11+$0xFFFFFF90]  }
0xf5: {  	v21 =	vld [tilespmem:s12+$0xFFFFFFC0]  }
0xf6: {  	v22 =	vld [tilespmem:s11+$0xFFFFFFC0]  }
0xf7: {  	v13 =	vld [tilespmem:s12+$0xFFFFFFD0]  }
0xf8: {  	v16 =	vld [tilespmem:s11+$0xFFFFFFD0]  }
0xf9: {  	v17 =	vld [tilespmem:s12+$0xFFFFFFE0]  }
0xfa: {  	v20 =	vld [tilespmem:s11+$0xFFFFFFE0]  }
0xfb: {  	v12 =	vld [tilespmem:s12+$0xFFFFFFF0]  }
.Ltmp1:
0xfc: {  	v23 =	vld [tilespmem:s12+$0xFFFFFFA0];
	v25 =	vpop (erf);
	(pc) =	sbr.rel @p0 .LBB2_5-.Ltmp1, $4  }
0xfd: {  	v24 =	vld [tilespmem:s11+$0xFFFFFFA0];
	[tilespmem:s19+$0x550] =	vst v25  }
0xfe: {  	v25 =	vld [tilespmem:s12+$0xFFFFFFB0]  }
0xff: {  	s19 =	sshra.s32 s21, $0x2;
	v26 =	vld [tilespmem:s11+$0xFFFFFFB0]  }
0x100: {  	s21 =	sadd.s32 $0x40, s21;
	v27 =	vld [tilespmem:s19+$0x1E7D0]  }
0x101: {  	v28 =	vld [tilespmem:s19+$0x2D0]  }
0x102: {  	v29 =	vld [tilespmem:s11+$0xFFFFFFF0];
	v3 =	vmul.f32 v6, v3  }
0x103: {  	v45 =	vld [tilespmem:s19+$0x50];
	v8 =	vmul.f32 v10, v8;
	v5 =	vmul.f32 v7, v5  }
0x104: {  	v46 =	vmul.f32 v18, v14;
	v9 =	vmul.f32 v11, v9;
	v47 =	vld [tilespmem:s12+$0x30]  }
0x105: {  	v48 =	vmul.f32 v19, v15;
	v49 =	vmul.f32 v22, v21;
	v50 =	vld [tilespmem:s11+$0x30]  }
0x106: {  	v54 =	vld [tilespmem:s12+$0x70];
	v52 =	vmul.f32 v24, v23;
	v53 =	vmul.f32 v26, v25;
	v51 =	vadd.f32 v28, v27  }
0x107: {  	v13 =	vmul.f32 v16, v13;
	v55 =	vmul.f32 v20, v17;
	v56 =	vld [tilespmem:s11+$0x70]  }
0x108: {  	v57 =	vadd.f32 v53, v52;
	v12 =	vmul.f32 v29, v12;
	v6 =	vsub.f32 v51, v45  }
0x109: {  	v2 =	vmul.f32 v4, v2;
	v7 =	vadd.f32 v13, v46;
	v11 =	vadd.f32 v55, v48  }
0x10a: {  	v10 =	vmul.f32 v50, v47;
	v59 =	vadd.f32 v12, v57;
	v58 =	vadd.f32 v49, v6  }
0x10b: {  	v0 =	vmul.f32 v1, v0;
	v7 =	vadd.f32 v9, v7;
	v2 =	vadd.f32 v2, v11  }
0x10c: {  	v62 =	vmul.f32 v56, v54;
	v61 =	vadd.f32 v10, v59;
	v60 =	vadd.f32 v8, v58  }
0x10d: {  	v5 =	vadd.f32 v5, v7;
	v0 =	vadd.f32 v0, v2  }
0x10e: {  	v63 =	vadd.f32 v62, v61;
	v1 =	vadd.f32 v3, v60;
	_ =	sdelay $0x1  }
0x10f: {  	v0 =	vadd.f32 v63, v0;
	v1 =	vadd.f32 v5, v1;
	_ =	sdelay $0x1  }
0x110: {  	v0 =	vadd.f32 v0, v1;
	_ =	sdelay $0x1  }
0x111: {  	v0 =	vmul.f32 $1.442695020e+00, v0;
	_ =	sdelay $0x1  }
0x112: {  	(erf) = vpow2.f32 v0;
	_ =	sdelay $0x8  }
0x113: {  	v0 =	vpop (erf)  }
0x114: {  	s10 =	sadd.s32 s20, s10;
	s12 =	simm.s32 $0x0;
	[tilespmem:s19+$0x550] =	vst v0;
	s19 =	simm.s32 $0x550  }
0x115: {  	[hbm4b:s10+s12] =	stream.linear.scatter [tilespmem:s19], [sflag:$0x4], $0x280, $0x38;
	[tilespmem:$0x1EFF0] =	vst v63  }
0x116: {  	_ =	swait.ge [sflag:s9], $0x280  }
0x117: {  	s8 =	sadd.s32 $0x1, s8;
	[sflag:s9] =	ssyncset.done $0x0  }
0x118: {  	p0 =	sne.s32 s8, $0xFA;
	[sflag:s9] =	ssyncadd.s32 $0xFFFFFD80  }
.Ltmp2:
0x119: {  	s21 =	rddreg [dreg:$0x2];
	(pc) =	sbr.rel @p0 .LBB2_2-.Ltmp2, $4  }
0x11a: {  	[spmem:s21] =	stream.indirect.scatter.add.f32 [tilespmem:s19], [sflag:$0x4], $0x10, s17, s17, $0xb8;
	[tilespmem:$0x1EFF0] =	vst v63  }
0x11b: {  	_ =	swait.ge [sflag:s9], $0x280  }
0x11c: {  	[sflag:s9] =	ssyncset.done $0x0  }
0x11d: {  	[sflag:s9] =	ssyncadd.s32 $0xFFFFFD80  }
0x11e: {  	[bflag:$0x0] =	sbarrier.arrive $0xFFFF  }
0x11f: {  	s10 =	rddreg [dreg:$0xd]  }
0x120: {  	s8 =	rddreg [dreg:$0xe]  }
0x121: {  	s11 =	rddreg [dreg:$0x1d]  }
0x122: {  	[hbm:s8], [sflag:s10] =	dma.local [spmem:s11], $0x500  }
0x123: {  	_ =	swait.ge [sflag:s9], $0x500  }
0x124: {  	[sflag:s9] =	ssyncset.done $0x0  }
0x125: {  	[sflag:s9] =	ssyncadd.s32 $0xFFFFFB00  }
0x126: {  	[bflag:$0x0] =	sbarrier.arrive $0xFFFF  }
0x127: {  	s23 =	rddreg [dreg:$0xf]  }
0x128: {  	s12 =	rddreg [dreg:$0xb];
	s8 =	sshrl.u32 s23, $0x3  }
0x129: {  	[dreg:$0x1c] =	wrdreg s8  }
0x12a: {  	[spmem:s8], [sflag:s10] =	dma.local [hbm:s12], $0x2800  }
0x12b: {  	_ =	swait.ge [sflag:s9], $0x2800  }
0x12c: {  	[sflag:s9] =	ssyncset.done $0x0  }
0x12d: {  	[sflag:s9] =	ssyncadd.s32 $0xFFFFD800  }
0x12e: {  	[bflag:$0x0] =	sbarrier.arrive $0xFFFF  }
0x12f: {  	s8 =	simm.s32 $0x0;
	s19 =	rddreg [dreg:$0x10]  }
0x130: {  	[tilespmem:s31], [sflag:$0x4] =	stream.linear.gather [hbm4b:s19+s8], $0x28, $0x38;
	[tilespmem:$0x1EFF0] =	vst v63  }
0x131: {  	_ =	swait.ge [sflag:s9], $0x28  }
0x132: {  	[sflag:s9] =	ssyncset.done $0x0  }
0x133: {  	s21 =	rddreg [dreg:$0x11];
	[sflag:s9] =	ssyncadd.s32 $0xFFFFFFD8  }
0x134: {  	[tilespmem:s22], [sflag:$0x4] =	stream.linear.gather [hbm4b:s21+s8], $0x28, $0x38;
	[tilespmem:$0x1EFF0] =	vst v63  }
0x135: {  	_ =	swait.ge [sflag:s9], $0x28  }
0x136: {  	[sflag:s9] =	ssyncset.done $0x0  }
0x137: {  	s23 =	rddreg [dreg:$0x12];
	[sflag:s9] =	ssyncadd.s32 $0xFFFFFFD8  }
0x138: {  	[tilespmem:s1], [sflag:$0x4] =	stream.linear.gather [hbm4b:s23+s8], $0x280, $0x38;
	[tilespmem:$0x1EFF0] =	vst v63  }
0x139: {  	_ =	swait.ge [sflag:s9], $0x280  }
0x13a: {  	[sflag:s9] =	ssyncset.done $0x0  }
0x13b: {  	s10 =	simm.s32 $0x0;
	[sflag:s9] =	ssyncadd.s32 $0xFFFFFD80  }
0x13c: {  	[tilespmem:s2], [sflag:$0x1] =	stream.indirect.gather [hbm4b:s13+s17], $0x80, s31, s17, $0xb8;
	[tilespmem:$0x1EFF0] =	vst v63  }
.LBB2_8:
0x13d: {  	s11 =	smul.u32 $0x50, s10;
	_ =	sdelay $0x1  }
0x13e: {  	s12 =	sadd.s32 s11, s24  }
0x13f: {  	s19 =	sshrl.u32 s12, $0x3  }
0x140: {  	s21 =	sadd.s32 s5, s19  }
0x141: {  	[tilespmem:s4], [sflag:$0x4] =	stream.linear.gather [hbm4b:s21+s8], $0x28, $0x38;
	[tilespmem:$0x1EFF0] =	vst v63  }
0x142: {  	_ =	swait.ge [sflag:s9], $0x28  }
0x143: {  	[sflag:s9] =	ssyncset.done $0x0  }
0x144: {  	s19 =	sadd.s32 s6, s19;
	[sflag:s9] =	ssyncadd.s32 $0xFFFFFFD8  }
0x145: {  	[tilespmem:s18], [sflag:$0x4] =	stream.linear.gather [hbm4b:s19+s8], $0x28, $0x38;
	[tilespmem:$0x1EFF0] =	vst v63  }
0x146: {  	s12 =	sshll.u32 s12, $0x1;
	_ =	swait.ge [sflag:s9], $0x28  }
0x147: {  	s12 =	sand.u32 $0x1FFFFFF0, s12;
	[sflag:s9] =	ssyncset.done $0x0  }
0x148: {  	s12 =	sadd.s32 s20, s12;
	[sflag:s9] =	ssyncadd.s32 $0xFFFFFFD8  }
0x149: {  	[tilespmem:s25], [sflag:$0x4] =	stream.linear.gather [hbm4b:s12+s8], $0x280, $0x38;
	[tilespmem:$0x1EFF0] =	vst v63  }
0x14a: {  	_ =	swait.ge [sflag:s9], $0x280  }
0x14b: {  	[sflag:s9] =	ssyncset.done $0x0  }
0x14c: {  	[sflag:s9] =	ssyncadd.s32 $0xFFFFFD80  }
0x14d: {  	[tilespmem:s7], [sflag:$0x2] =	stream.indirect.gather [hbm4b:s13+s17], $0x80, s4, s17, $0xb8;
	[tilespmem:$0x1EFF0] =	vst v63  }
0x14e: {  	_ =	swait.ge [sflag:s26], $0x1400  }
0x14f: {  	[sflag:s26] =	ssyncset.done $0x0  }
0x150: {  	s19 =	simm.s32 $0x1C010;
	[sflag:s26] =	ssyncadd.s32 $0xFFFFEC00  }
0x151: {  	s23 =	simm.s32 $0x0;
	v2 =	vld [tilespmem:s19+$0x30]  }
0x152: {  	v0 =	vld [tilespmem:s23+$0x1EAF0]  }
0x153: {  	v3 =	vld [tilespmem:s19+$0xFFFFFFC0]  }
0x154: {  	v6 =	vld [tilespmem:s19+$0xFFFFFFD0]  }
0x155: {  	v7 =	vld [tilespmem:s19+$0xFFFFFFE0]  }
0x156: {  	v5 =	vld [tilespmem:s19+$0xFFFFFFF0]  }
0x157: {  	v1 =	vld [tilespmem:s19+$0x0];
	v8 =	vmul.f32 v2, v0  }
0x158: {  	v4 =	vld [tilespmem:s19+$0x10];
	v9 =	vmul.f32 v3, v0  }
0x159: {  	s12 =	simm.s32 $0x1C090;
	v2 =	vld [tilespmem:s19+$0x20];
	v6 =	vmul.f32 v6, v0;
	[tilespmem:s19+$0x30] =	vst v8  }
0x15a: {  	s21 =	simm.s32 $0x80;
	s23 =	simm.s32 $0x10;
	v3 =	vld [tilespmem:s12+$0x30];
	v7 =	vmul.f32 v7, v0;
	[tilespmem:s19+$0xFFFFFFC0] =	vst v9  }
.LBB2_9:
0x15b: {  	p0 =	sne.s32 s21, $0x9C0;
	v8 =	vld [tilespmem:s23+$0x1EAF0];
	[tilespmem:s19+$0xFFFFFFD0] =	vst v6;
	v5 =	vmul.f32 v5, v0  }
0x15c: {  	v6 =	vld [tilespmem:s12+$0xFFFFFFC0];
	[tilespmem:s19+$0xFFFFFFE0] =	vst v7;
	v1 =	vmul.f32 v1, v0  }
0x15d: {  	v7 =	vld [tilespmem:s12+$0xFFFFFFD0];
	[tilespmem:s19+$0xFFFFFFF0] =	vst v5;
	v4 =	vmul.f32 v4, v0  }
0x15e: {  	v9 =	vld [tilespmem:s12+$0xFFFFFFE0];
	[tilespmem:s19+$0x0] =	vst v1;
	v2 =	vmul.f32 v2, v0  }
.Ltmp3:
0x15f: {  	v5 =	vld [tilespmem:s12+$0xFFFFFFF0];
	[tilespmem:s19+$0x10] =	vst v4;
	(pc) =	sbr.rel @p0 .LBB2_9-.Ltmp3, $4  }
0x160: {  	v1 =	vld [tilespmem:s12+$0x0];
	v3 =	vmul.f32 v3, v8;
	[tilespmem:s19+$0x20] =	vst v2;
	v0 =	vmov v8;
	s19 =	smov.u32 s12  }
0x161: {  	v8 =	vmul.f32 v6, v0;
	v4 =	vld [tilespmem:s12+$0x10]  }
0x162: {  	s12 =	sadd.s32 $0x80, s12;
	v6 =	vmul.f32 v7, v0;
	v2 =	vld [tilespmem:s19+$0x20];
	[tilespmem:s19+$0x30] =	vst v3  }
0x163: {  	s23 =	sshra.s32 s21, $0x2;
	s21 =	sadd.s32 $0x40, s21;
	v3 =	vld [tilespmem:s12+$0x30];
	[tilespmem:s19+$0xFFFFFFC0] =	vst v8;
	v7 =	vmul.f32 v9, v0  }
0x164: {  	v8 =	vld [tilespmem:s23+$0x1EAF0]  }
0x165: {  	v9 =	vld [tilespmem:s12+$0xFFFFFFC0];
	[tilespmem:s19+$0xFFFFFFD0] =	vst v6;
	v5 =	vmul.f32 v5, v0  }
0x166: {  	v6 =	vld [tilespmem:s12+$0xFFFFFFD0];
	[tilespmem:s19+$0xFFFFFFE0] =	vst v7;
	v1 =	vmul.f32 v1, v0  }
0x167: {  	v7 =	vld [tilespmem:s12+$0xFFFFFFE0];
	[tilespmem:s19+$0xFFFFFFF0] =	vst v5;
	v4 =	vmul.f32 v4, v0  }
0x168: {  	v5 =	vld [tilespmem:s12+$0xFFFFFFF0];
	[tilespmem:s19+$0x0] =	vst v1;
	v0 =	vmul.f32 v2, v0  }
0x169: {  	v1 =	vld [tilespmem:s12+$0x0];
	[tilespmem:s19+$0x10] =	vst v4;
	v2 =	vmul.f32 v3, v8  }
0x16a: {  	v3 =	vld [tilespmem:s12+$0x10];
	[tilespmem:s19+$0x20] =	vst v0;
	v0 =	vmul.f32 v9, v8  }
0x16b: {  	v4 =	vld [tilespmem:s12+$0x20];
	v6 =	vmul.f32 v6, v8;
	[tilespmem:s12+$0x30] =	vst v2  }
0x16c: {  	[tilespmem:s12+$0xFFFFFFC0] =	vst v0;
	v0 =	vmul.f32 v7, v8  }
0x16d: {  	[tilespmem:s12+$0xFFFFFFD0] =	vst v6;
	v2 =	vmul.f32 v5, v8  }
0x16e: {  	[tilespmem:s12+$0xFFFFFFE0] =	vst v0;
	v0 =	vmul.f32 v1, v8  }
0x16f: {  	[tilespmem:s12+$0xFFFFFFF0] =	vst v2;
	v1 =	vmul.f32 v3, v8  }
0x170: {  	[tilespmem:s12+$0x0] =	vst v0;
	v0 =	vmul.f32 v4, v8  }
0x171: {  	[tilespmem:s12+$0x10] =	vst v1  }
0x172: {  	[tilespmem:s12+$0x20] =	vst v0  }
0x173: {  	[spmem:s3] =	stream.indirect.scatter.add.f32 [tilespmem:s2], [sflag:$0x4], $0x80, s22, s17, $0xb8;
	[tilespmem:$0x1EFF0] =	vst v63  }
0x174: {  	s11 =	sadd.s32 s11, s0;
	_ =	swait.ge [sflag:s9], $0x1400  }
0x175: {  	s12 =	sshrl.u32 s11, $0x3;
	[sflag:s9] =	ssyncset.done $0x0  }
0x176: {  	s21 =	simm.s32 $0x0;
	s23 =	sadd.s32 s5, s12;
	[sflag:s9] =	ssyncadd.s32 $0xFFFFEC00  }
0x177: {  	[tilespmem:s31], [sflag:$0x4] =	stream.linear.gather [hbm4b:s23+s21], $0x28, $0x38;
	[tilespmem:$0x1EFF0] =	vst v63  }
0x178: {  	_ =	swait.ge [sflag:s9], $0x28  }
0x179: {  	[sflag:s9] =	ssyncset.done $0x0  }
0x17a: {  	s12 =	sadd.s32 s6, s12;
	[sflag:s9] =	ssyncadd.s32 $0xFFFFFFD8  }
0x17b: {  	[tilespmem:s22], [sflag:$0x4] =	stream.linear.gather [hbm4b:s12+s21], $0x28, $0x38;
	[tilespmem:$0x1EFF0] =	vst v63  }
0x17c: {  	s11 =	sshll.u32 s11, $0x1;
	_ =	swait.ge [sflag:s9], $0x28  }
0x17d: {  	s11 =	sand.u32 $0x1FFFFFE0, s11;
	[sflag:s9] =	ssyncset.done $0x0  }
0x17e: {  	s11 =	sadd.s32 s20, s11;
	[sflag:s9] =	ssyncadd.s32 $0xFFFFFFD8  }
0x17f: {  	[tilespmem:s1], [sflag:$0x4] =	stream.linear.gather [hbm4b:s11+s21], $0x280, $0x38;
	[tilespmem:$0x1EFF0] =	vst v63  }
0x180: {  	_ =	swait.ge [sflag:s9], $0x280  }
0x181: {  	[sflag:s9] =	ssyncset.done $0x0  }
0x182: {  	[sflag:s9] =	ssyncadd.s32 $0xFFFFFD80  }
0x183: {  	[tilespmem:s2], [sflag:$0x1] =	stream.indirect.gather [hbm4b:s13+s17], $0x80, s31, s17, $0xb8;
	[tilespmem:$0x1EFF0] =	vst v63  }
0x184: {  	_ =	swait.ge [sflag:s28], $0x1400  }
0x185: {  	[sflag:s28] =	ssyncset.done $0x0  }
0x186: {  	s12 =	simm.s32 $0x1D410;
	[sflag:s28] =	ssyncadd.s32 $0xFFFFEC00  }
0x187: {  	s23 =	simm.s32 $0x0;
	v2 =	vld [tilespmem:s12+$0x30]  }
0x188: {  	v0 =	vld [tilespmem:s23+$0x1ED70]  }
0x189: {  	v3 =	vld [tilespmem:s12+$0xFFFFFFC0]  }
0x18a: {  	v6 =	vld [tilespmem:s12+$0xFFFFFFD0]  }
0x18b: {  	v7 =	vld [tilespmem:s12+$0xFFFFFFE0]  }
0x18c: {  	v5 =	vld [tilespmem:s12+$0xFFFFFFF0]  }
0x18d: {  	v1 =	vld [tilespmem:s12+$0x0];
	v8 =	vmul.f32 v2, v0  }
0x18e: {  	v4 =	vld [tilespmem:s12+$0x10];
	v63 =	vmul.f32 v3, v0  }
0x18f: {  	s11 =	simm.s32 $0x1D490;
	v2 =	vld [tilespmem:s12+$0x20];
	v6 =	vmul.f32 v6, v0;
	[tilespmem:s12+$0x30] =	vst v8  }
0x190: {  	s19 =	simm.s32 $0x80;
	s21 =	simm.s32 $0x10;
	v3 =	vld [tilespmem:s11+$0x30];
	v7 =	vmul.f32 v7, v0;
	[tilespmem:s12+$0xFFFFFFC0] =	vst v63  }
.LBB2_11:
0x191: {  	p0 =	sne.s32 s19, $0x9C0;
	v8 =	vld [tilespmem:s21+$0x1ED70];
	[tilespmem:s12+$0xFFFFFFD0] =	vst v6;
	v5 =	vmul.f32 v5, v0  }
0x192: {  	v6 =	vld [tilespmem:s11+$0xFFFFFFC0];
	[tilespmem:s12+$0xFFFFFFE0] =	vst v7;
	v1 =	vmul.f32 v1, v0  }
0x193: {  	v7 =	vld [tilespmem:s11+$0xFFFFFFD0];
	[tilespmem:s12+$0xFFFFFFF0] =	vst v5;
	v4 =	vmul.f32 v4, v0  }
0x194: {  	v9 =	vld [tilespmem:s11+$0xFFFFFFE0];
	[tilespmem:s12+$0x0] =	vst v1;
	v2 =	vmul.f32 v2, v0  }
.Ltmp4:
0x195: {  	v5 =	vld [tilespmem:s11+$0xFFFFFFF0];
	[tilespmem:s12+$0x10] =	vst v4;
	(pc) =	sbr.rel @p0 .LBB2_11-.Ltmp4, $4  }
0x196: {  	v1 =	vld [tilespmem:s11+$0x0];
	v3 =	vmul.f32 v3, v8;
	[tilespmem:s12+$0x20] =	vst v2;
	v0 =	vmov v8;
	s12 =	smov.u32 s11  }
0x197: {  	v8 =	vmul.f32 v6, v0;
	v4 =	vld [tilespmem:s11+$0x10]  }
0x198: {  	s11 =	sadd.s32 $0x80, s11;
	v6 =	vmul.f32 v7, v0;
	v2 =	vld [tilespmem:s12+$0x20];
	[tilespmem:s12+$0x30] =	vst v3  }
0x199: {  	s21 =	sshra.s32 s19, $0x2;
	s19 =	sadd.s32 $0x40, s19;
	v3 =	vld [tilespmem:s11+$0x30];
	[tilespmem:s12+$0xFFFFFFC0] =	vst v8;
	v7 =	vmul.f32 v9, v0  }
0x19a: {  	v8 =	vld [tilespmem:s21+$0x1ED70]  }
0x19b: {  	v9 =	vld [tilespmem:s11+$0xFFFFFFC0];
	[tilespmem:s12+$0xFFFFFFD0] =	vst v6;
	v5 =	vmul.f32 v5, v0  }
0x19c: {  	v50 =	vld [tilespmem:s11+$0xFFFFFFD0];
	[tilespmem:s12+$0xFFFFFFE0] =	vst v7;
	v1 =	vmul.f32 v1, v0  }
0x19d: {  	v51 =	vld [tilespmem:s11+$0xFFFFFFE0];
	[tilespmem:s12+$0xFFFFFFF0] =	vst v5;
	v4 =	vmul.f32 v4, v0  }
0x19e: {  	v52 =	vld [tilespmem:s11+$0xFFFFFFF0];
	[tilespmem:s12+$0x0] =	vst v1;
	v53 =	vmul.f32 v2, v0  }
0x19f: {  	v54 =	vld [tilespmem:s11+$0x0];
	[tilespmem:s12+$0x10] =	vst v4;
	v55 =	vmul.f32 v3, v8  }
0x1a0: {  	v56 =	vld [tilespmem:s11+$0x10];
	[tilespmem:s12+$0x20] =	vst v53;
	v57 =	vmul.f32 v9, v8  }
0x1a1: {  	v58 =	vld [tilespmem:s11+$0x20];
	v6 =	vmul.f32 v50, v8;
	[tilespmem:s11+$0x30] =	vst v55  }
0x1a2: {  	v59 =	vmul.f32 v51, v8;
	[tilespmem:s11+$0xFFFFFFC0] =	vst v57  }
0x1a3: {  	v60 =	vmul.f32 v52, v8;
	[tilespmem:s11+$0xFFFFFFD0] =	vst v6  }
0x1a4: {  	v61 =	vmul.f32 v54, v8;
	[tilespmem:s11+$0xFFFFFFE0] =	vst v59  }
0x1a5: {  	v62 =	vmul.f32 v56, v8;
	[tilespmem:s11+$0xFFFFFFF0] =	vst v60  }
0x1a6: {  	s10 =	sadd.s32 $0x1, s10;
	v63 =	vmul.f32 v58, v8;
	[tilespmem:s11+$0x0] =	vst v61  }
0x1a7: {  	p0 =	sne.s32 s10, $0x7C;
	[tilespmem:s11+$0x10] =	vst v62  }
.Ltmp5:
0x1a8: {  	[tilespmem:s11+$0x20] =	vst v63;
	(pc) =	sbr.rel @p0 .LBB2_8-.Ltmp5, $4  }
0x1a9: {  	[spmem:s3] =	stream.indirect.scatter.add.f32 [tilespmem:s7], [sflag:$0x4], $0x80, s18, s17, $0xb8;
	[tilespmem:$0x1EFF0] =	vst v63  }
0x1aa: {  	_ =	swait.ge [sflag:s9], $0x1400  }
0x1ab: {  	[sflag:s9] =	ssyncset.done $0x0  }
0x1ac: {  	[sflag:s9] =	ssyncadd.s32 $0xFFFFEC00  }
0x1ad: {  	s8 =	simm.s32 $0x0;
	s10 =	rddreg [dreg:$0x13]  }
0x1ae: {  	[tilespmem:s4], [sflag:$0x4] =	stream.linear.gather [hbm4b:s10+s8], $0x28, $0x38;
	[tilespmem:$0x1EFF0] =	vst v63  }
0x1af: {  	_ =	swait.ge [sflag:s9], $0x28  }
0x1b0: {  	[sflag:s9] =	ssyncset.done $0x0  }
0x1b1: {  	s19 =	rddreg [dreg:$0x14];
	[sflag:s9] =	ssyncadd.s32 $0xFFFFFFD8  }
0x1b2: {  	[tilespmem:s18], [sflag:$0x4] =	stream.linear.gather [hbm4b:s19+s8], $0x28, $0x38;
	[tilespmem:$0x1EFF0] =	vst v63  }
0x1b3: {  	_ =	swait.ge [sflag:s9], $0x28  }
0x1b4: {  	[sflag:s9] =	ssyncset.done $0x0  }
0x1b5: {  	s21 =	rddreg [dreg:$0x15];
	[sflag:s9] =	ssyncadd.s32 $0xFFFFFFD8  }
0x1b6: {  	[tilespmem:s25], [sflag:$0x4] =	stream.linear.gather [hbm4b:s21+s8], $0x280, $0x38;
	[tilespmem:$0x1EFF0] =	vst v63  }
0x1b7: {  	_ =	swait.ge [sflag:s9], $0x280  }
0x1b8: {  	[sflag:s9] =	ssyncset.done $0x0  }
0x1b9: {  	[sflag:s9] =	ssyncadd.s32 $0xFFFFFD80  }
0x1ba: {  	[tilespmem:s7], [sflag:$0x2] =	stream.indirect.gather [hbm4b:s13+s17], $0x80, s4, s17, $0xb8;
	[tilespmem:$0x1EFF0] =	vst v63  }
0x1bb: {  	_ =	swait.ge [sflag:s26], $0x1400  }
0x1bc: {  	[sflag:s26] =	ssyncset.done $0x0  }
0x1bd: {  	s10 =	simm.s32 $0x1C010;
	[sflag:s26] =	ssyncadd.s32 $0xFFFFEC00  }
0x1be: {  	s23 =	simm.s32 $0x0;
	v2 =	vld [tilespmem:s10+$0x30]  }
0x1bf: {  	v0 =	vld [tilespmem:s23+$0x1EAF0]  }
0x1c0: {  	v3 =	vld [tilespmem:s10+$0xFFFFFFC0]  }
0x1c1: {  	v6 =	vld [tilespmem:s10+$0xFFFFFFD0]  }
0x1c2: {  	v7 =	vld [tilespmem:s10+$0xFFFFFFE0]  }
0x1c3: {  	v5 =	vld [tilespmem:s10+$0xFFFFFFF0]  }
0x1c4: {  	v1 =	vld [tilespmem:s10+$0x0];
	v8 =	vmul.f32 v2, v0  }
0x1c5: {  	v4 =	vld [tilespmem:s10+$0x10];
	v9 =	vmul.f32 v3, v0  }
0x1c6: {  	s8 =	simm.s32 $0x1C090;
	v2 =	vld [tilespmem:s10+$0x20];
	v6 =	vmul.f32 v6, v0;
	[tilespmem:s10+$0x30] =	vst v8  }
0x1c7: {  	s12 =	simm.s32 $0x10;
	s11 =	simm.s32 $0x80;
	v3 =	vld [tilespmem:s8+$0x30];
	v7 =	vmul.f32 v7, v0;
	[tilespmem:s10+$0xFFFFFFC0] =	vst v9  }
.LBB2_14:
0x1c8: {  	p0 =	sne.s32 s11, $0x9C0;
	v8 =	vld [tilespmem:s12+$0x1EAF0];
	[tilespmem:s10+$0xFFFFFFD0] =	vst v6;
	v5 =	vmul.f32 v5, v0  }
0x1c9: {  	v6 =	vld [tilespmem:s8+$0xFFFFFFC0];
	[tilespmem:s10+$0xFFFFFFE0] =	vst v7;
	v1 =	vmul.f32 v1, v0  }
0x1ca: {  	v7 =	vld [tilespmem:s8+$0xFFFFFFD0];
	[tilespmem:s10+$0xFFFFFFF0] =	vst v5;
	v4 =	vmul.f32 v4, v0  }
0x1cb: {  	v9 =	vld [tilespmem:s8+$0xFFFFFFE0];
	[tilespmem:s10+$0x0] =	vst v1;
	v2 =	vmul.f32 v2, v0  }
.Ltmp6:
0x1cc: {  	v5 =	vld [tilespmem:s8+$0xFFFFFFF0];
	[tilespmem:s10+$0x10] =	vst v4;
	(pc) =	sbr.rel @p0 .LBB2_14-.Ltmp6, $4  }
0x1cd: {  	v1 =	vld [tilespmem:s8+$0x0];
	v3 =	vmul.f32 v3, v8;
	[tilespmem:s10+$0x20] =	vst v2;
	v0 =	vmov v8;
	s10 =	smov.u32 s8  }
0x1ce: {  	v8 =	vmul.f32 v6, v0;
	v4 =	vld [tilespmem:s8+$0x10]  }
0x1cf: {  	s8 =	sadd.s32 $0x80, s8;
	v6 =	vmul.f32 v7, v0;
	v2 =	vld [tilespmem:s10+$0x20];
	[tilespmem:s10+$0x30] =	vst v3  }
0x1d0: {  	s12 =	sshra.s32 s11, $0x2;
	s11 =	sadd.s32 $0x40, s11;
	v3 =	vld [tilespmem:s8+$0x30];
	[tilespmem:s10+$0xFFFFFFC0] =	vst v8;
	v7 =	vmul.f32 v9, v0  }
0x1d1: {  	v8 =	vld [tilespmem:s12+$0x1EAF0]  }
0x1d2: {  	v9 =	vld [tilespmem:s8+$0xFFFFFFC0];
	[tilespmem:s10+$0xFFFFFFD0] =	vst v6;
	v5 =	vmul.f32 v5, v0  }
0x1d3: {  	v6 =	vld [tilespmem:s8+$0xFFFFFFD0];
	[tilespmem:s10+$0xFFFFFFE0] =	vst v7;
	v1 =	vmul.f32 v1, v0  }
0x1d4: {  	v7 =	vld [tilespmem:s8+$0xFFFFFFE0];
	[tilespmem:s10+$0xFFFFFFF0] =	vst v5;
	v4 =	vmul.f32 v4, v0  }
0x1d5: {  	v5 =	vld [tilespmem:s8+$0xFFFFFFF0];
	[tilespmem:s10+$0x0] =	vst v1;
	v0 =	vmul.f32 v2, v0  }
0x1d6: {  	v1 =	vld [tilespmem:s8+$0x0];
	[tilespmem:s10+$0x10] =	vst v4;
	v2 =	vmul.f32 v3, v8  }
0x1d7: {  	v3 =	vld [tilespmem:s8+$0x10];
	[tilespmem:s10+$0x20] =	vst v0;
	v0 =	vmul.f32 v9, v8  }
0x1d8: {  	v4 =	vld [tilespmem:s8+$0x20];
	v6 =	vmul.f32 v6, v8;
	[tilespmem:s8+$0x30] =	vst v2  }
0x1d9: {  	[tilespmem:s8+$0xFFFFFFC0] =	vst v0;
	v0 =	vmul.f32 v7, v8  }
0x1da: {  	[tilespmem:s8+$0xFFFFFFD0] =	vst v6;
	v2 =	vmul.f32 v5, v8  }
0x1db: {  	[tilespmem:s8+$0xFFFFFFE0] =	vst v0;
	v0 =	vmul.f32 v1, v8  }
0x1dc: {  	[tilespmem:s8+$0xFFFFFFF0] =	vst v2;
	v1 =	vmul.f32 v3, v8  }
0x1dd: {  	[tilespmem:s8+$0x0] =	vst v0;
	v0 =	vmul.f32 v4, v8  }
0x1de: {  	[tilespmem:s8+$0x10] =	vst v1  }
0x1df: {  	[tilespmem:s8+$0x20] =	vst v0  }
0x1e0: {  	[spmem:s3] =	stream.indirect.scatter.add.f32 [tilespmem:s2], [sflag:$0x4], $0x80, s22, s17, $0xb8;
	[tilespmem:$0x1EFF0] =	vst v63  }
0x1e1: {  	_ =	swait.ge [sflag:s9], $0x1400  }
0x1e2: {  	[sflag:s9] =	ssyncset.done $0x0  }
0x1e3: {  	[sflag:s9] =	ssyncadd.s32 $0xFFFFEC00  }
0x1e4: {  	_ =	swait.ge [sflag:s28], $0x1400  }
0x1e5: {  	[sflag:s28] =	ssyncset.done $0x0  }
0x1e6: {  	s10 =	simm.s32 $0x1D410;
	[sflag:s28] =	ssyncadd.s32 $0xFFFFEC00  }
0x1e7: {  	s23 =	simm.s32 $0x0;
	v2 =	vld [tilespmem:s10+$0x30]  }
0x1e8: {  	v0 =	vld [tilespmem:s23+$0x1ED70]  }
0x1e9: {  	v3 =	vld [tilespmem:s10+$0xFFFFFFC0]  }
0x1ea: {  	v6 =	vld [tilespmem:s10+$0xFFFFFFD0]  }
0x1eb: {  	v7 =	vld [tilespmem:s10+$0xFFFFFFE0]  }
0x1ec: {  	v5 =	vld [tilespmem:s10+$0xFFFFFFF0]  }
0x1ed: {  	v1 =	vld [tilespmem:s10+$0x0];
	v8 =	vmul.f32 v2, v0  }
0x1ee: {  	v4 =	vld [tilespmem:s10+$0x10];
	v63 =	vmul.f32 v3, v0  }
0x1ef: {  	s8 =	simm.s32 $0x1D490;
	v2 =	vld [tilespmem:s10+$0x20];
	v6 =	vmul.f32 v6, v0;
	[tilespmem:s10+$0x30] =	vst v8  }
0x1f0: {  	s12 =	simm.s32 $0x10;
	s11 =	simm.s32 $0x80;
	v3 =	vld [tilespmem:s8+$0x30];
	v7 =	vmul.f32 v7, v0;
	[tilespmem:s10+$0xFFFFFFC0] =	vst v63  }
.LBB2_16:
0x1f1: {  	p0 =	sne.s32 s11, $0x9C0;
	v8 =	vld [tilespmem:s12+$0x1ED70];
	[tilespmem:s10+$0xFFFFFFD0] =	vst v6;
	v5 =	vmul.f32 v5, v0  }
0x1f2: {  	v6 =	vld [tilespmem:s8+$0xFFFFFFC0];
	[tilespmem:s10+$0xFFFFFFE0] =	vst v7;
	v1 =	vmul.f32 v1, v0  }
0x1f3: {  	v7 =	vld [tilespmem:s8+$0xFFFFFFD0];
	[tilespmem:s10+$0xFFFFFFF0] =	vst v5;
	v4 =	vmul.f32 v4, v0  }
0x1f4: {  	v9 =	vld [tilespmem:s8+$0xFFFFFFE0];
	[tilespmem:s10+$0x0] =	vst v1;
	v2 =	vmul.f32 v2, v0  }
.Ltmp7:
0x1f5: {  	v5 =	vld [tilespmem:s8+$0xFFFFFFF0];
	[tilespmem:s10+$0x10] =	vst v4;
	(pc) =	sbr.rel @p0 .LBB2_16-.Ltmp7, $4  }
0x1f6: {  	v1 =	vld [tilespmem:s8+$0x0];
	v3 =	vmul.f32 v3, v8;
	[tilespmem:s10+$0x20] =	vst v2;
	v0 =	vmov v8;
	s10 =	smov.u32 s8  }
0x1f7: {  	v8 =	vmul.f32 v6, v0;
	v4 =	vld [tilespmem:s8+$0x10]  }
0x1f8: {  	s8 =	sadd.s32 $0x80, s8;
	v6 =	vmul.f32 v7, v0;
	v2 =	vld [tilespmem:s10+$0x20];
	[tilespmem:s10+$0x30] =	vst v3  }
0x1f9: {  	s12 =	sshra.s32 s11, $0x2;
	s11 =	sadd.s32 $0x40, s11;
	v3 =	vld [tilespmem:s8+$0x30];
	[tilespmem:s10+$0xFFFFFFC0] =	vst v8;
	v7 =	vmul.f32 v9, v0  }
0x1fa: {  	v8 =	vld [tilespmem:s12+$0x1ED70]  }
0x1fb: {  	v9 =	vld [tilespmem:s8+$0xFFFFFFC0];
	[tilespmem:s10+$0xFFFFFFD0] =	vst v6;
	v5 =	vmul.f32 v5, v0  }
0x1fc: {  	v50 =	vld [tilespmem:s8+$0xFFFFFFD0];
	[tilespmem:s10+$0xFFFFFFE0] =	vst v7;
	v1 =	vmul.f32 v1, v0  }
0x1fd: {  	v51 =	vld [tilespmem:s8+$0xFFFFFFE0];
	[tilespmem:s10+$0xFFFFFFF0] =	vst v5;
	v4 =	vmul.f32 v4, v0  }
0x1fe: {  	v52 =	vld [tilespmem:s8+$0xFFFFFFF0];
	[tilespmem:s10+$0x0] =	vst v1;
	v53 =	vmul.f32 v2, v0  }
0x1ff: {  	v54 =	vld [tilespmem:s8+$0x0];
	[tilespmem:s10+$0x10] =	vst v4;
	v55 =	vmul.f32 v3, v8  }
0x200: {  	v56 =	vld [tilespmem:s8+$0x10];
	[tilespmem:s10+$0x20] =	vst v53;
	v57 =	vmul.f32 v9, v8  }
0x201: {  	v58 =	vld [tilespmem:s8+$0x20];
	v6 =	vmul.f32 v50, v8;
	[tilespmem:s8+$0x30] =	vst v55  }
0x202: {  	v59 =	vmul.f32 v51, v8;
	[tilespmem:s8+$0xFFFFFFC0] =	vst v57  }
0x203: {  	v60 =	vmul.f32 v52, v8;
	[tilespmem:s8+$0xFFFFFFD0] =	vst v6  }
0x204: {  	v61 =	vmul.f32 v54, v8;
	[tilespmem:s8+$0xFFFFFFE0] =	vst v59  }
0x205: {  	v62 =	vmul.f32 v56, v8;
	[tilespmem:s8+$0xFFFFFFF0] =	vst v60  }
0x206: {  	v63 =	vmul.f32 v58, v8;
	[tilespmem:s8+$0x0] =	vst v61  }
0x207: {  	[tilespmem:s8+$0x10] =	vst v62  }
0x208: {  	[tilespmem:s8+$0x20] =	vst v63  }
0x209: {  	[spmem:s3] =	stream.indirect.scatter.add.f32 [tilespmem:s7], [sflag:$0x4], $0x80, s18, s17, $0xb8;
	[tilespmem:$0x1EFF0] =	vst v63  }
0x20a: {  	_ =	swait.ge [sflag:s9], $0x1400  }
0x20b: {  	[sflag:s9] =	ssyncset.done $0x0  }
0x20c: {  	[sflag:s9] =	ssyncadd.s32 $0xFFFFEC00  }
0x20d: {  	[bflag:$0x0] =	sbarrier.arrive $0xFFFF  }
0x20e: {  	s21 =	rddreg [dreg:$0xd]  }
0x20f: {  	s23 =	rddreg [dreg:$0x16]  }
0x210: {  	s11 =	rddreg [dreg:$0x1c]  }
0x211: {  	[hbm:s23], [sflag:s21] =	dma.local [spmem:s11], $0x2800  }
0x212: {  	_ =	swait.ge [sflag:s9], $0x2800  }
0x213: {  	[sflag:s9] =	ssyncset.done $0x0  }
0x214: {  	[sflag:s9] =	ssyncadd.s32 $0xFFFFD800  }
0x215: {  	[bflag:$0x0] =	sbarrier.arrive $0xFFFF  }
0x216: {  	s12 =	rddreg [dreg:$0xb]  }
0x217: {  	[spmem:s11], [sflag:s21] =	dma.local [hbm:s12], $0x2800  }
0x218: {  	_ =	swait.ge [sflag:s9], $0x2800  }
0x219: {  	[sflag:s9] =	ssyncset.done $0x0  }
0x21a: {  	[sflag:s9] =	ssyncadd.s32 $0xFFFFD800  }
0x21b: {  	[bflag:$0x0] =	sbarrier.arrive $0xFFFF  }
0x21c: {  	s8 =	simm.s32 $0x0;
	s19 =	rddreg [dreg:$0x10]  }
0x21d: {  	[tilespmem:s31], [sflag:$0x4] =	stream.linear.gather [hbm4b:s19+s8], $0x28, $0x38;
	[tilespmem:$0x1EFF0] =	vst v63  }
0x21e: {  	_ =	swait.ge [sflag:s9], $0x28  }
0x21f: {  	[sflag:s9] =	ssyncset.done $0x0  }
0x220: {  	s21 =	rddreg [dreg:$0x11];
	[sflag:s9] =	ssyncadd.s32 $0xFFFFFFD8  }
0x221: {  	[tilespmem:s22], [sflag:$0x4] =	stream.linear.gather [hbm4b:s21+s8], $0x28, $0x38;
	[tilespmem:$0x1EFF0] =	vst v63  }
0x222: {  	_ =	swait.ge [sflag:s9], $0x28  }
0x223: {  	[sflag:s9] =	ssyncset.done $0x0  }
0x224: {  	s23 =	rddreg [dreg:$0x12];
	[sflag:s9] =	ssyncadd.s32 $0xFFFFFFD8  }
0x225: {  	[tilespmem:s1], [sflag:$0x4] =	stream.linear.gather [hbm4b:s23+s8], $0x280, $0x38;
	[tilespmem:$0x1EFF0] =	vst v63  }
0x226: {  	_ =	swait.ge [sflag:s9], $0x280  }
0x227: {  	[sflag:s9] =	ssyncset.done $0x0  }
0x228: {  	s10 =	simm.s32 $0x0;
	[sflag:s9] =	ssyncadd.s32 $0xFFFFFD80  }
0x229: {  	[tilespmem:s2], [sflag:$0x1] =	stream.indirect.gather [hbm4b:s14+s17], $0x80, s31, s17, $0xb8;
	[tilespmem:$0x1EFF0] =	vst v63  }
.LBB2_18:
0x22a: {  	s11 =	smul.u32 $0x50, s10;
	_ =	sdelay $0x1  }
0x22b: {  	s12 =	sadd.s32 s11, s24  }
0x22c: {  	s19 =	sshrl.u32 s12, $0x3  }
0x22d: {  	s21 =	sadd.s32 s5, s19  }
0x22e: {  	[tilespmem:s4], [sflag:$0x4] =	stream.linear.gather [hbm4b:s21+s8], $0x28, $0x38;
	[tilespmem:$0x1EFF0] =	vst v63  }
0x22f: {  	_ =	swait.ge [sflag:s9], $0x28  }
0x230: {  	[sflag:s9] =	ssyncset.done $0x0  }
0x231: {  	s19 =	sadd.s32 s6, s19;
	[sflag:s9] =	ssyncadd.s32 $0xFFFFFFD8  }
0x232: {  	[tilespmem:s18], [sflag:$0x4] =	stream.linear.gather [hbm4b:s19+s8], $0x28, $0x38;
	[tilespmem:$0x1EFF0] =	vst v63  }
0x233: {  	s12 =	sshll.u32 s12, $0x1;
	_ =	swait.ge [sflag:s9], $0x28  }
0x234: {  	s12 =	sand.u32 $0x1FFFFFF0, s12;
	[sflag:s9] =	ssyncset.done $0x0  }
0x235: {  	s12 =	sadd.s32 s20, s12;
	[sflag:s9] =	ssyncadd.s32 $0xFFFFFFD8  }
0x236: {  	[tilespmem:s25], [sflag:$0x4] =	stream.linear.gather [hbm4b:s12+s8], $0x280, $0x38;
	[tilespmem:$0x1EFF0] =	vst v63  }
0x237: {  	_ =	swait.ge [sflag:s9], $0x280  }
0x238: {  	[sflag:s9] =	ssyncset.done $0x0  }
0x239: {  	[sflag:s9] =	ssyncadd.s32 $0xFFFFFD80  }
0x23a: {  	[tilespmem:s7], [sflag:$0x2] =	stream.indirect.gather [hbm4b:s14+s17], $0x80, s4, s17, $0xb8;
	[tilespmem:$0x1EFF0] =	vst v63  }
0x23b: {  	_ =	swait.ge [sflag:s26], $0x1400  }
0x23c: {  	[sflag:s26] =	ssyncset.done $0x0  }
0x23d: {  	s19 =	simm.s32 $0x1C010;
	[sflag:s26] =	ssyncadd.s32 $0xFFFFEC00  }
0x23e: {  	s23 =	simm.s32 $0x0;
	v2 =	vld [tilespmem:s19+$0x30]  }
0x23f: {  	v0 =	vld [tilespmem:s23+$0x1EAF0]  }
0x240: {  	v3 =	vld [tilespmem:s19+$0xFFFFFFC0]  }
0x241: {  	v6 =	vld [tilespmem:s19+$0xFFFFFFD0]  }
0x242: {  	v7 =	vld [tilespmem:s19+$0xFFFFFFE0]  }
0x243: {  	v5 =	vld [tilespmem:s19+$0xFFFFFFF0]  }
0x244: {  	v1 =	vld [tilespmem:s19+$0x0];
	v8 =	vmul.f32 v2, v0  }
0x245: {  	v4 =	vld [tilespmem:s19+$0x10];
	v9 =	vmul.f32 v3, v0  }
0x246: {  	s12 =	simm.s32 $0x1C090;
	v2 =	vld [tilespmem:s19+$0x20];
	v6 =	vmul.f32 v6, v0;
	[tilespmem:s19+$0x30] =	vst v8  }
0x247: {  	s21 =	simm.s32 $0x80;
	s23 =	simm.s32 $0x10;
	v3 =	vld [tilespmem:s12+$0x30];
	v7 =	vmul.f32 v7, v0;
	[tilespmem:s19+$0xFFFFFFC0] =	vst v9  }
.LBB2_19:
0x248: {  	p0 =	sne.s32 s21, $0x9C0;
	v8 =	vld [tilespmem:s23+$0x1EAF0];
	[tilespmem:s19+$0xFFFFFFD0] =	vst v6;
	v5 =	vmul.f32 v5, v0  }
0x249: {  	v6 =	vld [tilespmem:s12+$0xFFFFFFC0];
	[tilespmem:s19+$0xFFFFFFE0] =	vst v7;
	v1 =	vmul.f32 v1, v0  }
0x24a: {  	v7 =	vld [tilespmem:s12+$0xFFFFFFD0];
	[tilespmem:s19+$0xFFFFFFF0] =	vst v5;
	v4 =	vmul.f32 v4, v0  }
0x24b: {  	v9 =	vld [tilespmem:s12+$0xFFFFFFE0];
	[tilespmem:s19+$0x0] =	vst v1;
	v2 =	vmul.f32 v2, v0  }
.Ltmp8:
0x24c: {  	v5 =	vld [tilespmem:s12+$0xFFFFFFF0];
	[tilespmem:s19+$0x10] =	vst v4;
	(pc) =	sbr.rel @p0 .LBB2_19-.Ltmp8, $4  }
0x24d: {  	v1 =	vld [tilespmem:s12+$0x0];
	v3 =	vmul.f32 v3, v8;
	[tilespmem:s19+$0x20] =	vst v2;
	v0 =	vmov v8;
	s19 =	smov.u32 s12  }
0x24e: {  	v8 =	vmul.f32 v6, v0;
	v4 =	vld [tilespmem:s12+$0x10]  }
0x24f: {  	s12 =	sadd.s32 $0x80, s12;
	v6 =	vmul.f32 v7, v0;
	v2 =	vld [tilespmem:s19+$0x20];
	[tilespmem:s19+$0x30] =	vst v3  }
0x250: {  	s23 =	sshra.s32 s21, $0x2;
	s21 =	sadd.s32 $0x40, s21;
	v3 =	vld [tilespmem:s12+$0x30];
	[tilespmem:s19+$0xFFFFFFC0] =	vst v8;
	v7 =	vmul.f32 v9, v0  }
0x251: {  	v8 =	vld [tilespmem:s23+$0x1EAF0]  }
0x252: {  	v9 =	vld [tilespmem:s12+$0xFFFFFFC0];
	[tilespmem:s19+$0xFFFFFFD0] =	vst v6;
	v5 =	vmul.f32 v5, v0  }
0x253: {  	v6 =	vld [tilespmem:s12+$0xFFFFFFD0];
	[tilespmem:s19+$0xFFFFFFE0] =	vst v7;
	v1 =	vmul.f32 v1, v0  }
0x254: {  	v7 =	vld [tilespmem:s12+$0xFFFFFFE0];
	[tilespmem:s19+$0xFFFFFFF0] =	vst v5;
	v4 =	vmul.f32 v4, v0  }
0x255: {  	v5 =	vld [tilespmem:s12+$0xFFFFFFF0];
	[tilespmem:s19+$0x0] =	vst v1;
	v0 =	vmul.f32 v2, v0  }
0x256: {  	v1 =	vld [tilespmem:s12+$0x0];
	[tilespmem:s19+$0x10] =	vst v4;
	v2 =	vmul.f32 v3, v8  }
0x257: {  	v3 =	vld [tilespmem:s12+$0x10];
	[tilespmem:s19+$0x20] =	vst v0;
	v0 =	vmul.f32 v9, v8  }
0x258: {  	v4 =	vld [tilespmem:s12+$0x20];
	v6 =	vmul.f32 v6, v8;
	[tilespmem:s12+$0x30] =	vst v2  }
0x259: {  	[tilespmem:s12+$0xFFFFFFC0] =	vst v0;
	v0 =	vmul.f32 v7, v8  }
0x25a: {  	[tilespmem:s12+$0xFFFFFFD0] =	vst v6;
	v2 =	vmul.f32 v5, v8  }
0x25b: {  	[tilespmem:s12+$0xFFFFFFE0] =	vst v0;
	v0 =	vmul.f32 v1, v8  }
0x25c: {  	[tilespmem:s12+$0xFFFFFFF0] =	vst v2;
	v1 =	vmul.f32 v3, v8  }
0x25d: {  	[tilespmem:s12+$0x0] =	vst v0;
	v0 =	vmul.f32 v4, v8  }
0x25e: {  	[tilespmem:s12+$0x10] =	vst v1  }
0x25f: {  	[tilespmem:s12+$0x20] =	vst v0  }
0x260: {  	[spmem:s3] =	stream.indirect.scatter.add.f32 [tilespmem:s2], [sflag:$0x4], $0x80, s22, s17, $0xb8;
	[tilespmem:$0x1EFF0] =	vst v63  }
0x261: {  	s11 =	sadd.s32 s11, s0;
	_ =	swait.ge [sflag:s9], $0x1400  }
0x262: {  	s12 =	sshrl.u32 s11, $0x3;
	[sflag:s9] =	ssyncset.done $0x0  }
0x263: {  	s21 =	simm.s32 $0x0;
	s23 =	sadd.s32 s5, s12;
	[sflag:s9] =	ssyncadd.s32 $0xFFFFEC00  }
0x264: {  	[tilespmem:s31], [sflag:$0x4] =	stream.linear.gather [hbm4b:s23+s21], $0x28, $0x38;
	[tilespmem:$0x1EFF0] =	vst v63  }
0x265: {  	_ =	swait.ge [sflag:s9], $0x28  }
0x266: {  	[sflag:s9] =	ssyncset.done $0x0  }
0x267: {  	s12 =	sadd.s32 s6, s12;
	[sflag:s9] =	ssyncadd.s32 $0xFFFFFFD8  }
0x268: {  	[tilespmem:s22], [sflag:$0x4] =	stream.linear.gather [hbm4b:s12+s21], $0x28, $0x38;
	[tilespmem:$0x1EFF0] =	vst v63  }
0x269: {  	s11 =	sshll.u32 s11, $0x1;
	_ =	swait.ge [sflag:s9], $0x28  }
0x26a: {  	s11 =	sand.u32 $0x1FFFFFE0, s11;
	[sflag:s9] =	ssyncset.done $0x0  }
0x26b: {  	s11 =	sadd.s32 s20, s11;
	[sflag:s9] =	ssyncadd.s32 $0xFFFFFFD8  }
0x26c: {  	[tilespmem:s1], [sflag:$0x4] =	stream.linear.gather [hbm4b:s11+s21], $0x280, $0x38;
	[tilespmem:$0x1EFF0] =	vst v63  }
0x26d: {  	_ =	swait.ge [sflag:s9], $0x280  }
0x26e: {  	[sflag:s9] =	ssyncset.done $0x0  }
0x26f: {  	[sflag:s9] =	ssyncadd.s32 $0xFFFFFD80  }
0x270: {  	[tilespmem:s2], [sflag:$0x1] =	stream.indirect.gather [hbm4b:s14+s17], $0x80, s31, s17, $0xb8;
	[tilespmem:$0x1EFF0] =	vst v63  }
0x271: {  	_ =	swait.ge [sflag:s28], $0x1400  }
0x272: {  	[sflag:s28] =	ssyncset.done $0x0  }
0x273: {  	s12 =	simm.s32 $0x1D410;
	[sflag:s28] =	ssyncadd.s32 $0xFFFFEC00  }
0x274: {  	s23 =	simm.s32 $0x0;
	v2 =	vld [tilespmem:s12+$0x30]  }
0x275: {  	v0 =	vld [tilespmem:s23+$0x1ED70]  }
0x276: {  	v3 =	vld [tilespmem:s12+$0xFFFFFFC0]  }
0x277: {  	v6 =	vld [tilespmem:s12+$0xFFFFFFD0]  }
0x278: {  	v7 =	vld [tilespmem:s12+$0xFFFFFFE0]  }
0x279: {  	v5 =	vld [tilespmem:s12+$0xFFFFFFF0]  }
0x27a: {  	v1 =	vld [tilespmem:s12+$0x0];
	v8 =	vmul.f32 v2, v0  }
0x27b: {  	v4 =	vld [tilespmem:s12+$0x10];
	v63 =	vmul.f32 v3, v0  }
0x27c: {  	s11 =	simm.s32 $0x1D490;
	v2 =	vld [tilespmem:s12+$0x20];
	v6 =	vmul.f32 v6, v0;
	[tilespmem:s12+$0x30] =	vst v8  }
0x27d: {  	s19 =	simm.s32 $0x80;
	s21 =	simm.s32 $0x10;
	v3 =	vld [tilespmem:s11+$0x30];
	v7 =	vmul.f32 v7, v0;
	[tilespmem:s12+$0xFFFFFFC0] =	vst v63  }
.LBB2_21:
0x27e: {  	p0 =	sne.s32 s19, $0x9C0;
	v8 =	vld [tilespmem:s21+$0x1ED70];
	[tilespmem:s12+$0xFFFFFFD0] =	vst v6;
	v5 =	vmul.f32 v5, v0  }
0x27f: {  	v6 =	vld [tilespmem:s11+$0xFFFFFFC0];
	[tilespmem:s12+$0xFFFFFFE0] =	vst v7;
	v1 =	vmul.f32 v1, v0  }
0x280: {  	v7 =	vld [tilespmem:s11+$0xFFFFFFD0];
	[tilespmem:s12+$0xFFFFFFF0] =	vst v5;
	v4 =	vmul.f32 v4, v0  }
0x281: {  	v9 =	vld [tilespmem:s11+$0xFFFFFFE0];
	[tilespmem:s12+$0x0] =	vst v1;
	v2 =	vmul.f32 v2, v0  }
.Ltmp9:
0x282: {  	v5 =	vld [tilespmem:s11+$0xFFFFFFF0];
	[tilespmem:s12+$0x10] =	vst v4;
	(pc) =	sbr.rel @p0 .LBB2_21-.Ltmp9, $4  }
0x283: {  	v1 =	vld [tilespmem:s11+$0x0];
	v3 =	vmul.f32 v3, v8;
	[tilespmem:s12+$0x20] =	vst v2;
	v0 =	vmov v8;
	s12 =	smov.u32 s11  }
0x284: {  	v8 =	vmul.f32 v6, v0;
	v4 =	vld [tilespmem:s11+$0x10]  }
0x285: {  	s11 =	sadd.s32 $0x80, s11;
	v6 =	vmul.f32 v7, v0;
	v2 =	vld [tilespmem:s12+$0x20];
	[tilespmem:s12+$0x30] =	vst v3  }
0x286: {  	s21 =	sshra.s32 s19, $0x2;
	s19 =	sadd.s32 $0x40, s19;
	v3 =	vld [tilespmem:s11+$0x30];
	[tilespmem:s12+$0xFFFFFFC0] =	vst v8;
	v7 =	vmul.f32 v9, v0  }
0x287: {  	v8 =	vld [tilespmem:s21+$0x1ED70]  }
0x288: {  	v9 =	vld [tilespmem:s11+$0xFFFFFFC0];
	[tilespmem:s12+$0xFFFFFFD0] =	vst v6;
	v5 =	vmul.f32 v5, v0  }
0x289: {  	v50 =	vld [tilespmem:s11+$0xFFFFFFD0];
	[tilespmem:s12+$0xFFFFFFE0] =	vst v7;
	v1 =	vmul.f32 v1, v0  }
0x28a: {  	v51 =	vld [tilespmem:s11+$0xFFFFFFE0];
	[tilespmem:s12+$0xFFFFFFF0] =	vst v5;
	v4 =	vmul.f32 v4, v0  }
0x28b: {  	v52 =	vld [tilespmem:s11+$0xFFFFFFF0];
	[tilespmem:s12+$0x0] =	vst v1;
	v53 =	vmul.f32 v2, v0  }
0x28c: {  	v54 =	vld [tilespmem:s11+$0x0];
	[tilespmem:s12+$0x10] =	vst v4;
	v55 =	vmul.f32 v3, v8  }
0x28d: {  	v56 =	vld [tilespmem:s11+$0x10];
	[tilespmem:s12+$0x20] =	vst v53;
	v57 =	vmul.f32 v9, v8  }
0x28e: {  	v58 =	vld [tilespmem:s11+$0x20];
	v6 =	vmul.f32 v50, v8;
	[tilespmem:s11+$0x30] =	vst v55  }
0x28f: {  	v59 =	vmul.f32 v51, v8;
	[tilespmem:s11+$0xFFFFFFC0] =	vst v57  }
0x290: {  	v60 =	vmul.f32 v52, v8;
	[tilespmem:s11+$0xFFFFFFD0] =	vst v6  }
0x291: {  	v61 =	vmul.f32 v54, v8;
	[tilespmem:s11+$0xFFFFFFE0] =	vst v59  }
0x292: {  	v62 =	vmul.f32 v56, v8;
	[tilespmem:s11+$0xFFFFFFF0] =	vst v60  }
0x293: {  	s10 =	sadd.s32 $0x1, s10;
	v63 =	vmul.f32 v58, v8;
	[tilespmem:s11+$0x0] =	vst v61  }
0x294: {  	p0 =	sne.s32 s10, $0x7C;
	[tilespmem:s11+$0x10] =	vst v62  }
.Ltmp10:
0x295: {  	[tilespmem:s11+$0x20] =	vst v63;
	(pc) =	sbr.rel @p0 .LBB2_18-.Ltmp10, $4  }
0x296: {  	[spmem:s3] =	stream.indirect.scatter.add.f32 [tilespmem:s7], [sflag:$0x4], $0x80, s18, s17, $0xb8;
	[tilespmem:$0x1EFF0] =	vst v63  }
0x297: {  	_ =	swait.ge [sflag:s9], $0x1400  }
0x298: {  	[sflag:s9] =	ssyncset.done $0x0  }
0x299: {  	[sflag:s9] =	ssyncadd.s32 $0xFFFFEC00  }
0x29a: {  	s8 =	simm.s32 $0x0;
	s10 =	rddreg [dreg:$0x13]  }
0x29b: {  	[tilespmem:s4], [sflag:$0x4] =	stream.linear.gather [hbm4b:s10+s8], $0x28, $0x38;
	[tilespmem:$0x1EFF0] =	vst v63  }
0x29c: {  	_ =	swait.ge [sflag:s9], $0x28  }
0x29d: {  	[sflag:s9] =	ssyncset.done $0x0  }
0x29e: {  	s19 =	rddreg [dreg:$0x14];
	[sflag:s9] =	ssyncadd.s32 $0xFFFFFFD8  }
0x29f: {  	[tilespmem:s18], [sflag:$0x4] =	stream.linear.gather [hbm4b:s19+s8], $0x28, $0x38;
	[tilespmem:$0x1EFF0] =	vst v63  }
0x2a0: {  	_ =	swait.ge [sflag:s9], $0x28  }
0x2a1: {  	[sflag:s9] =	ssyncset.done $0x0  }
0x2a2: {  	s21 =	rddreg [dreg:$0x15];
	[sflag:s9] =	ssyncadd.s32 $0xFFFFFFD8  }
0x2a3: {  	[tilespmem:s25], [sflag:$0x4] =	stream.linear.gather [hbm4b:s21+s8], $0x280, $0x38;
	[tilespmem:$0x1EFF0] =	vst v63  }
0x2a4: {  	_ =	swait.ge [sflag:s9], $0x280  }
0x2a5: {  	[sflag:s9] =	ssyncset.done $0x0  }
0x2a6: {  	[sflag:s9] =	ssyncadd.s32 $0xFFFFFD80  }
0x2a7: {  	[tilespmem:s7], [sflag:$0x2] =	stream.indirect.gather [hbm4b:s14+s17], $0x80, s4, s17, $0xb8;
	[tilespmem:$0x1EFF0] =	vst v63  }
0x2a8: {  	_ =	swait.ge [sflag:s26], $0x1400  }
0x2a9: {  	[sflag:s26] =	ssyncset.done $0x0  }
0x2aa: {  	s10 =	simm.s32 $0x1C010;
	[sflag:s26] =	ssyncadd.s32 $0xFFFFEC00  }
0x2ab: {  	s23 =	simm.s32 $0x0;
	v2 =	vld [tilespmem:s10+$0x30]  }
0x2ac: {  	v0 =	vld [tilespmem:s23+$0x1EAF0]  }
0x2ad: {  	v3 =	vld [tilespmem:s10+$0xFFFFFFC0]  }
0x2ae: {  	v6 =	vld [tilespmem:s10+$0xFFFFFFD0]  }
0x2af: {  	v7 =	vld [tilespmem:s10+$0xFFFFFFE0]  }
0x2b0: {  	v5 =	vld [tilespmem:s10+$0xFFFFFFF0]  }
0x2b1: {  	v1 =	vld [tilespmem:s10+$0x0];
	v8 =	vmul.f32 v2, v0  }
0x2b2: {  	v4 =	vld [tilespmem:s10+$0x10];
	v9 =	vmul.f32 v3, v0  }
0x2b3: {  	s8 =	simm.s32 $0x1C090;
	v2 =	vld [tilespmem:s10+$0x20];
	v6 =	vmul.f32 v6, v0;
	[tilespmem:s10+$0x30] =	vst v8  }
0x2b4: {  	s12 =	simm.s32 $0x10;
	s11 =	simm.s32 $0x80;
	v3 =	vld [tilespmem:s8+$0x30];
	v7 =	vmul.f32 v7, v0;
	[tilespmem:s10+$0xFFFFFFC0] =	vst v9  }
.LBB2_24:
0x2b5: {  	p0 =	sne.s32 s11, $0x9C0;
	v8 =	vld [tilespmem:s12+$0x1EAF0];
	[tilespmem:s10+$0xFFFFFFD0] =	vst v6;
	v5 =	vmul.f32 v5, v0  }
0x2b6: {  	v6 =	vld [tilespmem:s8+$0xFFFFFFC0];
	[tilespmem:s10+$0xFFFFFFE0] =	vst v7;
	v1 =	vmul.f32 v1, v0  }
0x2b7: {  	v7 =	vld [tilespmem:s8+$0xFFFFFFD0];
	[tilespmem:s10+$0xFFFFFFF0] =	vst v5;
	v4 =	vmul.f32 v4, v0  }
0x2b8: {  	v9 =	vld [tilespmem:s8+$0xFFFFFFE0];
	[tilespmem:s10+$0x0] =	vst v1;
	v2 =	vmul.f32 v2, v0  }
.Ltmp11:
0x2b9: {  	v5 =	vld [tilespmem:s8+$0xFFFFFFF0];
	[tilespmem:s10+$0x10] =	vst v4;
	(pc) =	sbr.rel @p0 .LBB2_24-.Ltmp11, $4  }
0x2ba: {  	v1 =	vld [tilespmem:s8+$0x0];
	v3 =	vmul.f32 v3, v8;
	[tilespmem:s10+$0x20] =	vst v2;
	v0 =	vmov v8;
	s10 =	smov.u32 s8  }
0x2bb: {  	v8 =	vmul.f32 v6, v0;
	v4 =	vld [tilespmem:s8+$0x10]  }
0x2bc: {  	s8 =	sadd.s32 $0x80, s8;
	v6 =	vmul.f32 v7, v0;
	v2 =	vld [tilespmem:s10+$0x20];
	[tilespmem:s10+$0x30] =	vst v3  }
0x2bd: {  	s12 =	sshra.s32 s11, $0x2;
	s11 =	sadd.s32 $0x40, s11;
	v3 =	vld [tilespmem:s8+$0x30];
	[tilespmem:s10+$0xFFFFFFC0] =	vst v8;
	v7 =	vmul.f32 v9, v0  }
0x2be: {  	v8 =	vld [tilespmem:s12+$0x1EAF0]  }
0x2bf: {  	v9 =	vld [tilespmem:s8+$0xFFFFFFC0];
	[tilespmem:s10+$0xFFFFFFD0] =	vst v6;
	v5 =	vmul.f32 v5, v0  }
0x2c0: {  	v6 =	vld [tilespmem:s8+$0xFFFFFFD0];
	[tilespmem:s10+$0xFFFFFFE0] =	vst v7;
	v1 =	vmul.f32 v1, v0  }
0x2c1: {  	v7 =	vld [tilespmem:s8+$0xFFFFFFE0];
	[tilespmem:s10+$0xFFFFFFF0] =	vst v5;
	v4 =	vmul.f32 v4, v0  }
0x2c2: {  	v5 =	vld [tilespmem:s8+$0xFFFFFFF0];
	[tilespmem:s10+$0x0] =	vst v1;
	v0 =	vmul.f32 v2, v0  }
0x2c3: {  	v1 =	vld [tilespmem:s8+$0x0];
	[tilespmem:s10+$0x10] =	vst v4;
	v2 =	vmul.f32 v3, v8  }
0x2c4: {  	v3 =	vld [tilespmem:s8+$0x10];
	[tilespmem:s10+$0x20] =	vst v0;
	v0 =	vmul.f32 v9, v8  }
0x2c5: {  	v4 =	vld [tilespmem:s8+$0x20];
	v6 =	vmul.f32 v6, v8;
	[tilespmem:s8+$0x30] =	vst v2  }
0x2c6: {  	[tilespmem:s8+$0xFFFFFFC0] =	vst v0;
	v0 =	vmul.f32 v7, v8  }
0x2c7: {  	[tilespmem:s8+$0xFFFFFFD0] =	vst v6;
	v2 =	vmul.f32 v5, v8  }
0x2c8: {  	[tilespmem:s8+$0xFFFFFFE0] =	vst v0;
	v0 =	vmul.f32 v1, v8  }
0x2c9: {  	[tilespmem:s8+$0xFFFFFFF0] =	vst v2;
	v1 =	vmul.f32 v3, v8  }
0x2ca: {  	[tilespmem:s8+$0x0] =	vst v0;
	v0 =	vmul.f32 v4, v8  }
0x2cb: {  	[tilespmem:s8+$0x10] =	vst v1  }
0x2cc: {  	[tilespmem:s8+$0x20] =	vst v0  }
0x2cd: {  	[spmem:s3] =	stream.indirect.scatter.add.f32 [tilespmem:s2], [sflag:$0x4], $0x80, s22, s17, $0xb8;
	[tilespmem:$0x1EFF0] =	vst v63  }
0x2ce: {  	_ =	swait.ge [sflag:s9], $0x1400  }
0x2cf: {  	[sflag:s9] =	ssyncset.done $0x0  }
0x2d0: {  	[sflag:s9] =	ssyncadd.s32 $0xFFFFEC00  }
0x2d1: {  	_ =	swait.ge [sflag:s28], $0x1400  }
0x2d2: {  	[sflag:s28] =	ssyncset.done $0x0  }
0x2d3: {  	s10 =	simm.s32 $0x1D410;
	[sflag:s28] =	ssyncadd.s32 $0xFFFFEC00  }
0x2d4: {  	s23 =	simm.s32 $0x0;
	v2 =	vld [tilespmem:s10+$0x30]  }
0x2d5: {  	v0 =	vld [tilespmem:s23+$0x1ED70]  }
0x2d6: {  	v3 =	vld [tilespmem:s10+$0xFFFFFFC0]  }
0x2d7: {  	v6 =	vld [tilespmem:s10+$0xFFFFFFD0]  }
0x2d8: {  	v7 =	vld [tilespmem:s10+$0xFFFFFFE0]  }
0x2d9: {  	v5 =	vld [tilespmem:s10+$0xFFFFFFF0]  }
0x2da: {  	v1 =	vld [tilespmem:s10+$0x0];
	v8 =	vmul.f32 v2, v0  }
0x2db: {  	v4 =	vld [tilespmem:s10+$0x10];
	v63 =	vmul.f32 v3, v0  }
0x2dc: {  	s8 =	simm.s32 $0x1D490;
	v2 =	vld [tilespmem:s10+$0x20];
	v6 =	vmul.f32 v6, v0;
	[tilespmem:s10+$0x30] =	vst v8  }
0x2dd: {  	s12 =	simm.s32 $0x10;
	s11 =	simm.s32 $0x80;
	v3 =	vld [tilespmem:s8+$0x30];
	v7 =	vmul.f32 v7, v0;
	[tilespmem:s10+$0xFFFFFFC0] =	vst v63  }
.LBB2_26:
0x2de: {  	p0 =	sne.s32 s11, $0x9C0;
	v8 =	vld [tilespmem:s12+$0x1ED70];
	[tilespmem:s10+$0xFFFFFFD0] =	vst v6;
	v5 =	vmul.f32 v5, v0  }
0x2df: {  	v6 =	vld [tilespmem:s8+$0xFFFFFFC0];
	[tilespmem:s10+$0xFFFFFFE0] =	vst v7;
	v1 =	vmul.f32 v1, v0  }
0x2e0: {  	v7 =	vld [tilespmem:s8+$0xFFFFFFD0];
	[tilespmem:s10+$0xFFFFFFF0] =	vst v5;
	v4 =	vmul.f32 v4, v0  }
0x2e1: {  	v9 =	vld [tilespmem:s8+$0xFFFFFFE0];
	[tilespmem:s10+$0x0] =	vst v1;
	v2 =	vmul.f32 v2, v0  }
.Ltmp12:
0x2e2: {  	v5 =	vld [tilespmem:s8+$0xFFFFFFF0];
	[tilespmem:s10+$0x10] =	vst v4;
	(pc) =	sbr.rel @p0 .LBB2_26-.Ltmp12, $4  }
0x2e3: {  	v1 =	vld [tilespmem:s8+$0x0];
	v3 =	vmul.f32 v3, v8;
	[tilespmem:s10+$0x20] =	vst v2;
	v0 =	vmov v8;
	s10 =	smov.u32 s8  }
0x2e4: {  	v8 =	vmul.f32 v6, v0;
	v4 =	vld [tilespmem:s8+$0x10]  }
0x2e5: {  	s8 =	sadd.s32 $0x80, s8;
	v6 =	vmul.f32 v7, v0;
	v2 =	vld [tilespmem:s10+$0x20];
	[tilespmem:s10+$0x30] =	vst v3  }
0x2e6: {  	s12 =	sshra.s32 s11, $0x2;
	s11 =	sadd.s32 $0x40, s11;
	v3 =	vld [tilespmem:s8+$0x30];
	[tilespmem:s10+$0xFFFFFFC0] =	vst v8;
	v7 =	vmul.f32 v9, v0  }
0x2e7: {  	v8 =	vld [tilespmem:s12+$0x1ED70]  }
0x2e8: {  	v9 =	vld [tilespmem:s8+$0xFFFFFFC0];
	[tilespmem:s10+$0xFFFFFFD0] =	vst v6;
	v5 =	vmul.f32 v5, v0  }
0x2e9: {  	v50 =	vld [tilespmem:s8+$0xFFFFFFD0];
	[tilespmem:s10+$0xFFFFFFE0] =	vst v7;
	v1 =	vmul.f32 v1, v0  }
0x2ea: {  	v51 =	vld [tilespmem:s8+$0xFFFFFFE0];
	[tilespmem:s10+$0xFFFFFFF0] =	vst v5;
	v4 =	vmul.f32 v4, v0  }
0x2eb: {  	v52 =	vld [tilespmem:s8+$0xFFFFFFF0];
	[tilespmem:s10+$0x0] =	vst v1;
	v53 =	vmul.f32 v2, v0  }
0x2ec: {  	v54 =	vld [tilespmem:s8+$0x0];
	[tilespmem:s10+$0x10] =	vst v4;
	v55 =	vmul.f32 v3, v8  }
0x2ed: {  	v56 =	vld [tilespmem:s8+$0x10];
	[tilespmem:s10+$0x20] =	vst v53;
	v57 =	vmul.f32 v9, v8  }
0x2ee: {  	v58 =	vld [tilespmem:s8+$0x20];
	v6 =	vmul.f32 v50, v8;
	[tilespmem:s8+$0x30] =	vst v55  }
0x2ef: {  	v59 =	vmul.f32 v51, v8;
	[tilespmem:s8+$0xFFFFFFC0] =	vst v57  }
0x2f0: {  	v60 =	vmul.f32 v52, v8;
	[tilespmem:s8+$0xFFFFFFD0] =	vst v6  }
0x2f1: {  	v61 =	vmul.f32 v54, v8;
	[tilespmem:s8+$0xFFFFFFE0] =	vst v59  }
0x2f2: {  	v62 =	vmul.f32 v56, v8;
	[tilespmem:s8+$0xFFFFFFF0] =	vst v60  }
0x2f3: {  	v63 =	vmul.f32 v58, v8;
	[tilespmem:s8+$0x0] =	vst v61  }
0x2f4: {  	[tilespmem:s8+$0x10] =	vst v62  }
0x2f5: {  	[tilespmem:s8+$0x20] =	vst v63  }
0x2f6: {  	[spmem:s3] =	stream.indirect.scatter.add.f32 [tilespmem:s7], [sflag:$0x4], $0x80, s18, s17, $0xb8;
	[tilespmem:$0x1EFF0] =	vst v63  }
0x2f7: {  	_ =	swait.ge [sflag:s9], $0x1400  }
0x2f8: {  	[sflag:s9] =	ssyncset.done $0x0  }
0x2f9: {  	[sflag:s9] =	ssyncadd.s32 $0xFFFFEC00  }
0x2fa: {  	[bflag:$0x0] =	sbarrier.arrive $0xFFFF  }
0x2fb: {  	s21 =	rddreg [dreg:$0xd]  }
0x2fc: {  	s23 =	rddreg [dreg:$0x17]  }
0x2fd: {  	s11 =	rddreg [dreg:$0x1c]  }
0x2fe: {  	[hbm:s23], [sflag:s21] =	dma.local [spmem:s11], $0x2800  }
0x2ff: {  	_ =	swait.ge [sflag:s9], $0x2800  }
0x300: {  	[sflag:s9] =	ssyncset.done $0x0  }
0x301: {  	[sflag:s9] =	ssyncadd.s32 $0xFFFFD800  }
0x302: {  	[bflag:$0x0] =	sbarrier.arrive $0xFFFF  }
0x303: {  	s12 =	rddreg [dreg:$0xb]  }
0x304: {  	[spmem:s11], [sflag:s21] =	dma.local [hbm:s12], $0x2800  }
0x305: {  	_ =	swait.ge [sflag:s9], $0x2800  }
0x306: {  	[sflag:s9] =	ssyncset.done $0x0  }
0x307: {  	[sflag:s9] =	ssyncadd.s32 $0xFFFFD800  }
0x308: {  	[bflag:$0x0] =	sbarrier.arrive $0xFFFF  }
0x309: {  	s8 =	simm.s32 $0x0;
	s19 =	rddreg [dreg:$0x10]  }
0x30a: {  	[tilespmem:s31], [sflag:$0x4] =	stream.linear.gather [hbm4b:s19+s8], $0x28, $0x38;
	[tilespmem:$0x1EFF0] =	vst v63  }
0x30b: {  	_ =	swait.ge [sflag:s9], $0x28  }
0x30c: {  	[sflag:s9] =	ssyncset.done $0x0  }
0x30d: {  	s21 =	rddreg [dreg:$0x11];
	[sflag:s9] =	ssyncadd.s32 $0xFFFFFFD8  }
0x30e: {  	[tilespmem:s22], [sflag:$0x4] =	stream.linear.gather [hbm4b:s21+s8], $0x28, $0x38;
	[tilespmem:$0x1EFF0] =	vst v63  }
0x30f: {  	_ =	swait.ge [sflag:s9], $0x28  }
0x310: {  	[sflag:s9] =	ssyncset.done $0x0  }
0x311: {  	s23 =	rddreg [dreg:$0x12];
	[sflag:s9] =	ssyncadd.s32 $0xFFFFFFD8  }
0x312: {  	[tilespmem:s1], [sflag:$0x4] =	stream.linear.gather [hbm4b:s23+s8], $0x280, $0x38;
	[tilespmem:$0x1EFF0] =	vst v63  }
0x313: {  	_ =	swait.ge [sflag:s9], $0x280  }
0x314: {  	[sflag:s9] =	ssyncset.done $0x0  }
0x315: {  	s10 =	simm.s32 $0x0;
	[sflag:s9] =	ssyncadd.s32 $0xFFFFFD80  }
0x316: {  	[tilespmem:s2], [sflag:$0x1] =	stream.indirect.gather [hbm4b:s15+s17], $0x80, s31, s17, $0xb8;
	[tilespmem:$0x1EFF0] =	vst v63  }
.LBB2_28:
0x317: {  	s11 =	smul.u32 $0x50, s10;
	_ =	sdelay $0x1  }
0x318: {  	s12 =	sadd.s32 s11, s24  }
0x319: {  	s19 =	sshrl.u32 s12, $0x3  }
0x31a: {  	s21 =	sadd.s32 s5, s19  }
0x31b: {  	[tilespmem:s4], [sflag:$0x4] =	stream.linear.gather [hbm4b:s21+s8], $0x28, $0x38;
	[tilespmem:$0x1EFF0] =	vst v63  }
0x31c: {  	_ =	swait.ge [sflag:s9], $0x28  }
0x31d: {  	[sflag:s9] =	ssyncset.done $0x0  }
0x31e: {  	s19 =	sadd.s32 s6, s19;
	[sflag:s9] =	ssyncadd.s32 $0xFFFFFFD8  }
0x31f: {  	[tilespmem:s18], [sflag:$0x4] =	stream.linear.gather [hbm4b:s19+s8], $0x28, $0x38;
	[tilespmem:$0x1EFF0] =	vst v63  }
0x320: {  	s12 =	sshll.u32 s12, $0x1;
	_ =	swait.ge [sflag:s9], $0x28  }
0x321: {  	s12 =	sand.u32 $0x1FFFFFF0, s12;
	[sflag:s9] =	ssyncset.done $0x0  }
0x322: {  	s12 =	sadd.s32 s20, s12;
	[sflag:s9] =	ssyncadd.s32 $0xFFFFFFD8  }
0x323: {  	[tilespmem:s25], [sflag:$0x4] =	stream.linear.gather [hbm4b:s12+s8], $0x280, $0x38;
	[tilespmem:$0x1EFF0] =	vst v63  }
0x324: {  	_ =	swait.ge [sflag:s9], $0x280  }
0x325: {  	[sflag:s9] =	ssyncset.done $0x0  }
0x326: {  	[sflag:s9] =	ssyncadd.s32 $0xFFFFFD80  }
0x327: {  	[tilespmem:s7], [sflag:$0x2] =	stream.indirect.gather [hbm4b:s15+s17], $0x80, s4, s17, $0xb8;
	[tilespmem:$0x1EFF0] =	vst v63  }
0x328: {  	_ =	swait.ge [sflag:s26], $0x1400  }
0x329: {  	[sflag:s26] =	ssyncset.done $0x0  }
0x32a: {  	s19 =	simm.s32 $0x1C010;
	[sflag:s26] =	ssyncadd.s32 $0xFFFFEC00  }
0x32b: {  	s23 =	simm.s32 $0x0;
	v2 =	vld [tilespmem:s19+$0x30]  }
0x32c: {  	v0 =	vld [tilespmem:s23+$0x1EAF0]  }
0x32d: {  	v3 =	vld [tilespmem:s19+$0xFFFFFFC0]  }
0x32e: {  	v6 =	vld [tilespmem:s19+$0xFFFFFFD0]  }
0x32f: {  	v7 =	vld [tilespmem:s19+$0xFFFFFFE0]  }
0x330: {  	v5 =	vld [tilespmem:s19+$0xFFFFFFF0]  }
0x331: {  	v1 =	vld [tilespmem:s19+$0x0];
	v8 =	vmul.f32 v2, v0  }
0x332: {  	v4 =	vld [tilespmem:s19+$0x10];
	v9 =	vmul.f32 v3, v0  }
0x333: {  	s12 =	simm.s32 $0x1C090;
	v2 =	vld [tilespmem:s19+$0x20];
	v6 =	vmul.f32 v6, v0;
	[tilespmem:s19+$0x30] =	vst v8  }
0x334: {  	s21 =	simm.s32 $0x80;
	s23 =	simm.s32 $0x10;
	v3 =	vld [tilespmem:s12+$0x30];
	v7 =	vmul.f32 v7, v0;
	[tilespmem:s19+$0xFFFFFFC0] =	vst v9  }
.LBB2_29:
0x335: {  	p0 =	sne.s32 s21, $0x9C0;
	v8 =	vld [tilespmem:s23+$0x1EAF0];
	[tilespmem:s19+$0xFFFFFFD0] =	vst v6;
	v5 =	vmul.f32 v5, v0  }
0x336: {  	v6 =	vld [tilespmem:s12+$0xFFFFFFC0];
	[tilespmem:s19+$0xFFFFFFE0] =	vst v7;
	v1 =	vmul.f32 v1, v0  }
0x337: {  	v7 =	vld [tilespmem:s12+$0xFFFFFFD0];
	[tilespmem:s19+$0xFFFFFFF0] =	vst v5;
	v4 =	vmul.f32 v4, v0  }
0x338: {  	v9 =	vld [tilespmem:s12+$0xFFFFFFE0];
	[tilespmem:s19+$0x0] =	vst v1;
	v2 =	vmul.f32 v2, v0  }
.Ltmp13:
0x339: {  	v5 =	vld [tilespmem:s12+$0xFFFFFFF0];
	[tilespmem:s19+$0x10] =	vst v4;
	(pc) =	sbr.rel @p0 .LBB2_29-.Ltmp13, $4  }
0x33a: {  	v1 =	vld [tilespmem:s12+$0x0];
	v3 =	vmul.f32 v3, v8;
	[tilespmem:s19+$0x20] =	vst v2;
	v0 =	vmov v8;
	s19 =	smov.u32 s12  }
0x33b: {  	v8 =	vmul.f32 v6, v0;
	v4 =	vld [tilespmem:s12+$0x10]  }
0x33c: {  	s12 =	sadd.s32 $0x80, s12;
	v6 =	vmul.f32 v7, v0;
	v2 =	vld [tilespmem:s19+$0x20];
	[tilespmem:s19+$0x30] =	vst v3  }
0x33d: {  	s23 =	sshra.s32 s21, $0x2;
	s21 =	sadd.s32 $0x40, s21;
	v3 =	vld [tilespmem:s12+$0x30];
	[tilespmem:s19+$0xFFFFFFC0] =	vst v8;
	v7 =	vmul.f32 v9, v0  }
0x33e: {  	v8 =	vld [tilespmem:s23+$0x1EAF0]  }
0x33f: {  	v9 =	vld [tilespmem:s12+$0xFFFFFFC0];
	[tilespmem:s19+$0xFFFFFFD0] =	vst v6;
	v5 =	vmul.f32 v5, v0  }
0x340: {  	v6 =	vld [tilespmem:s12+$0xFFFFFFD0];
	[tilespmem:s19+$0xFFFFFFE0] =	vst v7;
	v1 =	vmul.f32 v1, v0  }
0x341: {  	v7 =	vld [tilespmem:s12+$0xFFFFFFE0];
	[tilespmem:s19+$0xFFFFFFF0] =	vst v5;
	v4 =	vmul.f32 v4, v0  }
0x342: {  	v5 =	vld [tilespmem:s12+$0xFFFFFFF0];
	[tilespmem:s19+$0x0] =	vst v1;
	v0 =	vmul.f32 v2, v0  }
0x343: {  	v1 =	vld [tilespmem:s12+$0x0];
	[tilespmem:s19+$0x10] =	vst v4;
	v2 =	vmul.f32 v3, v8  }
0x344: {  	v3 =	vld [tilespmem:s12+$0x10];
	[tilespmem:s19+$0x20] =	vst v0;
	v0 =	vmul.f32 v9, v8  }
0x345: {  	v4 =	vld [tilespmem:s12+$0x20];
	v6 =	vmul.f32 v6, v8;
	[tilespmem:s12+$0x30] =	vst v2  }
0x346: {  	[tilespmem:s12+$0xFFFFFFC0] =	vst v0;
	v0 =	vmul.f32 v7, v8  }
0x347: {  	[tilespmem:s12+$0xFFFFFFD0] =	vst v6;
	v2 =	vmul.f32 v5, v8  }
0x348: {  	[tilespmem:s12+$0xFFFFFFE0] =	vst v0;
	v0 =	vmul.f32 v1, v8  }
0x349: {  	[tilespmem:s12+$0xFFFFFFF0] =	vst v2;
	v1 =	vmul.f32 v3, v8  }
0x34a: {  	[tilespmem:s12+$0x0] =	vst v0;
	v0 =	vmul.f32 v4, v8  }
0x34b: {  	[tilespmem:s12+$0x10] =	vst v1  }
0x34c: {  	[tilespmem:s12+$0x20] =	vst v0  }
0x34d: {  	[spmem:s3] =	stream.indirect.scatter.add.f32 [tilespmem:s2], [sflag:$0x4], $0x80, s22, s17, $0xb8;
	[tilespmem:$0x1EFF0] =	vst v63  }
0x34e: {  	s11 =	sadd.s32 s11, s0;
	_ =	swait.ge [sflag:s9], $0x1400  }
0x34f: {  	s12 =	sshrl.u32 s11, $0x3;
	[sflag:s9] =	ssyncset.done $0x0  }
0x350: {  	s21 =	simm.s32 $0x0;
	s23 =	sadd.s32 s5, s12;
	[sflag:s9] =	ssyncadd.s32 $0xFFFFEC00  }
0x351: {  	[tilespmem:s31], [sflag:$0x4] =	stream.linear.gather [hbm4b:s23+s21], $0x28, $0x38;
	[tilespmem:$0x1EFF0] =	vst v63  }
0x352: {  	_ =	swait.ge [sflag:s9], $0x28  }
0x353: {  	[sflag:s9] =	ssyncset.done $0x0  }
0x354: {  	s12 =	sadd.s32 s6, s12;
	[sflag:s9] =	ssyncadd.s32 $0xFFFFFFD8  }
0x355: {  	[tilespmem:s22], [sflag:$0x4] =	stream.linear.gather [hbm4b:s12+s21], $0x28, $0x38;
	[tilespmem:$0x1EFF0] =	vst v63  }
0x356: {  	s11 =	sshll.u32 s11, $0x1;
	_ =	swait.ge [sflag:s9], $0x28  }
0x357: {  	s11 =	sand.u32 $0x1FFFFFE0, s11;
	[sflag:s9] =	ssyncset.done $0x0  }
0x358: {  	s11 =	sadd.s32 s20, s11;
	[sflag:s9] =	ssyncadd.s32 $0xFFFFFFD8  }
0x359: {  	[tilespmem:s1], [sflag:$0x4] =	stream.linear.gather [hbm4b:s11+s21], $0x280, $0x38;
	[tilespmem:$0x1EFF0] =	vst v63  }
0x35a: {  	_ =	swait.ge [sflag:s9], $0x280  }
0x35b: {  	[sflag:s9] =	ssyncset.done $0x0  }
0x35c: {  	[sflag:s9] =	ssyncadd.s32 $0xFFFFFD80  }
0x35d: {  	[tilespmem:s2], [sflag:$0x1] =	stream.indirect.gather [hbm4b:s15+s17], $0x80, s31, s17, $0xb8;
	[tilespmem:$0x1EFF0] =	vst v63  }
0x35e: {  	_ =	swait.ge [sflag:s28], $0x1400  }
0x35f: {  	[sflag:s28] =	ssyncset.done $0x0  }
0x360: {  	s12 =	simm.s32 $0x1D410;
	[sflag:s28] =	ssyncadd.s32 $0xFFFFEC00  }
0x361: {  	s23 =	simm.s32 $0x0;
	v2 =	vld [tilespmem:s12+$0x30]  }
0x362: {  	v0 =	vld [tilespmem:s23+$0x1ED70]  }
0x363: {  	v3 =	vld [tilespmem:s12+$0xFFFFFFC0]  }
0x364: {  	v6 =	vld [tilespmem:s12+$0xFFFFFFD0]  }
0x365: {  	v7 =	vld [tilespmem:s12+$0xFFFFFFE0]  }
0x366: {  	v5 =	vld [tilespmem:s12+$0xFFFFFFF0]  }
0x367: {  	v1 =	vld [tilespmem:s12+$0x0];
	v8 =	vmul.f32 v2, v0  }
0x368: {  	v4 =	vld [tilespmem:s12+$0x10];
	v63 =	vmul.f32 v3, v0  }
0x369: {  	s11 =	simm.s32 $0x1D490;
	v2 =	vld [tilespmem:s12+$0x20];
	v6 =	vmul.f32 v6, v0;
	[tilespmem:s12+$0x30] =	vst v8  }
0x36a: {  	s19 =	simm.s32 $0x80;
	s21 =	simm.s32 $0x10;
	v3 =	vld [tilespmem:s11+$0x30];
	v7 =	vmul.f32 v7, v0;
	[tilespmem:s12+$0xFFFFFFC0] =	vst v63  }
.LBB2_31:
0x36b: {  	p0 =	sne.s32 s19, $0x9C0;
	v8 =	vld [tilespmem:s21+$0x1ED70];
	[tilespmem:s12+$0xFFFFFFD0] =	vst v6;
	v5 =	vmul.f32 v5, v0  }
0x36c: {  	v6 =	vld [tilespmem:s11+$0xFFFFFFC0];
	[tilespmem:s12+$0xFFFFFFE0] =	vst v7;
	v1 =	vmul.f32 v1, v0  }
0x36d: {  	v7 =	vld [tilespmem:s11+$0xFFFFFFD0];
	[tilespmem:s12+$0xFFFFFFF0] =	vst v5;
	v4 =	vmul.f32 v4, v0  }
0x36e: {  	v9 =	vld [tilespmem:s11+$0xFFFFFFE0];
	[tilespmem:s12+$0x0] =	vst v1;
	v2 =	vmul.f32 v2, v0  }
.Ltmp14:
0x36f: {  	v5 =	vld [tilespmem:s11+$0xFFFFFFF0];
	[tilespmem:s12+$0x10] =	vst v4;
	(pc) =	sbr.rel @p0 .LBB2_31-.Ltmp14, $4  }
0x370: {  	v1 =	vld [tilespmem:s11+$0x0];
	v3 =	vmul.f32 v3, v8;
	[tilespmem:s12+$0x20] =	vst v2;
	v0 =	vmov v8;
	s12 =	smov.u32 s11  }
0x371: {  	v8 =	vmul.f32 v6, v0;
	v4 =	vld [tilespmem:s11+$0x10]  }
0x372: {  	s11 =	sadd.s32 $0x80, s11;
	v6 =	vmul.f32 v7, v0;
	v2 =	vld [tilespmem:s12+$0x20];
	[tilespmem:s12+$0x30] =	vst v3  }
0x373: {  	s21 =	sshra.s32 s19, $0x2;
	s19 =	sadd.s32 $0x40, s19;
	v3 =	vld [tilespmem:s11+$0x30];
	[tilespmem:s12+$0xFFFFFFC0] =	vst v8;
	v7 =	vmul.f32 v9, v0  }
0x374: {  	v8 =	vld [tilespmem:s21+$0x1ED70]  }
0x375: {  	v9 =	vld [tilespmem:s11+$0xFFFFFFC0];
	[tilespmem:s12+$0xFFFFFFD0] =	vst v6;
	v5 =	vmul.f32 v5, v0  }
0x376: {  	v50 =	vld [tilespmem:s11+$0xFFFFFFD0];
	[tilespmem:s12+$0xFFFFFFE0] =	vst v7;
	v1 =	vmul.f32 v1, v0  }
0x377: {  	v51 =	vld [tilespmem:s11+$0xFFFFFFE0];
	[tilespmem:s12+$0xFFFFFFF0] =	vst v5;
	v4 =	vmul.f32 v4, v0  }
0x378: {  	v52 =	vld [tilespmem:s11+$0xFFFFFFF0];
	[tilespmem:s12+$0x0] =	vst v1;
	v53 =	vmul.f32 v2, v0  }
0x379: {  	v54 =	vld [tilespmem:s11+$0x0];
	[tilespmem:s12+$0x10] =	vst v4;
	v55 =	vmul.f32 v3, v8  }
0x37a: {  	v56 =	vld [tilespmem:s11+$0x10];
	[tilespmem:s12+$0x20] =	vst v53;
	v57 =	vmul.f32 v9, v8  }
0x37b: {  	v58 =	vld [tilespmem:s11+$0x20];
	v6 =	vmul.f32 v50, v8;
	[tilespmem:s11+$0x30] =	vst v55  }
0x37c: {  	v59 =	vmul.f32 v51, v8;
	[tilespmem:s11+$0xFFFFFFC0] =	vst v57  }
0x37d: {  	v60 =	vmul.f32 v52, v8;
	[tilespmem:s11+$0xFFFFFFD0] =	vst v6  }
0x37e: {  	v61 =	vmul.f32 v54, v8;
	[tilespmem:s11+$0xFFFFFFE0] =	vst v59  }
0x37f: {  	v62 =	vmul.f32 v56, v8;
	[tilespmem:s11+$0xFFFFFFF0] =	vst v60  }
0x380: {  	s10 =	sadd.s32 $0x1, s10;
	v63 =	vmul.f32 v58, v8;
	[tilespmem:s11+$0x0] =	vst v61  }
0x381: {  	p0 =	sne.s32 s10, $0x7C;
	[tilespmem:s11+$0x10] =	vst v62  }
.Ltmp15:
0x382: {  	[tilespmem:s11+$0x20] =	vst v63;
	(pc) =	sbr.rel @p0 .LBB2_28-.Ltmp15, $4  }
0x383: {  	[spmem:s3] =	stream.indirect.scatter.add.f32 [tilespmem:s7], [sflag:$0x4], $0x80, s18, s17, $0xb8;
	[tilespmem:$0x1EFF0] =	vst v63  }
0x384: {  	_ =	swait.ge [sflag:s9], $0x1400  }
0x385: {  	[sflag:s9] =	ssyncset.done $0x0  }
0x386: {  	[sflag:s9] =	ssyncadd.s32 $0xFFFFEC00  }
0x387: {  	s8 =	simm.s32 $0x0;
	s10 =	rddreg [dreg:$0x13]  }
0x388: {  	[tilespmem:s4], [sflag:$0x4] =	stream.linear.gather [hbm4b:s10+s8], $0x28, $0x38;
	[tilespmem:$0x1EFF0] =	vst v63  }
0x389: {  	_ =	swait.ge [sflag:s9], $0x28  }
0x38a: {  	[sflag:s9] =	ssyncset.done $0x0  }
0x38b: {  	s19 =	rddreg [dreg:$0x14];
	[sflag:s9] =	ssyncadd.s32 $0xFFFFFFD8  }
0x38c: {  	[tilespmem:s18], [sflag:$0x4] =	stream.linear.gather [hbm4b:s19+s8], $0x28, $0x38;
	[tilespmem:$0x1EFF0] =	vst v63  }
0x38d: {  	_ =	swait.ge [sflag:s9], $0x28  }
0x38e: {  	[sflag:s9] =	ssyncset.done $0x0  }
0x38f: {  	s21 =	rddreg [dreg:$0x15];
	[sflag:s9] =	ssyncadd.s32 $0xFFFFFFD8  }
0x390: {  	[tilespmem:s25], [sflag:$0x4] =	stream.linear.gather [hbm4b:s21+s8], $0x280, $0x38;
	[tilespmem:$0x1EFF0] =	vst v63  }
0x391: {  	_ =	swait.ge [sflag:s9], $0x280  }
0x392: {  	[sflag:s9] =	ssyncset.done $0x0  }
0x393: {  	[sflag:s9] =	ssyncadd.s32 $0xFFFFFD80  }
0x394: {  	[tilespmem:s7], [sflag:$0x2] =	stream.indirect.gather [hbm4b:s15+s17], $0x80, s4, s17, $0xb8;
	[tilespmem:$0x1EFF0] =	vst v63  }
0x395: {  	_ =	swait.ge [sflag:s26], $0x1400  }
0x396: {  	[sflag:s26] =	ssyncset.done $0x0  }
0x397: {  	s10 =	simm.s32 $0x1C010;
	[sflag:s26] =	ssyncadd.s32 $0xFFFFEC00  }
0x398: {  	s23 =	simm.s32 $0x0;
	v2 =	vld [tilespmem:s10+$0x30]  }
0x399: {  	v0 =	vld [tilespmem:s23+$0x1EAF0]  }
0x39a: {  	v3 =	vld [tilespmem:s10+$0xFFFFFFC0]  }
0x39b: {  	v6 =	vld [tilespmem:s10+$0xFFFFFFD0]  }
0x39c: {  	v7 =	vld [tilespmem:s10+$0xFFFFFFE0]  }
0x39d: {  	v5 =	vld [tilespmem:s10+$0xFFFFFFF0]  }
0x39e: {  	v1 =	vld [tilespmem:s10+$0x0];
	v8 =	vmul.f32 v2, v0  }
0x39f: {  	v4 =	vld [tilespmem:s10+$0x10];
	v9 =	vmul.f32 v3, v0  }
0x3a0: {  	s8 =	simm.s32 $0x1C090;
	v2 =	vld [tilespmem:s10+$0x20];
	v6 =	vmul.f32 v6, v0;
	[tilespmem:s10+$0x30] =	vst v8  }
0x3a1: {  	s12 =	simm.s32 $0x10;
	s11 =	simm.s32 $0x80;
	v3 =	vld [tilespmem:s8+$0x30];
	v7 =	vmul.f32 v7, v0;
	[tilespmem:s10+$0xFFFFFFC0] =	vst v9  }
.LBB2_34:
0x3a2: {  	p0 =	sne.s32 s11, $0x9C0;
	v8 =	vld [tilespmem:s12+$0x1EAF0];
	[tilespmem:s10+$0xFFFFFFD0] =	vst v6;
	v5 =	vmul.f32 v5, v0  }
0x3a3: {  	v6 =	vld [tilespmem:s8+$0xFFFFFFC0];
	[tilespmem:s10+$0xFFFFFFE0] =	vst v7;
	v1 =	vmul.f32 v1, v0  }
0x3a4: {  	v7 =	vld [tilespmem:s8+$0xFFFFFFD0];
	[tilespmem:s10+$0xFFFFFFF0] =	vst v5;
	v4 =	vmul.f32 v4, v0  }
0x3a5: {  	v9 =	vld [tilespmem:s8+$0xFFFFFFE0];
	[tilespmem:s10+$0x0] =	vst v1;
	v2 =	vmul.f32 v2, v0  }
.Ltmp16:
0x3a6: {  	v5 =	vld [tilespmem:s8+$0xFFFFFFF0];
	[tilespmem:s10+$0x10] =	vst v4;
	(pc) =	sbr.rel @p0 .LBB2_34-.Ltmp16, $4  }
0x3a7: {  	v1 =	vld [tilespmem:s8+$0x0];
	v3 =	vmul.f32 v3, v8;
	[tilespmem:s10+$0x20] =	vst v2;
	v0 =	vmov v8;
	s10 =	smov.u32 s8  }
0x3a8: {  	v8 =	vmul.f32 v6, v0;
	v4 =	vld [tilespmem:s8+$0x10]  }
0x3a9: {  	s8 =	sadd.s32 $0x80, s8;
	v6 =	vmul.f32 v7, v0;
	v2 =	vld [tilespmem:s10+$0x20];
	[tilespmem:s10+$0x30] =	vst v3  }
0x3aa: {  	s12 =	sshra.s32 s11, $0x2;
	s11 =	sadd.s32 $0x40, s11;
	v3 =	vld [tilespmem:s8+$0x30];
	[tilespmem:s10+$0xFFFFFFC0] =	vst v8;
	v7 =	vmul.f32 v9, v0  }
0x3ab: {  	v8 =	vld [tilespmem:s12+$0x1EAF0]  }
0x3ac: {  	v9 =	vld [tilespmem:s8+$0xFFFFFFC0];
	[tilespmem:s10+$0xFFFFFFD0] =	vst v6;
	v5 =	vmul.f32 v5, v0  }
0x3ad: {  	v6 =	vld [tilespmem:s8+$0xFFFFFFD0];
	[tilespmem:s10+$0xFFFFFFE0] =	vst v7;
	v1 =	vmul.f32 v1, v0  }
0x3ae: {  	v7 =	vld [tilespmem:s8+$0xFFFFFFE0];
	[tilespmem:s10+$0xFFFFFFF0] =	vst v5;
	v4 =	vmul.f32 v4, v0  }
0x3af: {  	v5 =	vld [tilespmem:s8+$0xFFFFFFF0];
	[tilespmem:s10+$0x0] =	vst v1;
	v0 =	vmul.f32 v2, v0  }
0x3b0: {  	v1 =	vld [tilespmem:s8+$0x0];
	[tilespmem:s10+$0x10] =	vst v4;
	v2 =	vmul.f32 v3, v8  }
0x3b1: {  	v3 =	vld [tilespmem:s8+$0x10];
	[tilespmem:s10+$0x20] =	vst v0;
	v0 =	vmul.f32 v9, v8  }
0x3b2: {  	v4 =	vld [tilespmem:s8+$0x20];
	v6 =	vmul.f32 v6, v8;
	[tilespmem:s8+$0x30] =	vst v2  }
0x3b3: {  	[tilespmem:s8+$0xFFFFFFC0] =	vst v0;
	v0 =	vmul.f32 v7, v8  }
0x3b4: {  	[tilespmem:s8+$0xFFFFFFD0] =	vst v6;
	v2 =	vmul.f32 v5, v8  }
0x3b5: {  	[tilespmem:s8+$0xFFFFFFE0] =	vst v0;
	v0 =	vmul.f32 v1, v8  }
0x3b6: {  	[tilespmem:s8+$0xFFFFFFF0] =	vst v2;
	v1 =	vmul.f32 v3, v8  }
0x3b7: {  	[tilespmem:s8+$0x0] =	vst v0;
	v0 =	vmul.f32 v4, v8  }
0x3b8: {  	[tilespmem:s8+$0x10] =	vst v1  }
0x3b9: {  	[tilespmem:s8+$0x20] =	vst v0  }
0x3ba: {  	[spmem:s3] =	stream.indirect.scatter.add.f32 [tilespmem:s2], [sflag:$0x4], $0x80, s22, s17, $0xb8;
	[tilespmem:$0x1EFF0] =	vst v63  }
0x3bb: {  	_ =	swait.ge [sflag:s9], $0x1400  }
0x3bc: {  	[sflag:s9] =	ssyncset.done $0x0  }
0x3bd: {  	[sflag:s9] =	ssyncadd.s32 $0xFFFFEC00  }
0x3be: {  	_ =	swait.ge [sflag:s28], $0x1400  }
0x3bf: {  	[sflag:s28] =	ssyncset.done $0x0  }
0x3c0: {  	s10 =	simm.s32 $0x1D410;
	[sflag:s28] =	ssyncadd.s32 $0xFFFFEC00  }
0x3c1: {  	s23 =	simm.s32 $0x0;
	v2 =	vld [tilespmem:s10+$0x30]  }
0x3c2: {  	v0 =	vld [tilespmem:s23+$0x1ED70]  }
0x3c3: {  	v3 =	vld [tilespmem:s10+$0xFFFFFFC0]  }
0x3c4: {  	v6 =	vld [tilespmem:s10+$0xFFFFFFD0]  }
0x3c5: {  	v7 =	vld [tilespmem:s10+$0xFFFFFFE0]  }
0x3c6: {  	v5 =	vld [tilespmem:s10+$0xFFFFFFF0]  }
0x3c7: {  	v1 =	vld [tilespmem:s10+$0x0];
	v8 =	vmul.f32 v2, v0  }
0x3c8: {  	v4 =	vld [tilespmem:s10+$0x10];
	v63 =	vmul.f32 v3, v0  }
0x3c9: {  	s8 =	simm.s32 $0x1D490;
	v2 =	vld [tilespmem:s10+$0x20];
	v6 =	vmul.f32 v6, v0;
	[tilespmem:s10+$0x30] =	vst v8  }
0x3ca: {  	s12 =	simm.s32 $0x10;
	s11 =	simm.s32 $0x80;
	v3 =	vld [tilespmem:s8+$0x30];
	v7 =	vmul.f32 v7, v0;
	[tilespmem:s10+$0xFFFFFFC0] =	vst v63  }
.LBB2_36:
0x3cb: {  	p0 =	sne.s32 s11, $0x9C0;
	v8 =	vld [tilespmem:s12+$0x1ED70];
	[tilespmem:s10+$0xFFFFFFD0] =	vst v6;
	v5 =	vmul.f32 v5, v0  }
0x3cc: {  	v6 =	vld [tilespmem:s8+$0xFFFFFFC0];
	[tilespmem:s10+$0xFFFFFFE0] =	vst v7;
	v1 =	vmul.f32 v1, v0  }
0x3cd: {  	v7 =	vld [tilespmem:s8+$0xFFFFFFD0];
	[tilespmem:s10+$0xFFFFFFF0] =	vst v5;
	v4 =	vmul.f32 v4, v0  }
0x3ce: {  	v9 =	vld [tilespmem:s8+$0xFFFFFFE0];
	[tilespmem:s10+$0x0] =	vst v1;
	v2 =	vmul.f32 v2, v0  }
.Ltmp17:
0x3cf: {  	v5 =	vld [tilespmem:s8+$0xFFFFFFF0];
	[tilespmem:s10+$0x10] =	vst v4;
	(pc) =	sbr.rel @p0 .LBB2_36-.Ltmp17, $4  }
0x3d0: {  	v1 =	vld [tilespmem:s8+$0x0];
	v3 =	vmul.f32 v3, v8;
	[tilespmem:s10+$0x20] =	vst v2;
	v0 =	vmov v8;
	s10 =	smov.u32 s8  }
0x3d1: {  	v8 =	vmul.f32 v6, v0;
	v4 =	vld [tilespmem:s8+$0x10]  }
0x3d2: {  	s8 =	sadd.s32 $0x80, s8;
	v6 =	vmul.f32 v7, v0;
	v2 =	vld [tilespmem:s10+$0x20];
	[tilespmem:s10+$0x30] =	vst v3  }
0x3d3: {  	s12 =	sshra.s32 s11, $0x2;
	s11 =	sadd.s32 $0x40, s11;
	v3 =	vld [tilespmem:s8+$0x30];
	[tilespmem:s10+$0xFFFFFFC0] =	vst v8;
	v7 =	vmul.f32 v9, v0  }
0x3d4: {  	v8 =	vld [tilespmem:s12+$0x1ED70]  }
0x3d5: {  	v9 =	vld [tilespmem:s8+$0xFFFFFFC0];
	[tilespmem:s10+$0xFFFFFFD0] =	vst v6;
	v5 =	vmul.f32 v5, v0  }
0x3d6: {  	v50 =	vld [tilespmem:s8+$0xFFFFFFD0];
	[tilespmem:s10+$0xFFFFFFE0] =	vst v7;
	v1 =	vmul.f32 v1, v0  }
0x3d7: {  	v51 =	vld [tilespmem:s8+$0xFFFFFFE0];
	[tilespmem:s10+$0xFFFFFFF0] =	vst v5;
	v4 =	vmul.f32 v4, v0  }
0x3d8: {  	v52 =	vld [tilespmem:s8+$0xFFFFFFF0];
	[tilespmem:s10+$0x0] =	vst v1;
	v53 =	vmul.f32 v2, v0  }
0x3d9: {  	v54 =	vld [tilespmem:s8+$0x0];
	[tilespmem:s10+$0x10] =	vst v4;
	v55 =	vmul.f32 v3, v8  }
0x3da: {  	v56 =	vld [tilespmem:s8+$0x10];
	[tilespmem:s10+$0x20] =	vst v53;
	v57 =	vmul.f32 v9, v8  }
0x3db: {  	v58 =	vld [tilespmem:s8+$0x20];
	v6 =	vmul.f32 v50, v8;
	[tilespmem:s8+$0x30] =	vst v55  }
0x3dc: {  	v59 =	vmul.f32 v51, v8;
	[tilespmem:s8+$0xFFFFFFC0] =	vst v57  }
0x3dd: {  	v60 =	vmul.f32 v52, v8;
	[tilespmem:s8+$0xFFFFFFD0] =	vst v6  }
0x3de: {  	v61 =	vmul.f32 v54, v8;
	[tilespmem:s8+$0xFFFFFFE0] =	vst v59  }
0x3df: {  	v62 =	vmul.f32 v56, v8;
	[tilespmem:s8+$0xFFFFFFF0] =	vst v60  }
0x3e0: {  	v63 =	vmul.f32 v58, v8;
	[tilespmem:s8+$0x0] =	vst v61  }
0x3e1: {  	[tilespmem:s8+$0x10] =	vst v62  }
0x3e2: {  	[tilespmem:s8+$0x20] =	vst v63  }
0x3e3: {  	[spmem:s3] =	stream.indirect.scatter.add.f32 [tilespmem:s7], [sflag:$0x4], $0x80, s18, s17, $0xb8;
	[tilespmem:$0x1EFF0] =	vst v63  }
0x3e4: {  	_ =	swait.ge [sflag:s9], $0x1400  }
0x3e5: {  	[sflag:s9] =	ssyncset.done $0x0  }
0x3e6: {  	[sflag:s9] =	ssyncadd.s32 $0xFFFFEC00  }
0x3e7: {  	[bflag:$0x0] =	sbarrier.arrive $0xFFFF  }
0x3e8: {  	s21 =	rddreg [dreg:$0xd]  }
0x3e9: {  	s23 =	rddreg [dreg:$0x18]  }
0x3ea: {  	s11 =	rddreg [dreg:$0x1c]  }
0x3eb: {  	[hbm:s23], [sflag:s21] =	dma.local [spmem:s11], $0x2800  }
0x3ec: {  	_ =	swait.ge [sflag:s9], $0x2800  }
0x3ed: {  	[sflag:s9] =	ssyncset.done $0x0  }
0x3ee: {  	[sflag:s9] =	ssyncadd.s32 $0xFFFFD800  }
0x3ef: {  	[bflag:$0x0] =	sbarrier.arrive $0xFFFF  }
0x3f0: {  	s12 =	rddreg [dreg:$0xb]  }
0x3f1: {  	[spmem:s11], [sflag:s21] =	dma.local [hbm:s12], $0x2800  }
0x3f2: {  	_ =	swait.ge [sflag:s9], $0x2800  }
0x3f3: {  	[sflag:s9] =	ssyncset.done $0x0  }
0x3f4: {  	[sflag:s9] =	ssyncadd.s32 $0xFFFFD800  }
0x3f5: {  	[bflag:$0x0] =	sbarrier.arrive $0xFFFF  }
0x3f6: {  	s8 =	simm.s32 $0x0;
	s19 =	rddreg [dreg:$0x10]  }
0x3f7: {  	[tilespmem:s31], [sflag:$0x4] =	stream.linear.gather [hbm4b:s19+s8], $0x28, $0x38;
	[tilespmem:$0x1EFF0] =	vst v63  }
0x3f8: {  	_ =	swait.ge [sflag:s9], $0x28  }
0x3f9: {  	[sflag:s9] =	ssyncset.done $0x0  }
0x3fa: {  	s21 =	rddreg [dreg:$0x11];
	[sflag:s9] =	ssyncadd.s32 $0xFFFFFFD8  }
0x3fb: {  	[tilespmem:s22], [sflag:$0x4] =	stream.linear.gather [hbm4b:s21+s8], $0x28, $0x38;
	[tilespmem:$0x1EFF0] =	vst v63  }
0x3fc: {  	_ =	swait.ge [sflag:s9], $0x28  }
0x3fd: {  	[sflag:s9] =	ssyncset.done $0x0  }
0x3fe: {  	s23 =	rddreg [dreg:$0x12];
	[sflag:s9] =	ssyncadd.s32 $0xFFFFFFD8  }
0x3ff: {  	[tilespmem:s1], [sflag:$0x4] =	stream.linear.gather [hbm4b:s23+s8], $0x280, $0x38;
	[tilespmem:$0x1EFF0] =	vst v63  }
0x400: {  	_ =	swait.ge [sflag:s9], $0x280  }
0x401: {  	[sflag:s9] =	ssyncset.done $0x0  }
0x402: {  	s10 =	simm.s32 $0x0;
	[sflag:s9] =	ssyncadd.s32 $0xFFFFFD80  }
0x403: {  	[tilespmem:s2], [sflag:$0x1] =	stream.indirect.gather [hbm4b:s16+s17], $0x80, s31, s17, $0xb8;
	[tilespmem:$0x1EFF0] =	vst v63  }
.LBB2_38:
0x404: {  	s11 =	smul.u32 $0x50, s10;
	_ =	sdelay $0x1  }
0x405: {  	s12 =	sadd.s32 s11, s24  }
0x406: {  	s19 =	sshrl.u32 s12, $0x3  }
0x407: {  	s21 =	sadd.s32 s5, s19  }
0x408: {  	[tilespmem:s4], [sflag:$0x4] =	stream.linear.gather [hbm4b:s21+s8], $0x28, $0x38;
	[tilespmem:$0x1EFF0] =	vst v63  }
0x409: {  	_ =	swait.ge [sflag:s9], $0x28  }
0x40a: {  	[sflag:s9] =	ssyncset.done $0x0  }
0x40b: {  	s19 =	sadd.s32 s6, s19;
	[sflag:s9] =	ssyncadd.s32 $0xFFFFFFD8  }
0x40c: {  	[tilespmem:s18], [sflag:$0x4] =	stream.linear.gather [hbm4b:s19+s8], $0x28, $0x38;
	[tilespmem:$0x1EFF0] =	vst v63  }
0x40d: {  	s12 =	sshll.u32 s12, $0x1;
	_ =	swait.ge [sflag:s9], $0x28  }
0x40e: {  	s12 =	sand.u32 $0x1FFFFFF0, s12;
	[sflag:s9] =	ssyncset.done $0x0  }
0x40f: {  	s12 =	sadd.s32 s20, s12;
	[sflag:s9] =	ssyncadd.s32 $0xFFFFFFD8  }
0x410: {  	[tilespmem:s25], [sflag:$0x4] =	stream.linear.gather [hbm4b:s12+s8], $0x280, $0x38;
	[tilespmem:$0x1EFF0] =	vst v63  }
0x411: {  	_ =	swait.ge [sflag:s9], $0x280  }
0x412: {  	[sflag:s9] =	ssyncset.done $0x0  }
0x413: {  	[sflag:s9] =	ssyncadd.s32 $0xFFFFFD80  }
0x414: {  	[tilespmem:s7], [sflag:$0x2] =	stream.indirect.gather [hbm4b:s16+s17], $0x80, s4, s17, $0xb8;
	[tilespmem:$0x1EFF0] =	vst v63  }
0x415: {  	_ =	swait.ge [sflag:s26], $0x1400  }
0x416: {  	[sflag:s26] =	ssyncset.done $0x0  }
0x417: {  	s19 =	simm.s32 $0x1C010;
	[sflag:s26] =	ssyncadd.s32 $0xFFFFEC00  }
0x418: {  	s23 =	simm.s32 $0x0;
	v2 =	vld [tilespmem:s19+$0x30]  }
0x419: {  	v0 =	vld [tilespmem:s23+$0x1EAF0]  }
0x41a: {  	v3 =	vld [tilespmem:s19+$0xFFFFFFC0]  }
0x41b: {  	v6 =	vld [tilespmem:s19+$0xFFFFFFD0]  }
0x41c: {  	v7 =	vld [tilespmem:s19+$0xFFFFFFE0]  }
0x41d: {  	v5 =	vld [tilespmem:s19+$0xFFFFFFF0]  }
0x41e: {  	v1 =	vld [tilespmem:s19+$0x0];
	v8 =	vmul.f32 v2, v0  }
0x41f: {  	v4 =	vld [tilespmem:s19+$0x10];
	v9 =	vmul.f32 v3, v0  }
0x420: {  	s12 =	simm.s32 $0x1C090;
	v2 =	vld [tilespmem:s19+$0x20];
	v6 =	vmul.f32 v6, v0;
	[tilespmem:s19+$0x30] =	vst v8  }
0x421: {  	s21 =	simm.s32 $0x80;
	s23 =	simm.s32 $0x10;
	v3 =	vld [tilespmem:s12+$0x30];
	v7 =	vmul.f32 v7, v0;
	[tilespmem:s19+$0xFFFFFFC0] =	vst v9  }
.LBB2_39:
0x422: {  	p0 =	sne.s32 s21, $0x9C0;
	v8 =	vld [tilespmem:s23+$0x1EAF0];
	[tilespmem:s19+$0xFFFFFFD0] =	vst v6;
	v5 =	vmul.f32 v5, v0  }
0x423: {  	v6 =	vld [tilespmem:s12+$0xFFFFFFC0];
	[tilespmem:s19+$0xFFFFFFE0] =	vst v7;
	v1 =	vmul.f32 v1, v0  }
0x424: {  	v7 =	vld [tilespmem:s12+$0xFFFFFFD0];
	[tilespmem:s19+$0xFFFFFFF0] =	vst v5;
	v4 =	vmul.f32 v4, v0  }
0x425: {  	v9 =	vld [tilespmem:s12+$0xFFFFFFE0];
	[tilespmem:s19+$0x0] =	vst v1;
	v2 =	vmul.f32 v2, v0  }
.Ltmp18:
0x426: {  	v5 =	vld [tilespmem:s12+$0xFFFFFFF0];
	[tilespmem:s19+$0x10] =	vst v4;
	(pc) =	sbr.rel @p0 .LBB2_39-.Ltmp18, $4  }
0x427: {  	v1 =	vld [tilespmem:s12+$0x0];
	v3 =	vmul.f32 v3, v8;
	[tilespmem:s19+$0x20] =	vst v2;
	v0 =	vmov v8;
	s19 =	smov.u32 s12  }
0x428: {  	v8 =	vmul.f32 v6, v0;
	v4 =	vld [tilespmem:s12+$0x10]  }
0x429: {  	s12 =	sadd.s32 $0x80, s12;
	v6 =	vmul.f32 v7, v0;
	v2 =	vld [tilespmem:s19+$0x20];
	[tilespmem:s19+$0x30] =	vst v3  }
0x42a: {  	s23 =	sshra.s32 s21, $0x2;
	s21 =	sadd.s32 $0x40, s21;
	v3 =	vld [tilespmem:s12+$0x30];
	[tilespmem:s19+$0xFFFFFFC0] =	vst v8;
	v7 =	vmul.f32 v9, v0  }
0x42b: {  	v8 =	vld [tilespmem:s23+$0x1EAF0]  }
0x42c: {  	v9 =	vld [tilespmem:s12+$0xFFFFFFC0];
	[tilespmem:s19+$0xFFFFFFD0] =	vst v6;
	v5 =	vmul.f32 v5, v0  }
0x42d: {  	v6 =	vld [tilespmem:s12+$0xFFFFFFD0];
	[tilespmem:s19+$0xFFFFFFE0] =	vst v7;
	v1 =	vmul.f32 v1, v0  }
0x42e: {  	v7 =	vld [tilespmem:s12+$0xFFFFFFE0];
	[tilespmem:s19+$0xFFFFFFF0] =	vst v5;
	v4 =	vmul.f32 v4, v0  }
0x42f: {  	v5 =	vld [tilespmem:s12+$0xFFFFFFF0];
	[tilespmem:s19+$0x0] =	vst v1;
	v0 =	vmul.f32 v2, v0  }
0x430: {  	v1 =	vld [tilespmem:s12+$0x0];
	[tilespmem:s19+$0x10] =	vst v4;
	v2 =	vmul.f32 v3, v8  }
0x431: {  	v3 =	vld [tilespmem:s12+$0x10];
	[tilespmem:s19+$0x20] =	vst v0;
	v0 =	vmul.f32 v9, v8  }
0x432: {  	v4 =	vld [tilespmem:s12+$0x20];
	v6 =	vmul.f32 v6, v8;
	[tilespmem:s12+$0x30] =	vst v2  }
0x433: {  	[tilespmem:s12+$0xFFFFFFC0] =	vst v0;
	v0 =	vmul.f32 v7, v8  }
0x434: {  	[tilespmem:s12+$0xFFFFFFD0] =	vst v6;
	v2 =	vmul.f32 v5, v8  }
0x435: {  	[tilespmem:s12+$0xFFFFFFE0] =	vst v0;
	v0 =	vmul.f32 v1, v8  }
0x436: {  	[tilespmem:s12+$0xFFFFFFF0] =	vst v2;
	v1 =	vmul.f32 v3, v8  }
0x437: {  	[tilespmem:s12+$0x0] =	vst v0;
	v0 =	vmul.f32 v4, v8  }
0x438: {  	[tilespmem:s12+$0x10] =	vst v1  }
0x439: {  	[tilespmem:s12+$0x20] =	vst v0  }
0x43a: {  	[spmem:s3] =	stream.indirect.scatter.add.f32 [tilespmem:s2], [sflag:$0x4], $0x80, s22, s17, $0xb8;
	[tilespmem:$0x1EFF0] =	vst v63  }
0x43b: {  	s11 =	sadd.s32 s11, s0;
	_ =	swait.ge [sflag:s9], $0x1400  }
0x43c: {  	s12 =	sshrl.u32 s11, $0x3;
	[sflag:s9] =	ssyncset.done $0x0  }
0x43d: {  	s21 =	simm.s32 $0x0;
	s23 =	sadd.s32 s5, s12;
	[sflag:s9] =	ssyncadd.s32 $0xFFFFEC00  }
0x43e: {  	[tilespmem:s31], [sflag:$0x4] =	stream.linear.gather [hbm4b:s23+s21], $0x28, $0x38;
	[tilespmem:$0x1EFF0] =	vst v63  }
0x43f: {  	_ =	swait.ge [sflag:s9], $0x28  }
0x440: {  	[sflag:s9] =	ssyncset.done $0x0  }
0x441: {  	s12 =	sadd.s32 s6, s12;
	[sflag:s9] =	ssyncadd.s32 $0xFFFFFFD8  }
0x442: {  	[tilespmem:s22], [sflag:$0x4] =	stream.linear.gather [hbm4b:s12+s21], $0x28, $0x38;
	[tilespmem:$0x1EFF0] =	vst v63  }
0x443: {  	s11 =	sshll.u32 s11, $0x1;
	_ =	swait.ge [sflag:s9], $0x28  }
0x444: {  	s11 =	sand.u32 $0x1FFFFFE0, s11;
	[sflag:s9] =	ssyncset.done $0x0  }
0x445: {  	s11 =	sadd.s32 s20, s11;
	[sflag:s9] =	ssyncadd.s32 $0xFFFFFFD8  }
0x446: {  	[tilespmem:s1], [sflag:$0x4] =	stream.linear.gather [hbm4b:s11+s21], $0x280, $0x38;
	[tilespmem:$0x1EFF0] =	vst v63  }
0x447: {  	_ =	swait.ge [sflag:s9], $0x280  }
0x448: {  	[sflag:s9] =	ssyncset.done $0x0  }
0x449: {  	[sflag:s9] =	ssyncadd.s32 $0xFFFFFD80  }
0x44a: {  	[tilespmem:s2], [sflag:$0x1] =	stream.indirect.gather [hbm4b:s16+s17], $0x80, s31, s17, $0xb8;
	[tilespmem:$0x1EFF0] =	vst v63  }
0x44b: {  	_ =	swait.ge [sflag:s28], $0x1400  }
0x44c: {  	[sflag:s28] =	ssyncset.done $0x0  }
0x44d: {  	s12 =	simm.s32 $0x1D410;
	[sflag:s28] =	ssyncadd.s32 $0xFFFFEC00  }
0x44e: {  	s23 =	simm.s32 $0x0;
	v2 =	vld [tilespmem:s12+$0x30]  }
0x44f: {  	v0 =	vld [tilespmem:s23+$0x1ED70]  }
0x450: {  	v3 =	vld [tilespmem:s12+$0xFFFFFFC0]  }
0x451: {  	v6 =	vld [tilespmem:s12+$0xFFFFFFD0]  }
0x452: {  	v7 =	vld [tilespmem:s12+$0xFFFFFFE0]  }
0x453: {  	v5 =	vld [tilespmem:s12+$0xFFFFFFF0]  }
0x454: {  	v1 =	vld [tilespmem:s12+$0x0];
	v8 =	vmul.f32 v2, v0  }
0x455: {  	v4 =	vld [tilespmem:s12+$0x10];
	v63 =	vmul.f32 v3, v0  }
0x456: {  	s11 =	simm.s32 $0x1D490;
	v2 =	vld [tilespmem:s12+$0x20];
	v6 =	vmul.f32 v6, v0;
	[tilespmem:s12+$0x30] =	vst v8  }
0x457: {  	s19 =	simm.s32 $0x80;
	s21 =	simm.s32 $0x10;
	v3 =	vld [tilespmem:s11+$0x30];
	v7 =	vmul.f32 v7, v0;
	[tilespmem:s12+$0xFFFFFFC0] =	vst v63  }
.LBB2_41:
0x458: {  	p0 =	sne.s32 s19, $0x9C0;
	v8 =	vld [tilespmem:s21+$0x1ED70];
	[tilespmem:s12+$0xFFFFFFD0] =	vst v6;
	v5 =	vmul.f32 v5, v0  }
0x459: {  	v6 =	vld [tilespmem:s11+$0xFFFFFFC0];
	[tilespmem:s12+$0xFFFFFFE0] =	vst v7;
	v1 =	vmul.f32 v1, v0  }
0x45a: {  	v7 =	vld [tilespmem:s11+$0xFFFFFFD0];
	[tilespmem:s12+$0xFFFFFFF0] =	vst v5;
	v4 =	vmul.f32 v4, v0  }
0x45b: {  	v9 =	vld [tilespmem:s11+$0xFFFFFFE0];
	[tilespmem:s12+$0x0] =	vst v1;
	v2 =	vmul.f32 v2, v0  }
.Ltmp19:
0x45c: {  	v5 =	vld [tilespmem:s11+$0xFFFFFFF0];
	[tilespmem:s12+$0x10] =	vst v4;
	(pc) =	sbr.rel @p0 .LBB2_41-.Ltmp19, $4  }
0x45d: {  	v1 =	vld [tilespmem:s11+$0x0];
	v3 =	vmul.f32 v3, v8;
	[tilespmem:s12+$0x20] =	vst v2;
	v0 =	vmov v8;
	s12 =	smov.u32 s11  }
0x45e: {  	v8 =	vmul.f32 v6, v0;
	v4 =	vld [tilespmem:s11+$0x10]  }
0x45f: {  	s11 =	sadd.s32 $0x80, s11;
	v6 =	vmul.f32 v7, v0;
	v2 =	vld [tilespmem:s12+$0x20];
	[tilespmem:s12+$0x30] =	vst v3  }
0x460: {  	s21 =	sshra.s32 s19, $0x2;
	s19 =	sadd.s32 $0x40, s19;
	v3 =	vld [tilespmem:s11+$0x30];
	[tilespmem:s12+$0xFFFFFFC0] =	vst v8;
	v7 =	vmul.f32 v9, v0  }
0x461: {  	v8 =	vld [tilespmem:s21+$0x1ED70]  }
0x462: {  	v9 =	vld [tilespmem:s11+$0xFFFFFFC0];
	[tilespmem:s12+$0xFFFFFFD0] =	vst v6;
	v5 =	vmul.f32 v5, v0  }
0x463: {  	v50 =	vld [tilespmem:s11+$0xFFFFFFD0];
	[tilespmem:s12+$0xFFFFFFE0] =	vst v7;
	v1 =	vmul.f32 v1, v0  }
0x464: {  	v51 =	vld [tilespmem:s11+$0xFFFFFFE0];
	[tilespmem:s12+$0xFFFFFFF0] =	vst v5;
	v4 =	vmul.f32 v4, v0  }
0x465: {  	v52 =	vld [tilespmem:s11+$0xFFFFFFF0];
	[tilespmem:s12+$0x0] =	vst v1;
	v53 =	vmul.f32 v2, v0  }
0x466: {  	v54 =	vld [tilespmem:s11+$0x0];
	[tilespmem:s12+$0x10] =	vst v4;
	v55 =	vmul.f32 v3, v8  }
0x467: {  	v56 =	vld [tilespmem:s11+$0x10];
	[tilespmem:s12+$0x20] =	vst v53;
	v57 =	vmul.f32 v9, v8  }
0x468: {  	v58 =	vld [tilespmem:s11+$0x20];
	v6 =	vmul.f32 v50, v8;
	[tilespmem:s11+$0x30] =	vst v55  }
0x469: {  	v59 =	vmul.f32 v51, v8;
	[tilespmem:s11+$0xFFFFFFC0] =	vst v57  }
0x46a: {  	v60 =	vmul.f32 v52, v8;
	[tilespmem:s11+$0xFFFFFFD0] =	vst v6  }
0x46b: {  	v61 =	vmul.f32 v54, v8;
	[tilespmem:s11+$0xFFFFFFE0] =	vst v59  }
0x46c: {  	v62 =	vmul.f32 v56, v8;
	[tilespmem:s11+$0xFFFFFFF0] =	vst v60  }
0x46d: {  	s10 =	sadd.s32 $0x1, s10;
	v63 =	vmul.f32 v58, v8;
	[tilespmem:s11+$0x0] =	vst v61  }
0x46e: {  	p0 =	sne.s32 s10, $0x7C;
	[tilespmem:s11+$0x10] =	vst v62  }
.Ltmp20:
0x46f: {  	[tilespmem:s11+$0x20] =	vst v63;
	(pc) =	sbr.rel @p0 .LBB2_38-.Ltmp20, $4  }
0x470: {  	[spmem:s3] =	stream.indirect.scatter.add.f32 [tilespmem:s7], [sflag:$0x4], $0x80, s18, s17, $0xb8;
	[tilespmem:$0x1EFF0] =	vst v63  }
0x471: {  	_ =	swait.ge [sflag:s9], $0x1400  }
0x472: {  	[sflag:s9] =	ssyncset.done $0x0  }
0x473: {  	[sflag:s9] =	ssyncadd.s32 $0xFFFFEC00  }
0x474: {  	s8 =	simm.s32 $0x0;
	s10 =	rddreg [dreg:$0x13]  }
0x475: {  	[tilespmem:s4], [sflag:$0x4] =	stream.linear.gather [hbm4b:s10+s8], $0x28, $0x38;
	[tilespmem:$0x1EFF0] =	vst v63  }
0x476: {  	_ =	swait.ge [sflag:s9], $0x28  }
0x477: {  	[sflag:s9] =	ssyncset.done $0x0  }
0x478: {  	s19 =	rddreg [dreg:$0x14];
	[sflag:s9] =	ssyncadd.s32 $0xFFFFFFD8  }
0x479: {  	[tilespmem:s18], [sflag:$0x4] =	stream.linear.gather [hbm4b:s19+s8], $0x28, $0x38;
	[tilespmem:$0x1EFF0] =	vst v63  }
0x47a: {  	_ =	swait.ge [sflag:s9], $0x28  }
0x47b: {  	[sflag:s9] =	ssyncset.done $0x0  }
0x47c: {  	s21 =	rddreg [dreg:$0x15];
	[sflag:s9] =	ssyncadd.s32 $0xFFFFFFD8  }
0x47d: {  	[tilespmem:s25], [sflag:$0x4] =	stream.linear.gather [hbm4b:s21+s8], $0x280, $0x38;
	[tilespmem:$0x1EFF0] =	vst v63  }
0x47e: {  	_ =	swait.ge [sflag:s9], $0x280  }
0x47f: {  	[sflag:s9] =	ssyncset.done $0x0  }
0x480: {  	[sflag:s9] =	ssyncadd.s32 $0xFFFFFD80  }
0x481: {  	[tilespmem:s7], [sflag:$0x2] =	stream.indirect.gather [hbm4b:s16+s17], $0x80, s4, s17, $0xb8;
	[tilespmem:$0x1EFF0] =	vst v63  }
0x482: {  	_ =	swait.ge [sflag:s26], $0x1400  }
0x483: {  	[sflag:s26] =	ssyncset.done $0x0  }
0x484: {  	s10 =	simm.s32 $0x1C010;
	[sflag:s26] =	ssyncadd.s32 $0xFFFFEC00  }
0x485: {  	s23 =	simm.s32 $0x0;
	v2 =	vld [tilespmem:s10+$0x30]  }
0x486: {  	v0 =	vld [tilespmem:s23+$0x1EAF0]  }
0x487: {  	v3 =	vld [tilespmem:s10+$0xFFFFFFC0]  }
0x488: {  	v6 =	vld [tilespmem:s10+$0xFFFFFFD0]  }
0x489: {  	v7 =	vld [tilespmem:s10+$0xFFFFFFE0]  }
0x48a: {  	v5 =	vld [tilespmem:s10+$0xFFFFFFF0]  }
0x48b: {  	v1 =	vld [tilespmem:s10+$0x0];
	v8 =	vmul.f32 v2, v0  }
0x48c: {  	v4 =	vld [tilespmem:s10+$0x10];
	v9 =	vmul.f32 v3, v0  }
0x48d: {  	s8 =	simm.s32 $0x1C090;
	v2 =	vld [tilespmem:s10+$0x20];
	v6 =	vmul.f32 v6, v0;
	[tilespmem:s10+$0x30] =	vst v8  }
0x48e: {  	s12 =	simm.s32 $0x10;
	s11 =	simm.s32 $0x80;
	v3 =	vld [tilespmem:s8+$0x30];
	v7 =	vmul.f32 v7, v0;
	[tilespmem:s10+$0xFFFFFFC0] =	vst v9  }
.LBB2_44:
0x48f: {  	p0 =	sne.s32 s11, $0x9C0;
	v8 =	vld [tilespmem:s12+$0x1EAF0];
	[tilespmem:s10+$0xFFFFFFD0] =	vst v6;
	v5 =	vmul.f32 v5, v0  }
0x490: {  	v6 =	vld [tilespmem:s8+$0xFFFFFFC0];
	[tilespmem:s10+$0xFFFFFFE0] =	vst v7;
	v1 =	vmul.f32 v1, v0  }
0x491: {  	v7 =	vld [tilespmem:s8+$0xFFFFFFD0];
	[tilespmem:s10+$0xFFFFFFF0] =	vst v5;
	v4 =	vmul.f32 v4, v0  }
0x492: {  	v9 =	vld [tilespmem:s8+$0xFFFFFFE0];
	[tilespmem:s10+$0x0] =	vst v1;
	v2 =	vmul.f32 v2, v0  }
.Ltmp21:
0x493: {  	v5 =	vld [tilespmem:s8+$0xFFFFFFF0];
	[tilespmem:s10+$0x10] =	vst v4;
	(pc) =	sbr.rel @p0 .LBB2_44-.Ltmp21, $4  }
0x494: {  	v1 =	vld [tilespmem:s8+$0x0];
	v3 =	vmul.f32 v3, v8;
	[tilespmem:s10+$0x20] =	vst v2;
	v0 =	vmov v8;
	s10 =	smov.u32 s8  }
0x495: {  	v8 =	vmul.f32 v6, v0;
	v4 =	vld [tilespmem:s8+$0x10]  }
0x496: {  	s8 =	sadd.s32 $0x80, s8;
	v6 =	vmul.f32 v7, v0;
	v2 =	vld [tilespmem:s10+$0x20];
	[tilespmem:s10+$0x30] =	vst v3  }
0x497: {  	s12 =	sshra.s32 s11, $0x2;
	s11 =	sadd.s32 $0x40, s11;
	v3 =	vld [tilespmem:s8+$0x30];
	[tilespmem:s10+$0xFFFFFFC0] =	vst v8;
	v7 =	vmul.f32 v9, v0  }
0x498: {  	v8 =	vld [tilespmem:s12+$0x1EAF0]  }
0x499: {  	v9 =	vld [tilespmem:s8+$0xFFFFFFC0];
	[tilespmem:s10+$0xFFFFFFD0] =	vst v6;
	v5 =	vmul.f32 v5, v0  }
0x49a: {  	v6 =	vld [tilespmem:s8+$0xFFFFFFD0];
	[tilespmem:s10+$0xFFFFFFE0] =	vst v7;
	v1 =	vmul.f32 v1, v0  }
0x49b: {  	v7 =	vld [tilespmem:s8+$0xFFFFFFE0];
	[tilespmem:s10+$0xFFFFFFF0] =	vst v5;
	v4 =	vmul.f32 v4, v0  }
0x49c: {  	v5 =	vld [tilespmem:s8+$0xFFFFFFF0];
	[tilespmem:s10+$0x0] =	vst v1;
	v0 =	vmul.f32 v2, v0  }
0x49d: {  	v1 =	vld [tilespmem:s8+$0x0];
	[tilespmem:s10+$0x10] =	vst v4;
	v2 =	vmul.f32 v3, v8  }
0x49e: {  	v3 =	vld [tilespmem:s8+$0x10];
	[tilespmem:s10+$0x20] =	vst v0;
	v0 =	vmul.f32 v9, v8  }
0x49f: {  	v4 =	vld [tilespmem:s8+$0x20];
	v6 =	vmul.f32 v6, v8;
	[tilespmem:s8+$0x30] =	vst v2  }
0x4a0: {  	[tilespmem:s8+$0xFFFFFFC0] =	vst v0;
	v0 =	vmul.f32 v7, v8  }
0x4a1: {  	[tilespmem:s8+$0xFFFFFFD0] =	vst v6;
	v2 =	vmul.f32 v5, v8  }
0x4a2: {  	[tilespmem:s8+$0xFFFFFFE0] =	vst v0;
	v0 =	vmul.f32 v1, v8  }
0x4a3: {  	[tilespmem:s8+$0xFFFFFFF0] =	vst v2;
	v1 =	vmul.f32 v3, v8  }
0x4a4: {  	[tilespmem:s8+$0x0] =	vst v0;
	v0 =	vmul.f32 v4, v8  }
0x4a5: {  	[tilespmem:s8+$0x10] =	vst v1  }
0x4a6: {  	[tilespmem:s8+$0x20] =	vst v0  }
0x4a7: {  	[spmem:s3] =	stream.indirect.scatter.add.f32 [tilespmem:s2], [sflag:$0x4], $0x80, s22, s17, $0xb8;
	[tilespmem:$0x1EFF0] =	vst v63  }
0x4a8: {  	_ =	swait.ge [sflag:s9], $0x1400  }
0x4a9: {  	[sflag:s9] =	ssyncset.done $0x0  }
0x4aa: {  	[sflag:s9] =	ssyncadd.s32 $0xFFFFEC00  }
0x4ab: {  	_ =	swait.ge [sflag:s28], $0x1400  }
0x4ac: {  	[sflag:s28] =	ssyncset.done $0x0  }
0x4ad: {  	s10 =	simm.s32 $0x1D410;
	[sflag:s28] =	ssyncadd.s32 $0xFFFFEC00  }
0x4ae: {  	s23 =	simm.s32 $0x0;
	v2 =	vld [tilespmem:s10+$0x30]  }
0x4af: {  	v0 =	vld [tilespmem:s23+$0x1ED70]  }
0x4b0: {  	v3 =	vld [tilespmem:s10+$0xFFFFFFC0]  }
0x4b1: {  	v6 =	vld [tilespmem:s10+$0xFFFFFFD0]  }
0x4b2: {  	v7 =	vld [tilespmem:s10+$0xFFFFFFE0]  }
0x4b3: {  	v5 =	vld [tilespmem:s10+$0xFFFFFFF0]  }
0x4b4: {  	v1 =	vld [tilespmem:s10+$0x0];
	v8 =	vmul.f32 v2, v0  }
0x4b5: {  	v4 =	vld [tilespmem:s10+$0x10];
	v63 =	vmul.f32 v3, v0  }
0x4b6: {  	s8 =	simm.s32 $0x1D490;
	v2 =	vld [tilespmem:s10+$0x20];
	v6 =	vmul.f32 v6, v0;
	[tilespmem:s10+$0x30] =	vst v8  }
0x4b7: {  	s12 =	simm.s32 $0x10;
	s11 =	simm.s32 $0x80;
	s23 =	rddreg [dreg:$0x1];
	v3 =	vld [tilespmem:s8+$0x30];
	v7 =	vmul.f32 v7, v0;
	[tilespmem:s10+$0xFFFFFFC0] =	vst v63  }
.LBB2_46:
0x4b8: {  	p0 =	sne.s32 s11, $0x9C0;
	v8 =	vld [tilespmem:s12+$0x1ED70];
	[tilespmem:s10+$0xFFFFFFD0] =	vst v6;
	v5 =	vmul.f32 v5, v0  }
0x4b9: {  	v6 =	vld [tilespmem:s8+$0xFFFFFFC0];
	[tilespmem:s10+$0xFFFFFFE0] =	vst v7;
	v1 =	vmul.f32 v1, v0  }
0x4ba: {  	v7 =	vld [tilespmem:s8+$0xFFFFFFD0];
	[tilespmem:s10+$0xFFFFFFF0] =	vst v5;
	v4 =	vmul.f32 v4, v0  }
0x4bb: {  	v9 =	vld [tilespmem:s8+$0xFFFFFFE0];
	[tilespmem:s10+$0x0] =	vst v1;
	v2 =	vmul.f32 v2, v0  }
.Ltmp22:
0x4bc: {  	v5 =	vld [tilespmem:s8+$0xFFFFFFF0];
	[tilespmem:s10+$0x10] =	vst v4;
	(pc) =	sbr.rel @p0 .LBB2_46-.Ltmp22, $4  }
0x4bd: {  	v1 =	vld [tilespmem:s8+$0x0];
	v3 =	vmul.f32 v3, v8;
	[tilespmem:s10+$0x20] =	vst v2;
	v0 =	vmov v8;
	s10 =	smov.u32 s8  }
0x4be: {  	v8 =	vmul.f32 v6, v0;
	v4 =	vld [tilespmem:s8+$0x10]  }
0x4bf: {  	s8 =	sadd.s32 $0x80, s8;
	v6 =	vmul.f32 v7, v0;
	v2 =	vld [tilespmem:s10+$0x20];
	[tilespmem:s10+$0x30] =	vst v3  }
0x4c0: {  	s12 =	sshra.s32 s11, $0x2;
	s11 =	sadd.s32 $0x40, s11;
	v3 =	vld [tilespmem:s8+$0x30];
	[tilespmem:s10+$0xFFFFFFC0] =	vst v8;
	v7 =	vmul.f32 v9, v0  }
0x4c1: {  	v8 =	vld [tilespmem:s12+$0x1ED70]  }
0x4c2: {  	v9 =	vld [tilespmem:s8+$0xFFFFFFC0];
	[tilespmem:s10+$0xFFFFFFD0] =	vst v6;
	v5 =	vmul.f32 v5, v0  }
0x4c3: {  	v50 =	vld [tilespmem:s8+$0xFFFFFFD0];
	[tilespmem:s10+$0xFFFFFFE0] =	vst v7;
	v1 =	vmul.f32 v1, v0  }
0x4c4: {  	v51 =	vld [tilespmem:s8+$0xFFFFFFE0];
	[tilespmem:s10+$0xFFFFFFF0] =	vst v5;
	v4 =	vmul.f32 v4, v0  }
0x4c5: {  	v52 =	vld [tilespmem:s8+$0xFFFFFFF0];
	[tilespmem:s10+$0x0] =	vst v1;
	v53 =	vmul.f32 v2, v0  }
0x4c6: {  	v54 =	vld [tilespmem:s8+$0x0];
	[tilespmem:s10+$0x10] =	vst v4;
	v55 =	vmul.f32 v3, v8  }
0x4c7: {  	v56 =	vld [tilespmem:s8+$0x10];
	[tilespmem:s10+$0x20] =	vst v53;
	v57 =	vmul.f32 v9, v8  }
0x4c8: {  	v58 =	vld [tilespmem:s8+$0x20];
	v6 =	vmul.f32 v50, v8;
	[tilespmem:s8+$0x30] =	vst v55  }
0x4c9: {  	v59 =	vmul.f32 v51, v8;
	[tilespmem:s8+$0xFFFFFFC0] =	vst v57  }
0x4ca: {  	v60 =	vmul.f32 v52, v8;
	[tilespmem:s8+$0xFFFFFFD0] =	vst v6  }
0x4cb: {  	v61 =	vmul.f32 v54, v8;
	[tilespmem:s8+$0xFFFFFFE0] =	vst v59  }
0x4cc: {  	v62 =	vmul.f32 v56, v8;
	[tilespmem:s8+$0xFFFFFFF0] =	vst v60  }
0x4cd: {  	v63 =	vmul.f32 v58, v8;
	[tilespmem:s8+$0x0] =	vst v61  }
0x4ce: {  	[tilespmem:s8+$0x10] =	vst v62  }
0x4cf: {  	[tilespmem:s8+$0x20] =	vst v63  }
0x4d0: {  	[spmem:s3] =	stream.indirect.scatter.add.f32 [tilespmem:s7], [sflag:$0x4], $0x80, s18, s17, $0xb8;
	[tilespmem:$0x1EFF0] =	vst v63  }
0x4d1: {  	_ =	swait.ge [sflag:s9], $0x1400  }
0x4d2: {  	[sflag:s9] =	ssyncset.done $0x0  }
0x4d3: {  	[sflag:s9] =	ssyncadd.s32 $0xFFFFEC00  }
0x4d4: {  	[bflag:$0x0] =	sbarrier.arrive $0xFFFF  }
0x4d5: {  	s10 =	rddreg [dreg:$0xd]  }
0x4d6: {  	s12 =	rddreg [dreg:$0x19]  }
0x4d7: {  	s11 =	rddreg [dreg:$0x1c]  }
0x4d8: {  	[hbm:s12], [sflag:s10] =	dma.local [spmem:s11], $0x2800  }
0x4d9: {  	_ =	swait.ge [sflag:s9], $0x2800  }
0x4da: {  	s19 =	rddreg [dreg:$0x1b]  }
0x4db: {  	s21 =	rddreg [dreg:$0x1a];
	s11 =	sadd.s32 $0x1, s19  }
0x4dc: {  	p0 =	sne.s32 s11, s21  }
.Ltmp23:
0x4dd: {  	_ = 	snop;
	(pc) =	sbr.rel @p0 .LBB2_1-.Ltmp23, $3  }
0x4de: {  	[sflag:s9] =	ssyncset.done $0x0  }
0x4df: {  	[sflag:s9] =	ssyncadd.s32 $0xFFFFD800  }
0x4e0: {  	[bflag:$0x0] =	sbarrier.arrive $0xFFFF;
	_ =	sdelay $0x1  }
0x4e1: {  	_ =	sfence.sel $0x180000  }
0x4e2: {  	[bflag:$0x0] =	sbarrier.arrive $0xFFFF  }
0x4e3: {  	_ =	strace $0x90000047  }
0x4e4: {  	s0 =	stileid.u32;
	[bflag:$0x2] =	sbarrier.arrive $0xFFFF  }
0x4e5: {  	p0 =	sne.s32 s0, $0x0;
	s0 =	rddreg [dreg:$0x4]  }
0x4e6: {  	s0 =	sadd.s32 @!p0 $0x100000, s0  }
0x4e7: {  	[sflag:s0] =	ssyncadd.tile.s32 @!p0 $0x1;
	_ =	shalt  }
.Lfunc_end2:
_tile_overlayer_lowered:
.L_overlay_start_2:
0x4e8: {  	(tag) =	ssettag $0x2  }
0x4e9: {  	s0 =	rddreg [dreg:$0x0];
	s2 =	stileid.u32  }
0x4ea: {  	s1 =	rddreg [dreg:$0x1];
	p0 =	sne.s32 s2, $0x0  }
0x4eb: {  	s3 =	rddreg [dreg:$0x2];
	[bflag:$0x3] =	sbarrier.arrive $0xFFFF;
	s2 =	simm.s32 @!p0 $0x1C04  }
0x4ec: {  	[timem:s3], [sflag:s2] =	dma.local @!p0 [hbm:s0], s1  }
0x4ed: {  	s0 =	simm.s32 @!p0 $0x4  }
0x4ee: {  	_ =	swait.ge @!p0 [sflag:s0], s1  }
0x4ef: {  	s1 =	ssub.s32 @!p0 $0x0, s1;
	[sflag:s0] =	ssyncset.done @!p0 $0x0  }
0x4f0: {  	[sflag:s0] =	ssyncadd.s32 @!p0 s1  }
0x4f1: {  	[bflag:$0x3] =	sbarrier.arrive $0xFFFF  }
0x4f2: {  	_ =	shalt  }

</sc_bundles>
